<compile_context>
chip_gen: v7x
topology: tpu7x:2x2x1
jax: 0.10.2.dev20260603
libtpu: 0.0.44.dev20260713+nightly
codegen_flags: <defaults>
</compile_context>

<pallas_src>
import functools

import jax
import jax.numpy as jnp
from jax import lax
from jax.experimental import pallas as pl
from jax.experimental.pallas import tpu as pltpu
from jax.experimental.pallas import tpu_sc as plsc

NC = 2
NS = 16
L = 16
NW = NC * NS

D = 128
ND = D // L
NIDS = 190
IDS_PAD = 192
HALF = IDS_PAD // 2
BLK = 64


def _sc_embed(table, ids3, warr, B):
    rpw = B // NW
    nblk = rpw // BLK
    mesh = plsc.VectorSubcoreMesh(core_axis_name="c", subcore_axis_name="s")

    @functools.partial(
        pl.kernel,
        out_type=jax.ShapeDtypeStruct((B, D), jnp.float32),
        mesh=mesh,
        scratch_types=[
            pltpu.VMEM((BLK, 2, HALF), jnp.int32),
            pltpu.VMEM((IDS_PAD, D), jnp.float32),
            pltpu.VMEM((IDS_PAD, D), jnp.float32),
            pltpu.VMEM((4, L), jnp.float32),
            pltpu.VMEM((BLK, D), jnp.float32),
            pltpu.SemaphoreType.DMA,
            pltpu.SemaphoreType.DMA,
        ],
    )
    def k(table_hbm, ids_hbm, warr_hbm, out_hbm, ids_v, rows_a, rows_b, w_v,
          out_v, sem_a, sem_b):
        wid = lax.axis_index("s") * NC + lax.axis_index("c")
        base = wid * rpw

        pltpu.sync_copy(warr_hbm, w_v)
        w0 = w_v[0, :]
        w1 = w_v[1, :]
        w2 = w_v[2, :]
        w3 = w_v[3, :]

        zero = jnp.zeros((L,), jnp.float32)

        def start_gather(rr, buf, sem):
            pltpu.async_copy(
                table_hbm.at[ids_v.at[rr, 0]], buf.at[pl.ds(0, HALF)], sem)
            pltpu.async_copy(
                table_hbm.at[ids_v.at[rr, 1]], buf.at[pl.ds(HALF, HALF)], sem)

        def wait_gather(buf, sem):
            pltpu.make_async_copy(
                table_hbm.at[pl.ds(0, IDS_PAD)], buf, sem).wait()

        def field_sum(buf, lo, hi, unroll):
            n = (hi - lo) // unroll

            def jbody(t, accs):
                j = lo + t * unroll
                accs = list(accs)
                for u in range(unroll):
                    for d in range(ND):
                        accs[d] = accs[d] + buf[j + u, pl.ds(d * L, L)]
                return tuple(accs)

            return lax.fori_loop(0, n, jbody, (zero,) * ND)

        def accum_row(buf, rr):
            s0 = field_sum(buf, 0, 20, 10)
            s1 = field_sum(buf, 20, 40, 10)
            s2 = field_sum(buf, 40, 90, 10)
            s3 = field_sum(buf, 90, NIDS, 10)
            for d in range(ND):
                out_v[rr, pl.ds(d * L, L)] = (
                    s0[d] * w0 + s1[d] * w1 + s2[d] * w2 + s3[d] * w3)

        def pair_body(kk, carry):
            start_gather(2 * kk + 1, rows_b, sem_b)
            wait_gather(rows_a, sem_a)
            accum_row(rows_a, 2 * kk)

            @pl.when(kk < BLK // 2 - 1)
            def _():
                start_gather(2 * kk + 2, rows_a, sem_a)

            wait_gather(rows_b, sem_b)
            accum_row(rows_b, 2 * kk + 1)
            return carry

        def blk_body(blk, carry):
            pltpu.sync_copy(ids_hbm.at[pl.ds(base + blk * BLK, BLK)], ids_v)
            start_gather(0, rows_a, sem_a)
            lax.fori_loop(0, BLK // 2, pair_body, 0)
            pltpu.sync_copy(out_v, out_hbm.at[pl.ds(base + blk * BLK, BLK)])
            return carry

        lax.fori_loop(0, nblk, blk_body, 0)

    return k(table, ids3, warr)


def _tc_normalize(e):
    B = e.shape[0]
    blk = 2048

    def nrm(e_ref, o_ref):
        x = e_ref[...]
        n = jnp.sqrt(jnp.sum(x * x, axis=1, keepdims=True))
        o_ref[...] = x / jnp.maximum(n, 1e-12)

    return pl.pallas_call(
        nrm,
        out_shape=jax.ShapeDtypeStruct((B, D), jnp.float32),
        grid=(B // blk,),
        in_specs=[pl.BlockSpec((blk, D), lambda i: (i, 0))],
        out_specs=pl.BlockSpec((blk, D), lambda i: (i, 0)),
    )(e)


def kernel(tags_ids, component_ids, summary_ids, body_ids, token_embedding,
           field_weights):
    B = tags_ids.shape[0]
    lens = (tags_ids.shape[1], component_ids.shape[1], summary_ids.shape[1],
            body_ids.shape[1])
    pad = IDS_PAD - sum(lens)
    V = token_embedding.shape[0]
    pad_ids = (jnp.arange(B * pad, dtype=jnp.int32) % V).reshape(B, pad)
    ids = jnp.concatenate(
        [tags_ids.astype(jnp.int32), component_ids.astype(jnp.int32),
         summary_ids.astype(jnp.int32), body_ids.astype(jnp.int32),
         pad_ids], axis=1)
    ids3 = ids.reshape(B, 2, HALF)
    scales = field_weights.astype(jnp.float32) / jnp.array(lens, jnp.float32)
    warr = jnp.broadcast_to(scales[:, None], (4, L))
    e = _sc_embed(token_embedding, ids3, warr, B)
    return _tc_normalize(e)

# --- scband reference (transcript-rebuilt; emitter-appended) ---
"""Pipeline reference for scband-learning-embedder-32134945309260 (READ-ONLY COPY).

The authoritative reference and input builder live on the scoring server;
editing this copy changes nothing except your own understanding.
"""

import jax, jax.numpy as jnp
import numpy as np

B = 16384
V = 100000
D = 128

def setup_inputs(seed: int = 0) -> dict:
    key = jax.random.key(seed)
    ks = jax.random.split(key, 6)
    tags_ids = jax.random.randint(ks[0], (B, 20), 0, V)
    component_ids = jax.random.randint(ks[1], (B, 20), 0, V)
    summary_ids = jax.random.randint(ks[2], (B, 50), 0, V)
    body_ids = jax.random.randint(ks[3], (B, 100), 0, V)
    token_embedding = jax.random.normal(ks[4], (V, D), dtype=jnp.float32) * 0.02
    # padding_idx=0 -> row 0 is zeros
    token_embedding = token_embedding.at[0].set(0.0)
    field_weights = jnp.array([3.0, 2.0, 2.0, 1.0], dtype=jnp.float32)
    return {
        "tags_ids": tags_ids,
        "component_ids": component_ids,
        "summary_ids": summary_ids,
        "body_ids": body_ids,
        "token_embedding": token_embedding,
        "field_weights": field_weights,
    }


def reference(tags_ids, component_ids, summary_ids, body_ids, token_embedding, field_weights):
    # embed_field: gather token embeddings, mean-pool over tokens, scale by learned field weight
    def embed_field(ids, w):
        embeds = jnp.take(token_embedding, ids, axis=0)  # [B, L, D] gather
        pooled = embeds.mean(axis=1)                      # [B, D]
        return pooled * w

    e = (embed_field(tags_ids, field_weights[0])
         + embed_field(component_ids, field_weights[1])
         + embed_field(summary_ids, field_weights[2])
         + embed_field(body_ids, field_weights[3]))

    # F.normalize(e, dim=-1): x / max(||x||_2, eps)
    norm = jnp.sqrt(jnp.sum(e * e, axis=-1, keepdims=True))
    return e / jnp.maximum(norm, 1e-12)

if __name__ == "__main__":
    import jax
    _d = setup_inputs()
    print(jax.jit(kernel)(*tuple(_d.values())))

</pallas_src>

<mosaic_0001>
#map = affine_map<(d0, d1) -> (0, 0)>
#map1 = affine_map<(d0, d1) -> (0, 0, 0)>
module attributes {stable_mosaic.version = 14 : i64} {
  func.func @k(%arg0: i32, %arg1: i32, %arg2: memref<100000x128xf32, #tpu.memory_space<hbm>>, %arg3: memref<16384x2x96xi32, #tpu.memory_space<hbm>>, %arg4: memref<4x16xf32, #tpu.memory_space<hbm>>, %arg5: memref<16384x128xf32, #tpu.memory_space<hbm>>, %arg6: memref<64x2x96xi32, #tpu.memory_space<vmem>>, %arg7: memref<192x128xf32, #tpu.memory_space<vmem>>, %arg8: memref<192x128xf32, #tpu.memory_space<vmem>>, %arg9: memref<4x16xf32, #tpu.memory_space<vmem>>, %arg10: memref<64x128xf32, #tpu.memory_space<vmem>>, %arg11: memref<!tpu.dma_semaphore, #tpu.memory_space<semaphore_mem>>, %arg12: memref<!tpu.dma_semaphore, #tpu.memory_space<semaphore_mem>>) attributes {dimension_semantics = [#tpu.dimension_semantics<core_parallel>, #tpu.dimension_semantics<subcore_parallel>], iteration_bounds = array<i64: 2, 16>, scalar_prefetch = 0 : i64, scratch_operands = 7 : i64, tpu.core_type = #tpu.core_type<sc_vector_subcore>, window_params = [{transform_indices = #map}, {transform_indices = #map1}, {transform_indices = #map}, {transform_indices = #map}]} {
    %mul3A = arith.constant 2 : i32
    %mul3A_0 = arith.muli %arg1, %mul3A : i32
    %add3A = arith.addi %mul3A_0, %arg0 : i32
    %mul3A_1 = arith.constant 512 : i32
    %mul3A_2 = arith.muli %add3A, %mul3A_1 : i32
    "tpu.region"() ({
      %run_scoped3A = tpu.sem_alloc : memref<!tpu.dma_semaphore, #tpu.memory_space<semaphore_mem>>
      tpu.enqueue_dma source(%arg4 : memref<4x16xf32, #tpu.memory_space<hbm>>) target(%arg9 : memref<4x16xf32, #tpu.memory_space<vmem>>) target_semaphore(%run_scoped3A : memref<!tpu.dma_semaphore, #tpu.memory_space<semaphore_mem>>)
      tpu.wait_dma2 semaphore(%run_scoped3A : memref<!tpu.dma_semaphore, #tpu.memory_space<semaphore_mem>>) src(%arg4 : memref<4x16xf32, #tpu.memory_space<hbm>>) dst(%arg9 : memref<4x16xf32, #tpu.memory_space<vmem>>)
      tpu.yield
    }) : () -> ()
    %get3A = arith.constant 0 : i32
    %get3A_3 = arith.index_cast %get3A : i32 to index
    %get3A_4 = arith.constant 0 : index
    %get3A_5 = tpu.vector_load %arg9[%get3A_3, %get3A_4] {strides = array<i32>} : memref<4x16xf32, #tpu.memory_space<vmem>>, vector<1x16xf32>,
    %get3A_6 = vector.shape_cast %get3A_5 : vector<1x16xf32> to vector<16xf32>
    %get3A_7 = arith.constant 1 : i32
    %get3A_8 = arith.index_cast %get3A_7 : i32 to index
    %get3A_9 = arith.constant 0 : index
    %get3A_10 = tpu.vector_load %arg9[%get3A_8, %get3A_9] {strides = array<i32>} : memref<4x16xf32, #tpu.memory_space<vmem>>, vector<1x16xf32>,
    %get3A_11 = vector.shape_cast %get3A_10 : vector<1x16xf32> to vector<16xf32>
    %get3A_12 = arith.constant 2 : i32
    %get3A_13 = arith.index_cast %get3A_12 : i32 to index
    %get3A_14 = arith.constant 0 : index
    %get3A_15 = tpu.vector_load %arg9[%get3A_13, %get3A_14] {strides = array<i32>} : memref<4x16xf32, #tpu.memory_space<vmem>>, vector<1x16xf32>,
    %get3A_16 = vector.shape_cast %get3A_15 : vector<1x16xf32> to vector<16xf32>
    %get3A_17 = arith.constant 3 : i32
    %get3A_18 = arith.index_cast %get3A_17 : i32 to index
    %get3A_19 = arith.constant 0 : index
    %get3A_20 = tpu.vector_load %arg9[%get3A_18, %get3A_19] {strides = array<i32>} : memref<4x16xf32, #tpu.memory_space<vmem>>, vector<1x16xf32>,
    %get3A_21 = vector.shape_cast %get3A_20 : vector<1x16xf32> to vector<16xf32>
    %broadcast_in_dim3A = arith.constant 0.000000e+00 : f32
    %broadcast_in_dim3A_22 = vector.broadcast %broadcast_in_dim3A : f32 to vector<16xf32>
    %scan3A = arith.constant 0 : i32
    %scan3A_23 = arith.constant 0 : i32
    %scan3A_24 = arith.constant 8 : i32
    %scan3A_25 = arith.addi %scan3A_23, %scan3A_24 : i32
    %scan3A_26 = arith.constant 1 : i32
    scf.for %scan3A_28 = %scan3A_23 to %scan3A_25 step %scan3A_26  : i32 {
      %mul3A_29 = arith.constant 64 : i32
      %mul3A_30 = arith.muli %scan3A_28, %mul3A_29 : i32
      %add3A_31 = arith.addi %mul3A_2, %mul3A_30 : i32
      "tpu.region"() ({
        %run_scoped3A = tpu.sem_alloc : memref<!tpu.dma_semaphore, #tpu.memory_space<semaphore_mem>>
        %dma_start3A_62 = arith.constant 0 : i32
        %dma_start3A_63 = arith.constant 0 : i32
        %dma_start3A_64 = tpu.memref_slice %arg3[%add3A_31, %dma_start3A_62, %dma_start3A_63] : memref<16384x2x96xi32, #tpu.memory_space<hbm>> -> memref<64x2x96xi32, #tpu.memory_space<hbm>>
        %dma_start3A_65 = arith.constant 0 : i32
        %dma_start3A_66 = arith.constant 0 : i32
        %dma_start3A_67 = tpu.memref_slice %arg3[%add3A_31, %dma_start3A_65, %dma_start3A_66] : memref<16384x2x96xi32, #tpu.memory_space<hbm>> -> memref<64x2x96xi32, #tpu.memory_space<hbm>>
        tpu.enqueue_dma source(%dma_start3A_67 : memref<64x2x96xi32, #tpu.memory_space<hbm>>) target(%arg6 : memref<64x2x96xi32, #tpu.memory_space<vmem>>) target_semaphore(%run_scoped3A : memref<!tpu.dma_semaphore, #tpu.memory_space<semaphore_mem>>)
        %dma_wait3A = arith.constant 0 : i32
        %dma_wait3A_68 = arith.constant 0 : i32
        %dma_wait3A_69 = tpu.memref_slice %arg3[%add3A_31, %dma_wait3A, %dma_wait3A_68] : memref<16384x2x96xi32, #tpu.memory_space<hbm>> -> memref<64x2x96xi32, #tpu.memory_space<hbm>>
        %dma_wait3A_70 = arith.constant 0 : i32
        %dma_wait3A_71 = arith.constant 0 : i32
        %dma_wait3A_72 = tpu.memref_slice %arg3[%add3A_31, %dma_wait3A_70, %dma_wait3A_71] : memref<16384x2x96xi32, #tpu.memory_space<hbm>> -> memref<64x2x96xi32, #tpu.memory_space<hbm>>
        tpu.wait_dma2 semaphore(%run_scoped3A : memref<!tpu.dma_semaphore, #tpu.memory_space<semaphore_mem>>) src(%dma_wait3A_72 : memref<64x2x96xi32, #tpu.memory_space<hbm>>) dst(%arg6 : memref<64x2x96xi32, #tpu.memory_space<vmem>>)
        tpu.yield
      }) : () -> ()
      %dma_start3A = arith.constant 0 : i32
      %dma_start3A_32 = arith.constant 0 : i32
      %dma_start3A_33 = arith.constant 0 : i32
      %dma_start3A_34 = arith.constant 0 : i32
      %dma_start3A_35 = tpu.memref_slice %arg7[%dma_start3A_33, %dma_start3A_34] : memref<192x128xf32, #tpu.memory_space<vmem>> -> memref<96x128xf32, #tpu.memory_space<vmem>>
      %dma_start3A_36 = arith.constant 0 : i32
      %dma_start3A_37 = tpu.memref_slice %arg6[%dma_start3A, %dma_start3A_32, %dma_start3A_36] : memref<64x2x96xi32, #tpu.memory_space<vmem>> -> memref<1x1x96xi32, #tpu.memory_space<vmem>>
      %dma_start3A_38 = tpu.memref_squeeze %dma_start3A_37 : memref<1x1x96xi32, #tpu.memory_space<vmem>> -> memref<96xi32, #tpu.memory_space<vmem>>
      %dma_start3A_39 = arith.constant 0 : i32
      %dma_start3A_40 = arith.constant 0 : i32
      %dma_start3A_41 = tpu.memref_slice %arg2[%dma_start3A_39, %dma_start3A_40] : memref<100000x128xf32, #tpu.memory_space<hbm>> -> memref<100000x128xf32, #tpu.memory_space<hbm>>
      tpu.enqueue_indirect_dma source(%dma_start3A_41 : memref<100000x128xf32, #tpu.memory_space<hbm>>) target(%dma_start3A_35 : memref<96x128xf32, #tpu.memory_space<vmem>>) offsets(%dma_start3A_38 : memref<96xi32, #tpu.memory_space<vmem>>) semaphore(%arg11 : memref<!tpu.dma_semaphore, #tpu.memory_space<semaphore_mem>>)
      %dma_start3A_42 = arith.constant 0 : i32
      %dma_start3A_43 = arith.constant 1 : i32
      %dma_start3A_44 = arith.constant 96 : i32
      %dma_start3A_45 = arith.constant 0 : i32
      %dma_start3A_46 = tpu.memref_slice %arg7[%dma_start3A_44, %dma_start3A_45] : memref<192x128xf32, #tpu.memory_space<vmem>> -> memref<96x128xf32, #tpu.memory_space<vmem>>
      %dma_start3A_47 = arith.constant 0 : i32
      %dma_start3A_48 = tpu.memref_slice %arg6[%dma_start3A_42, %dma_start3A_43, %dma_start3A_47] : memref<64x2x96xi32, #tpu.memory_space<vmem>> -> memref<1x1x96xi32, #tpu.memory_space<vmem>>
      %dma_start3A_49 = tpu.memref_squeeze %dma_start3A_48 : memref<1x1x96xi32, #tpu.memory_space<vmem>> -> memref<96xi32, #tpu.memory_space<vmem>>
      %dma_start3A_50 = arith.constant 0 : i32
      %dma_start3A_51 = arith.constant 0 : i32
      %dma_start3A_52 = tpu.memref_slice %arg2[%dma_start3A_50, %dma_start3A_51] : memref<100000x128xf32, #tpu.memory_space<hbm>> -> memref<100000x128xf32, #tpu.memory_space<hbm>>
      tpu.enqueue_indirect_dma source(%dma_start3A_52 : memref<100000x128xf32, #tpu.memory_space<hbm>>) target(%dma_start3A_46 : memref<96x128xf32, #tpu.memory_space<vmem>>) offsets(%dma_start3A_49 : memref<96xi32, #tpu.memory_space<vmem>>) semaphore(%arg11 : memref<!tpu.dma_semaphore, #tpu.memory_space<semaphore_mem>>)
      %scan3A_53 = arith.constant 0 : i32
      %scan3A_54 = arith.constant 0 : i32
      %scan3A_55 = arith.constant 32 : i32
      %scan3A_56 = arith.addi %scan3A_54, %scan3A_55 : i32
      %scan3A_57 = arith.constant 1 : i32
      scf.for %scan3A_62 = %scan3A_54 to %scan3A_56 step %scan3A_57  : i32 {
        %mul3A_63 = arith.constant 2 : i32
        %mul3A_64 = arith.muli %mul3A_63, %scan3A_62 : i32
        %add3A_65 = arith.constant 1 : i32
        %add3A_66 = arith.addi %mul3A_64, %add3A_65 : i32
        %dma_start3A_67 = arith.constant 0 : i32
        %dma_start3A_68 = arith.constant 0 : i32
        %dma_start3A_69 = arith.constant 0 : i32
        %dma_start3A_70 = tpu.memref_slice %arg8[%dma_start3A_68, %dma_start3A_69] : memref<192x128xf32, #tpu.memory_space<vmem>> -> memref<96x128xf32, #tpu.memory_space<vmem>>
        %dma_start3A_71 = arith.constant 0 : i32
        %dma_start3A_72 = tpu.memref_slice %arg6[%add3A_66, %dma_start3A_67, %dma_start3A_71] : memref<64x2x96xi32, #tpu.memory_space<vmem>> -> memref<1x1x96xi32, #tpu.memory_space<vmem>>
        %dma_start3A_73 = tpu.memref_squeeze %dma_start3A_72 : memref<1x1x96xi32, #tpu.memory_space<vmem>> -> memref<96xi32, #tpu.memory_space<vmem>>
        %dma_start3A_74 = arith.constant 0 : i32
        %dma_start3A_75 = arith.constant 0 : i32
        %dma_start3A_76 = tpu.memref_slice %arg2[%dma_start3A_74, %dma_start3A_75] : memref<100000x128xf32, #tpu.memory_space<hbm>> -> memref<100000x128xf32, #tpu.memory_space<hbm>>
        tpu.enqueue_indirect_dma source(%dma_start3A_76 : memref<100000x128xf32, #tpu.memory_space<hbm>>) target(%dma_start3A_70 : memref<96x128xf32, #tpu.memory_space<vmem>>) offsets(%dma_start3A_73 : memref<96xi32, #tpu.memory_space<vmem>>) semaphore(%arg12 : memref<!tpu.dma_semaphore, #tpu.memory_space<semaphore_mem>>)
        %dma_start3A_77 = arith.constant 1 : i32
        %dma_start3A_78 = arith.constant 96 : i32
        %dma_start3A_79 = arith.constant 0 : i32
        %dma_start3A_80 = tpu.memref_slice %arg8[%dma_start3A_78, %dma_start3A_79] : memref<192x128xf32, #tpu.memory_space<vmem>> -> memref<96x128xf32, #tpu.memory_space<vmem>>
        %dma_start3A_81 = arith.constant 0 : i32
        %dma_start3A_82 = tpu.memref_slice %arg6[%add3A_66, %dma_start3A_77, %dma_start3A_81] : memref<64x2x96xi32, #tpu.memory_space<vmem>> -> memref<1x1x96xi32, #tpu.memory_space<vmem>>
        %dma_start3A_83 = tpu.memref_squeeze %dma_start3A_82 : memref<1x1x96xi32, #tpu.memory_space<vmem>> -> memref<96xi32, #tpu.memory_space<vmem>>
        %dma_start3A_84 = arith.constant 0 : i32
        %dma_start3A_85 = arith.constant 0 : i32
        %dma_start3A_86 = tpu.memref_slice %arg2[%dma_start3A_84, %dma_start3A_85] : memref<100000x128xf32, #tpu.memory_space<hbm>> -> memref<100000x128xf32, #tpu.memory_space<hbm>>
        tpu.enqueue_indirect_dma source(%dma_start3A_86 : memref<100000x128xf32, #tpu.memory_space<hbm>>) target(%dma_start3A_80 : memref<96x128xf32, #tpu.memory_space<vmem>>) offsets(%dma_start3A_83 : memref<96xi32, #tpu.memory_space<vmem>>) semaphore(%arg12 : memref<!tpu.dma_semaphore, #tpu.memory_space<semaphore_mem>>)
        %dma_wait3A = arith.constant 0 : i32
        %dma_wait3A_87 = arith.constant 0 : i32
        %dma_wait3A_88 = tpu.memref_slice %arg2[%dma_wait3A, %dma_wait3A_87] : memref<100000x128xf32, #tpu.memory_space<hbm>> -> memref<192x128xf32, #tpu.memory_space<hbm>>
        %dma_wait3A_89 = arith.constant 0 : i32
        %dma_wait3A_90 = arith.constant 0 : i32
        %dma_wait3A_91 = tpu.memref_slice %arg2[%dma_wait3A_89, %dma_wait3A_90] : memref<100000x128xf32, #tpu.memory_space<hbm>> -> memref<192x128xf32, #tpu.memory_space<hbm>>
        tpu.wait_dma2 semaphore(%arg11 : memref<!tpu.dma_semaphore, #tpu.memory_space<semaphore_mem>>) src(%dma_wait3A_91 : memref<192x128xf32, #tpu.memory_space<hbm>>) dst(%arg7 : memref<192x128xf32, #tpu.memory_space<vmem>>)
        %mul3A_92 = arith.constant 2 : i32
        %mul3A_93 = arith.muli %mul3A_92, %scan3A_62 : i32
        %scan3A_94 = arith.constant 0 : i32
        %scan3A_95 = arith.constant 2 : i32
        %scan3A_96 = arith.addi %scan3A_94, %scan3A_95 : i32
        %scan3A_97 = arith.constant 1 : i32
        %scan3A_98:8 = scf.for %scan3A_345 = %scan3A_94 to %scan3A_96 step %scan3A_97 iter_args(%scan3A_346 = %broadcast_in_dim3A_22, %scan3A_347 = %broadcast_in_dim3A_22, %scan3A_348 = %broadcast_in_dim3A_22, %scan3A_349 = %broadcast_in_dim3A_22, %scan3A_350 = %broadcast_in_dim3A_22, %scan3A_351 = %broadcast_in_dim3A_22, %scan3A_352 = %broadcast_in_dim3A_22, %scan3A_353 = %broadcast_in_dim3A_22) -> (vector<16xf32>, vector<16xf32>, vector<16xf32>, vector<16xf32>, vector<16xf32>, vector<16xf32>, vector<16xf32>, vector<16xf32>)  : i32 {
          %mul3A_354 = arith.constant 10 : i32
          %mul3A_355 = arith.muli %scan3A_345, %mul3A_354 : i32
          %add3A_356 = arith.constant 0 : i32
          %add3A_357 = arith.addi %add3A_356, %mul3A_355 : i32
          %add3A_358 = arith.constant 0 : i32
          %add3A_359 = arith.addi %add3A_357, %add3A_358 : i32
          %get3A_360 = arith.index_cast %add3A_359 : i32 to index
          %get3A_361 = arith.constant 0 : index
          %get3A_362 = tpu.vector_load %arg7[%get3A_360, %get3A_361] {strides = array<i32>} : memref<192x128xf32, #tpu.memory_space<vmem>>, vector<1x16xf32>,
          %get3A_363 = vector.shape_cast %get3A_362 : vector<1x16xf32> to vector<16xf32>
          %add3A_364 = arith.addf %scan3A_346, %get3A_363 : vector<16xf32>
          %add3A_365 = arith.constant 0 : i32
          %add3A_366 = arith.addi %add3A_357, %add3A_365 : i32
          %get3A_367 = arith.index_cast %add3A_366 : i32 to index
          %get3A_368 = arith.constant 16 : index
          %get3A_369 = tpu.vector_load %arg7[%get3A_367, %get3A_368] {strides = array<i32>} : memref<192x128xf32, #tpu.memory_space<vmem>>, vector<1x16xf32>,
          %get3A_370 = vector.shape_cast %get3A_369 : vector<1x16xf32> to vector<16xf32>
          %add3A_371 = arith.addf %scan3A_347, %get3A_370 : vector<16xf32>
          %add3A_372 = arith.constant 0 : i32
          %add3A_373 = arith.addi %add3A_357, %add3A_372 : i32
          %get3A_374 = arith.index_cast %add3A_373 : i32 to index
          %get3A_375 = arith.constant 32 : index
          %get3A_376 = tpu.vector_load %arg7[%get3A_374, %get3A_375] {strides = array<i32>} : memref<192x128xf32, #tpu.memory_space<vmem>>, vector<1x16xf32>,
          %get3A_377 = vector.shape_cast %get3A_376 : vector<1x16xf32> to vector<16xf32>
          %add3A_378 = arith.addf %scan3A_348, %get3A_377 : vector<16xf32>
          %add3A_379 = arith.constant 0 : i32
          %add3A_380 = arith.addi %add3A_357, %add3A_379 : i32
          %get3A_381 = arith.index_cast %add3A_380 : i32 to index
          %get3A_382 = arith.constant 48 : index
          %get3A_383 = tpu.vector_load %arg7[%get3A_381, %get3A_382] {strides = array<i32>} : memref<192x128xf32, #tpu.memory_space<vmem>>, vector<1x16xf32>,
          %get3A_384 = vector.shape_cast %get3A_383 : vector<1x16xf32> to vector<16xf32>
          %add3A_385 = arith.addf %scan3A_349, %get3A_384 : vector<16xf32>
          %add3A_386 = arith.constant 0 : i32
          %add3A_387 = arith.addi %add3A_357, %add3A_386 : i32
          %get3A_388 = arith.index_cast %add3A_387 : i32 to index
          %get3A_389 = arith.constant 64 : index
          %get3A_390 = tpu.vector_load %arg7[%get3A_388, %get3A_389] {strides = array<i32>} : memref<192x128xf32, #tpu.memory_space<vmem>>, vector<1x16xf32>,
          %get3A_391 = vector.shape_cast %get3A_390 : vector<1x16xf32> to vector<16xf32>
          %add3A_392 = arith.addf %scan3A_350, %get3A_391 : vector<16xf32>
          %add3A_393 = arith.constant 0 : i32
          %add3A_394 = arith.addi %add3A_357, %add3A_393 : i32
          %get3A_395 = arith.index_cast %add3A_394 : i32 to index
          %get3A_396 = arith.constant 80 : index
          %get3A_397 = tpu.vector_load %arg7[%get3A_395, %get3A_396] {strides = array<i32>} : memref<192x128xf32, #tpu.memory_space<vmem>>, vector<1x16xf32>,
          %get3A_398 = vector.shape_cast %get3A_397 : vector<1x16xf32> to vector<16xf32>
          %add3A_399 = arith.addf %scan3A_351, %get3A_398 : vector<16xf32>
          %add3A_400 = arith.constant 0 : i32
          %add3A_401 = arith.addi %add3A_357, %add3A_400 : i32
          %get3A_402 = arith.index_cast %add3A_401 : i32 to index
          %get3A_403 = arith.constant 96 : index
          %get3A_404 = tpu.vector_load %arg7[%get3A_402, %get3A_403] {strides = array<i32>} : memref<192x128xf32, #tpu.memory_space<vmem>>, vector<1x16xf32>,
          %get3A_405 = vector.shape_cast %get3A_404 : vector<1x16xf32> to vector<16xf32>
          %add3A_406 = arith.addf %scan3A_352, %get3A_405 : vector<16xf32>
          %add3A_407 = arith.constant 0 : i32
          %add3A_408 = arith.addi %add3A_357, %add3A_407 : i32
          %get3A_409 = arith.index_cast %add3A_408 : i32 to index
          %get3A_410 = arith.constant 112 : index
          %get3A_411 = tpu.vector_load %arg7[%get3A_409, %get3A_410] {strides = array<i32>} : memref<192x128xf32, #tpu.memory_space<vmem>>, vector<1x16xf32>,
          %get3A_412 = vector.shape_cast %get3A_411 : vector<1x16xf32> to vector<16xf32>
          %add3A_413 = arith.addf %scan3A_353, %get3A_412 : vector<16xf32>
          %add3A_414 = arith.constant 1 : i32
          %add3A_415 = arith.addi %add3A_357, %add3A_414 : i32
          %get3A_416 = arith.index_cast %add3A_415 : i32 to index
          %get3A_417 = arith.constant 0 : index
          %get3A_418 = tpu.vector_load %arg7[%get3A_416, %get3A_417] {strides = array<i32>} : memref<192x128xf32, #tpu.memory_space<vmem>>, vector<1x16xf32>,
          %get3A_419 = vector.shape_cast %get3A_418 : vector<1x16xf32> to vector<16xf32>
          %add3A_420 = arith.addf %add3A_364, %get3A_419 : vector<16xf32>
          %add3A_421 = arith.constant 1 : i32
          %add3A_422 = arith.addi %add3A_357, %add3A_421 : i32
          %get3A_423 = arith.index_cast %add3A_422 : i32 to index
          %get3A_424 = arith.constant 16 : index
          %get3A_425 = tpu.vector_load %arg7[%get3A_423, %get3A_424] {strides = array<i32>} : memref<192x128xf32, #tpu.memory_space<vmem>>, vector<1x16xf32>,
          %get3A_426 = vector.shape_cast %get3A_425 : vector<1x16xf32> to vector<16xf32>
          %add3A_427 = arith.addf %add3A_371, %get3A_426 : vector<16xf32>
          %add3A_428 = arith.constant 1 : i32
          %add3A_429 = arith.addi %add3A_357, %add3A_428 : i32
          %get3A_430 = arith.index_cast %add3A_429 : i32 to index
          %get3A_431 = arith.constant 32 : index
          %get3A_432 = tpu.vector_load %arg7[%get3A_430, %get3A_431] {strides = array<i32>} : memref<192x128xf32, #tpu.memory_space<vmem>>, vector<1x16xf32>,
          %get3A_433 = vector.shape_cast %get3A_432 : vector<1x16xf32> to vector<16xf32>
          %add3A_434 = arith.addf %add3A_378, %get3A_433 : vector<16xf32>
          %add3A_435 = arith.constant 1 : i32
          %add3A_436 = arith.addi %add3A_357, %add3A_435 : i32
          %get3A_437 = arith.index_cast %add3A_436 : i32 to index
          %get3A_438 = arith.constant 48 : index
          %get3A_439 = tpu.vector_load %arg7[%get3A_437, %get3A_438] {strides = array<i32>} : memref<192x128xf32, #tpu.memory_space<vmem>>, vector<1x16xf32>,
          %get3A_440 = vector.shape_cast %get3A_439 : vector<1x16xf32> to vector<16xf32>
          %add3A_441 = arith.addf %add3A_385, %get3A_440 : vector<16xf32>
          %add3A_442 = arith.constant 1 : i32
          %add3A_443 = arith.addi %add3A_357, %add3A_442 : i32
          %get3A_444 = arith.index_cast %add3A_443 : i32 to index
          %get3A_445 = arith.constant 64 : index
          %get3A_446 = tpu.vector_load %arg7[%get3A_444, %get3A_445] {strides = array<i32>} : memref<192x128xf32, #tpu.memory_space<vmem>>, vector<1x16xf32>,
          %get3A_447 = vector.shape_cast %get3A_446 : vector<1x16xf32> to vector<16xf32>
          %add3A_448 = arith.addf %add3A_392, %get3A_447 : vector<16xf32>
          %add3A_449 = arith.constant 1 : i32
          %add3A_450 = arith.addi %add3A_357, %add3A_449 : i32
          %get3A_451 = arith.index_cast %add3A_450 : i32 to index
          %get3A_452 = arith.constant 80 : index
          %get3A_453 = tpu.vector_load %arg7[%get3A_451, %get3A_452] {strides = array<i32>} : memref<192x128xf32, #tpu.memory_space<vmem>>, vector<1x16xf32>,
          %get3A_454 = vector.shape_cast %get3A_453 : vector<1x16xf32> to vector<16xf32>
          %add3A_455 = arith.addf %add3A_399, %get3A_454 : vector<16xf32>
          %add3A_456 = arith.constant 1 : i32
          %add3A_457 = arith.addi %add3A_357, %add3A_456 : i32
          %get3A_458 = arith.index_cast %add3A_457 : i32 to index
          %get3A_459 = arith.constant 96 : index
          %get3A_460 = tpu.vector_load %arg7[%get3A_458, %get3A_459] {strides = array<i32>} : memref<192x128xf32, #tpu.memory_space<vmem>>, vector<1x16xf32>,
          %get3A_461 = vector.shape_cast %get3A_460 : vector<1x16xf32> to vector<16xf32>
          %add3A_462 = arith.addf %add3A_406, %get3A_461 : vector<16xf32>
          %add3A_463 = arith.constant 1 : i32
          %add3A_464 = arith.addi %add3A_357, %add3A_463 : i32
          %get3A_465 = arith.index_cast %add3A_464 : i32 to index
          %get3A_466 = arith.constant 112 : index
          %get3A_467 = tpu.vector_load %arg7[%get3A_465, %get3A_466] {strides = array<i32>} : memref<192x128xf32, #tpu.memory_space<vmem>>, vector<1x16xf32>,
          %get3A_468 = vector.shape_cast %get3A_467 : vector<1x16xf32> to vector<16xf32>
          %add3A_469 = arith.addf %add3A_413, %get3A_468 : vector<16xf32>
          %add3A_470 = arith.constant 2 : i32
          %add3A_471 = arith.addi %add3A_357, %add3A_470 : i32
          %get3A_472 = arith.index_cast %add3A_471 : i32 to index
          %get3A_473 = arith.constant 0 : index
          %get3A_474 = tpu.vector_load %arg7[%get3A_472, %get3A_473] {strides = array<i32>} : memref<192x128xf32, #tpu.memory_space<vmem>>, vector<1x16xf32>,
          %get3A_475 = vector.shape_cast %get3A_474 : vector<1x16xf32> to vector<16xf32>
          %add3A_476 = arith.addf %add3A_420, %get3A_475 : vector<16xf32>
          %add3A_477 = arith.constant 2 : i32
          %add3A_478 = arith.addi %add3A_357, %add3A_477 : i32
          %get3A_479 = arith.index_cast %add3A_478 : i32 to index
          %get3A_480 = arith.constant 16 : index
          %get3A_481 = tpu.vector_load %arg7[%get3A_479, %get3A_480] {strides = array<i32>} : memref<192x128xf32, #tpu.memory_space<vmem>>, vector<1x16xf32>,
          %get3A_482 = vector.shape_cast %get3A_481 : vector<1x16xf32> to vector<16xf32>
          %add3A_483 = arith.addf %add3A_427, %get3A_482 : vector<16xf32>
          %add3A_484 = arith.constant 2 : i32
          %add3A_485 = arith.addi %add3A_357, %add3A_484 : i32
          %get3A_486 = arith.index_cast %add3A_485 : i32 to index
          %get3A_487 = arith.constant 32 : index
          %get3A_488 = tpu.vector_load %arg7[%get3A_486, %get3A_487] {strides = array<i32>} : memref<192x128xf32, #tpu.memory_space<vmem>>, vector<1x16xf32>,
          %get3A_489 = vector.shape_cast %get3A_488 : vector<1x16xf32> to vector<16xf32>
          %add3A_490 = arith.addf %add3A_434, %get3A_489 : vector<16xf32>
          %add3A_491 = arith.constant 2 : i32
          %add3A_492 = arith.addi %add3A_357, %add3A_491 : i32
          %get3A_493 = arith.index_cast %add3A_492 : i32 to index
          %get3A_494 = arith.constant 48 : index
          %get3A_495 = tpu.vector_load %arg7[%get3A_493, %get3A_494] {strides = array<i32>} : memref<192x128xf32, #tpu.memory_space<vmem>>, vector<1x16xf32>,
          %get3A_496 = vector.shape_cast %get3A_495 : vector<1x16xf32> to vector<16xf32>
          %add3A_497 = arith.addf %add3A_441, %get3A_496 : vector<16xf32>
          %add3A_498 = arith.constant 2 : i32
          %add3A_499 = arith.addi %add3A_357, %add3A_498 : i32
          %get3A_500 = arith.index_cast %add3A_499 : i32 to index
          %get3A_501 = arith.constant 64 : index
          %get3A_502 = tpu.vector_load %arg7[%get3A_500, %get3A_501] {strides = array<i32>} : memref<192x128xf32, #tpu.memory_space<vmem>>, vector<1x16xf32>,
          %get3A_503 = vector.shape_cast %get3A_502 : vector<1x16xf32> to vector<16xf32>
          %add3A_504 = arith.addf %add3A_448, %get3A_503 : vector<16xf32>
          %add3A_505 = arith.constant 2 : i32
          %add3A_506 = arith.addi %add3A_357, %add3A_505 : i32
          %get3A_507 = arith.index_cast %add3A_506 : i32 to index
          %get3A_508 = arith.constant 80 : index
          %get3A_509 = tpu.vector_load %arg7[%get3A_507, %get3A_508] {strides = array<i32>} : memref<192x128xf32, #tpu.memory_space<vmem>>, vector<1x16xf32>,
          %get3A_510 = vector.shape_cast %get3A_509 : vector<1x16xf32> to vector<16xf32>
          %add3A_511 = arith.addf %add3A_455, %get3A_510 : vector<16xf32>
          %add3A_512 = arith.constant 2 : i32
          %add3A_513 = arith.addi %add3A_357, %add3A_512 : i32
          %get3A_514 = arith.index_cast %add3A_513 : i32 to index
          %get3A_515 = arith.constant 96 : index
          %get3A_516 = tpu.vector_load %arg7[%get3A_514, %get3A_515] {strides = array<i32>} : memref<192x128xf32, #tpu.memory_space<vmem>>, vector<1x16xf32>,
          %get3A_517 = vector.shape_cast %get3A_516 : vector<1x16xf32> to vector<16xf32>
          %add3A_518 = arith.addf %add3A_462, %get3A_517 : vector<16xf32>
          %add3A_519 = arith.constant 2 : i32
          %add3A_520 = arith.addi %add3A_357, %add3A_519 : i32
          %get3A_521 = arith.index_cast %add3A_520 : i32 to index
          %get3A_522 = arith.constant 112 : index
          %get3A_523 = tpu.vector_load %arg7[%get3A_521, %get3A_522] {strides = array<i32>} : memref<192x128xf32, #tpu.memory_space<vmem>>, vector<1x16xf32>,
          %get3A_524 = vector.shape_cast %get3A_523 : vector<1x16xf32> to vector<16xf32>
          %add3A_525 = arith.addf %add3A_469, %get3A_524 : vector<16xf32>
          %add3A_526 = arith.constant 3 : i32
          %add3A_527 = arith.addi %add3A_357, %add3A_526 : i32
          %get3A_528 = arith.index_cast %add3A_527 : i32 to index
          %get3A_529 = arith.constant 0 : index
          %get3A_530 = tpu.vector_load %arg7[%get3A_528, %get3A_529] {strides = array<i32>} : memref<192x128xf32, #tpu.memory_space<vmem>>, vector<1x16xf32>,
          %get3A_531 = vector.shape_cast %get3A_530 : vector<1x16xf32> to vector<16xf32>
          %add3A_532 = arith.addf %add3A_476, %get3A_531 : vector<16xf32>
          %add3A_533 = arith.constant 3 : i32
          %add3A_534 = arith.addi %add3A_357, %add3A_533 : i32
          %get3A_535 = arith.index_cast %add3A_534 : i32 to index
          %get3A_536 = arith.constant 16 : index
          %get3A_537 = tpu.vector_load %arg7[%get3A_535, %get3A_536] {strides = array<i32>} : memref<192x128xf32, #tpu.memory_space<vmem>>, vector<1x16xf32>,
          %get3A_538 = vector.shape_cast %get3A_537 : vector<1x16xf32> to vector<16xf32>
          %add3A_539 = arith.addf %add3A_483, %get3A_538 : vector<16xf32>
          %add3A_540 = arith.constant 3 : i32
          %add3A_541 = arith.addi %add3A_357, %add3A_540 : i32
          %get3A_542 = arith.index_cast %add3A_541 : i32 to index
          %get3A_543 = arith.constant 32 : index
          %get3A_544 = tpu.vector_load %arg7[%get3A_542, %get3A_543] {strides = array<i32>} : memref<192x128xf32, #tpu.memory_space<vmem>>, vector<1x16xf32>,
          %get3A_545 = vector.shape_cast %get3A_544 : vector<1x16xf32> to vector<16xf32>
          %add3A_546 = arith.addf %add3A_490, %get3A_545 : vector<16xf32>
          %add3A_547 = arith.constant 3 : i32
          %add3A_548 = arith.addi %add3A_357, %add3A_547 : i32
          %get3A_549 = arith.index_cast %add3A_548 : i32 to index
          %get3A_550 = arith.constant 48 : index
          %get3A_551 = tpu.vector_load %arg7[%get3A_549, %get3A_550] {strides = array<i32>} : memref<192x128xf32, #tpu.memory_space<vmem>>, vector<1x16xf32>,
          %get3A_552 = vector.shape_cast %get3A_551 : vector<1x16xf32> to vector<16xf32>
          %add3A_553 = arith.addf %add3A_497, %get3A_552 : vector<16xf32>
          %add3A_554 = arith.constant 3 : i32
          %add3A_555 = arith.addi %add3A_357, %add3A_554 : i32
          %get3A_556 = arith.index_cast %add3A_555 : i32 to index
          %get3A_557 = arith.constant 64 : index
          %get3A_558 = tpu.vector_load %arg7[%get3A_556, %get3A_557] {strides = array<i32>} : memref<192x128xf32, #tpu.memory_space<vmem>>, vector<1x16xf32>,
          %get3A_559 = vector.shape_cast %get3A_558 : vector<1x16xf32> to vector<16xf32>
          %add3A_560 = arith.addf %add3A_504, %get3A_559 : vector<16xf32>
          %add3A_561 = arith.constant 3 : i32
          %add3A_562 = arith.addi %add3A_357, %add3A_561 : i32
          %get3A_563 = arith.index_cast %add3A_562 : i32 to index
          %get3A_564 = arith.constant 80 : index
          %get3A_565 = tpu.vector_load %arg7[%get3A_563, %get3A_564] {strides = array<i32>} : memref<192x128xf32, #tpu.memory_space<vmem>>, vector<1x16xf32>,
          %get3A_566 = vector.shape_cast %get3A_565 : vector<1x16xf32> to vector<16xf32>
          %add3A_567 = arith.addf %add3A_511, %get3A_566 : vector<16xf32>
          %add3A_568 = arith.constant 3 : i32
          %add3A_569 = arith.addi %add3A_357, %add3A_568 : i32
          %get3A_570 = arith.index_cast %add3A_569 : i32 to index
          %get3A_571 = arith.constant 96 : index
          %get3A_572 = tpu.vector_load %arg7[%get3A_570, %get3A_571] {strides = array<i32>} : memref<192x128xf32, #tpu.memory_space<vmem>>, vector<1x16xf32>,
          %get3A_573 = vector.shape_cast %get3A_572 : vector<1x16xf32> to vector<16xf32>
          %add3A_574 = arith.addf %add3A_518, %get3A_573 : vector<16xf32>
          %add3A_575 = arith.constant 3 : i32
          %add3A_576 = arith.addi %add3A_357, %add3A_575 : i32
          %get3A_577 = arith.index_cast %add3A_576 : i32 to index
          %get3A_578 = arith.constant 112 : index
          %get3A_579 = tpu.vector_load %arg7[%get3A_577, %get3A_578] {strides = array<i32>} : memref<192x128xf32, #tpu.memory_space<vmem>>, vector<1x16xf32>,
          %get3A_580 = vector.shape_cast %get3A_579 : vector<1x16xf32> to vector<16xf32>
          %add3A_581 = arith.addf %add3A_525, %get3A_580 : vector<16xf32>
          %add3A_582 = arith.constant 4 : i32
          %add3A_583 = arith.addi %add3A_357, %add3A_582 : i32
          %get3A_584 = arith.index_cast %add3A_583 : i32 to index
          %get3A_585 = arith.constant 0 : index
          %get3A_586 = tpu.vector_load %arg7[%get3A_584, %get3A_585] {strides = array<i32>} : memref<192x128xf32, #tpu.memory_space<vmem>>, vector<1x16xf32>,
          %get3A_587 = vector.shape_cast %get3A_586 : vector<1x16xf32> to vector<16xf32>
          %add3A_588 = arith.addf %add3A_532, %get3A_587 : vector<16xf32>
          %add3A_589 = arith.constant 4 : i32
          %add3A_590 = arith.addi %add3A_357, %add3A_589 : i32
          %get3A_591 = arith.index_cast %add3A_590 : i32 to index
          %get3A_592 = arith.constant 16 : index
          %get3A_593 = tpu.vector_load %arg7[%get3A_591, %get3A_592] {strides = array<i32>} : memref<192x128xf32, #tpu.memory_space<vmem>>, vector<1x16xf32>,
          %get3A_594 = vector.shape_cast %get3A_593 : vector<1x16xf32> to vector<16xf32>
          %add3A_595 = arith.addf %add3A_539, %get3A_594 : vector<16xf32>
          %add3A_596 = arith.constant 4 : i32
          %add3A_597 = arith.addi %add3A_357, %add3A_596 : i32
          %get3A_598 = arith.index_cast %add3A_597 : i32 to index
          %get3A_599 = arith.constant 32 : index
          %get3A_600 = tpu.vector_load %arg7[%get3A_598, %get3A_599] {strides = array<i32>} : memref<192x128xf32, #tpu.memory_space<vmem>>, vector<1x16xf32>,
          %get3A_601 = vector.shape_cast %get3A_600 : vector<1x16xf32> to vector<16xf32>
          %add3A_602 = arith.addf %add3A_546, %get3A_601 : vector<16xf32>
          %add3A_603 = arith.constant 4 : i32
          %add3A_604 = arith.addi %add3A_357, %add3A_603 : i32
          %get3A_605 = arith.index_cast %add3A_604 : i32 to index
          %get3A_606 = arith.constant 48 : index
          %get3A_607 = tpu.vector_load %arg7[%get3A_605, %get3A_606] {strides = array<i32>} : memref<192x128xf32, #tpu.memory_space<vmem>>, vector<1x16xf32>,
          %get3A_608 = vector.shape_cast %get3A_607 : vector<1x16xf32> to vector<16xf32>
          %add3A_609 = arith.addf %add3A_553, %get3A_608 : vector<16xf32>
          %add3A_610 = arith.constant 4 : i32
          %add3A_611 = arith.addi %add3A_357, %add3A_610 : i32
          %get3A_612 = arith.index_cast %add3A_611 : i32 to index
          %get3A_613 = arith.constant 64 : index
          %get3A_614 = tpu.vector_load %arg7[%get3A_612, %get3A_613] {strides = array<i32>} : memref<192x128xf32, #tpu.memory_space<vmem>>, vector<1x16xf32>,
          %get3A_615 = vector.shape_cast %get3A_614 : vector<1x16xf32> to vector<16xf32>
          %add3A_616 = arith.addf %add3A_560, %get3A_615 : vector<16xf32>
          %add3A_617 = arith.constant 4 : i32
          %add3A_618 = arith.addi %add3A_357, %add3A_617 : i32
          %get3A_619 = arith.index_cast %add3A_618 : i32 to index
          %get3A_620 = arith.constant 80 : index
          %get3A_621 = tpu.vector_load %arg7[%get3A_619, %get3A_620] {strides = array<i32>} : memref<192x128xf32, #tpu.memory_space<vmem>>, vector<1x16xf32>,
          %get3A_622 = vector.shape_cast %get3A_621 : vector<1x16xf32> to vector<16xf32>
          %add3A_623 = arith.addf %add3A_567, %get3A_622 : vector<16xf32>
          %add3A_624 = arith.constant 4 : i32
          %add3A_625 = arith.addi %add3A_357, %add3A_624 : i32
          %get3A_626 = arith.index_cast %add3A_625 : i32 to index
          %get3A_627 = arith.constant 96 : index
          %get3A_628 = tpu.vector_load %arg7[%get3A_626, %get3A_627] {strides = array<i32>} : memref<192x128xf32, #tpu.memory_space<vmem>>, vector<1x16xf32>,
          %get3A_629 = vector.shape_cast %get3A_628 : vector<1x16xf32> to vector<16xf32>
          %add3A_630 = arith.addf %add3A_574, %get3A_629 : vector<16xf32>
          %add3A_631 = arith.constant 4 : i32
          %add3A_632 = arith.addi %add3A_357, %add3A_631 : i32
          %get3A_633 = arith.index_cast %add3A_632 : i32 to index
          %get3A_634 = arith.constant 112 : index
          %get3A_635 = tpu.vector_load %arg7[%get3A_633, %get3A_634] {strides = array<i32>} : memref<192x128xf32, #tpu.memory_space<vmem>>, vector<1x16xf32>,
          %get3A_636 = vector.shape_cast %get3A_635 : vector<1x16xf32> to vector<16xf32>
          %add3A_637 = arith.addf %add3A_581, %get3A_636 : vector<16xf32>
          %add3A_638 = arith.constant 5 : i32
          %add3A_639 = arith.addi %add3A_357, %add3A_638 : i32
          %get3A_640 = arith.index_cast %add3A_639 : i32 to index
          %get3A_641 = arith.constant 0 : index
          %get3A_642 = tpu.vector_load %arg7[%get3A_640, %get3A_641] {strides = array<i32>} : memref<192x128xf32, #tpu.memory_space<vmem>>, vector<1x16xf32>,
          %get3A_643 = vector.shape_cast %get3A_642 : vector<1x16xf32> to vector<16xf32>
          %add3A_644 = arith.addf %add3A_588, %get3A_643 : vector<16xf32>
          %add3A_645 = arith.constant 5 : i32
          %add3A_646 = arith.addi %add3A_357, %add3A_645 : i32
          %get3A_647 = arith.index_cast %add3A_646 : i32 to index
          %get3A_648 = arith.constant 16 : index
          %get3A_649 = tpu.vector_load %arg7[%get3A_647, %get3A_648] {strides = array<i32>} : memref<192x128xf32, #tpu.memory_space<vmem>>, vector<1x16xf32>,
          %get3A_650 = vector.shape_cast %get3A_649 : vector<1x16xf32> to vector<16xf32>
          %add3A_651 = arith.addf %add3A_595, %get3A_650 : vector<16xf32>
          %add3A_652 = arith.constant 5 : i32
          %add3A_653 = arith.addi %add3A_357, %add3A_652 : i32
          %get3A_654 = arith.index_cast %add3A_653 : i32 to index
          %get3A_655 = arith.constant 32 : index
          %get3A_656 = tpu.vector_load %arg7[%get3A_654, %get3A_655] {strides = array<i32>} : memref<192x128xf32, #tpu.memory_space<vmem>>, vector<1x16xf32>,
          %get3A_657 = vector.shape_cast %get3A_656 : vector<1x16xf32> to vector<16xf32>
          %add3A_658 = arith.addf %add3A_602, %get3A_657 : vector<16xf32>
          %add3A_659 = arith.constant 5 : i32
          %add3A_660 = arith.addi %add3A_357, %add3A_659 : i32
          %get3A_661 = arith.index_cast %add3A_660 : i32 to index
          %get3A_662 = arith.constant 48 : index
          %get3A_663 = tpu.vector_load %arg7[%get3A_661, %get3A_662] {strides = array<i32>} : memref<192x128xf32, #tpu.memory_space<vmem>>, vector<1x16xf32>,
          %get3A_664 = vector.shape_cast %get3A_663 : vector<1x16xf32> to vector<16xf32>
          %add3A_665 = arith.addf %add3A_609, %get3A_664 : vector<16xf32>
          %add3A_666 = arith.constant 5 : i32
          %add3A_667 = arith.addi %add3A_357, %add3A_666 : i32
          %get3A_668 = arith.index_cast %add3A_667 : i32 to index
          %get3A_669 = arith.constant 64 : index
          %get3A_670 = tpu.vector_load %arg7[%get3A_668, %get3A_669] {strides = array<i32>} : memref<192x128xf32, #tpu.memory_space<vmem>>, vector<1x16xf32>,
          %get3A_671 = vector.shape_cast %get3A_670 : vector<1x16xf32> to vector<16xf32>
          %add3A_672 = arith.addf %add3A_616, %get3A_671 : vector<16xf32>
          %add3A_673 = arith.constant 5 : i32
          %add3A_674 = arith.addi %add3A_357, %add3A_673 : i32
          %get3A_675 = arith.index_cast %add3A_674 : i32 to index
          %get3A_676 = arith.constant 80 : index
          %get3A_677 = tpu.vector_load %arg7[%get3A_675, %get3A_676] {strides = array<i32>} : memref<192x128xf32, #tpu.memory_space<vmem>>, vector<1x16xf32>,
          %get3A_678 = vector.shape_cast %get3A_677 : vector<1x16xf32> to vector<16xf32>
          %add3A_679 = arith.addf %add3A_623, %get3A_678 : vector<16xf32>
          %add3A_680 = arith.constant 5 : i32
          %add3A_681 = arith.addi %add3A_357, %add3A_680 : i32
          %get3A_682 = arith.index_cast %add3A_681 : i32 to index
          %get3A_683 = arith.constant 96 : index
          %get3A_684 = tpu.vector_load %arg7[%get3A_682, %get3A_683] {strides = array<i32>} : memref<192x128xf32, #tpu.memory_space<vmem>>, vector<1x16xf32>,
          %get3A_685 = vector.shape_cast %get3A_684 : vector<1x16xf32> to vector<16xf32>
          %add3A_686 = arith.addf %add3A_630, %get3A_685 : vector<16xf32>
          %add3A_687 = arith.constant 5 : i32
          %add3A_688 = arith.addi %add3A_357, %add3A_687 : i32
          %get3A_689 = arith.index_cast %add3A_688 : i32 to index
          %get3A_690 = arith.constant 112 : index
          %get3A_691 = tpu.vector_load %arg7[%get3A_689, %get3A_690] {strides = array<i32>} : memref<192x128xf32, #tpu.memory_space<vmem>>, vector<1x16xf32>,
          %get3A_692 = vector.shape_cast %get3A_691 : vector<1x16xf32> to vector<16xf32>
          %add3A_693 = arith.addf %add3A_637, %get3A_692 : vector<16xf32>
          %add3A_694 = arith.constant 6 : i32
          %add3A_695 = arith.addi %add3A_357, %add3A_694 : i32
          %get3A_696 = arith.index_cast %add3A_695 : i32 to index
          %get3A_697 = arith.constant 0 : index
          %get3A_698 = tpu.vector_load %arg7[%get3A_696, %get3A_697] {strides = array<i32>} : memref<192x128xf32, #tpu.memory_space<vmem>>, vector<1x16xf32>,
          %get3A_699 = vector.shape_cast %get3A_698 : vector<1x16xf32> to vector<16xf32>
          %add3A_700 = arith.addf %add3A_644, %get3A_699 : vector<16xf32>
          %add3A_701 = arith.constant 6 : i32
          %add3A_702 = arith.addi %add3A_357, %add3A_701 : i32
          %get3A_703 = arith.index_cast %add3A_702 : i32 to index
          %get3A_704 = arith.constant 16 : index
          %get3A_705 = tpu.vector_load %arg7[%get3A_703, %get3A_704] {strides = array<i32>} : memref<192x128xf32, #tpu.memory_space<vmem>>, vector<1x16xf32>,
          %get3A_706 = vector.shape_cast %get3A_705 : vector<1x16xf32> to vector<16xf32>
          %add3A_707 = arith.addf %add3A_651, %get3A_706 : vector<16xf32>
          %add3A_708 = arith.constant 6 : i32
          %add3A_709 = arith.addi %add3A_357, %add3A_708 : i32
          %get3A_710 = arith.index_cast %add3A_709 : i32 to index
          %get3A_711 = arith.constant 32 : index
          %get3A_712 = tpu.vector_load %arg7[%get3A_710, %get3A_711] {strides = array<i32>} : memref<192x128xf32, #tpu.memory_space<vmem>>, vector<1x16xf32>,
          %get3A_713 = vector.shape_cast %get3A_712 : vector<1x16xf32> to vector<16xf32>
          %add3A_714 = arith.addf %add3A_658, %get3A_713 : vector<16xf32>
          %add3A_715 = arith.constant 6 : i32
          %add3A_716 = arith.addi %add3A_357, %add3A_715 : i32
          %get3A_717 = arith.index_cast %add3A_716 : i32 to index
          %get3A_718 = arith.constant 48 : index
          %get3A_719 = tpu.vector_load %arg7[%get3A_717, %get3A_718] {strides = array<i32>} : memref<192x128xf32, #tpu.memory_space<vmem>>, vector<1x16xf32>,
          %get3A_720 = vector.shape_cast %get3A_719 : vector<1x16xf32> to vector<16xf32>
          %add3A_721 = arith.addf %add3A_665, %get3A_720 : vector<16xf32>
          %add3A_722 = arith.constant 6 : i32
          %add3A_723 = arith.addi %add3A_357, %add3A_722 : i32
          %get3A_724 = arith.index_cast %add3A_723 : i32 to index
          %get3A_725 = arith.constant 64 : index
          %get3A_726 = tpu.vector_load %arg7[%get3A_724, %get3A_725] {strides = array<i32>} : memref<192x128xf32, #tpu.memory_space<vmem>>, vector<1x16xf32>,
          %get3A_727 = vector.shape_cast %get3A_726 : vector<1x16xf32> to vector<16xf32>
          %add3A_728 = arith.addf %add3A_672, %get3A_727 : vector<16xf32>
          %add3A_729 = arith.constant 6 : i32
          %add3A_730 = arith.addi %add3A_357, %add3A_729 : i32
          %get3A_731 = arith.index_cast %add3A_730 : i32 to index
          %get3A_732 = arith.constant 80 : index
          %get3A_733 = tpu.vector_load %arg7[%get3A_731, %get3A_732] {strides = array<i32>} : memref<192x128xf32, #tpu.memory_space<vmem>>, vector<1x16xf32>,
          %get3A_734 = vector.shape_cast %get3A_733 : vector<1x16xf32> to vector<16xf32>
          %add3A_735 = arith.addf %add3A_679, %get3A_734 : vector<16xf32>
          %add3A_736 = arith.constant 6 : i32
          %add3A_737 = arith.addi %add3A_357, %add3A_736 : i32
          %get3A_738 = arith.index_cast %add3A_737 : i32 to index
          %get3A_739 = arith.constant 96 : index
          %get3A_740 = tpu.vector_load %arg7[%get3A_738, %get3A_739] {strides = array<i32>} : memref<192x128xf32, #tpu.memory_space<vmem>>, vector<1x16xf32>,
          %get3A_741 = vector.shape_cast %get3A_740 : vector<1x16xf32> to vector<16xf32>
          %add3A_742 = arith.addf %add3A_686, %get3A_741 : vector<16xf32>
          %add3A_743 = arith.constant 6 : i32
          %add3A_744 = arith.addi %add3A_357, %add3A_743 : i32
          %get3A_745 = arith.index_cast %add3A_744 : i32 to index
          %get3A_746 = arith.constant 112 : index
          %get3A_747 = tpu.vector_load %arg7[%get3A_745, %get3A_746] {strides = array<i32>} : memref<192x128xf32, #tpu.memory_space<vmem>>, vector<1x16xf32>,
          %get3A_748 = vector.shape_cast %get3A_747 : vector<1x16xf32> to vector<16xf32>
          %add3A_749 = arith.addf %add3A_693, %get3A_748 : vector<16xf32>
          %add3A_750 = arith.constant 7 : i32
          %add3A_751 = arith.addi %add3A_357, %add3A_750 : i32
          %get3A_752 = arith.index_cast %add3A_751 : i32 to index
          %get3A_753 = arith.constant 0 : index
          %get3A_754 = tpu.vector_load %arg7[%get3A_752, %get3A_753] {strides = array<i32>} : memref<192x128xf32, #tpu.memory_space<vmem>>, vector<1x16xf32>,
          %get3A_755 = vector.shape_cast %get3A_754 : vector<1x16xf32> to vector<16xf32>
          %add3A_756 = arith.addf %add3A_700, %get3A_755 : vector<16xf32>
          %add3A_757 = arith.constant 7 : i32
          %add3A_758 = arith.addi %add3A_357, %add3A_757 : i32
          %get3A_759 = arith.index_cast %add3A_758 : i32 to index
          %get3A_760 = arith.constant 16 : index
          %get3A_761 = tpu.vector_load %arg7[%get3A_759, %get3A_760] {strides = array<i32>} : memref<192x128xf32, #tpu.memory_space<vmem>>, vector<1x16xf32>,
          %get3A_762 = vector.shape_cast %get3A_761 : vector<1x16xf32> to vector<16xf32>
          %add3A_763 = arith.addf %add3A_707, %get3A_762 : vector<16xf32>
          %add3A_764 = arith.constant 7 : i32
          %add3A_765 = arith.addi %add3A_357, %add3A_764 : i32
          %get3A_766 = arith.index_cast %add3A_765 : i32 to index
          %get3A_767 = arith.constant 32 : index
          %get3A_768 = tpu.vector_load %arg7[%get3A_766, %get3A_767] {strides = array<i32>} : memref<192x128xf32, #tpu.memory_space<vmem>>, vector<1x16xf32>,
          %get3A_769 = vector.shape_cast %get3A_768 : vector<1x16xf32> to vector<16xf32>
          %add3A_770 = arith.addf %add3A_714, %get3A_769 : vector<16xf32>
          %add3A_771 = arith.constant 7 : i32
          %add3A_772 = arith.addi %add3A_357, %add3A_771 : i32
          %get3A_773 = arith.index_cast %add3A_772 : i32 to index
          %get3A_774 = arith.constant 48 : index
          %get3A_775 = tpu.vector_load %arg7[%get3A_773, %get3A_774] {strides = array<i32>} : memref<192x128xf32, #tpu.memory_space<vmem>>, vector<1x16xf32>,
          %get3A_776 = vector.shape_cast %get3A_775 : vector<1x16xf32> to vector<16xf32>
          %add3A_777 = arith.addf %add3A_721, %get3A_776 : vector<16xf32>
          %add3A_778 = arith.constant 7 : i32
          %add3A_779 = arith.addi %add3A_357, %add3A_778 : i32
          %get3A_780 = arith.index_cast %add3A_779 : i32 to index
          %get3A_781 = arith.constant 64 : index
          %get3A_782 = tpu.vector_load %arg7[%get3A_780, %get3A_781] {strides = array<i32>} : memref<192x128xf32, #tpu.memory_space<vmem>>, vector<1x16xf32>,
          %get3A_783 = vector.shape_cast %get3A_782 : vector<1x16xf32> to vector<16xf32>
          %add3A_784 = arith.addf %add3A_728, %get3A_783 : vector<16xf32>
          %add3A_785 = arith.constant 7 : i32
          %add3A_786 = arith.addi %add3A_357, %add3A_785 : i32
          %get3A_787 = arith.index_cast %add3A_786 : i32 to index
          %get3A_788 = arith.constant 80 : index
          %get3A_789 = tpu.vector_load %arg7[%get3A_787, %get3A_788] {strides = array<i32>} : memref<192x128xf32, #tpu.memory_space<vmem>>, vector<1x16xf32>,
          %get3A_790 = vector.shape_cast %get3A_789 : vector<1x16xf32> to vector<16xf32>
          %add3A_791 = arith.addf %add3A_735, %get3A_790 : vector<16xf32>
          %add3A_792 = arith.constant 7 : i32
          %add3A_793 = arith.addi %add3A_357, %add3A_792 : i32
          %get3A_794 = arith.index_cast %add3A_793 : i32 to index
          %get3A_795 = arith.constant 96 : index
          %get3A_796 = tpu.vector_load %arg7[%get3A_794, %get3A_795] {strides = array<i32>} : memref<192x128xf32, #tpu.memory_space<vmem>>, vector<1x16xf32>,
          %get3A_797 = vector.shape_cast %get3A_796 : vector<1x16xf32> to vector<16xf32>
          %add3A_798 = arith.addf %add3A_742, %get3A_797 : vector<16xf32>
          %add3A_799 = arith.constant 7 : i32
          %add3A_800 = arith.addi %add3A_357, %add3A_799 : i32
          %get3A_801 = arith.index_cast %add3A_800 : i32 to index
          %get3A_802 = arith.constant 112 : index
          %get3A_803 = tpu.vector_load %arg7[%get3A_801, %get3A_802] {strides = array<i32>} : memref<192x128xf32, #tpu.memory_space<vmem>>, vector<1x16xf32>,
          %get3A_804 = vector.shape_cast %get3A_803 : vector<1x16xf32> to vector<16xf32>
          %add3A_805 = arith.addf %add3A_749, %get3A_804 : vector<16xf32>
          %add3A_806 = arith.constant 8 : i32
          %add3A_807 = arith.addi %add3A_357, %add3A_806 : i32
          %get3A_808 = arith.index_cast %add3A_807 : i32 to index
          %get3A_809 = arith.constant 0 : index
          %get3A_810 = tpu.vector_load %arg7[%get3A_808, %get3A_809] {strides = array<i32>} : memref<192x128xf32, #tpu.memory_space<vmem>>, vector<1x16xf32>,
          %get3A_811 = vector.shape_cast %get3A_810 : vector<1x16xf32> to vector<16xf32>
          %add3A_812 = arith.addf %add3A_756, %get3A_811 : vector<16xf32>
          %add3A_813 = arith.constant 8 : i32
          %add3A_814 = arith.addi %add3A_357, %add3A_813 : i32
          %get3A_815 = arith.index_cast %add3A_814 : i32 to index
          %get3A_816 = arith.constant 16 : index
          %get3A_817 = tpu.vector_load %arg7[%get3A_815, %get3A_816] {strides = array<i32>} : memref<192x128xf32, #tpu.memory_space<vmem>>, vector<1x16xf32>,
          %get3A_818 = vector.shape_cast %get3A_817 : vector<1x16xf32> to vector<16xf32>
          %add3A_819 = arith.addf %add3A_763, %get3A_818 : vector<16xf32>
          %add3A_820 = arith.constant 8 : i32
          %add3A_821 = arith.addi %add3A_357, %add3A_820 : i32
          %get3A_822 = arith.index_cast %add3A_821 : i32 to index
          %get3A_823 = arith.constant 32 : index
          %get3A_824 = tpu.vector_load %arg7[%get3A_822, %get3A_823] {strides = array<i32>} : memref<192x128xf32, #tpu.memory_space<vmem>>, vector<1x16xf32>,
          %get3A_825 = vector.shape_cast %get3A_824 : vector<1x16xf32> to vector<16xf32>
          %add3A_826 = arith.addf %add3A_770, %get3A_825 : vector<16xf32>
          %add3A_827 = arith.constant 8 : i32
          %add3A_828 = arith.addi %add3A_357, %add3A_827 : i32
          %get3A_829 = arith.index_cast %add3A_828 : i32 to index
          %get3A_830 = arith.constant 48 : index
          %get3A_831 = tpu.vector_load %arg7[%get3A_829, %get3A_830] {strides = array<i32>} : memref<192x128xf32, #tpu.memory_space<vmem>>, vector<1x16xf32>,
          %get3A_832 = vector.shape_cast %get3A_831 : vector<1x16xf32> to vector<16xf32>
          %add3A_833 = arith.addf %add3A_777, %get3A_832 : vector<16xf32>
          %add3A_834 = arith.constant 8 : i32
          %add3A_835 = arith.addi %add3A_357, %add3A_834 : i32
          %get3A_836 = arith.index_cast %add3A_835 : i32 to index
          %get3A_837 = arith.constant 64 : index
          %get3A_838 = tpu.vector_load %arg7[%get3A_836, %get3A_837] {strides = array<i32>} : memref<192x128xf32, #tpu.memory_space<vmem>>, vector<1x16xf32>,
          %get3A_839 = vector.shape_cast %get3A_838 : vector<1x16xf32> to vector<16xf32>
          %add3A_840 = arith.addf %add3A_784, %get3A_839 : vector<16xf32>
          %add3A_841 = arith.constant 8 : i32
          %add3A_842 = arith.addi %add3A_357, %add3A_841 : i32
          %get3A_843 = arith.index_cast %add3A_842 : i32 to index
          %get3A_844 = arith.constant 80 : index
          %get3A_845 = tpu.vector_load %arg7[%get3A_843, %get3A_844] {strides = array<i32>} : memref<192x128xf32, #tpu.memory_space<vmem>>, vector<1x16xf32>,
          %get3A_846 = vector.shape_cast %get3A_845 : vector<1x16xf32> to vector<16xf32>
          %add3A_847 = arith.addf %add3A_791, %get3A_846 : vector<16xf32>
          %add3A_848 = arith.constant 8 : i32
          %add3A_849 = arith.addi %add3A_357, %add3A_848 : i32
          %get3A_850 = arith.index_cast %add3A_849 : i32 to index
          %get3A_851 = arith.constant 96 : index
          %get3A_852 = tpu.vector_load %arg7[%get3A_850, %get3A_851] {strides = array<i32>} : memref<192x128xf32, #tpu.memory_space<vmem>>, vector<1x16xf32>,
          %get3A_853 = vector.shape_cast %get3A_852 : vector<1x16xf32> to vector<16xf32>
          %add3A_854 = arith.addf %add3A_798, %get3A_853 : vector<16xf32>
          %add3A_855 = arith.constant 8 : i32
          %add3A_856 = arith.addi %add3A_357, %add3A_855 : i32
          %get3A_857 = arith.index_cast %add3A_856 : i32 to index
          %get3A_858 = arith.constant 112 : index
          %get3A_859 = tpu.vector_load %arg7[%get3A_857, %get3A_858] {strides = array<i32>} : memref<192x128xf32, #tpu.memory_space<vmem>>, vector<1x16xf32>,
          %get3A_860 = vector.shape_cast %get3A_859 : vector<1x16xf32> to vector<16xf32>
          %add3A_861 = arith.addf %add3A_805, %get3A_860 : vector<16xf32>
          %add3A_862 = arith.constant 9 : i32
          %add3A_863 = arith.addi %add3A_357, %add3A_862 : i32
          %get3A_864 = arith.index_cast %add3A_863 : i32 to index
          %get3A_865 = arith.constant 0 : index
          %get3A_866 = tpu.vector_load %arg7[%get3A_864, %get3A_865] {strides = array<i32>} : memref<192x128xf32, #tpu.memory_space<vmem>>, vector<1x16xf32>,
          %get3A_867 = vector.shape_cast %get3A_866 : vector<1x16xf32> to vector<16xf32>
          %add3A_868 = arith.addf %add3A_812, %get3A_867 : vector<16xf32>
          %add3A_869 = arith.constant 9 : i32
          %add3A_870 = arith.addi %add3A_357, %add3A_869 : i32
          %get3A_871 = arith.index_cast %add3A_870 : i32 to index
          %get3A_872 = arith.constant 16 : index
          %get3A_873 = tpu.vector_load %arg7[%get3A_871, %get3A_872] {strides = array<i32>} : memref<192x128xf32, #tpu.memory_space<vmem>>, vector<1x16xf32>,
          %get3A_874 = vector.shape_cast %get3A_873 : vector<1x16xf32> to vector<16xf32>
          %add3A_875 = arith.addf %add3A_819, %get3A_874 : vector<16xf32>
          %add3A_876 = arith.constant 9 : i32
          %add3A_877 = arith.addi %add3A_357, %add3A_876 : i32
          %get3A_878 = arith.index_cast %add3A_877 : i32 to index
          %get3A_879 = arith.constant 32 : index
          %get3A_880 = tpu.vector_load %arg7[%get3A_878, %get3A_879] {strides = array<i32>} : memref<192x128xf32, #tpu.memory_space<vmem>>, vector<1x16xf32>,
          %get3A_881 = vector.shape_cast %get3A_880 : vector<1x16xf32> to vector<16xf32>
          %add3A_882 = arith.addf %add3A_826, %get3A_881 : vector<16xf32>
          %add3A_883 = arith.constant 9 : i32
          %add3A_884 = arith.addi %add3A_357, %add3A_883 : i32
          %get3A_885 = arith.index_cast %add3A_884 : i32 to index
          %get3A_886 = arith.constant 48 : index
          %get3A_887 = tpu.vector_load %arg7[%get3A_885, %get3A_886] {strides = array<i32>} : memref<192x128xf32, #tpu.memory_space<vmem>>, vector<1x16xf32>,
          %get3A_888 = vector.shape_cast %get3A_887 : vector<1x16xf32> to vector<16xf32>
          %add3A_889 = arith.addf %add3A_833, %get3A_888 : vector<16xf32>
          %add3A_890 = arith.constant 9 : i32
          %add3A_891 = arith.addi %add3A_357, %add3A_890 : i32
          %get3A_892 = arith.index_cast %add3A_891 : i32 to index
          %get3A_893 = arith.constant 64 : index
          %get3A_894 = tpu.vector_load %arg7[%get3A_892, %get3A_893] {strides = array<i32>} : memref<192x128xf32, #tpu.memory_space<vmem>>, vector<1x16xf32>,
          %get3A_895 = vector.shape_cast %get3A_894 : vector<1x16xf32> to vector<16xf32>
          %add3A_896 = arith.addf %add3A_840, %get3A_895 : vector<16xf32>
          %add3A_897 = arith.constant 9 : i32
          %add3A_898 = arith.addi %add3A_357, %add3A_897 : i32
          %get3A_899 = arith.index_cast %add3A_898 : i32 to index
          %get3A_900 = arith.constant 80 : index
          %get3A_901 = tpu.vector_load %arg7[%get3A_899, %get3A_900] {strides = array<i32>} : memref<192x128xf32, #tpu.memory_space<vmem>>, vector<1x16xf32>,
          %get3A_902 = vector.shape_cast %get3A_901 : vector<1x16xf32> to vector<16xf32>
          %add3A_903 = arith.addf %add3A_847, %get3A_902 : vector<16xf32>
          %add3A_904 = arith.constant 9 : i32
          %add3A_905 = arith.addi %add3A_357, %add3A_904 : i32
          %get3A_906 = arith.index_cast %add3A_905 : i32 to index
          %get3A_907 = arith.constant 96 : index
          %get3A_908 = tpu.vector_load %arg7[%get3A_906, %get3A_907] {strides = array<i32>} : memref<192x128xf32, #tpu.memory_space<vmem>>, vector<1x16xf32>,
          %get3A_909 = vector.shape_cast %get3A_908 : vector<1x16xf32> to vector<16xf32>
          %add3A_910 = arith.addf %add3A_854, %get3A_909 : vector<16xf32>
          %add3A_911 = arith.constant 9 : i32
          %add3A_912 = arith.addi %add3A_357, %add3A_911 : i32
          %get3A_913 = arith.index_cast %add3A_912 : i32 to index
          %get3A_914 = arith.constant 112 : index
          %get3A_915 = tpu.vector_load %arg7[%get3A_913, %get3A_914] {strides = array<i32>} : memref<192x128xf32, #tpu.memory_space<vmem>>, vector<1x16xf32>,
          %get3A_916 = vector.shape_cast %get3A_915 : vector<1x16xf32> to vector<16xf32>
          %add3A_917 = arith.addf %add3A_861, %get3A_916 : vector<16xf32>
          scf.yield %add3A_868, %add3A_875, %add3A_882, %add3A_889, %add3A_896, %add3A_903, %add3A_910, %add3A_917 : vector<16xf32>, vector<16xf32>, vector<16xf32>, vector<16xf32>, vector<16xf32>, vector<16xf32>, vector<16xf32>, vector<16xf32>
        }
        %scan3A_99 = arith.constant 2 : i32
        %scan3A_100 = arith.constant 0 : i32
        %scan3A_101 = arith.constant 2 : i32
        %scan3A_102 = arith.addi %scan3A_100, %scan3A_101 : i32
        %scan3A_103 = arith.constant 1 : i32
        %scan3A_104:8 = scf.for %scan3A_345 = %scan3A_100 to %scan3A_102 step %scan3A_103 iter_args(%scan3A_346 = %broadcast_in_dim3A_22, %scan3A_347 = %broadcast_in_dim3A_22, %scan3A_348 = %broadcast_in_dim3A_22, %scan3A_349 = %broadcast_in_dim3A_22, %scan3A_350 = %broadcast_in_dim3A_22, %scan3A_351 = %broadcast_in_dim3A_22, %scan3A_352 = %broadcast_in_dim3A_22, %scan3A_353 = %broadcast_in_dim3A_22) -> (vector<16xf32>, vector<16xf32>, vector<16xf32>, vector<16xf32>, vector<16xf32>, vector<16xf32>, vector<16xf32>, vector<16xf32>)  : i32 {
          %mul3A_354 = arith.constant 10 : i32
          %mul3A_355 = arith.muli %scan3A_345, %mul3A_354 : i32
          %add3A_356 = arith.constant 20 : i32
          %add3A_357 = arith.addi %add3A_356, %mul3A_355 : i32
          %add3A_358 = arith.constant 0 : i32
          %add3A_359 = arith.addi %add3A_357, %add3A_358 : i32
          %get3A_360 = arith.index_cast %add3A_359 : i32 to index
          %get3A_361 = arith.constant 0 : index
          %get3A_362 = tpu.vector_load %arg7[%get3A_360, %get3A_361] {strides = array<i32>} : memref<192x128xf32, #tpu.memory_space<vmem>>, vector<1x16xf32>,
          %get3A_363 = vector.shape_cast %get3A_362 : vector<1x16xf32> to vector<16xf32>
          %add3A_364 = arith.addf %scan3A_346, %get3A_363 : vector<16xf32>
          %add3A_365 = arith.constant 0 : i32
          %add3A_366 = arith.addi %add3A_357, %add3A_365 : i32
          %get3A_367 = arith.index_cast %add3A_366 : i32 to index
          %get3A_368 = arith.constant 16 : index
          %get3A_369 = tpu.vector_load %arg7[%get3A_367, %get3A_368] {strides = array<i32>} : memref<192x128xf32, #tpu.memory_space<vmem>>, vector<1x16xf32>,
          %get3A_370 = vector.shape_cast %get3A_369 : vector<1x16xf32> to vector<16xf32>
          %add3A_371 = arith.addf %scan3A_347, %get3A_370 : vector<16xf32>
          %add3A_372 = arith.constant 0 : i32
          %add3A_373 = arith.addi %add3A_357, %add3A_372 : i32
          %get3A_374 = arith.index_cast %add3A_373 : i32 to index
          %get3A_375 = arith.constant 32 : index
          %get3A_376 = tpu.vector_load %arg7[%get3A_374, %get3A_375] {strides = array<i32>} : memref<192x128xf32, #tpu.memory_space<vmem>>, vector<1x16xf32>,
          %get3A_377 = vector.shape_cast %get3A_376 : vector<1x16xf32> to vector<16xf32>
          %add3A_378 = arith.addf %scan3A_348, %get3A_377 : vector<16xf32>
          %add3A_379 = arith.constant 0 : i32
          %add3A_380 = arith.addi %add3A_357, %add3A_379 : i32
          %get3A_381 = arith.index_cast %add3A_380 : i32 to index
          %get3A_382 = arith.constant 48 : index
          %get3A_383 = tpu.vector_load %arg7[%get3A_381, %get3A_382] {strides = array<i32>} : memref<192x128xf32, #tpu.memory_space<vmem>>, vector<1x16xf32>,
          %get3A_384 = vector.shape_cast %get3A_383 : vector<1x16xf32> to vector<16xf32>
          %add3A_385 = arith.addf %scan3A_349, %get3A_384 : vector<16xf32>
          %add3A_386 = arith.constant 0 : i32
          %add3A_387 = arith.addi %add3A_357, %add3A_386 : i32
          %get3A_388 = arith.index_cast %add3A_387 : i32 to index
          %get3A_389 = arith.constant 64 : index
          %get3A_390 = tpu.vector_load %arg7[%get3A_388, %get3A_389] {strides = array<i32>} : memref<192x128xf32, #tpu.memory_space<vmem>>, vector<1x16xf32>,
          %get3A_391 = vector.shape_cast %get3A_390 : vector<1x16xf32> to vector<16xf32>
          %add3A_392 = arith.addf %scan3A_350, %get3A_391 : vector<16xf32>
          %add3A_393 = arith.constant 0 : i32
          %add3A_394 = arith.addi %add3A_357, %add3A_393 : i32
          %get3A_395 = arith.index_cast %add3A_394 : i32 to index
          %get3A_396 = arith.constant 80 : index
          %get3A_397 = tpu.vector_load %arg7[%get3A_395, %get3A_396] {strides = array<i32>} : memref<192x128xf32, #tpu.memory_space<vmem>>, vector<1x16xf32>,
          %get3A_398 = vector.shape_cast %get3A_397 : vector<1x16xf32> to vector<16xf32>
          %add3A_399 = arith.addf %scan3A_351, %get3A_398 : vector<16xf32>
          %add3A_400 = arith.constant 0 : i32
          %add3A_401 = arith.addi %add3A_357, %add3A_400 : i32
          %get3A_402 = arith.index_cast %add3A_401 : i32 to index
          %get3A_403 = arith.constant 96 : index
          %get3A_404 = tpu.vector_load %arg7[%get3A_402, %get3A_403] {strides = array<i32>} : memref<192x128xf32, #tpu.memory_space<vmem>>, vector<1x16xf32>,
          %get3A_405 = vector.shape_cast %get3A_404 : vector<1x16xf32> to vector<16xf32>
          %add3A_406 = arith.addf %scan3A_352, %get3A_405 : vector<16xf32>
          %add3A_407 = arith.constant 0 : i32
          %add3A_408 = arith.addi %add3A_357, %add3A_407 : i32
          %get3A_409 = arith.index_cast %add3A_408 : i32 to index
          %get3A_410 = arith.constant 112 : index
          %get3A_411 = tpu.vector_load %arg7[%get3A_409, %get3A_410] {strides = array<i32>} : memref<192x128xf32, #tpu.memory_space<vmem>>, vector<1x16xf32>,
          %get3A_412 = vector.shape_cast %get3A_411 : vector<1x16xf32> to vector<16xf32>
          %add3A_413 = arith.addf %scan3A_353, %get3A_412 : vector<16xf32>
          %add3A_414 = arith.constant 1 : i32
          %add3A_415 = arith.addi %add3A_357, %add3A_414 : i32
          %get3A_416 = arith.index_cast %add3A_415 : i32 to index
          %get3A_417 = arith.constant 0 : index
          %get3A_418 = tpu.vector_load %arg7[%get3A_416, %get3A_417] {strides = array<i32>} : memref<192x128xf32, #tpu.memory_space<vmem>>, vector<1x16xf32>,
          %get3A_419 = vector.shape_cast %get3A_418 : vector<1x16xf32> to vector<16xf32>
          %add3A_420 = arith.addf %add3A_364, %get3A_419 : vector<16xf32>
          %add3A_421 = arith.constant 1 : i32
          %add3A_422 = arith.addi %add3A_357, %add3A_421 : i32
          %get3A_423 = arith.index_cast %add3A_422 : i32 to index
          %get3A_424 = arith.constant 16 : index
          %get3A_425 = tpu.vector_load %arg7[%get3A_423, %get3A_424] {strides = array<i32>} : memref<192x128xf32, #tpu.memory_space<vmem>>, vector<1x16xf32>,
          %get3A_426 = vector.shape_cast %get3A_425 : vector<1x16xf32> to vector<16xf32>
          %add3A_427 = arith.addf %add3A_371, %get3A_426 : vector<16xf32>
          %add3A_428 = arith.constant 1 : i32
          %add3A_429 = arith.addi %add3A_357, %add3A_428 : i32
          %get3A_430 = arith.index_cast %add3A_429 : i32 to index
          %get3A_431 = arith.constant 32 : index
          %get3A_432 = tpu.vector_load %arg7[%get3A_430, %get3A_431] {strides = array<i32>} : memref<192x128xf32, #tpu.memory_space<vmem>>, vector<1x16xf32>,
          %get3A_433 = vector.shape_cast %get3A_432 : vector<1x16xf32> to vector<16xf32>
          %add3A_434 = arith.addf %add3A_378, %get3A_433 : vector<16xf32>
          %add3A_435 = arith.constant 1 : i32
          %add3A_436 = arith.addi %add3A_357, %add3A_435 : i32
          %get3A_437 = arith.index_cast %add3A_436 : i32 to index
          %get3A_438 = arith.constant 48 : index
          %get3A_439 = tpu.vector_load %arg7[%get3A_437, %get3A_438] {strides = array<i32>} : memref<192x128xf32, #tpu.memory_space<vmem>>, vector<1x16xf32>,
          %get3A_440 = vector.shape_cast %get3A_439 : vector<1x16xf32> to vector<16xf32>
          %add3A_441 = arith.addf %add3A_385, %get3A_440 : vector<16xf32>
          %add3A_442 = arith.constant 1 : i32
          %add3A_443 = arith.addi %add3A_357, %add3A_442 : i32
          %get3A_444 = arith.index_cast %add3A_443 : i32 to index
          %get3A_445 = arith.constant 64 : index
          %get3A_446 = tpu.vector_load %arg7[%get3A_444, %get3A_445] {strides = array<i32>} : memref<192x128xf32, #tpu.memory_space<vmem>>, vector<1x16xf32>,
          %get3A_447 = vector.shape_cast %get3A_446 : vector<1x16xf32> to vector<16xf32>
          %add3A_448 = arith.addf %add3A_392, %get3A_447 : vector<16xf32>
          %add3A_449 = arith.constant 1 : i32
          %add3A_450 = arith.addi %add3A_357, %add3A_449 : i32
          %get3A_451 = arith.index_cast %add3A_450 : i32 to index
          %get3A_452 = arith.constant 80 : index
          %get3A_453 = tpu.vector_load %arg7[%get3A_451, %get3A_452] {strides = array<i32>} : memref<192x128xf32, #tpu.memory_space<vmem>>, vector<1x16xf32>,
          %get3A_454 = vector.shape_cast %get3A_453 : vector<1x16xf32> to vector<16xf32>
          %add3A_455 = arith.addf %add3A_399, %get3A_454 : vector<16xf32>
          %add3A_456 = arith.constant 1 : i32
          %add3A_457 = arith.addi %add3A_357, %add3A_456 : i32
          %get3A_458 = arith.index_cast %add3A_457 : i32 to index
          %get3A_459 = arith.constant 96 : index
          %get3A_460 = tpu.vector_load %arg7[%get3A_458, %get3A_459] {strides = array<i32>} : memref<192x128xf32, #tpu.memory_space<vmem>>, vector<1x16xf32>,
          %get3A_461 = vector.shape_cast %get3A_460 : vector<1x16xf32> to vector<16xf32>
          %add3A_462 = arith.addf %add3A_406, %get3A_461 : vector<16xf32>
          %add3A_463 = arith.constant 1 : i32
          %add3A_464 = arith.addi %add3A_357, %add3A_463 : i32
          %get3A_465 = arith.index_cast %add3A_464 : i32 to index
          %get3A_466 = arith.constant 112 : index
          %get3A_467 = tpu.vector_load %arg7[%get3A_465, %get3A_466] {strides = array<i32>} : memref<192x128xf32, #tpu.memory_space<vmem>>, vector<1x16xf32>,
          %get3A_468 = vector.shape_cast %get3A_467 : vector<1x16xf32> to vector<16xf32>
          %add3A_469 = arith.addf %add3A_413, %get3A_468 : vector<16xf32>
          %add3A_470 = arith.constant 2 : i32
          %add3A_471 = arith.addi %add3A_357, %add3A_470 : i32
          %get3A_472 = arith.index_cast %add3A_471 : i32 to index
          %get3A_473 = arith.constant 0 : index
          %get3A_474 = tpu.vector_load %arg7[%get3A_472, %get3A_473] {strides = array<i32>} : memref<192x128xf32, #tpu.memory_space<vmem>>, vector<1x16xf32>,
          %get3A_475 = vector.shape_cast %get3A_474 : vector<1x16xf32> to vector<16xf32>
          %add3A_476 = arith.addf %add3A_420, %get3A_475 : vector<16xf32>
          %add3A_477 = arith.constant 2 : i32
          %add3A_478 = arith.addi %add3A_357, %add3A_477 : i32
          %get3A_479 = arith.index_cast %add3A_478 : i32 to index
          %get3A_480 = arith.constant 16 : index
          %get3A_481 = tpu.vector_load %arg7[%get3A_479, %get3A_480] {strides = array<i32>} : memref<192x128xf32, #tpu.memory_space<vmem>>, vector<1x16xf32>,
          %get3A_482 = vector.shape_cast %get3A_481 : vector<1x16xf32> to vector<16xf32>
          %add3A_483 = arith.addf %add3A_427, %get3A_482 : vector<16xf32>
          %add3A_484 = arith.constant 2 : i32
          %add3A_485 = arith.addi %add3A_357, %add3A_484 : i32
          %get3A_486 = arith.index_cast %add3A_485 : i32 to index
          %get3A_487 = arith.constant 32 : index
          %get3A_488 = tpu.vector_load %arg7[%get3A_486, %get3A_487] {strides = array<i32>} : memref<192x128xf32, #tpu.memory_space<vmem>>, vector<1x16xf32>,
          %get3A_489 = vector.shape_cast %get3A_488 : vector<1x16xf32> to vector<16xf32>
          %add3A_490 = arith.addf %add3A_434, %get3A_489 : vector<16xf32>
          %add3A_491 = arith.constant 2 : i32
          %add3A_492 = arith.addi %add3A_357, %add3A_491 : i32
          %get3A_493 = arith.index_cast %add3A_492 : i32 to index
          %get3A_494 = arith.constant 48 : index
          %get3A_495 = tpu.vector_load %arg7[%get3A_493, %get3A_494] {strides = array<i32>} : memref<192x128xf32, #tpu.memory_space<vmem>>, vector<1x16xf32>,
          %get3A_496 = vector.shape_cast %get3A_495 : vector<1x16xf32> to vector<16xf32>
          %add3A_497 = arith.addf %add3A_441, %get3A_496 : vector<16xf32>
          %add3A_498 = arith.constant 2 : i32
          %add3A_499 = arith.addi %add3A_357, %add3A_498 : i32
          %get3A_500 = arith.index_cast %add3A_499 : i32 to index
          %get3A_501 = arith.constant 64 : index
          %get3A_502 = tpu.vector_load %arg7[%get3A_500, %get3A_501] {strides = array<i32>} : memref<192x128xf32, #tpu.memory_space<vmem>>, vector<1x16xf32>,
          %get3A_503 = vector.shape_cast %get3A_502 : vector<1x16xf32> to vector<16xf32>
          %add3A_504 = arith.addf %add3A_448, %get3A_503 : vector<16xf32>
          %add3A_505 = arith.constant 2 : i32
          %add3A_506 = arith.addi %add3A_357, %add3A_505 : i32
          %get3A_507 = arith.index_cast %add3A_506 : i32 to index
          %get3A_508 = arith.constant 80 : index
          %get3A_509 = tpu.vector_load %arg7[%get3A_507, %get3A_508] {strides = array<i32>} : memref<192x128xf32, #tpu.memory_space<vmem>>, vector<1x16xf32>,
          %get3A_510 = vector.shape_cast %get3A_509 : vector<1x16xf32> to vector<16xf32>
          %add3A_511 = arith.addf %add3A_455, %get3A_510 : vector<16xf32>
          %add3A_512 = arith.constant 2 : i32
          %add3A_513 = arith.addi %add3A_357, %add3A_512 : i32
          %get3A_514 = arith.index_cast %add3A_513 : i32 to index
          %get3A_515 = arith.constant 96 : index
          %get3A_516 = tpu.vector_load %arg7[%get3A_514, %get3A_515] {strides = array<i32>} : memref<192x128xf32, #tpu.memory_space<vmem>>, vector<1x16xf32>,
          %get3A_517 = vector.shape_cast %get3A_516 : vector<1x16xf32> to vector<16xf32>
          %add3A_518 = arith.addf %add3A_462, %get3A_517 : vector<16xf32>
          %add3A_519 = arith.constant 2 : i32
          %add3A_520 = arith.addi %add3A_357, %add3A_519 : i32
          %get3A_521 = arith.index_cast %add3A_520 : i32 to index
          %get3A_522 = arith.constant 112 : index
          %get3A_523 = tpu.vector_load %arg7[%get3A_521, %get3A_522] {strides = array<i32>} : memref<192x128xf32, #tpu.memory_space<vmem>>, vector<1x16xf32>,
          %get3A_524 = vector.shape_cast %get3A_523 : vector<1x16xf32> to vector<16xf32>
          %add3A_525 = arith.addf %add3A_469, %get3A_524 : vector<16xf32>
          %add3A_526 = arith.constant 3 : i32
          %add3A_527 = arith.addi %add3A_357, %add3A_526 : i32
          %get3A_528 = arith.index_cast %add3A_527 : i32 to index
          %get3A_529 = arith.constant 0 : index
          %get3A_530 = tpu.vector_load %arg7[%get3A_528, %get3A_529] {strides = array<i32>} : memref<192x128xf32, #tpu.memory_space<vmem>>, vector<1x16xf32>,
          %get3A_531 = vector.shape_cast %get3A_530 : vector<1x16xf32> to vector<16xf32>
          %add3A_532 = arith.addf %add3A_476, %get3A_531 : vector<16xf32>
          %add3A_533 = arith.constant 3 : i32
          %add3A_534 = arith.addi %add3A_357, %add3A_533 : i32
          %get3A_535 = arith.index_cast %add3A_534 : i32 to index
          %get3A_536 = arith.constant 16 : index
          %get3A_537 = tpu.vector_load %arg7[%get3A_535, %get3A_536] {strides = array<i32>} : memref<192x128xf32, #tpu.memory_space<vmem>>, vector<1x16xf32>,
          %get3A_538 = vector.shape_cast %get3A_537 : vector<1x16xf32> to vector<16xf32>
          %add3A_539 = arith.addf %add3A_483, %get3A_538 : vector<16xf32>
          %add3A_540 = arith.constant 3 : i32
          %add3A_541 = arith.addi %add3A_357, %add3A_540 : i32
          %get3A_542 = arith.index_cast %add3A_541 : i32 to index
          %get3A_543 = arith.constant 32 : index
          %get3A_544 = tpu.vector_load %arg7[%get3A_542, %get3A_543] {strides = array<i32>} : memref<192x128xf32, #tpu.memory_space<vmem>>, vector<1x16xf32>,
          %get3A_545 = vector.shape_cast %get3A_544 : vector<1x16xf32> to vector<16xf32>
          %add3A_546 = arith.addf %add3A_490, %get3A_545 : vector<16xf32>
          %add3A_547 = arith.constant 3 : i32
          %add3A_548 = arith.addi %add3A_357, %add3A_547 : i32
          %get3A_549 = arith.index_cast %add3A_548 : i32 to index
          %get3A_550 = arith.constant 48 : index
          %get3A_551 = tpu.vector_load %arg7[%get3A_549, %get3A_550] {strides = array<i32>} : memref<192x128xf32, #tpu.memory_space<vmem>>, vector<1x16xf32>,
          %get3A_552 = vector.shape_cast %get3A_551 : vector<1x16xf32> to vector<16xf32>
          %add3A_553 = arith.addf %add3A_497, %get3A_552 : vector<16xf32>
          %add3A_554 = arith.constant 3 : i32
          %add3A_555 = arith.addi %add3A_357, %add3A_554 : i32
          %get3A_556 = arith.index_cast %add3A_555 : i32 to index
          %get3A_557 = arith.constant 64 : index
          %get3A_558 = tpu.vector_load %arg7[%get3A_556, %get3A_557] {strides = array<i32>} : memref<192x128xf32, #tpu.memory_space<vmem>>, vector<1x16xf32>,
          %get3A_559 = vector.shape_cast %get3A_558 : vector<1x16xf32> to vector<16xf32>
          %add3A_560 = arith.addf %add3A_504, %get3A_559 : vector<16xf32>
          %add3A_561 = arith.constant 3 : i32
          %add3A_562 = arith.addi %add3A_357, %add3A_561 : i32
          %get3A_563 = arith.index_cast %add3A_562 : i32 to index
          %get3A_564 = arith.constant 80 : index
          %get3A_565 = tpu.vector_load %arg7[%get3A_563, %get3A_564] {strides = array<i32>} : memref<192x128xf32, #tpu.memory_space<vmem>>, vector<1x16xf32>,
          %get3A_566 = vector.shape_cast %get3A_565 : vector<1x16xf32> to vector<16xf32>
          %add3A_567 = arith.addf %add3A_511, %get3A_566 : vector<16xf32>
          %add3A_568 = arith.constant 3 : i32
          %add3A_569 = arith.addi %add3A_357, %add3A_568 : i32
          %get3A_570 = arith.index_cast %add3A_569 : i32 to index
          %get3A_571 = arith.constant 96 : index
          %get3A_572 = tpu.vector_load %arg7[%get3A_570, %get3A_571] {strides = array<i32>} : memref<192x128xf32, #tpu.memory_space<vmem>>, vector<1x16xf32>,
          %get3A_573 = vector.shape_cast %get3A_572 : vector<1x16xf32> to vector<16xf32>
          %add3A_574 = arith.addf %add3A_518, %get3A_573 : vector<16xf32>
          %add3A_575 = arith.constant 3 : i32
          %add3A_576 = arith.addi %add3A_357, %add3A_575 : i32
          %get3A_577 = arith.index_cast %add3A_576 : i32 to index
          %get3A_578 = arith.constant 112 : index
          %get3A_579 = tpu.vector_load %arg7[%get3A_577, %get3A_578] {strides = array<i32>} : memref<192x128xf32, #tpu.memory_space<vmem>>, vector<1x16xf32>,
          %get3A_580 = vector.shape_cast %get3A_579 : vector<1x16xf32> to vector<16xf32>
          %add3A_581 = arith.addf %add3A_525, %get3A_580 : vector<16xf32>
          %add3A_582 = arith.constant 4 : i32
          %add3A_583 = arith.addi %add3A_357, %add3A_582 : i32
          %get3A_584 = arith.index_cast %add3A_583 : i32 to index
          %get3A_585 = arith.constant 0 : index
          %get3A_586 = tpu.vector_load %arg7[%get3A_584, %get3A_585] {strides = array<i32>} : memref<192x128xf32, #tpu.memory_space<vmem>>, vector<1x16xf32>,
          %get3A_587 = vector.shape_cast %get3A_586 : vector<1x16xf32> to vector<16xf32>
          %add3A_588 = arith.addf %add3A_532, %get3A_587 : vector<16xf32>
          %add3A_589 = arith.constant 4 : i32
          %add3A_590 = arith.addi %add3A_357, %add3A_589 : i32
          %get3A_591 = arith.index_cast %add3A_590 : i32 to index
          %get3A_592 = arith.constant 16 : index
          %get3A_593 = tpu.vector_load %arg7[%get3A_591, %get3A_592] {strides = array<i32>} : memref<192x128xf32, #tpu.memory_space<vmem>>, vector<1x16xf32>,
          %get3A_594 = vector.shape_cast %get3A_593 : vector<1x16xf32> to vector<16xf32>
          %add3A_595 = arith.addf %add3A_539, %get3A_594 : vector<16xf32>
          %add3A_596 = arith.constant 4 : i32
          %add3A_597 = arith.addi %add3A_357, %add3A_596 : i32
          %get3A_598 = arith.index_cast %add3A_597 : i32 to index
          %get3A_599 = arith.constant 32 : index
          %get3A_600 = tpu.vector_load %arg7[%get3A_598, %get3A_599] {strides = array<i32>} : memref<192x128xf32, #tpu.memory_space<vmem>>, vector<1x16xf32>,
          %get3A_601 = vector.shape_cast %get3A_600 : vector<1x16xf32> to vector<16xf32>
          %add3A_602 = arith.addf %add3A_546, %get3A_601 : vector<16xf32>
          %add3A_603 = arith.constant 4 : i32
          %add3A_604 = arith.addi %add3A_357, %add3A_603 : i32
          %get3A_605 = arith.index_cast %add3A_604 : i32 to index
          %get3A_606 = arith.constant 48 : index
          %get3A_607 = tpu.vector_load %arg7[%get3A_605, %get3A_606] {strides = array<i32>} : memref<192x128xf32, #tpu.memory_space<vmem>>, vector<1x16xf32>,
          %get3A_608 = vector.shape_cast %get3A_607 : vector<1x16xf32> to vector<16xf32>
          %add3A_609 = arith.addf %add3A_553, %get3A_608 : vector<16xf32>
          %add3A_610 = arith.constant 4 : i32
          %add3A_611 = arith.addi %add3A_357, %add3A_610 : i32
          %get3A_612 = arith.index_cast %add3A_611 : i32 to index
          %get3A_613 = arith.constant 64 : index
          %get3A_614 = tpu.vector_load %arg7[%get3A_612, %get3A_613] {strides = array<i32>} : memref<192x128xf32, #tpu.memory_space<vmem>>, vector<1x16xf32>,
          %get3A_615 = vector.shape_cast %get3A_614 : vector<1x16xf32> to vector<16xf32>
          %add3A_616 = arith.addf %add3A_560, %get3A_615 : vector<16xf32>
          %add3A_617 = arith.constant 4 : i32
          %add3A_618 = arith.addi %add3A_357, %add3A_617 : i32
          %get3A_619 = arith.index_cast %add3A_618 : i32 to index
          %get3A_620 = arith.constant 80 : index
          %get3A_621 = tpu.vector_load %arg7[%get3A_619, %get3A_620] {strides = array<i32>} : memref<192x128xf32, #tpu.memory_space<vmem>>, vector<1x16xf32>,
          %get3A_622 = vector.shape_cast %get3A_621 : vector<1x16xf32> to vector<16xf32>
          %add3A_623 = arith.addf %add3A_567, %get3A_622 : vector<16xf32>
          %add3A_624 = arith.constant 4 : i32
          %add3A_625 = arith.addi %add3A_357, %add3A_624 : i32
          %get3A_626 = arith.index_cast %add3A_625 : i32 to index
          %get3A_627 = arith.constant 96 : index
          %get3A_628 = tpu.vector_load %arg7[%get3A_626, %get3A_627] {strides = array<i32>} : memref<192x128xf32, #tpu.memory_space<vmem>>, vector<1x16xf32>,
          %get3A_629 = vector.shape_cast %get3A_628 : vector<1x16xf32> to vector<16xf32>
          %add3A_630 = arith.addf %add3A_574, %get3A_629 : vector<16xf32>
          %add3A_631 = arith.constant 4 : i32
          %add3A_632 = arith.addi %add3A_357, %add3A_631 : i32
          %get3A_633 = arith.index_cast %add3A_632 : i32 to index
          %get3A_634 = arith.constant 112 : index
          %get3A_635 = tpu.vector_load %arg7[%get3A_633, %get3A_634] {strides = array<i32>} : memref<192x128xf32, #tpu.memory_space<vmem>>, vector<1x16xf32>,
          %get3A_636 = vector.shape_cast %get3A_635 : vector<1x16xf32> to vector<16xf32>
          %add3A_637 = arith.addf %add3A_581, %get3A_636 : vector<16xf32>
          %add3A_638 = arith.constant 5 : i32
          %add3A_639 = arith.addi %add3A_357, %add3A_638 : i32
          %get3A_640 = arith.index_cast %add3A_639 : i32 to index
          %get3A_641 = arith.constant 0 : index
          %get3A_642 = tpu.vector_load %arg7[%get3A_640, %get3A_641] {strides = array<i32>} : memref<192x128xf32, #tpu.memory_space<vmem>>, vector<1x16xf32>,
          %get3A_643 = vector.shape_cast %get3A_642 : vector<1x16xf32> to vector<16xf32>
          %add3A_644 = arith.addf %add3A_588, %get3A_643 : vector<16xf32>
          %add3A_645 = arith.constant 5 : i32
          %add3A_646 = arith.addi %add3A_357, %add3A_645 : i32
          %get3A_647 = arith.index_cast %add3A_646 : i32 to index
          %get3A_648 = arith.constant 16 : index
          %get3A_649 = tpu.vector_load %arg7[%get3A_647, %get3A_648] {strides = array<i32>} : memref<192x128xf32, #tpu.memory_space<vmem>>, vector<1x16xf32>,
          %get3A_650 = vector.shape_cast %get3A_649 : vector<1x16xf32> to vector<16xf32>
          %add3A_651 = arith.addf %add3A_595, %get3A_650 : vector<16xf32>
          %add3A_652 = arith.constant 5 : i32
          %add3A_653 = arith.addi %add3A_357, %add3A_652 : i32
          %get3A_654 = arith.index_cast %add3A_653 : i32 to index
          %get3A_655 = arith.constant 32 : index
          %get3A_656 = tpu.vector_load %arg7[%get3A_654, %get3A_655] {strides = array<i32>} : memref<192x128xf32, #tpu.memory_space<vmem>>, vector<1x16xf32>,
          %get3A_657 = vector.shape_cast %get3A_656 : vector<1x16xf32> to vector<16xf32>
          %add3A_658 = arith.addf %add3A_602, %get3A_657 : vector<16xf32>
          %add3A_659 = arith.constant 5 : i32
          %add3A_660 = arith.addi %add3A_357, %add3A_659 : i32
          %get3A_661 = arith.index_cast %add3A_660 : i32 to index
          %get3A_662 = arith.constant 48 : index
          %get3A_663 = tpu.vector_load %arg7[%get3A_661, %get3A_662] {strides = array<i32>} : memref<192x128xf32, #tpu.memory_space<vmem>>, vector<1x16xf32>,
          %get3A_664 = vector.shape_cast %get3A_663 : vector<1x16xf32> to vector<16xf32>
          %add3A_665 = arith.addf %add3A_609, %get3A_664 : vector<16xf32>
          %add3A_666 = arith.constant 5 : i32
          %add3A_667 = arith.addi %add3A_357, %add3A_666 : i32
          %get3A_668 = arith.index_cast %add3A_667 : i32 to index
          %get3A_669 = arith.constant 64 : index
          %get3A_670 = tpu.vector_load %arg7[%get3A_668, %get3A_669] {strides = array<i32>} : memref<192x128xf32, #tpu.memory_space<vmem>>, vector<1x16xf32>,
          %get3A_671 = vector.shape_cast %get3A_670 : vector<1x16xf32> to vector<16xf32>
          %add3A_672 = arith.addf %add3A_616, %get3A_671 : vector<16xf32>
          %add3A_673 = arith.constant 5 : i32
          %add3A_674 = arith.addi %add3A_357, %add3A_673 : i32
          %get3A_675 = arith.index_cast %add3A_674 : i32 to index
          %get3A_676 = arith.constant 80 : index
          %get3A_677 = tpu.vector_load %arg7[%get3A_675, %get3A_676] {strides = array<i32>} : memref<192x128xf32, #tpu.memory_space<vmem>>, vector<1x16xf32>,
          %get3A_678 = vector.shape_cast %get3A_677 : vector<1x16xf32> to vector<16xf32>
          %add3A_679 = arith.addf %add3A_623, %get3A_678 : vector<16xf32>
          %add3A_680 = arith.constant 5 : i32
          %add3A_681 = arith.addi %add3A_357, %add3A_680 : i32
          %get3A_682 = arith.index_cast %add3A_681 : i32 to index
          %get3A_683 = arith.constant 96 : index
          %get3A_684 = tpu.vector_load %arg7[%get3A_682, %get3A_683] {strides = array<i32>} : memref<192x128xf32, #tpu.memory_space<vmem>>, vector<1x16xf32>,
          %get3A_685 = vector.shape_cast %get3A_684 : vector<1x16xf32> to vector<16xf32>
          %add3A_686 = arith.addf %add3A_630, %get3A_685 : vector<16xf32>
          %add3A_687 = arith.constant 5 : i32
          %add3A_688 = arith.addi %add3A_357, %add3A_687 : i32
          %get3A_689 = arith.index_cast %add3A_688 : i32 to index
          %get3A_690 = arith.constant 112 : index
          %get3A_691 = tpu.vector_load %arg7[%get3A_689, %get3A_690] {strides = array<i32>} : memref<192x128xf32, #tpu.memory_space<vmem>>, vector<1x16xf32>,
          %get3A_692 = vector.shape_cast %get3A_691 : vector<1x16xf32> to vector<16xf32>
          %add3A_693 = arith.addf %add3A_637, %get3A_692 : vector<16xf32>
          %add3A_694 = arith.constant 6 : i32
          %add3A_695 = arith.addi %add3A_357, %add3A_694 : i32
          %get3A_696 = arith.index_cast %add3A_695 : i32 to index
          %get3A_697 = arith.constant 0 : index
          %get3A_698 = tpu.vector_load %arg7[%get3A_696, %get3A_697] {strides = array<i32>} : memref<192x128xf32, #tpu.memory_space<vmem>>, vector<1x16xf32>,
          %get3A_699 = vector.shape_cast %get3A_698 : vector<1x16xf32> to vector<16xf32>
          %add3A_700 = arith.addf %add3A_644, %get3A_699 : vector<16xf32>
          %add3A_701 = arith.constant 6 : i32
          %add3A_702 = arith.addi %add3A_357, %add3A_701 : i32
          %get3A_703 = arith.index_cast %add3A_702 : i32 to index
          %get3A_704 = arith.constant 16 : index
          %get3A_705 = tpu.vector_load %arg7[%get3A_703, %get3A_704] {strides = array<i32>} : memref<192x128xf32, #tpu.memory_space<vmem>>, vector<1x16xf32>,
          %get3A_706 = vector.shape_cast %get3A_705 : vector<1x16xf32> to vector<16xf32>
          %add3A_707 = arith.addf %add3A_651, %get3A_706 : vector<16xf32>
          %add3A_708 = arith.constant 6 : i32
          %add3A_709 = arith.addi %add3A_357, %add3A_708 : i32
          %get3A_710 = arith.index_cast %add3A_709 : i32 to index
          %get3A_711 = arith.constant 32 : index
          %get3A_712 = tpu.vector_load %arg7[%get3A_710, %get3A_711] {strides = array<i32>} : memref<192x128xf32, #tpu.memory_space<vmem>>, vector<1x16xf32>,
          %get3A_713 = vector.shape_cast %get3A_712 : vector<1x16xf32> to vector<16xf32>
          %add3A_714 = arith.addf %add3A_658, %get3A_713 : vector<16xf32>
          %add3A_715 = arith.constant 6 : i32
          %add3A_716 = arith.addi %add3A_357, %add3A_715 : i32
          %get3A_717 = arith.index_cast %add3A_716 : i32 to index
          %get3A_718 = arith.constant 48 : index
          %get3A_719 = tpu.vector_load %arg7[%get3A_717, %get3A_718] {strides = array<i32>} : memref<192x128xf32, #tpu.memory_space<vmem>>, vector<1x16xf32>,
          %get3A_720 = vector.shape_cast %get3A_719 : vector<1x16xf32> to vector<16xf32>
          %add3A_721 = arith.addf %add3A_665, %get3A_720 : vector<16xf32>
          %add3A_722 = arith.constant 6 : i32
          %add3A_723 = arith.addi %add3A_357, %add3A_722 : i32
          %get3A_724 = arith.index_cast %add3A_723 : i32 to index
          %get3A_725 = arith.constant 64 : index
          %get3A_726 = tpu.vector_load %arg7[%get3A_724, %get3A_725] {strides = array<i32>} : memref<192x128xf32, #tpu.memory_space<vmem>>, vector<1x16xf32>,
          %get3A_727 = vector.shape_cast %get3A_726 : vector<1x16xf32> to vector<16xf32>
          %add3A_728 = arith.addf %add3A_672, %get3A_727 : vector<16xf32>
          %add3A_729 = arith.constant 6 : i32
          %add3A_730 = arith.addi %add3A_357, %add3A_729 : i32
          %get3A_731 = arith.index_cast %add3A_730 : i32 to index
          %get3A_732 = arith.constant 80 : index
          %get3A_733 = tpu.vector_load %arg7[%get3A_731, %get3A_732] {strides = array<i32>} : memref<192x128xf32, #tpu.memory_space<vmem>>, vector<1x16xf32>,
          %get3A_734 = vector.shape_cast %get3A_733 : vector<1x16xf32> to vector<16xf32>
          %add3A_735 = arith.addf %add3A_679, %get3A_734 : vector<16xf32>
          %add3A_736 = arith.constant 6 : i32
          %add3A_737 = arith.addi %add3A_357, %add3A_736 : i32
          %get3A_738 = arith.index_cast %add3A_737 : i32 to index
          %get3A_739 = arith.constant 96 : index
          %get3A_740 = tpu.vector_load %arg7[%get3A_738, %get3A_739] {strides = array<i32>} : memref<192x128xf32, #tpu.memory_space<vmem>>, vector<1x16xf32>,
          %get3A_741 = vector.shape_cast %get3A_740 : vector<1x16xf32> to vector<16xf32>
          %add3A_742 = arith.addf %add3A_686, %get3A_741 : vector<16xf32>
          %add3A_743 = arith.constant 6 : i32
          %add3A_744 = arith.addi %add3A_357, %add3A_743 : i32
          %get3A_745 = arith.index_cast %add3A_744 : i32 to index
          %get3A_746 = arith.constant 112 : index
          %get3A_747 = tpu.vector_load %arg7[%get3A_745, %get3A_746] {strides = array<i32>} : memref<192x128xf32, #tpu.memory_space<vmem>>, vector<1x16xf32>,
          %get3A_748 = vector.shape_cast %get3A_747 : vector<1x16xf32> to vector<16xf32>
          %add3A_749 = arith.addf %add3A_693, %get3A_748 : vector<16xf32>
          %add3A_750 = arith.constant 7 : i32
          %add3A_751 = arith.addi %add3A_357, %add3A_750 : i32
          %get3A_752 = arith.index_cast %add3A_751 : i32 to index
          %get3A_753 = arith.constant 0 : index
          %get3A_754 = tpu.vector_load %arg7[%get3A_752, %get3A_753] {strides = array<i32>} : memref<192x128xf32, #tpu.memory_space<vmem>>, vector<1x16xf32>,
          %get3A_755 = vector.shape_cast %get3A_754 : vector<1x16xf32> to vector<16xf32>
          %add3A_756 = arith.addf %add3A_700, %get3A_755 : vector<16xf32>
          %add3A_757 = arith.constant 7 : i32
          %add3A_758 = arith.addi %add3A_357, %add3A_757 : i32
          %get3A_759 = arith.index_cast %add3A_758 : i32 to index
          %get3A_760 = arith.constant 16 : index
          %get3A_761 = tpu.vector_load %arg7[%get3A_759, %get3A_760] {strides = array<i32>} : memref<192x128xf32, #tpu.memory_space<vmem>>, vector<1x16xf32>,
          %get3A_762 = vector.shape_cast %get3A_761 : vector<1x16xf32> to vector<16xf32>
          %add3A_763 = arith.addf %add3A_707, %get3A_762 : vector<16xf32>
          %add3A_764 = arith.constant 7 : i32
          %add3A_765 = arith.addi %add3A_357, %add3A_764 : i32
          %get3A_766 = arith.index_cast %add3A_765 : i32 to index
          %get3A_767 = arith.constant 32 : index
          %get3A_768 = tpu.vector_load %arg7[%get3A_766, %get3A_767] {strides = array<i32>} : memref<192x128xf32, #tpu.memory_space<vmem>>, vector<1x16xf32>,
          %get3A_769 = vector.shape_cast %get3A_768 : vector<1x16xf32> to vector<16xf32>
          %add3A_770 = arith.addf %add3A_714, %get3A_769 : vector<16xf32>
          %add3A_771 = arith.constant 7 : i32
          %add3A_772 = arith.addi %add3A_357, %add3A_771 : i32
          %get3A_773 = arith.index_cast %add3A_772 : i32 to index
          %get3A_774 = arith.constant 48 : index
          %get3A_775 = tpu.vector_load %arg7[%get3A_773, %get3A_774] {strides = array<i32>} : memref<192x128xf32, #tpu.memory_space<vmem>>, vector<1x16xf32>,
          %get3A_776 = vector.shape_cast %get3A_775 : vector<1x16xf32> to vector<16xf32>
          %add3A_777 = arith.addf %add3A_721, %get3A_776 : vector<16xf32>
          %add3A_778 = arith.constant 7 : i32
          %add3A_779 = arith.addi %add3A_357, %add3A_778 : i32
          %get3A_780 = arith.index_cast %add3A_779 : i32 to index
          %get3A_781 = arith.constant 64 : index
          %get3A_782 = tpu.vector_load %arg7[%get3A_780, %get3A_781] {strides = array<i32>} : memref<192x128xf32, #tpu.memory_space<vmem>>, vector<1x16xf32>,
          %get3A_783 = vector.shape_cast %get3A_782 : vector<1x16xf32> to vector<16xf32>
          %add3A_784 = arith.addf %add3A_728, %get3A_783 : vector<16xf32>
          %add3A_785 = arith.constant 7 : i32
          %add3A_786 = arith.addi %add3A_357, %add3A_785 : i32
          %get3A_787 = arith.index_cast %add3A_786 : i32 to index
          %get3A_788 = arith.constant 80 : index
          %get3A_789 = tpu.vector_load %arg7[%get3A_787, %get3A_788] {strides = array<i32>} : memref<192x128xf32, #tpu.memory_space<vmem>>, vector<1x16xf32>,
          %get3A_790 = vector.shape_cast %get3A_789 : vector<1x16xf32> to vector<16xf32>
          %add3A_791 = arith.addf %add3A_735, %get3A_790 : vector<16xf32>
          %add3A_792 = arith.constant 7 : i32
          %add3A_793 = arith.addi %add3A_357, %add3A_792 : i32
          %get3A_794 = arith.index_cast %add3A_793 : i32 to index
          %get3A_795 = arith.constant 96 : index
          %get3A_796 = tpu.vector_load %arg7[%get3A_794, %get3A_795] {strides = array<i32>} : memref<192x128xf32, #tpu.memory_space<vmem>>, vector<1x16xf32>,
          %get3A_797 = vector.shape_cast %get3A_796 : vector<1x16xf32> to vector<16xf32>
          %add3A_798 = arith.addf %add3A_742, %get3A_797 : vector<16xf32>
          %add3A_799 = arith.constant 7 : i32
          %add3A_800 = arith.addi %add3A_357, %add3A_799 : i32
          %get3A_801 = arith.index_cast %add3A_800 : i32 to index
          %get3A_802 = arith.constant 112 : index
          %get3A_803 = tpu.vector_load %arg7[%get3A_801, %get3A_802] {strides = array<i32>} : memref<192x128xf32, #tpu.memory_space<vmem>>, vector<1x16xf32>,
          %get3A_804 = vector.shape_cast %get3A_803 : vector<1x16xf32> to vector<16xf32>
          %add3A_805 = arith.addf %add3A_749, %get3A_804 : vector<16xf32>
          %add3A_806 = arith.constant 8 : i32
          %add3A_807 = arith.addi %add3A_357, %add3A_806 : i32
          %get3A_808 = arith.index_cast %add3A_807 : i32 to index
          %get3A_809 = arith.constant 0 : index
          %get3A_810 = tpu.vector_load %arg7[%get3A_808, %get3A_809] {strides = array<i32>} : memref<192x128xf32, #tpu.memory_space<vmem>>, vector<1x16xf32>,
          %get3A_811 = vector.shape_cast %get3A_810 : vector<1x16xf32> to vector<16xf32>
          %add3A_812 = arith.addf %add3A_756, %get3A_811 : vector<16xf32>
          %add3A_813 = arith.constant 8 : i32
          %add3A_814 = arith.addi %add3A_357, %add3A_813 : i32
          %get3A_815 = arith.index_cast %add3A_814 : i32 to index
          %get3A_816 = arith.constant 16 : index
          %get3A_817 = tpu.vector_load %arg7[%get3A_815, %get3A_816] {strides = array<i32>} : memref<192x128xf32, #tpu.memory_space<vmem>>, vector<1x16xf32>,
          %get3A_818 = vector.shape_cast %get3A_817 : vector<1x16xf32> to vector<16xf32>
          %add3A_819 = arith.addf %add3A_763, %get3A_818 : vector<16xf32>
          %add3A_820 = arith.constant 8 : i32
          %add3A_821 = arith.addi %add3A_357, %add3A_820 : i32
          %get3A_822 = arith.index_cast %add3A_821 : i32 to index
          %get3A_823 = arith.constant 32 : index
          %get3A_824 = tpu.vector_load %arg7[%get3A_822, %get3A_823] {strides = array<i32>} : memref<192x128xf32, #tpu.memory_space<vmem>>, vector<1x16xf32>,
          %get3A_825 = vector.shape_cast %get3A_824 : vector<1x16xf32> to vector<16xf32>
          %add3A_826 = arith.addf %add3A_770, %get3A_825 : vector<16xf32>
          %add3A_827 = arith.constant 8 : i32
          %add3A_828 = arith.addi %add3A_357, %add3A_827 : i32
          %get3A_829 = arith.index_cast %add3A_828 : i32 to index
          %get3A_830 = arith.constant 48 : index
          %get3A_831 = tpu.vector_load %arg7[%get3A_829, %get3A_830] {strides = array<i32>} : memref<192x128xf32, #tpu.memory_space<vmem>>, vector<1x16xf32>,
          %get3A_832 = vector.shape_cast %get3A_831 : vector<1x16xf32> to vector<16xf32>
          %add3A_833 = arith.addf %add3A_777, %get3A_832 : vector<16xf32>
          %add3A_834 = arith.constant 8 : i32
          %add3A_835 = arith.addi %add3A_357, %add3A_834 : i32
          %get3A_836 = arith.index_cast %add3A_835 : i32 to index
          %get3A_837 = arith.constant 64 : index
          %get3A_838 = tpu.vector_load %arg7[%get3A_836, %get3A_837] {strides = array<i32>} : memref<192x128xf32, #tpu.memory_space<vmem>>, vector<1x16xf32>,
          %get3A_839 = vector.shape_cast %get3A_838 : vector<1x16xf32> to vector<16xf32>
          %add3A_840 = arith.addf %add3A_784, %get3A_839 : vector<16xf32>
          %add3A_841 = arith.constant 8 : i32
          %add3A_842 = arith.addi %add3A_357, %add3A_841 : i32
          %get3A_843 = arith.index_cast %add3A_842 : i32 to index
          %get3A_844 = arith.constant 80 : index
          %get3A_845 = tpu.vector_load %arg7[%get3A_843, %get3A_844] {strides = array<i32>} : memref<192x128xf32, #tpu.memory_space<vmem>>, vector<1x16xf32>,
          %get3A_846 = vector.shape_cast %get3A_845 : vector<1x16xf32> to vector<16xf32>
          %add3A_847 = arith.addf %add3A_791, %get3A_846 : vector<16xf32>
          %add3A_848 = arith.constant 8 : i32
          %add3A_849 = arith.addi %add3A_357, %add3A_848 : i32
          %get3A_850 = arith.index_cast %add3A_849 : i32 to index
          %get3A_851 = arith.constant 96 : index
          %get3A_852 = tpu.vector_load %arg7[%get3A_850, %get3A_851] {strides = array<i32>} : memref<192x128xf32, #tpu.memory_space<vmem>>, vector<1x16xf32>,
          %get3A_853 = vector.shape_cast %get3A_852 : vector<1x16xf32> to vector<16xf32>
          %add3A_854 = arith.addf %add3A_798, %get3A_853 : vector<16xf32>
          %add3A_855 = arith.constant 8 : i32
          %add3A_856 = arith.addi %add3A_357, %add3A_855 : i32
          %get3A_857 = arith.index_cast %add3A_856 : i32 to index
          %get3A_858 = arith.constant 112 : index
          %get3A_859 = tpu.vector_load %arg7[%get3A_857, %get3A_858] {strides = array<i32>} : memref<192x128xf32, #tpu.memory_space<vmem>>, vector<1x16xf32>,
          %get3A_860 = vector.shape_cast %get3A_859 : vector<1x16xf32> to vector<16xf32>
          %add3A_861 = arith.addf %add3A_805, %get3A_860 : vector<16xf32>
          %add3A_862 = arith.constant 9 : i32
          %add3A_863 = arith.addi %add3A_357, %add3A_862 : i32
          %get3A_864 = arith.index_cast %add3A_863 : i32 to index
          %get3A_865 = arith.constant 0 : index
          %get3A_866 = tpu.vector_load %arg7[%get3A_864, %get3A_865] {strides = array<i32>} : memref<192x128xf32, #tpu.memory_space<vmem>>, vector<1x16xf32>,
          %get3A_867 = vector.shape_cast %get3A_866 : vector<1x16xf32> to vector<16xf32>
          %add3A_868 = arith.addf %add3A_812, %get3A_867 : vector<16xf32>
          %add3A_869 = arith.constant 9 : i32
          %add3A_870 = arith.addi %add3A_357, %add3A_869 : i32
          %get3A_871 = arith.index_cast %add3A_870 : i32 to index
          %get3A_872 = arith.constant 16 : index
          %get3A_873 = tpu.vector_load %arg7[%get3A_871, %get3A_872] {strides = array<i32>} : memref<192x128xf32, #tpu.memory_space<vmem>>, vector<1x16xf32>,
          %get3A_874 = vector.shape_cast %get3A_873 : vector<1x16xf32> to vector<16xf32>
          %add3A_875 = arith.addf %add3A_819, %get3A_874 : vector<16xf32>
          %add3A_876 = arith.constant 9 : i32
          %add3A_877 = arith.addi %add3A_357, %add3A_876 : i32
          %get3A_878 = arith.index_cast %add3A_877 : i32 to index
          %get3A_879 = arith.constant 32 : index
          %get3A_880 = tpu.vector_load %arg7[%get3A_878, %get3A_879] {strides = array<i32>} : memref<192x128xf32, #tpu.memory_space<vmem>>, vector<1x16xf32>,
          %get3A_881 = vector.shape_cast %get3A_880 : vector<1x16xf32> to vector<16xf32>
          %add3A_882 = arith.addf %add3A_826, %get3A_881 : vector<16xf32>
          %add3A_883 = arith.constant 9 : i32
          %add3A_884 = arith.addi %add3A_357, %add3A_883 : i32
          %get3A_885 = arith.index_cast %add3A_884 : i32 to index
          %get3A_886 = arith.constant 48 : index
          %get3A_887 = tpu.vector_load %arg7[%get3A_885, %get3A_886] {strides = array<i32>} : memref<192x128xf32, #tpu.memory_space<vmem>>, vector<1x16xf32>,
          %get3A_888 = vector.shape_cast %get3A_887 : vector<1x16xf32> to vector<16xf32>
          %add3A_889 = arith.addf %add3A_833, %get3A_888 : vector<16xf32>
          %add3A_890 = arith.constant 9 : i32
          %add3A_891 = arith.addi %add3A_357, %add3A_890 : i32
          %get3A_892 = arith.index_cast %add3A_891 : i32 to index
          %get3A_893 = arith.constant 64 : index
          %get3A_894 = tpu.vector_load %arg7[%get3A_892, %get3A_893] {strides = array<i32>} : memref<192x128xf32, #tpu.memory_space<vmem>>, vector<1x16xf32>,
          %get3A_895 = vector.shape_cast %get3A_894 : vector<1x16xf32> to vector<16xf32>
          %add3A_896 = arith.addf %add3A_840, %get3A_895 : vector<16xf32>
          %add3A_897 = arith.constant 9 : i32
          %add3A_898 = arith.addi %add3A_357, %add3A_897 : i32
          %get3A_899 = arith.index_cast %add3A_898 : i32 to index
          %get3A_900 = arith.constant 80 : index
          %get3A_901 = tpu.vector_load %arg7[%get3A_899, %get3A_900] {strides = array<i32>} : memref<192x128xf32, #tpu.memory_space<vmem>>, vector<1x16xf32>,
          %get3A_902 = vector.shape_cast %get3A_901 : vector<1x16xf32> to vector<16xf32>
          %add3A_903 = arith.addf %add3A_847, %get3A_902 : vector<16xf32>
          %add3A_904 = arith.constant 9 : i32
          %add3A_905 = arith.addi %add3A_357, %add3A_904 : i32
          %get3A_906 = arith.index_cast %add3A_905 : i32 to index
          %get3A_907 = arith.constant 96 : index
          %get3A_908 = tpu.vector_load %arg7[%get3A_906, %get3A_907] {strides = array<i32>} : memref<192x128xf32, #tpu.memory_space<vmem>>, vector<1x16xf32>,
          %get3A_909 = vector.shape_cast %get3A_908 : vector<1x16xf32> to vector<16xf32>
          %add3A_910 = arith.addf %add3A_854, %get3A_909 : vector<16xf32>
          %add3A_911 = arith.constant 9 : i32
          %add3A_912 = arith.addi %add3A_357, %add3A_911 : i32
          %get3A_913 = arith.index_cast %add3A_912 : i32 to index
          %get3A_914 = arith.constant 112 : index
          %get3A_915 = tpu.vector_load %arg7[%get3A_913, %get3A_914] {strides = array<i32>} : memref<192x128xf32, #tpu.memory_space<vmem>>, vector<1x16xf32>,
          %get3A_916 = vector.shape_cast %get3A_915 : vector<1x16xf32> to vector<16xf32>
          %add3A_917 = arith.addf %add3A_861, %get3A_916 : vector<16xf32>
          scf.yield %add3A_868, %add3A_875, %add3A_882, %add3A_889, %add3A_896, %add3A_903, %add3A_910, %add3A_917 : vector<16xf32>, vector<16xf32>, vector<16xf32>, vector<16xf32>, vector<16xf32>, vector<16xf32>, vector<16xf32>, vector<16xf32>
        }
        %scan3A_105 = arith.constant 2 : i32
        %scan3A_106 = arith.constant 0 : i32
        %scan3A_107 = arith.constant 5 : i32
        %scan3A_108 = arith.addi %scan3A_106, %scan3A_107 : i32
        %scan3A_109 = arith.constant 1 : i32
        %scan3A_110:8 = scf.for %scan3A_345 = %scan3A_106 to %scan3A_108 step %scan3A_109 iter_args(%scan3A_346 = %broadcast_in_dim3A_22, %scan3A_347 = %broadcast_in_dim3A_22, %scan3A_348 = %broadcast_in_dim3A_22, %scan3A_349 = %broadcast_in_dim3A_22, %scan3A_350 = %broadcast_in_dim3A_22, %scan3A_351 = %broadcast_in_dim3A_22, %scan3A_352 = %broadcast_in_dim3A_22, %scan3A_353 = %broadcast_in_dim3A_22) -> (vector<16xf32>, vector<16xf32>, vector<16xf32>, vector<16xf32>, vector<16xf32>, vector<16xf32>, vector<16xf32>, vector<16xf32>)  : i32 {
          %mul3A_354 = arith.constant 10 : i32
          %mul3A_355 = arith.muli %scan3A_345, %mul3A_354 : i32
          %add3A_356 = arith.constant 40 : i32
          %add3A_357 = arith.addi %add3A_356, %mul3A_355 : i32
          %add3A_358 = arith.constant 0 : i32
          %add3A_359 = arith.addi %add3A_357, %add3A_358 : i32
          %get3A_360 = arith.index_cast %add3A_359 : i32 to index
          %get3A_361 = arith.constant 0 : index
          %get3A_362 = tpu.vector_load %arg7[%get3A_360, %get3A_361] {strides = array<i32>} : memref<192x128xf32, #tpu.memory_space<vmem>>, vector<1x16xf32>,
          %get3A_363 = vector.shape_cast %get3A_362 : vector<1x16xf32> to vector<16xf32>
          %add3A_364 = arith.addf %scan3A_346, %get3A_363 : vector<16xf32>
          %add3A_365 = arith.constant 0 : i32
          %add3A_366 = arith.addi %add3A_357, %add3A_365 : i32
          %get3A_367 = arith.index_cast %add3A_366 : i32 to index
          %get3A_368 = arith.constant 16 : index
          %get3A_369 = tpu.vector_load %arg7[%get3A_367, %get3A_368] {strides = array<i32>} : memref<192x128xf32, #tpu.memory_space<vmem>>, vector<1x16xf32>,
          %get3A_370 = vector.shape_cast %get3A_369 : vector<1x16xf32> to vector<16xf32>
          %add3A_371 = arith.addf %scan3A_347, %get3A_370 : vector<16xf32>
          %add3A_372 = arith.constant 0 : i32
          %add3A_373 = arith.addi %add3A_357, %add3A_372 : i32
          %get3A_374 = arith.index_cast %add3A_373 : i32 to index
          %get3A_375 = arith.constant 32 : index
          %get3A_376 = tpu.vector_load %arg7[%get3A_374, %get3A_375] {strides = array<i32>} : memref<192x128xf32, #tpu.memory_space<vmem>>, vector<1x16xf32>,
          %get3A_377 = vector.shape_cast %get3A_376 : vector<1x16xf32> to vector<16xf32>
          %add3A_378 = arith.addf %scan3A_348, %get3A_377 : vector<16xf32>
          %add3A_379 = arith.constant 0 : i32
          %add3A_380 = arith.addi %add3A_357, %add3A_379 : i32
          %get3A_381 = arith.index_cast %add3A_380 : i32 to index
          %get3A_382 = arith.constant 48 : index
          %get3A_383 = tpu.vector_load %arg7[%get3A_381, %get3A_382] {strides = array<i32>} : memref<192x128xf32, #tpu.memory_space<vmem>>, vector<1x16xf32>,
          %get3A_384 = vector.shape_cast %get3A_383 : vector<1x16xf32> to vector<16xf32>
          %add3A_385 = arith.addf %scan3A_349, %get3A_384 : vector<16xf32>
          %add3A_386 = arith.constant 0 : i32
          %add3A_387 = arith.addi %add3A_357, %add3A_386 : i32
          %get3A_388 = arith.index_cast %add3A_387 : i32 to index
          %get3A_389 = arith.constant 64 : index
          %get3A_390 = tpu.vector_load %arg7[%get3A_388, %get3A_389] {strides = array<i32>} : memref<192x128xf32, #tpu.memory_space<vmem>>, vector<1x16xf32>,
          %get3A_391 = vector.shape_cast %get3A_390 : vector<1x16xf32> to vector<16xf32>
          %add3A_392 = arith.addf %scan3A_350, %get3A_391 : vector<16xf32>
          %add3A_393 = arith.constant 0 : i32
          %add3A_394 = arith.addi %add3A_357, %add3A_393 : i32
          %get3A_395 = arith.index_cast %add3A_394 : i32 to index
          %get3A_396 = arith.constant 80 : index
          %get3A_397 = tpu.vector_load %arg7[%get3A_395, %get3A_396] {strides = array<i32>} : memref<192x128xf32, #tpu.memory_space<vmem>>, vector<1x16xf32>,
          %get3A_398 = vector.shape_cast %get3A_397 : vector<1x16xf32> to vector<16xf32>
          %add3A_399 = arith.addf %scan3A_351, %get3A_398 : vector<16xf32>
          %add3A_400 = arith.constant 0 : i32
          %add3A_401 = arith.addi %add3A_357, %add3A_400 : i32
          %get3A_402 = arith.index_cast %add3A_401 : i32 to index
          %get3A_403 = arith.constant 96 : index
          %get3A_404 = tpu.vector_load %arg7[%get3A_402, %get3A_403] {strides = array<i32>} : memref<192x128xf32, #tpu.memory_space<vmem>>, vector<1x16xf32>,
          %get3A_405 = vector.shape_cast %get3A_404 : vector<1x16xf32> to vector<16xf32>
          %add3A_406 = arith.addf %scan3A_352, %get3A_405 : vector<16xf32>
          %add3A_407 = arith.constant 0 : i32
          %add3A_408 = arith.addi %add3A_357, %add3A_407 : i32
          %get3A_409 = arith.index_cast %add3A_408 : i32 to index
          %get3A_410 = arith.constant 112 : index
          %get3A_411 = tpu.vector_load %arg7[%get3A_409, %get3A_410] {strides = array<i32>} : memref<192x128xf32, #tpu.memory_space<vmem>>, vector<1x16xf32>,
          %get3A_412 = vector.shape_cast %get3A_411 : vector<1x16xf32> to vector<16xf32>
          %add3A_413 = arith.addf %scan3A_353, %get3A_412 : vector<16xf32>
          %add3A_414 = arith.constant 1 : i32
          %add3A_415 = arith.addi %add3A_357, %add3A_414 : i32
          %get3A_416 = arith.index_cast %add3A_415 : i32 to index
          %get3A_417 = arith.constant 0 : index
          %get3A_418 = tpu.vector_load %arg7[%get3A_416, %get3A_417] {strides = array<i32>} : memref<192x128xf32, #tpu.memory_space<vmem>>, vector<1x16xf32>,
          %get3A_419 = vector.shape_cast %get3A_418 : vector<1x16xf32> to vector<16xf32>
          %add3A_420 = arith.addf %add3A_364, %get3A_419 : vector<16xf32>
          %add3A_421 = arith.constant 1 : i32
          %add3A_422 = arith.addi %add3A_357, %add3A_421 : i32
          %get3A_423 = arith.index_cast %add3A_422 : i32 to index
          %get3A_424 = arith.constant 16 : index
          %get3A_425 = tpu.vector_load %arg7[%get3A_423, %get3A_424] {strides = array<i32>} : memref<192x128xf32, #tpu.memory_space<vmem>>, vector<1x16xf32>,
          %get3A_426 = vector.shape_cast %get3A_425 : vector<1x16xf32> to vector<16xf32>
          %add3A_427 = arith.addf %add3A_371, %get3A_426 : vector<16xf32>
          %add3A_428 = arith.constant 1 : i32
          %add3A_429 = arith.addi %add3A_357, %add3A_428 : i32
          %get3A_430 = arith.index_cast %add3A_429 : i32 to index
          %get3A_431 = arith.constant 32 : index
          %get3A_432 = tpu.vector_load %arg7[%get3A_430, %get3A_431] {strides = array<i32>} : memref<192x128xf32, #tpu.memory_space<vmem>>, vector<1x16xf32>,
          %get3A_433 = vector.shape_cast %get3A_432 : vector<1x16xf32> to vector<16xf32>
          %add3A_434 = arith.addf %add3A_378, %get3A_433 : vector<16xf32>
          %add3A_435 = arith.constant 1 : i32
          %add3A_436 = arith.addi %add3A_357, %add3A_435 : i32
          %get3A_437 = arith.index_cast %add3A_436 : i32 to index
          %get3A_438 = arith.constant 48 : index
          %get3A_439 = tpu.vector_load %arg7[%get3A_437, %get3A_438] {strides = array<i32>} : memref<192x128xf32, #tpu.memory_space<vmem>>, vector<1x16xf32>,
          %get3A_440 = vector.shape_cast %get3A_439 : vector<1x16xf32> to vector<16xf32>
          %add3A_441 = arith.addf %add3A_385, %get3A_440 : vector<16xf32>
          %add3A_442 = arith.constant 1 : i32
          %add3A_443 = arith.addi %add3A_357, %add3A_442 : i32
          %get3A_444 = arith.index_cast %add3A_443 : i32 to index
          %get3A_445 = arith.constant 64 : index
          %get3A_446 = tpu.vector_load %arg7[%get3A_444, %get3A_445] {strides = array<i32>} : memref<192x128xf32, #tpu.memory_space<vmem>>, vector<1x16xf32>,
          %get3A_447 = vector.shape_cast %get3A_446 : vector<1x16xf32> to vector<16xf32>
          %add3A_448 = arith.addf %add3A_392, %get3A_447 : vector<16xf32>
          %add3A_449 = arith.constant 1 : i32
          %add3A_450 = arith.addi %add3A_357, %add3A_449 : i32
          %get3A_451 = arith.index_cast %add3A_450 : i32 to index
          %get3A_452 = arith.constant 80 : index
          %get3A_453 = tpu.vector_load %arg7[%get3A_451, %get3A_452] {strides = array<i32>} : memref<192x128xf32, #tpu.memory_space<vmem>>, vector<1x16xf32>,
          %get3A_454 = vector.shape_cast %get3A_453 : vector<1x16xf32> to vector<16xf32>
          %add3A_455 = arith.addf %add3A_399, %get3A_454 : vector<16xf32>
          %add3A_456 = arith.constant 1 : i32
          %add3A_457 = arith.addi %add3A_357, %add3A_456 : i32
          %get3A_458 = arith.index_cast %add3A_457 : i32 to index
          %get3A_459 = arith.constant 96 : index
          %get3A_460 = tpu.vector_load %arg7[%get3A_458, %get3A_459] {strides = array<i32>} : memref<192x128xf32, #tpu.memory_space<vmem>>, vector<1x16xf32>,
          %get3A_461 = vector.shape_cast %get3A_460 : vector<1x16xf32> to vector<16xf32>
          %add3A_462 = arith.addf %add3A_406, %get3A_461 : vector<16xf32>
          %add3A_463 = arith.constant 1 : i32
          %add3A_464 = arith.addi %add3A_357, %add3A_463 : i32
          %get3A_465 = arith.index_cast %add3A_464 : i32 to index
          %get3A_466 = arith.constant 112 : index
          %get3A_467 = tpu.vector_load %arg7[%get3A_465, %get3A_466] {strides = array<i32>} : memref<192x128xf32, #tpu.memory_space<vmem>>, vector<1x16xf32>,
          %get3A_468 = vector.shape_cast %get3A_467 : vector<1x16xf32> to vector<16xf32>
          %add3A_469 = arith.addf %add3A_413, %get3A_468 : vector<16xf32>
          %add3A_470 = arith.constant 2 : i32
          %add3A_471 = arith.addi %add3A_357, %add3A_470 : i32
          %get3A_472 = arith.index_cast %add3A_471 : i32 to index
          %get3A_473 = arith.constant 0 : index
          %get3A_474 = tpu.vector_load %arg7[%get3A_472, %get3A_473] {strides = array<i32>} : memref<192x128xf32, #tpu.memory_space<vmem>>, vector<1x16xf32>,
          %get3A_475 = vector.shape_cast %get3A_474 : vector<1x16xf32> to vector<16xf32>
          %add3A_476 = arith.addf %add3A_420, %get3A_475 : vector<16xf32>
          %add3A_477 = arith.constant 2 : i32
          %add3A_478 = arith.addi %add3A_357, %add3A_477 : i32
          %get3A_479 = arith.index_cast %add3A_478 : i32 to index
          %get3A_480 = arith.constant 16 : index
          %get3A_481 = tpu.vector_load %arg7[%get3A_479, %get3A_480] {strides = array<i32>} : memref<192x128xf32, #tpu.memory_space<vmem>>, vector<1x16xf32>,
          %get3A_482 = vector.shape_cast %get3A_481 : vector<1x16xf32> to vector<16xf32>
          %add3A_483 = arith.addf %add3A_427, %get3A_482 : vector<16xf32>
          %add3A_484 = arith.constant 2 : i32
          %add3A_485 = arith.addi %add3A_357, %add3A_484 : i32
          %get3A_486 = arith.index_cast %add3A_485 : i32 to index
          %get3A_487 = arith.constant 32 : index
          %get3A_488 = tpu.vector_load %arg7[%get3A_486, %get3A_487] {strides = array<i32>} : memref<192x128xf32, #tpu.memory_space<vmem>>, vector<1x16xf32>,
          %get3A_489 = vector.shape_cast %get3A_488 : vector<1x16xf32> to vector<16xf32>
          %add3A_490 = arith.addf %add3A_434, %get3A_489 : vector<16xf32>
          %add3A_491 = arith.constant 2 : i32
          %add3A_492 = arith.addi %add3A_357, %add3A_491 : i32
          %get3A_493 = arith.index_cast %add3A_492 : i32 to index
          %get3A_494 = arith.constant 48 : index
          %get3A_495 = tpu.vector_load %arg7[%get3A_493, %get3A_494] {strides = array<i32>} : memref<192x128xf32, #tpu.memory_space<vmem>>, vector<1x16xf32>,
          %get3A_496 = vector.shape_cast %get3A_495 : vector<1x16xf32> to vector<16xf32>
          %add3A_497 = arith.addf %add3A_441, %get3A_496 : vector<16xf32>
          %add3A_498 = arith.constant 2 : i32
          %add3A_499 = arith.addi %add3A_357, %add3A_498 : i32
          %get3A_500 = arith.index_cast %add3A_499 : i32 to index
          %get3A_501 = arith.constant 64 : index
          %get3A_502 = tpu.vector_load %arg7[%get3A_500, %get3A_501] {strides = array<i32>} : memref<192x128xf32, #tpu.memory_space<vmem>>, vector<1x16xf32>,
          %get3A_503 = vector.shape_cast %get3A_502 : vector<1x16xf32> to vector<16xf32>
          %add3A_504 = arith.addf %add3A_448, %get3A_503 : vector<16xf32>
          %add3A_505 = arith.constant 2 : i32
          %add3A_506 = arith.addi %add3A_357, %add3A_505 : i32
          %get3A_507 = arith.index_cast %add3A_506 : i32 to index
          %get3A_508 = arith.constant 80 : index
          %get3A_509 = tpu.vector_load %arg7[%get3A_507, %get3A_508] {strides = array<i32>} : memref<192x128xf32, #tpu.memory_space<vmem>>, vector<1x16xf32>,
          %get3A_510 = vector.shape_cast %get3A_509 : vector<1x16xf32> to vector<16xf32>
          %add3A_511 = arith.addf %add3A_455, %get3A_510 : vector<16xf32>
          %add3A_512 = arith.constant 2 : i32
          %add3A_513 = arith.addi %add3A_357, %add3A_512 : i32
          %get3A_514 = arith.index_cast %add3A_513 : i32 to index
          %get3A_515 = arith.constant 96 : index
          %get3A_516 = tpu.vector_load %arg7[%get3A_514, %get3A_515] {strides = array<i32>} : memref<192x128xf32, #tpu.memory_space<vmem>>, vector<1x16xf32>,
          %get3A_517 = vector.shape_cast %get3A_516 : vector<1x16xf32> to vector<16xf32>
          %add3A_518 = arith.addf %add3A_462, %get3A_517 : vector<16xf32>
          %add3A_519 = arith.constant 2 : i32
          %add3A_520 = arith.addi %add3A_357, %add3A_519 : i32
          %get3A_521 = arith.index_cast %add3A_520 : i32 to index
          %get3A_522 = arith.constant 112 : index
          %get3A_523 = tpu.vector_load %arg7[%get3A_521, %get3A_522] {strides = array<i32>} : memref<192x128xf32, #tpu.memory_space<vmem>>, vector<1x16xf32>,
          %get3A_524 = vector.shape_cast %get3A_523 : vector<1x16xf32> to vector<16xf32>
          %add3A_525 = arith.addf %add3A_469, %get3A_524 : vector<16xf32>
          %add3A_526 = arith.constant 3 : i32
          %add3A_527 = arith.addi %add3A_357, %add3A_526 : i32
          %get3A_528 = arith.index_cast %add3A_527 : i32 to index
          %get3A_529 = arith.constant 0 : index
          %get3A_530 = tpu.vector_load %arg7[%get3A_528, %get3A_529] {strides = array<i32>} : memref<192x128xf32, #tpu.memory_space<vmem>>, vector<1x16xf32>,
          %get3A_531 = vector.shape_cast %get3A_530 : vector<1x16xf32> to vector<16xf32>
          %add3A_532 = arith.addf %add3A_476, %get3A_531 : vector<16xf32>
          %add3A_533 = arith.constant 3 : i32
          %add3A_534 = arith.addi %add3A_357, %add3A_533 : i32
          %get3A_535 = arith.index_cast %add3A_534 : i32 to index
          %get3A_536 = arith.constant 16 : index
          %get3A_537 = tpu.vector_load %arg7[%get3A_535, %get3A_536] {strides = array<i32>} : memref<192x128xf32, #tpu.memory_space<vmem>>, vector<1x16xf32>,
          %get3A_538 = vector.shape_cast %get3A_537 : vector<1x16xf32> to vector<16xf32>
          %add3A_539 = arith.addf %add3A_483, %get3A_538 : vector<16xf32>
          %add3A_540 = arith.constant 3 : i32
          %add3A_541 = arith.addi %add3A_357, %add3A_540 : i32
          %get3A_542 = arith.index_cast %add3A_541 : i32 to index
          %get3A_543 = arith.constant 32 : index
          %get3A_544 = tpu.vector_load %arg7[%get3A_542, %get3A_543] {strides = array<i32>} : memref<192x128xf32, #tpu.memory_space<vmem>>, vector<1x16xf32>,
          %get3A_545 = vector.shape_cast %get3A_544 : vector<1x16xf32> to vector<16xf32>
          %add3A_546 = arith.addf %add3A_490, %get3A_545 : vector<16xf32>
          %add3A_547 = arith.constant 3 : i32
          %add3A_548 = arith.addi %add3A_357, %add3A_547 : i32
          %get3A_549 = arith.index_cast %add3A_548 : i32 to index
          %get3A_550 = arith.constant 48 : index
          %get3A_551 = tpu.vector_load %arg7[%get3A_549, %get3A_550] {strides = array<i32>} : memref<192x128xf32, #tpu.memory_space<vmem>>, vector<1x16xf32>,
          %get3A_552 = vector.shape_cast %get3A_551 : vector<1x16xf32> to vector<16xf32>
          %add3A_553 = arith.addf %add3A_497, %get3A_552 : vector<16xf32>
          %add3A_554 = arith.constant 3 : i32
          %add3A_555 = arith.addi %add3A_357, %add3A_554 : i32
          %get3A_556 = arith.index_cast %add3A_555 : i32 to index
          %get3A_557 = arith.constant 64 : index
          %get3A_558 = tpu.vector_load %arg7[%get3A_556, %get3A_557] {strides = array<i32>} : memref<192x128xf32, #tpu.memory_space<vmem>>, vector<1x16xf32>,
          %get3A_559 = vector.shape_cast %get3A_558 : vector<1x16xf32> to vector<16xf32>
          %add3A_560 = arith.addf %add3A_504, %get3A_559 : vector<16xf32>
          %add3A_561 = arith.constant 3 : i32
          %add3A_562 = arith.addi %add3A_357, %add3A_561 : i32
          %get3A_563 = arith.index_cast %add3A_562 : i32 to index
          %get3A_564 = arith.constant 80 : index
          %get3A_565 = tpu.vector_load %arg7[%get3A_563, %get3A_564] {strides = array<i32>} : memref<192x128xf32, #tpu.memory_space<vmem>>, vector<1x16xf32>,
          %get3A_566 = vector.shape_cast %get3A_565 : vector<1x16xf32> to vector<16xf32>
          %add3A_567 = arith.addf %add3A_511, %get3A_566 : vector<16xf32>
          %add3A_568 = arith.constant 3 : i32
          %add3A_569 = arith.addi %add3A_357, %add3A_568 : i32
          %get3A_570 = arith.index_cast %add3A_569 : i32 to index
          %get3A_571 = arith.constant 96 : index
          %get3A_572 = tpu.vector_load %arg7[%get3A_570, %get3A_571] {strides = array<i32>} : memref<192x128xf32, #tpu.memory_space<vmem>>, vector<1x16xf32>,
          %get3A_573 = vector.shape_cast %get3A_572 : vector<1x16xf32> to vector<16xf32>
          %add3A_574 = arith.addf %add3A_518, %get3A_573 : vector<16xf32>
          %add3A_575 = arith.constant 3 : i32
          %add3A_576 = arith.addi %add3A_357, %add3A_575 : i32
          %get3A_577 = arith.index_cast %add3A_576 : i32 to index
          %get3A_578 = arith.constant 112 : index
          %get3A_579 = tpu.vector_load %arg7[%get3A_577, %get3A_578] {strides = array<i32>} : memref<192x128xf32, #tpu.memory_space<vmem>>, vector<1x16xf32>,
          %get3A_580 = vector.shape_cast %get3A_579 : vector<1x16xf32> to vector<16xf32>
          %add3A_581 = arith.addf %add3A_525, %get3A_580 : vector<16xf32>
          %add3A_582 = arith.constant 4 : i32
          %add3A_583 = arith.addi %add3A_357, %add3A_582 : i32
          %get3A_584 = arith.index_cast %add3A_583 : i32 to index
          %get3A_585 = arith.constant 0 : index
          %get3A_586 = tpu.vector_load %arg7[%get3A_584, %get3A_585] {strides = array<i32>} : memref<192x128xf32, #tpu.memory_space<vmem>>, vector<1x16xf32>,
          %get3A_587 = vector.shape_cast %get3A_586 : vector<1x16xf32> to vector<16xf32>
          %add3A_588 = arith.addf %add3A_532, %get3A_587 : vector<16xf32>
          %add3A_589 = arith.constant 4 : i32
          %add3A_590 = arith.addi %add3A_357, %add3A_589 : i32
          %get3A_591 = arith.index_cast %add3A_590 : i32 to index
          %get3A_592 = arith.constant 16 : index
          %get3A_593 = tpu.vector_load %arg7[%get3A_591, %get3A_592] {strides = array<i32>} : memref<192x128xf32, #tpu.memory_space<vmem>>, vector<1x16xf32>,
          %get3A_594 = vector.shape_cast %get3A_593 : vector<1x16xf32> to vector<16xf32>
          %add3A_595 = arith.addf %add3A_539, %get3A_594 : vector<16xf32>
          %add3A_596 = arith.constant 4 : i32
          %add3A_597 = arith.addi %add3A_357, %add3A_596 : i32
          %get3A_598 = arith.index_cast %add3A_597 : i32 to index
          %get3A_599 = arith.constant 32 : index
          %get3A_600 = tpu.vector_load %arg7[%get3A_598, %get3A_599] {strides = array<i32>} : memref<192x128xf32, #tpu.memory_space<vmem>>, vector<1x16xf32>,
          %get3A_601 = vector.shape_cast %get3A_600 : vector<1x16xf32> to vector<16xf32>
          %add3A_602 = arith.addf %add3A_546, %get3A_601 : vector<16xf32>
          %add3A_603 = arith.constant 4 : i32
          %add3A_604 = arith.addi %add3A_357, %add3A_603 : i32
          %get3A_605 = arith.index_cast %add3A_604 : i32 to index
          %get3A_606 = arith.constant 48 : index
          %get3A_607 = tpu.vector_load %arg7[%get3A_605, %get3A_606] {strides = array<i32>} : memref<192x128xf32, #tpu.memory_space<vmem>>, vector<1x16xf32>,
          %get3A_608 = vector.shape_cast %get3A_607 : vector<1x16xf32> to vector<16xf32>
          %add3A_609 = arith.addf %add3A_553, %get3A_608 : vector<16xf32>
          %add3A_610 = arith.constant 4 : i32
          %add3A_611 = arith.addi %add3A_357, %add3A_610 : i32
          %get3A_612 = arith.index_cast %add3A_611 : i32 to index
          %get3A_613 = arith.constant 64 : index
          %get3A_614 = tpu.vector_load %arg7[%get3A_612, %get3A_613] {strides = array<i32>} : memref<192x128xf32, #tpu.memory_space<vmem>>, vector<1x16xf32>,
          %get3A_615 = vector.shape_cast %get3A_614 : vector<1x16xf32> to vector<16xf32>
          %add3A_616 = arith.addf %add3A_560, %get3A_615 : vector<16xf32>
          %add3A_617 = arith.constant 4 : i32
          %add3A_618 = arith.addi %add3A_357, %add3A_617 : i32
          %get3A_619 = arith.index_cast %add3A_618 : i32 to index
          %get3A_620 = arith.constant 80 : index
          %get3A_621 = tpu.vector_load %arg7[%get3A_619, %get3A_620] {strides = array<i32>} : memref<192x128xf32, #tpu.memory_space<vmem>>, vector<1x16xf32>,
          %get3A_622 = vector.shape_cast %get3A_621 : vector<1x16xf32> to vector<16xf32>
          %add3A_623 = arith.addf %add3A_567, %get3A_622 : vector<16xf32>
          %add3A_624 = arith.constant 4 : i32
          %add3A_625 = arith.addi %add3A_357, %add3A_624 : i32
          %get3A_626 = arith.index_cast %add3A_625 : i32 to index
          %get3A_627 = arith.constant 96 : index
          %get3A_628 = tpu.vector_load %arg7[%get3A_626, %get3A_627] {strides = array<i32>} : memref<192x128xf32, #tpu.memory_space<vmem>>, vector<1x16xf32>,
          %get3A_629 = vector.shape_cast %get3A_628 : vector<1x16xf32> to vector<16xf32>
          %add3A_630 = arith.addf %add3A_574, %get3A_629 : vector<16xf32>
          %add3A_631 = arith.constant 4 : i32
          %add3A_632 = arith.addi %add3A_357, %add3A_631 : i32
          %get3A_633 = arith.index_cast %add3A_632 : i32 to index
          %get3A_634 = arith.constant 112 : index
          %get3A_635 = tpu.vector_load %arg7[%get3A_633, %get3A_634] {strides = array<i32>} : memref<192x128xf32, #tpu.memory_space<vmem>>, vector<1x16xf32>,
          %get3A_636 = vector.shape_cast %get3A_635 : vector<1x16xf32> to vector<16xf32>
          %add3A_637 = arith.addf %add3A_581, %get3A_636 : vector<16xf32>
          %add3A_638 = arith.constant 5 : i32
          %add3A_639 = arith.addi %add3A_357, %add3A_638 : i32
          %get3A_640 = arith.index_cast %add3A_639 : i32 to index
          %get3A_641 = arith.constant 0 : index
          %get3A_642 = tpu.vector_load %arg7[%get3A_640, %get3A_641] {strides = array<i32>} : memref<192x128xf32, #tpu.memory_space<vmem>>, vector<1x16xf32>,
          %get3A_643 = vector.shape_cast %get3A_642 : vector<1x16xf32> to vector<16xf32>
          %add3A_644 = arith.addf %add3A_588, %get3A_643 : vector<16xf32>
          %add3A_645 = arith.constant 5 : i32
          %add3A_646 = arith.addi %add3A_357, %add3A_645 : i32
          %get3A_647 = arith.index_cast %add3A_646 : i32 to index
          %get3A_648 = arith.constant 16 : index
          %get3A_649 = tpu.vector_load %arg7[%get3A_647, %get3A_648] {strides = array<i32>} : memref<192x128xf32, #tpu.memory_space<vmem>>, vector<1x16xf32>,
          %get3A_650 = vector.shape_cast %get3A_649 : vector<1x16xf32> to vector<16xf32>
          %add3A_651 = arith.addf %add3A_595, %get3A_650 : vector<16xf32>
          %add3A_652 = arith.constant 5 : i32
          %add3A_653 = arith.addi %add3A_357, %add3A_652 : i32
          %get3A_654 = arith.index_cast %add3A_653 : i32 to index
          %get3A_655 = arith.constant 32 : index
          %get3A_656 = tpu.vector_load %arg7[%get3A_654, %get3A_655] {strides = array<i32>} : memref<192x128xf32, #tpu.memory_space<vmem>>, vector<1x16xf32>,
          %get3A_657 = vector.shape_cast %get3A_656 : vector<1x16xf32> to vector<16xf32>
          %add3A_658 = arith.addf %add3A_602, %get3A_657 : vector<16xf32>
          %add3A_659 = arith.constant 5 : i32
          %add3A_660 = arith.addi %add3A_357, %add3A_659 : i32
          %get3A_661 = arith.index_cast %add3A_660 : i32 to index
          %get3A_662 = arith.constant 48 : index
          %get3A_663 = tpu.vector_load %arg7[%get3A_661, %get3A_662] {strides = array<i32>} : memref<192x128xf32, #tpu.memory_space<vmem>>, vector<1x16xf32>,
          %get3A_664 = vector.shape_cast %get3A_663 : vector<1x16xf32> to vector<16xf32>
          %add3A_665 = arith.addf %add3A_609, %get3A_664 : vector<16xf32>
          %add3A_666 = arith.constant 5 : i32
          %add3A_667 = arith.addi %add3A_357, %add3A_666 : i32
          %get3A_668 = arith.index_cast %add3A_667 : i32 to index
          %get3A_669 = arith.constant 64 : index
          %get3A_670 = tpu.vector_load %arg7[%get3A_668, %get3A_669] {strides = array<i32>} : memref<192x128xf32, #tpu.memory_space<vmem>>, vector<1x16xf32>,
          %get3A_671 = vector.shape_cast %get3A_670 : vector<1x16xf32> to vector<16xf32>
          %add3A_672 = arith.addf %add3A_616, %get3A_671 : vector<16xf32>
          %add3A_673 = arith.constant 5 : i32
          %add3A_674 = arith.addi %add3A_357, %add3A_673 : i32
          %get3A_675 = arith.index_cast %add3A_674 : i32 to index
          %get3A_676 = arith.constant 80 : index
          %get3A_677 = tpu.vector_load %arg7[%get3A_675, %get3A_676] {strides = array<i32>} : memref<192x128xf32, #tpu.memory_space<vmem>>, vector<1x16xf32>,
          %get3A_678 = vector.shape_cast %get3A_677 : vector<1x16xf32> to vector<16xf32>
          %add3A_679 = arith.addf %add3A_623, %get3A_678 : vector<16xf32>
          %add3A_680 = arith.constant 5 : i32
          %add3A_681 = arith.addi %add3A_357, %add3A_680 : i32
          %get3A_682 = arith.index_cast %add3A_681 : i32 to index
          %get3A_683 = arith.constant 96 : index
          %get3A_684 = tpu.vector_load %arg7[%get3A_682, %get3A_683] {strides = array<i32>} : memref<192x128xf32, #tpu.memory_space<vmem>>, vector<1x16xf32>,
          %get3A_685 = vector.shape_cast %get3A_684 : vector<1x16xf32> to vector<16xf32>
          %add3A_686 = arith.addf %add3A_630, %get3A_685 : vector<16xf32>
          %add3A_687 = arith.constant 5 : i32
          %add3A_688 = arith.addi %add3A_357, %add3A_687 : i32
          %get3A_689 = arith.index_cast %add3A_688 : i32 to index
          %get3A_690 = arith.constant 112 : index
          %get3A_691 = tpu.vector_load %arg7[%get3A_689, %get3A_690] {strides = array<i32>} : memref<192x128xf32, #tpu.memory_space<vmem>>, vector<1x16xf32>,
          %get3A_692 = vector.shape_cast %get3A_691 : vector<1x16xf32> to vector<16xf32>
          %add3A_693 = arith.addf %add3A_637, %get3A_692 : vector<16xf32>
          %add3A_694 = arith.constant 6 : i32
          %add3A_695 = arith.addi %add3A_357, %add3A_694 : i32
          %get3A_696 = arith.index_cast %add3A_695 : i32 to index
          %get3A_697 = arith.constant 0 : index
          %get3A_698 = tpu.vector_load %arg7[%get3A_696, %get3A_697] {strides = array<i32>} : memref<192x128xf32, #tpu.memory_space<vmem>>, vector<1x16xf32>,
          %get3A_699 = vector.shape_cast %get3A_698 : vector<1x16xf32> to vector<16xf32>
          %add3A_700 = arith.addf %add3A_644, %get3A_699 : vector<16xf32>
          %add3A_701 = arith.constant 6 : i32
          %add3A_702 = arith.addi %add3A_357, %add3A_701 : i32
          %get3A_703 = arith.index_cast %add3A_702 : i32 to index
          %get3A_704 = arith.constant 16 : index
          %get3A_705 = tpu.vector_load %arg7[%get3A_703, %get3A_704] {strides = array<i32>} : memref<192x128xf32, #tpu.memory_space<vmem>>, vector<1x16xf32>,
          %get3A_706 = vector.shape_cast %get3A_705 : vector<1x16xf32> to vector<16xf32>
          %add3A_707 = arith.addf %add3A_651, %get3A_706 : vector<16xf32>
          %add3A_708 = arith.constant 6 : i32
          %add3A_709 = arith.addi %add3A_357, %add3A_708 : i32
          %get3A_710 = arith.index_cast %add3A_709 : i32 to index
          %get3A_711 = arith.constant 32 : index
          %get3A_712 = tpu.vector_load %arg7[%get3A_710, %get3A_711] {strides = array<i32>} : memref<192x128xf32, #tpu.memory_space<vmem>>, vector<1x16xf32>,
          %get3A_713 = vector.shape_cast %get3A_712 : vector<1x16xf32> to vector<16xf32>
          %add3A_714 = arith.addf %add3A_658, %get3A_713 : vector<16xf32>
          %add3A_715 = arith.constant 6 : i32
          %add3A_716 = arith.addi %add3A_357, %add3A_715 : i32
          %get3A_717 = arith.index_cast %add3A_716 : i32 to index
          %get3A_718 = arith.constant 48 : index
          %get3A_719 = tpu.vector_load %arg7[%get3A_717, %get3A_718] {strides = array<i32>} : memref<192x128xf32, #tpu.memory_space<vmem>>, vector<1x16xf32>,
          %get3A_720 = vector.shape_cast %get3A_719 : vector<1x16xf32> to vector<16xf32>
          %add3A_721 = arith.addf %add3A_665, %get3A_720 : vector<16xf32>
          %add3A_722 = arith.constant 6 : i32
          %add3A_723 = arith.addi %add3A_357, %add3A_722 : i32
          %get3A_724 = arith.index_cast %add3A_723 : i32 to index
          %get3A_725 = arith.constant 64 : index
          %get3A_726 = tpu.vector_load %arg7[%get3A_724, %get3A_725] {strides = array<i32>} : memref<192x128xf32, #tpu.memory_space<vmem>>, vector<1x16xf32>,
          %get3A_727 = vector.shape_cast %get3A_726 : vector<1x16xf32> to vector<16xf32>
          %add3A_728 = arith.addf %add3A_672, %get3A_727 : vector<16xf32>
          %add3A_729 = arith.constant 6 : i32
          %add3A_730 = arith.addi %add3A_357, %add3A_729 : i32
          %get3A_731 = arith.index_cast %add3A_730 : i32 to index
          %get3A_732 = arith.constant 80 : index
          %get3A_733 = tpu.vector_load %arg7[%get3A_731, %get3A_732] {strides = array<i32>} : memref<192x128xf32, #tpu.memory_space<vmem>>, vector<1x16xf32>,
          %get3A_734 = vector.shape_cast %get3A_733 : vector<1x16xf32> to vector<16xf32>
          %add3A_735 = arith.addf %add3A_679, %get3A_734 : vector<16xf32>
          %add3A_736 = arith.constant 6 : i32
          %add3A_737 = arith.addi %add3A_357, %add3A_736 : i32
          %get3A_738 = arith.index_cast %add3A_737 : i32 to index
          %get3A_739 = arith.constant 96 : index
          %get3A_740 = tpu.vector_load %arg7[%get3A_738, %get3A_739] {strides = array<i32>} : memref<192x128xf32, #tpu.memory_space<vmem>>, vector<1x16xf32>,
          %get3A_741 = vector.shape_cast %get3A_740 : vector<1x16xf32> to vector<16xf32>
          %add3A_742 = arith.addf %add3A_686, %get3A_741 : vector<16xf32>
          %add3A_743 = arith.constant 6 : i32
          %add3A_744 = arith.addi %add3A_357, %add3A_743 : i32
          %get3A_745 = arith.index_cast %add3A_744 : i32 to index
          %get3A_746 = arith.constant 112 : index
          %get3A_747 = tpu.vector_load %arg7[%get3A_745, %get3A_746] {strides = array<i32>} : memref<192x128xf32, #tpu.memory_space<vmem>>, vector<1x16xf32>,
          %get3A_748 = vector.shape_cast %get3A_747 : vector<1x16xf32> to vector<16xf32>
          %add3A_749 = arith.addf %add3A_693, %get3A_748 : vector<16xf32>
          %add3A_750 = arith.constant 7 : i32
          %add3A_751 = arith.addi %add3A_357, %add3A_750 : i32
          %get3A_752 = arith.index_cast %add3A_751 : i32 to index
          %get3A_753 = arith.constant 0 : index
          %get3A_754 = tpu.vector_load %arg7[%get3A_752, %get3A_753] {strides = array<i32>} : memref<192x128xf32, #tpu.memory_space<vmem>>, vector<1x16xf32>,
          %get3A_755 = vector.shape_cast %get3A_754 : vector<1x16xf32> to vector<16xf32>
          %add3A_756 = arith.addf %add3A_700, %get3A_755 : vector<16xf32>
          %add3A_757 = arith.constant 7 : i32
          %add3A_758 = arith.addi %add3A_357, %add3A_757 : i32
          %get3A_759 = arith.index_cast %add3A_758 : i32 to index
          %get3A_760 = arith.constant 16 : index
          %get3A_761 = tpu.vector_load %arg7[%get3A_759, %get3A_760] {strides = array<i32>} : memref<192x128xf32, #tpu.memory_space<vmem>>, vector<1x16xf32>,
          %get3A_762 = vector.shape_cast %get3A_761 : vector<1x16xf32> to vector<16xf32>
          %add3A_763 = arith.addf %add3A_707, %get3A_762 : vector<16xf32>
          %add3A_764 = arith.constant 7 : i32
          %add3A_765 = arith.addi %add3A_357, %add3A_764 : i32
          %get3A_766 = arith.index_cast %add3A_765 : i32 to index
          %get3A_767 = arith.constant 32 : index
          %get3A_768 = tpu.vector_load %arg7[%get3A_766, %get3A_767] {strides = array<i32>} : memref<192x128xf32, #tpu.memory_space<vmem>>, vector<1x16xf32>,
          %get3A_769 = vector.shape_cast %get3A_768 : vector<1x16xf32> to vector<16xf32>
          %add3A_770 = arith.addf %add3A_714, %get3A_769 : vector<16xf32>
          %add3A_771 = arith.constant 7 : i32
          %add3A_772 = arith.addi %add3A_357, %add3A_771 : i32
          %get3A_773 = arith.index_cast %add3A_772 : i32 to index
          %get3A_774 = arith.constant 48 : index
          %get3A_775 = tpu.vector_load %arg7[%get3A_773, %get3A_774] {strides = array<i32>} : memref<192x128xf32, #tpu.memory_space<vmem>>, vector<1x16xf32>,
          %get3A_776 = vector.shape_cast %get3A_775 : vector<1x16xf32> to vector<16xf32>
          %add3A_777 = arith.addf %add3A_721, %get3A_776 : vector<16xf32>
          %add3A_778 = arith.constant 7 : i32
          %add3A_779 = arith.addi %add3A_357, %add3A_778 : i32
          %get3A_780 = arith.index_cast %add3A_779 : i32 to index
          %get3A_781 = arith.constant 64 : index
          %get3A_782 = tpu.vector_load %arg7[%get3A_780, %get3A_781] {strides = array<i32>} : memref<192x128xf32, #tpu.memory_space<vmem>>, vector<1x16xf32>,
          %get3A_783 = vector.shape_cast %get3A_782 : vector<1x16xf32> to vector<16xf32>
          %add3A_784 = arith.addf %add3A_728, %get3A_783 : vector<16xf32>
          %add3A_785 = arith.constant 7 : i32
          %add3A_786 = arith.addi %add3A_357, %add3A_785 : i32
          %get3A_787 = arith.index_cast %add3A_786 : i32 to index
          %get3A_788 = arith.constant 80 : index
          %get3A_789 = tpu.vector_load %arg7[%get3A_787, %get3A_788] {strides = array<i32>} : memref<192x128xf32, #tpu.memory_space<vmem>>, vector<1x16xf32>,
          %get3A_790 = vector.shape_cast %get3A_789 : vector<1x16xf32> to vector<16xf32>
          %add3A_791 = arith.addf %add3A_735, %get3A_790 : vector<16xf32>
          %add3A_792 = arith.constant 7 : i32
          %add3A_793 = arith.addi %add3A_357, %add3A_792 : i32
          %get3A_794 = arith.index_cast %add3A_793 : i32 to index
          %get3A_795 = arith.constant 96 : index
          %get3A_796 = tpu.vector_load %arg7[%get3A_794, %get3A_795] {strides = array<i32>} : memref<192x128xf32, #tpu.memory_space<vmem>>, vector<1x16xf32>,
          %get3A_797 = vector.shape_cast %get3A_796 : vector<1x16xf32> to vector<16xf32>
          %add3A_798 = arith.addf %add3A_742, %get3A_797 : vector<16xf32>
          %add3A_799 = arith.constant 7 : i32
          %add3A_800 = arith.addi %add3A_357, %add3A_799 : i32
          %get3A_801 = arith.index_cast %add3A_800 : i32 to index
          %get3A_802 = arith.constant 112 : index
          %get3A_803 = tpu.vector_load %arg7[%get3A_801, %get3A_802] {strides = array<i32>} : memref<192x128xf32, #tpu.memory_space<vmem>>, vector<1x16xf32>,
          %get3A_804 = vector.shape_cast %get3A_803 : vector<1x16xf32> to vector<16xf32>
          %add3A_805 = arith.addf %add3A_749, %get3A_804 : vector<16xf32>
          %add3A_806 = arith.constant 8 : i32
          %add3A_807 = arith.addi %add3A_357, %add3A_806 : i32
          %get3A_808 = arith.index_cast %add3A_807 : i32 to index
          %get3A_809 = arith.constant 0 : index
          %get3A_810 = tpu.vector_load %arg7[%get3A_808, %get3A_809] {strides = array<i32>} : memref<192x128xf32, #tpu.memory_space<vmem>>, vector<1x16xf32>,
          %get3A_811 = vector.shape_cast %get3A_810 : vector<1x16xf32> to vector<16xf32>
          %add3A_812 = arith.addf %add3A_756, %get3A_811 : vector<16xf32>
          %add3A_813 = arith.constant 8 : i32
          %add3A_814 = arith.addi %add3A_357, %add3A_813 : i32
          %get3A_815 = arith.index_cast %add3A_814 : i32 to index
          %get3A_816 = arith.constant 16 : index
          %get3A_817 = tpu.vector_load %arg7[%get3A_815, %get3A_816] {strides = array<i32>} : memref<192x128xf32, #tpu.memory_space<vmem>>, vector<1x16xf32>,
          %get3A_818 = vector.shape_cast %get3A_817 : vector<1x16xf32> to vector<16xf32>
          %add3A_819 = arith.addf %add3A_763, %get3A_818 : vector<16xf32>
          %add3A_820 = arith.constant 8 : i32
          %add3A_821 = arith.addi %add3A_357, %add3A_820 : i32
          %get3A_822 = arith.index_cast %add3A_821 : i32 to index
          %get3A_823 = arith.constant 32 : index
          %get3A_824 = tpu.vector_load %arg7[%get3A_822, %get3A_823] {strides = array<i32>} : memref<192x128xf32, #tpu.memory_space<vmem>>, vector<1x16xf32>,
          %get3A_825 = vector.shape_cast %get3A_824 : vector<1x16xf32> to vector<16xf32>
          %add3A_826 = arith.addf %add3A_770, %get3A_825 : vector<16xf32>
          %add3A_827 = arith.constant 8 : i32
          %add3A_828 = arith.addi %add3A_357, %add3A_827 : i32
          %get3A_829 = arith.index_cast %add3A_828 : i32 to index
          %get3A_830 = arith.constant 48 : index
          %get3A_831 = tpu.vector_load %arg7[%get3A_829, %get3A_830] {strides = array<i32>} : memref<192x128xf32, #tpu.memory_space<vmem>>, vector<1x16xf32>,
          %get3A_832 = vector.shape_cast %get3A_831 : vector<1x16xf32> to vector<16xf32>
          %add3A_833 = arith.addf %add3A_777, %get3A_832 : vector<16xf32>
          %add3A_834 = arith.constant 8 : i32
          %add3A_835 = arith.addi %add3A_357, %add3A_834 : i32
          %get3A_836 = arith.index_cast %add3A_835 : i32 to index
          %get3A_837 = arith.constant 64 : index
          %get3A_838 = tpu.vector_load %arg7[%get3A_836, %get3A_837] {strides = array<i32>} : memref<192x128xf32, #tpu.memory_space<vmem>>, vector<1x16xf32>,
          %get3A_839 = vector.shape_cast %get3A_838 : vector<1x16xf32> to vector<16xf32>
          %add3A_840 = arith.addf %add3A_784, %get3A_839 : vector<16xf32>
          %add3A_841 = arith.constant 8 : i32
          %add3A_842 = arith.addi %add3A_357, %add3A_841 : i32
          %get3A_843 = arith.index_cast %add3A_842 : i32 to index
          %get3A_844 = arith.constant 80 : index
          %get3A_845 = tpu.vector_load %arg7[%get3A_843, %get3A_844] {strides = array<i32>} : memref<192x128xf32, #tpu.memory_space<vmem>>, vector<1x16xf32>,
          %get3A_846 = vector.shape_cast %get3A_845 : vector<1x16xf32> to vector<16xf32>
          %add3A_847 = arith.addf %add3A_791, %get3A_846 : vector<16xf32>
          %add3A_848 = arith.constant 8 : i32
          %add3A_849 = arith.addi %add3A_357, %add3A_848 : i32
          %get3A_850 = arith.index_cast %add3A_849 : i32 to index
          %get3A_851 = arith.constant 96 : index
          %get3A_852 = tpu.vector_load %arg7[%get3A_850, %get3A_851] {strides = array<i32>} : memref<192x128xf32, #tpu.memory_space<vmem>>, vector<1x16xf32>,
          %get3A_853 = vector.shape_cast %get3A_852 : vector<1x16xf32> to vector<16xf32>
          %add3A_854 = arith.addf %add3A_798, %get3A_853 : vector<16xf32>
          %add3A_855 = arith.constant 8 : i32
          %add3A_856 = arith.addi %add3A_357, %add3A_855 : i32
          %get3A_857 = arith.index_cast %add3A_856 : i32 to index
          %get3A_858 = arith.constant 112 : index
          %get3A_859 = tpu.vector_load %arg7[%get3A_857, %get3A_858] {strides = array<i32>} : memref<192x128xf32, #tpu.memory_space<vmem>>, vector<1x16xf32>,
          %get3A_860 = vector.shape_cast %get3A_859 : vector<1x16xf32> to vector<16xf32>
          %add3A_861 = arith.addf %add3A_805, %get3A_860 : vector<16xf32>
          %add3A_862 = arith.constant 9 : i32
          %add3A_863 = arith.addi %add3A_357, %add3A_862 : i32
          %get3A_864 = arith.index_cast %add3A_863 : i32 to index
          %get3A_865 = arith.constant 0 : index
          %get3A_866 = tpu.vector_load %arg7[%get3A_864, %get3A_865] {strides = array<i32>} : memref<192x128xf32, #tpu.memory_space<vmem>>, vector<1x16xf32>,
          %get3A_867 = vector.shape_cast %get3A_866 : vector<1x16xf32> to vector<16xf32>
          %add3A_868 = arith.addf %add3A_812, %get3A_867 : vector<16xf32>
          %add3A_869 = arith.constant 9 : i32
          %add3A_870 = arith.addi %add3A_357, %add3A_869 : i32
          %get3A_871 = arith.index_cast %add3A_870 : i32 to index
          %get3A_872 = arith.constant 16 : index
          %get3A_873 = tpu.vector_load %arg7[%get3A_871, %get3A_872] {strides = array<i32>} : memref<192x128xf32, #tpu.memory_space<vmem>>, vector<1x16xf32>,
          %get3A_874 = vector.shape_cast %get3A_873 : vector<1x16xf32> to vector<16xf32>
          %add3A_875 = arith.addf %add3A_819, %get3A_874 : vector<16xf32>
          %add3A_876 = arith.constant 9 : i32
          %add3A_877 = arith.addi %add3A_357, %add3A_876 : i32
          %get3A_878 = arith.index_cast %add3A_877 : i32 to index
          %get3A_879 = arith.constant 32 : index
          %get3A_880 = tpu.vector_load %arg7[%get3A_878, %get3A_879] {strides = array<i32>} : memref<192x128xf32, #tpu.memory_space<vmem>>, vector<1x16xf32>,
          %get3A_881 = vector.shape_cast %get3A_880 : vector<1x16xf32> to vector<16xf32>
          %add3A_882 = arith.addf %add3A_826, %get3A_881 : vector<16xf32>
          %add3A_883 = arith.constant 9 : i32
          %add3A_884 = arith.addi %add3A_357, %add3A_883 : i32
          %get3A_885 = arith.index_cast %add3A_884 : i32 to index
          %get3A_886 = arith.constant 48 : index
          %get3A_887 = tpu.vector_load %arg7[%get3A_885, %get3A_886] {strides = array<i32>} : memref<192x128xf32, #tpu.memory_space<vmem>>, vector<1x16xf32>,
          %get3A_888 = vector.shape_cast %get3A_887 : vector<1x16xf32> to vector<16xf32>
          %add3A_889 = arith.addf %add3A_833, %get3A_888 : vector<16xf32>
          %add3A_890 = arith.constant 9 : i32
          %add3A_891 = arith.addi %add3A_357, %add3A_890 : i32
          %get3A_892 = arith.index_cast %add3A_891 : i32 to index
          %get3A_893 = arith.constant 64 : index
          %get3A_894 = tpu.vector_load %arg7[%get3A_892, %get3A_893] {strides = array<i32>} : memref<192x128xf32, #tpu.memory_space<vmem>>, vector<1x16xf32>,
          %get3A_895 = vector.shape_cast %get3A_894 : vector<1x16xf32> to vector<16xf32>
          %add3A_896 = arith.addf %add3A_840, %get3A_895 : vector<16xf32>
          %add3A_897 = arith.constant 9 : i32
          %add3A_898 = arith.addi %add3A_357, %add3A_897 : i32
          %get3A_899 = arith.index_cast %add3A_898 : i32 to index
          %get3A_900 = arith.constant 80 : index
          %get3A_901 = tpu.vector_load %arg7[%get3A_899, %get3A_900] {strides = array<i32>} : memref<192x128xf32, #tpu.memory_space<vmem>>, vector<1x16xf32>,
          %get3A_902 = vector.shape_cast %get3A_901 : vector<1x16xf32> to vector<16xf32>
          %add3A_903 = arith.addf %add3A_847, %get3A_902 : vector<16xf32>
          %add3A_904 = arith.constant 9 : i32
          %add3A_905 = arith.addi %add3A_357, %add3A_904 : i32
          %get3A_906 = arith.index_cast %add3A_905 : i32 to index
          %get3A_907 = arith.constant 96 : index
          %get3A_908 = tpu.vector_load %arg7[%get3A_906, %get3A_907] {strides = array<i32>} : memref<192x128xf32, #tpu.memory_space<vmem>>, vector<1x16xf32>,
          %get3A_909 = vector.shape_cast %get3A_908 : vector<1x16xf32> to vector<16xf32>
          %add3A_910 = arith.addf %add3A_854, %get3A_909 : vector<16xf32>
          %add3A_911 = arith.constant 9 : i32
          %add3A_912 = arith.addi %add3A_357, %add3A_911 : i32
          %get3A_913 = arith.index_cast %add3A_912 : i32 to index
          %get3A_914 = arith.constant 112 : index
          %get3A_915 = tpu.vector_load %arg7[%get3A_913, %get3A_914] {strides = array<i32>} : memref<192x128xf32, #tpu.memory_space<vmem>>, vector<1x16xf32>,
          %get3A_916 = vector.shape_cast %get3A_915 : vector<1x16xf32> to vector<16xf32>
          %add3A_917 = arith.addf %add3A_861, %get3A_916 : vector<16xf32>
          scf.yield %add3A_868, %add3A_875, %add3A_882, %add3A_889, %add3A_896, %add3A_903, %add3A_910, %add3A_917 : vector<16xf32>, vector<16xf32>, vector<16xf32>, vector<16xf32>, vector<16xf32>, vector<16xf32>, vector<16xf32>, vector<16xf32>
        }
        %scan3A_111 = arith.constant 5 : i32
        %scan3A_112 = arith.constant 0 : i32
        %scan3A_113 = arith.constant 10 : i32
        %scan3A_114 = arith.addi %scan3A_112, %scan3A_113 : i32
        %scan3A_115 = arith.constant 1 : i32
        %scan3A_116:8 = scf.for %scan3A_345 = %scan3A_112 to %scan3A_114 step %scan3A_115 iter_args(%scan3A_346 = %broadcast_in_dim3A_22, %scan3A_347 = %broadcast_in_dim3A_22, %scan3A_348 = %broadcast_in_dim3A_22, %scan3A_349 = %broadcast_in_dim3A_22, %scan3A_350 = %broadcast_in_dim3A_22, %scan3A_351 = %broadcast_in_dim3A_22, %scan3A_352 = %broadcast_in_dim3A_22, %scan3A_353 = %broadcast_in_dim3A_22) -> (vector<16xf32>, vector<16xf32>, vector<16xf32>, vector<16xf32>, vector<16xf32>, vector<16xf32>, vector<16xf32>, vector<16xf32>)  : i32 {
          %mul3A_354 = arith.constant 10 : i32
          %mul3A_355 = arith.muli %scan3A_345, %mul3A_354 : i32
          %add3A_356 = arith.constant 90 : i32
          %add3A_357 = arith.addi %add3A_356, %mul3A_355 : i32
          %add3A_358 = arith.constant 0 : i32
          %add3A_359 = arith.addi %add3A_357, %add3A_358 : i32
          %get3A_360 = arith.index_cast %add3A_359 : i32 to index
          %get3A_361 = arith.constant 0 : index
          %get3A_362 = tpu.vector_load %arg7[%get3A_360, %get3A_361] {strides = array<i32>} : memref<192x128xf32, #tpu.memory_space<vmem>>, vector<1x16xf32>,
          %get3A_363 = vector.shape_cast %get3A_362 : vector<1x16xf32> to vector<16xf32>
          %add3A_364 = arith.addf %scan3A_346, %get3A_363 : vector<16xf32>
          %add3A_365 = arith.constant 0 : i32
          %add3A_366 = arith.addi %add3A_357, %add3A_365 : i32
          %get3A_367 = arith.index_cast %add3A_366 : i32 to index
          %get3A_368 = arith.constant 16 : index
          %get3A_369 = tpu.vector_load %arg7[%get3A_367, %get3A_368] {strides = array<i32>} : memref<192x128xf32, #tpu.memory_space<vmem>>, vector<1x16xf32>,
          %get3A_370 = vector.shape_cast %get3A_369 : vector<1x16xf32> to vector<16xf32>
          %add3A_371 = arith.addf %scan3A_347, %get3A_370 : vector<16xf32>
          %add3A_372 = arith.constant 0 : i32
          %add3A_373 = arith.addi %add3A_357, %add3A_372 : i32
          %get3A_374 = arith.index_cast %add3A_373 : i32 to index
          %get3A_375 = arith.constant 32 : index
          %get3A_376 = tpu.vector_load %arg7[%get3A_374, %get3A_375] {strides = array<i32>} : memref<192x128xf32, #tpu.memory_space<vmem>>, vector<1x16xf32>,
          %get3A_377 = vector.shape_cast %get3A_376 : vector<1x16xf32> to vector<16xf32>
          %add3A_378 = arith.addf %scan3A_348, %get3A_377 : vector<16xf32>
          %add3A_379 = arith.constant 0 : i32
          %add3A_380 = arith.addi %add3A_357, %add3A_379 : i32
          %get3A_381 = arith.index_cast %add3A_380 : i32 to index
          %get3A_382 = arith.constant 48 : index
          %get3A_383 = tpu.vector_load %arg7[%get3A_381, %get3A_382] {strides = array<i32>} : memref<192x128xf32, #tpu.memory_space<vmem>>, vector<1x16xf32>,
          %get3A_384 = vector.shape_cast %get3A_383 : vector<1x16xf32> to vector<16xf32>
          %add3A_385 = arith.addf %scan3A_349, %get3A_384 : vector<16xf32>
          %add3A_386 = arith.constant 0 : i32
          %add3A_387 = arith.addi %add3A_357, %add3A_386 : i32
          %get3A_388 = arith.index_cast %add3A_387 : i32 to index
          %get3A_389 = arith.constant 64 : index
          %get3A_390 = tpu.vector_load %arg7[%get3A_388, %get3A_389] {strides = array<i32>} : memref<192x128xf32, #tpu.memory_space<vmem>>, vector<1x16xf32>,
          %get3A_391 = vector.shape_cast %get3A_390 : vector<1x16xf32> to vector<16xf32>
          %add3A_392 = arith.addf %scan3A_350, %get3A_391 : vector<16xf32>
          %add3A_393 = arith.constant 0 : i32
          %add3A_394 = arith.addi %add3A_357, %add3A_393 : i32
          %get3A_395 = arith.index_cast %add3A_394 : i32 to index
          %get3A_396 = arith.constant 80 : index
          %get3A_397 = tpu.vector_load %arg7[%get3A_395, %get3A_396] {strides = array<i32>} : memref<192x128xf32, #tpu.memory_space<vmem>>, vector<1x16xf32>,
          %get3A_398 = vector.shape_cast %get3A_397 : vector<1x16xf32> to vector<16xf32>
          %add3A_399 = arith.addf %scan3A_351, %get3A_398 : vector<16xf32>
          %add3A_400 = arith.constant 0 : i32
          %add3A_401 = arith.addi %add3A_357, %add3A_400 : i32
          %get3A_402 = arith.index_cast %add3A_401 : i32 to index
          %get3A_403 = arith.constant 96 : index
          %get3A_404 = tpu.vector_load %arg7[%get3A_402, %get3A_403] {strides = array<i32>} : memref<192x128xf32, #tpu.memory_space<vmem>>, vector<1x16xf32>,
          %get3A_405 = vector.shape_cast %get3A_404 : vector<1x16xf32> to vector<16xf32>
          %add3A_406 = arith.addf %scan3A_352, %get3A_405 : vector<16xf32>
          %add3A_407 = arith.constant 0 : i32
          %add3A_408 = arith.addi %add3A_357, %add3A_407 : i32
          %get3A_409 = arith.index_cast %add3A_408 : i32 to index
          %get3A_410 = arith.constant 112 : index
          %get3A_411 = tpu.vector_load %arg7[%get3A_409, %get3A_410] {strides = array<i32>} : memref<192x128xf32, #tpu.memory_space<vmem>>, vector<1x16xf32>,
          %get3A_412 = vector.shape_cast %get3A_411 : vector<1x16xf32> to vector<16xf32>
          %add3A_413 = arith.addf %scan3A_353, %get3A_412 : vector<16xf32>
          %add3A_414 = arith.constant 1 : i32
          %add3A_415 = arith.addi %add3A_357, %add3A_414 : i32
          %get3A_416 = arith.index_cast %add3A_415 : i32 to index
          %get3A_417 = arith.constant 0 : index
          %get3A_418 = tpu.vector_load %arg7[%get3A_416, %get3A_417] {strides = array<i32>} : memref<192x128xf32, #tpu.memory_space<vmem>>, vector<1x16xf32>,
          %get3A_419 = vector.shape_cast %get3A_418 : vector<1x16xf32> to vector<16xf32>
          %add3A_420 = arith.addf %add3A_364, %get3A_419 : vector<16xf32>
          %add3A_421 = arith.constant 1 : i32
          %add3A_422 = arith.addi %add3A_357, %add3A_421 : i32
          %get3A_423 = arith.index_cast %add3A_422 : i32 to index
          %get3A_424 = arith.constant 16 : index
          %get3A_425 = tpu.vector_load %arg7[%get3A_423, %get3A_424] {strides = array<i32>} : memref<192x128xf32, #tpu.memory_space<vmem>>, vector<1x16xf32>,
          %get3A_426 = vector.shape_cast %get3A_425 : vector<1x16xf32> to vector<16xf32>
          %add3A_427 = arith.addf %add3A_371, %get3A_426 : vector<16xf32>
          %add3A_428 = arith.constant 1 : i32
          %add3A_429 = arith.addi %add3A_357, %add3A_428 : i32
          %get3A_430 = arith.index_cast %add3A_429 : i32 to index
          %get3A_431 = arith.constant 32 : index
          %get3A_432 = tpu.vector_load %arg7[%get3A_430, %get3A_431] {strides = array<i32>} : memref<192x128xf32, #tpu.memory_space<vmem>>, vector<1x16xf32>,
          %get3A_433 = vector.shape_cast %get3A_432 : vector<1x16xf32> to vector<16xf32>
          %add3A_434 = arith.addf %add3A_378, %get3A_433 : vector<16xf32>
          %add3A_435 = arith.constant 1 : i32
          %add3A_436 = arith.addi %add3A_357, %add3A_435 : i32
          %get3A_437 = arith.index_cast %add3A_436 : i32 to index
          %get3A_438 = arith.constant 48 : index
          %get3A_439 = tpu.vector_load %arg7[%get3A_437, %get3A_438] {strides = array<i32>} : memref<192x128xf32, #tpu.memory_space<vmem>>, vector<1x16xf32>,
          %get3A_440 = vector.shape_cast %get3A_439 : vector<1x16xf32> to vector<16xf32>
          %add3A_441 = arith.addf %add3A_385, %get3A_440 : vector<16xf32>
          %add3A_442 = arith.constant 1 : i32
          %add3A_443 = arith.addi %add3A_357, %add3A_442 : i32
          %get3A_444 = arith.index_cast %add3A_443 : i32 to index
          %get3A_445 = arith.constant 64 : index
          %get3A_446 = tpu.vector_load %arg7[%get3A_444, %get3A_445] {strides = array<i32>} : memref<192x128xf32, #tpu.memory_space<vmem>>, vector<1x16xf32>,
          %get3A_447 = vector.shape_cast %get3A_446 : vector<1x16xf32> to vector<16xf32>
          %add3A_448 = arith.addf %add3A_392, %get3A_447 : vector<16xf32>
          %add3A_449 = arith.constant 1 : i32
          %add3A_450 = arith.addi %add3A_357, %add3A_449 : i32
          %get3A_451 = arith.index_cast %add3A_450 : i32 to index
          %get3A_452 = arith.constant 80 : index
          %get3A_453 = tpu.vector_load %arg7[%get3A_451, %get3A_452] {strides = array<i32>} : memref<192x128xf32, #tpu.memory_space<vmem>>, vector<1x16xf32>,
          %get3A_454 = vector.shape_cast %get3A_453 : vector<1x16xf32> to vector<16xf32>
          %add3A_455 = arith.addf %add3A_399, %get3A_454 : vector<16xf32>
          %add3A_456 = arith.constant 1 : i32
          %add3A_457 = arith.addi %add3A_357, %add3A_456 : i32
          %get3A_458 = arith.index_cast %add3A_457 : i32 to index
          %get3A_459 = arith.constant 96 : index
          %get3A_460 = tpu.vector_load %arg7[%get3A_458, %get3A_459] {strides = array<i32>} : memref<192x128xf32, #tpu.memory_space<vmem>>, vector<1x16xf32>,
          %get3A_461 = vector.shape_cast %get3A_460 : vector<1x16xf32> to vector<16xf32>
          %add3A_462 = arith.addf %add3A_406, %get3A_461 : vector<16xf32>
          %add3A_463 = arith.constant 1 : i32
          %add3A_464 = arith.addi %add3A_357, %add3A_463 : i32
          %get3A_465 = arith.index_cast %add3A_464 : i32 to index
          %get3A_466 = arith.constant 112 : index
          %get3A_467 = tpu.vector_load %arg7[%get3A_465, %get3A_466] {strides = array<i32>} : memref<192x128xf32, #tpu.memory_space<vmem>>, vector<1x16xf32>,
          %get3A_468 = vector.shape_cast %get3A_467 : vector<1x16xf32> to vector<16xf32>
          %add3A_469 = arith.addf %add3A_413, %get3A_468 : vector<16xf32>
          %add3A_470 = arith.constant 2 : i32
          %add3A_471 = arith.addi %add3A_357, %add3A_470 : i32
          %get3A_472 = arith.index_cast %add3A_471 : i32 to index
          %get3A_473 = arith.constant 0 : index
          %get3A_474 = tpu.vector_load %arg7[%get3A_472, %get3A_473] {strides = array<i32>} : memref<192x128xf32, #tpu.memory_space<vmem>>, vector<1x16xf32>,
          %get3A_475 = vector.shape_cast %get3A_474 : vector<1x16xf32> to vector<16xf32>
          %add3A_476 = arith.addf %add3A_420, %get3A_475 : vector<16xf32>
          %add3A_477 = arith.constant 2 : i32
          %add3A_478 = arith.addi %add3A_357, %add3A_477 : i32
          %get3A_479 = arith.index_cast %add3A_478 : i32 to index
          %get3A_480 = arith.constant 16 : index
          %get3A_481 = tpu.vector_load %arg7[%get3A_479, %get3A_480] {strides = array<i32>} : memref<192x128xf32, #tpu.memory_space<vmem>>, vector<1x16xf32>,
          %get3A_482 = vector.shape_cast %get3A_481 : vector<1x16xf32> to vector<16xf32>
          %add3A_483 = arith.addf %add3A_427, %get3A_482 : vector<16xf32>
          %add3A_484 = arith.constant 2 : i32
          %add3A_485 = arith.addi %add3A_357, %add3A_484 : i32
          %get3A_486 = arith.index_cast %add3A_485 : i32 to index
          %get3A_487 = arith.constant 32 : index
          %get3A_488 = tpu.vector_load %arg7[%get3A_486, %get3A_487] {strides = array<i32>} : memref<192x128xf32, #tpu.memory_space<vmem>>, vector<1x16xf32>,
          %get3A_489 = vector.shape_cast %get3A_488 : vector<1x16xf32> to vector<16xf32>
          %add3A_490 = arith.addf %add3A_434, %get3A_489 : vector<16xf32>
          %add3A_491 = arith.constant 2 : i32
          %add3A_492 = arith.addi %add3A_357, %add3A_491 : i32
          %get3A_493 = arith.index_cast %add3A_492 : i32 to index
          %get3A_494 = arith.constant 48 : index
          %get3A_495 = tpu.vector_load %arg7[%get3A_493, %get3A_494] {strides = array<i32>} : memref<192x128xf32, #tpu.memory_space<vmem>>, vector<1x16xf32>,
          %get3A_496 = vector.shape_cast %get3A_495 : vector<1x16xf32> to vector<16xf32>
          %add3A_497 = arith.addf %add3A_441, %get3A_496 : vector<16xf32>
          %add3A_498 = arith.constant 2 : i32
          %add3A_499 = arith.addi %add3A_357, %add3A_498 : i32
          %get3A_500 = arith.index_cast %add3A_499 : i32 to index
          %get3A_501 = arith.constant 64 : index
          %get3A_502 = tpu.vector_load %arg7[%get3A_500, %get3A_501] {strides = array<i32>} : memref<192x128xf32, #tpu.memory_space<vmem>>, vector<1x16xf32>,
          %get3A_503 = vector.shape_cast %get3A_502 : vector<1x16xf32> to vector<16xf32>
          %add3A_504 = arith.addf %add3A_448, %get3A_503 : vector<16xf32>
          %add3A_505 = arith.constant 2 : i32
          %add3A_506 = arith.addi %add3A_357, %add3A_505 : i32
          %get3A_507 = arith.index_cast %add3A_506 : i32 to index
          %get3A_508 = arith.constant 80 : index
          %get3A_509 = tpu.vector_load %arg7[%get3A_507, %get3A_508] {strides = array<i32>} : memref<192x128xf32, #tpu.memory_space<vmem>>, vector<1x16xf32>,
          %get3A_510 = vector.shape_cast %get3A_509 : vector<1x16xf32> to vector<16xf32>
          %add3A_511 = arith.addf %add3A_455, %get3A_510 : vector<16xf32>
          %add3A_512 = arith.constant 2 : i32
          %add3A_513 = arith.addi %add3A_357, %add3A_512 : i32
          %get3A_514 = arith.index_cast %add3A_513 : i32 to index
          %get3A_515 = arith.constant 96 : index
          %get3A_516 = tpu.vector_load %arg7[%get3A_514, %get3A_515] {strides = array<i32>} : memref<192x128xf32, #tpu.memory_space<vmem>>, vector<1x16xf32>,
          %get3A_517 = vector.shape_cast %get3A_516 : vector<1x16xf32> to vector<16xf32>
          %add3A_518 = arith.addf %add3A_462, %get3A_517 : vector<16xf32>
          %add3A_519 = arith.constant 2 : i32
          %add3A_520 = arith.addi %add3A_357, %add3A_519 : i32
          %get3A_521 = arith.index_cast %add3A_520 : i32 to index
          %get3A_522 = arith.constant 112 : index
          %get3A_523 = tpu.vector_load %arg7[%get3A_521, %get3A_522] {strides = array<i32>} : memref<192x128xf32, #tpu.memory_space<vmem>>, vector<1x16xf32>,
          %get3A_524 = vector.shape_cast %get3A_523 : vector<1x16xf32> to vector<16xf32>
          %add3A_525 = arith.addf %add3A_469, %get3A_524 : vector<16xf32>
          %add3A_526 = arith.constant 3 : i32
          %add3A_527 = arith.addi %add3A_357, %add3A_526 : i32
          %get3A_528 = arith.index_cast %add3A_527 : i32 to index
          %get3A_529 = arith.constant 0 : index
          %get3A_530 = tpu.vector_load %arg7[%get3A_528, %get3A_529] {strides = array<i32>} : memref<192x128xf32, #tpu.memory_space<vmem>>, vector<1x16xf32>,
          %get3A_531 = vector.shape_cast %get3A_530 : vector<1x16xf32> to vector<16xf32>
          %add3A_532 = arith.addf %add3A_476, %get3A_531 : vector<16xf32>
          %add3A_533 = arith.constant 3 : i32
          %add3A_534 = arith.addi %add3A_357, %add3A_533 : i32
          %get3A_535 = arith.index_cast %add3A_534 : i32 to index
          %get3A_536 = arith.constant 16 : index
          %get3A_537 = tpu.vector_load %arg7[%get3A_535, %get3A_536] {strides = array<i32>} : memref<192x128xf32, #tpu.memory_space<vmem>>, vector<1x16xf32>,
          %get3A_538 = vector.shape_cast %get3A_537 : vector<1x16xf32> to vector<16xf32>
          %add3A_539 = arith.addf %add3A_483, %get3A_538 : vector<16xf32>
          %add3A_540 = arith.constant 3 : i32
          %add3A_541 = arith.addi %add3A_357, %add3A_540 : i32
          %get3A_542 = arith.index_cast %add3A_541 : i32 to index
          %get3A_543 = arith.constant 32 : index
          %get3A_544 = tpu.vector_load %arg7[%get3A_542, %get3A_543] {strides = array<i32>} : memref<192x128xf32, #tpu.memory_space<vmem>>, vector<1x16xf32>,
          %get3A_545 = vector.shape_cast %get3A_544 : vector<1x16xf32> to vector<16xf32>
          %add3A_546 = arith.addf %add3A_490, %get3A_545 : vector<16xf32>
          %add3A_547 = arith.constant 3 : i32
          %add3A_548 = arith.addi %add3A_357, %add3A_547 : i32
          %get3A_549 = arith.index_cast %add3A_548 : i32 to index
          %get3A_550 = arith.constant 48 : index
          %get3A_551 = tpu.vector_load %arg7[%get3A_549, %get3A_550] {strides = array<i32>} : memref<192x128xf32, #tpu.memory_space<vmem>>, vector<1x16xf32>,
          %get3A_552 = vector.shape_cast %get3A_551 : vector<1x16xf32> to vector<16xf32>
          %add3A_553 = arith.addf %add3A_497, %get3A_552 : vector<16xf32>
          %add3A_554 = arith.constant 3 : i32
          %add3A_555 = arith.addi %add3A_357, %add3A_554 : i32
          %get3A_556 = arith.index_cast %add3A_555 : i32 to index
          %get3A_557 = arith.constant 64 : index
          %get3A_558 = tpu.vector_load %arg7[%get3A_556, %get3A_557] {strides = array<i32>} : memref<192x128xf32, #tpu.memory_space<vmem>>, vector<1x16xf32>,
          %get3A_559 = vector.shape_cast %get3A_558 : vector<1x16xf32> to vector<16xf32>
          %add3A_560 = arith.addf %add3A_504, %get3A_559 : vector<16xf32>
          %add3A_561 = arith.constant 3 : i32
          %add3A_562 = arith.addi %add3A_357, %add3A_561 : i32
          %get3A_563 = arith.index_cast %add3A_562 : i32 to index
          %get3A_564 = arith.constant 80 : index
          %get3A_565 = tpu.vector_load %arg7[%get3A_563, %get3A_564] {strides = array<i32>} : memref<192x128xf32, #tpu.memory_space<vmem>>, vector<1x16xf32>,
          %get3A_566 = vector.shape_cast %get3A_565 : vector<1x16xf32> to vector<16xf32>
          %add3A_567 = arith.addf %add3A_511, %get3A_566 : vector<16xf32>
          %add3A_568 = arith.constant 3 : i32
          %add3A_569 = arith.addi %add3A_357, %add3A_568 : i32
          %get3A_570 = arith.index_cast %add3A_569 : i32 to index
          %get3A_571 = arith.constant 96 : index
          %get3A_572 = tpu.vector_load %arg7[%get3A_570, %get3A_571] {strides = array<i32>} : memref<192x128xf32, #tpu.memory_space<vmem>>, vector<1x16xf32>,
          %get3A_573 = vector.shape_cast %get3A_572 : vector<1x16xf32> to vector<16xf32>
          %add3A_574 = arith.addf %add3A_518, %get3A_573 : vector<16xf32>
          %add3A_575 = arith.constant 3 : i32
          %add3A_576 = arith.addi %add3A_357, %add3A_575 : i32
          %get3A_577 = arith.index_cast %add3A_576 : i32 to index
          %get3A_578 = arith.constant 112 : index
          %get3A_579 = tpu.vector_load %arg7[%get3A_577, %get3A_578] {strides = array<i32>} : memref<192x128xf32, #tpu.memory_space<vmem>>, vector<1x16xf32>,
          %get3A_580 = vector.shape_cast %get3A_579 : vector<1x16xf32> to vector<16xf32>
          %add3A_581 = arith.addf %add3A_525, %get3A_580 : vector<16xf32>
          %add3A_582 = arith.constant 4 : i32
          %add3A_583 = arith.addi %add3A_357, %add3A_582 : i32
          %get3A_584 = arith.index_cast %add3A_583 : i32 to index
          %get3A_585 = arith.constant 0 : index
          %get3A_586 = tpu.vector_load %arg7[%get3A_584, %get3A_585] {strides = array<i32>} : memref<192x128xf32, #tpu.memory_space<vmem>>, vector<1x16xf32>,
          %get3A_587 = vector.shape_cast %get3A_586 : vector<1x16xf32> to vector<16xf32>
          %add3A_588 = arith.addf %add3A_532, %get3A_587 : vector<16xf32>
          %add3A_589 = arith.constant 4 : i32
          %add3A_590 = arith.addi %add3A_357, %add3A_589 : i32
          %get3A_591 = arith.index_cast %add3A_590 : i32 to index
          %get3A_592 = arith.constant 16 : index
          %get3A_593 = tpu.vector_load %arg7[%get3A_591, %get3A_592] {strides = array<i32>} : memref<192x128xf32, #tpu.memory_space<vmem>>, vector<1x16xf32>,
          %get3A_594 = vector.shape_cast %get3A_593 : vector<1x16xf32> to vector<16xf32>
          %add3A_595 = arith.addf %add3A_539, %get3A_594 : vector<16xf32>
          %add3A_596 = arith.constant 4 : i32
          %add3A_597 = arith.addi %add3A_357, %add3A_596 : i32
          %get3A_598 = arith.index_cast %add3A_597 : i32 to index
          %get3A_599 = arith.constant 32 : index
          %get3A_600 = tpu.vector_load %arg7[%get3A_598, %get3A_599] {strides = array<i32>} : memref<192x128xf32, #tpu.memory_space<vmem>>, vector<1x16xf32>,
          %get3A_601 = vector.shape_cast %get3A_600 : vector<1x16xf32> to vector<16xf32>
          %add3A_602 = arith.addf %add3A_546, %get3A_601 : vector<16xf32>
          %add3A_603 = arith.constant 4 : i32
          %add3A_604 = arith.addi %add3A_357, %add3A_603 : i32
          %get3A_605 = arith.index_cast %add3A_604 : i32 to index
          %get3A_606 = arith.constant 48 : index
          %get3A_607 = tpu.vector_load %arg7[%get3A_605, %get3A_606] {strides = array<i32>} : memref<192x128xf32, #tpu.memory_space<vmem>>, vector<1x16xf32>,
          %get3A_608 = vector.shape_cast %get3A_607 : vector<1x16xf32> to vector<16xf32>
          %add3A_609 = arith.addf %add3A_553, %get3A_608 : vector<16xf32>
          %add3A_610 = arith.constant 4 : i32
          %add3A_611 = arith.addi %add3A_357, %add3A_610 : i32
          %get3A_612 = arith.index_cast %add3A_611 : i32 to index
          %get3A_613 = arith.constant 64 : index
          %get3A_614 = tpu.vector_load %arg7[%get3A_612, %get3A_613] {strides = array<i32>} : memref<192x128xf32, #tpu.memory_space<vmem>>, vector<1x16xf32>,
          %get3A_615 = vector.shape_cast %get3A_614 : vector<1x16xf32> to vector<16xf32>
          %add3A_616 = arith.addf %add3A_560, %get3A_615 : vector<16xf32>
          %add3A_617 = arith.constant 4 : i32
          %add3A_618 = arith.addi %add3A_357, %add3A_617 : i32
          %get3A_619 = arith.index_cast %add3A_618 : i32 to index
          %get3A_620 = arith.constant 80 : index
          %get3A_621 = tpu.vector_load %arg7[%get3A_619, %get3A_620] {strides = array<i32>} : memref<192x128xf32, #tpu.memory_space<vmem>>, vector<1x16xf32>,
          %get3A_622 = vector.shape_cast %get3A_621 : vector<1x16xf32> to vector<16xf32>
          %add3A_623 = arith.addf %add3A_567, %get3A_622 : vector<16xf32>
          %add3A_624 = arith.constant 4 : i32
          %add3A_625 = arith.addi %add3A_357, %add3A_624 : i32
          %get3A_626 = arith.index_cast %add3A_625 : i32 to index
          %get3A_627 = arith.constant 96 : index
          %get3A_628 = tpu.vector_load %arg7[%get3A_626, %get3A_627] {strides = array<i32>} : memref<192x128xf32, #tpu.memory_space<vmem>>, vector<1x16xf32>,
          %get3A_629 = vector.shape_cast %get3A_628 : vector<1x16xf32> to vector<16xf32>
          %add3A_630 = arith.addf %add3A_574, %get3A_629 : vector<16xf32>
          %add3A_631 = arith.constant 4 : i32
          %add3A_632 = arith.addi %add3A_357, %add3A_631 : i32
          %get3A_633 = arith.index_cast %add3A_632 : i32 to index
          %get3A_634 = arith.constant 112 : index
          %get3A_635 = tpu.vector_load %arg7[%get3A_633, %get3A_634] {strides = array<i32>} : memref<192x128xf32, #tpu.memory_space<vmem>>, vector<1x16xf32>,
          %get3A_636 = vector.shape_cast %get3A_635 : vector<1x16xf32> to vector<16xf32>
          %add3A_637 = arith.addf %add3A_581, %get3A_636 : vector<16xf32>
          %add3A_638 = arith.constant 5 : i32
          %add3A_639 = arith.addi %add3A_357, %add3A_638 : i32
          %get3A_640 = arith.index_cast %add3A_639 : i32 to index
          %get3A_641 = arith.constant 0 : index
          %get3A_642 = tpu.vector_load %arg7[%get3A_640, %get3A_641] {strides = array<i32>} : memref<192x128xf32, #tpu.memory_space<vmem>>, vector<1x16xf32>,
          %get3A_643 = vector.shape_cast %get3A_642 : vector<1x16xf32> to vector<16xf32>
          %add3A_644 = arith.addf %add3A_588, %get3A_643 : vector<16xf32>
          %add3A_645 = arith.constant 5 : i32
          %add3A_646 = arith.addi %add3A_357, %add3A_645 : i32
          %get3A_647 = arith.index_cast %add3A_646 : i32 to index
          %get3A_648 = arith.constant 16 : index
          %get3A_649 = tpu.vector_load %arg7[%get3A_647, %get3A_648] {strides = array<i32>} : memref<192x128xf32, #tpu.memory_space<vmem>>, vector<1x16xf32>,
          %get3A_650 = vector.shape_cast %get3A_649 : vector<1x16xf32> to vector<16xf32>
          %add3A_651 = arith.addf %add3A_595, %get3A_650 : vector<16xf32>
          %add3A_652 = arith.constant 5 : i32
          %add3A_653 = arith.addi %add3A_357, %add3A_652 : i32
          %get3A_654 = arith.index_cast %add3A_653 : i32 to index
          %get3A_655 = arith.constant 32 : index
          %get3A_656 = tpu.vector_load %arg7[%get3A_654, %get3A_655] {strides = array<i32>} : memref<192x128xf32, #tpu.memory_space<vmem>>, vector<1x16xf32>,
          %get3A_657 = vector.shape_cast %get3A_656 : vector<1x16xf32> to vector<16xf32>
          %add3A_658 = arith.addf %add3A_602, %get3A_657 : vector<16xf32>
          %add3A_659 = arith.constant 5 : i32
          %add3A_660 = arith.addi %add3A_357, %add3A_659 : i32
          %get3A_661 = arith.index_cast %add3A_660 : i32 to index
          %get3A_662 = arith.constant 48 : index
          %get3A_663 = tpu.vector_load %arg7[%get3A_661, %get3A_662] {strides = array<i32>} : memref<192x128xf32, #tpu.memory_space<vmem>>, vector<1x16xf32>,
          %get3A_664 = vector.shape_cast %get3A_663 : vector<1x16xf32> to vector<16xf32>
          %add3A_665 = arith.addf %add3A_609, %get3A_664 : vector<16xf32>
          %add3A_666 = arith.constant 5 : i32
          %add3A_667 = arith.addi %add3A_357, %add3A_666 : i32
          %get3A_668 = arith.index_cast %add3A_667 : i32 to index
          %get3A_669 = arith.constant 64 : index
          %get3A_670 = tpu.vector_load %arg7[%get3A_668, %get3A_669] {strides = array<i32>} : memref<192x128xf32, #tpu.memory_space<vmem>>, vector<1x16xf32>,
          %get3A_671 = vector.shape_cast %get3A_670 : vector<1x16xf32> to vector<16xf32>
          %add3A_672 = arith.addf %add3A_616, %get3A_671 : vector<16xf32>
          %add3A_673 = arith.constant 5 : i32
          %add3A_674 = arith.addi %add3A_357, %add3A_673 : i32
          %get3A_675 = arith.index_cast %add3A_674 : i32 to index
          %get3A_676 = arith.constant 80 : index
          %get3A_677 = tpu.vector_load %arg7[%get3A_675, %get3A_676] {strides = array<i32>} : memref<192x128xf32, #tpu.memory_space<vmem>>, vector<1x16xf32>,
          %get3A_678 = vector.shape_cast %get3A_677 : vector<1x16xf32> to vector<16xf32>
          %add3A_679 = arith.addf %add3A_623, %get3A_678 : vector<16xf32>
          %add3A_680 = arith.constant 5 : i32
          %add3A_681 = arith.addi %add3A_357, %add3A_680 : i32
          %get3A_682 = arith.index_cast %add3A_681 : i32 to index
          %get3A_683 = arith.constant 96 : index
          %get3A_684 = tpu.vector_load %arg7[%get3A_682, %get3A_683] {strides = array<i32>} : memref<192x128xf32, #tpu.memory_space<vmem>>, vector<1x16xf32>,
          %get3A_685 = vector.shape_cast %get3A_684 : vector<1x16xf32> to vector<16xf32>
          %add3A_686 = arith.addf %add3A_630, %get3A_685 : vector<16xf32>
          %add3A_687 = arith.constant 5 : i32
          %add3A_688 = arith.addi %add3A_357, %add3A_687 : i32
          %get3A_689 = arith.index_cast %add3A_688 : i32 to index
          %get3A_690 = arith.constant 112 : index
          %get3A_691 = tpu.vector_load %arg7[%get3A_689, %get3A_690] {strides = array<i32>} : memref<192x128xf32, #tpu.memory_space<vmem>>, vector<1x16xf32>,
          %get3A_692 = vector.shape_cast %get3A_691 : vector<1x16xf32> to vector<16xf32>
          %add3A_693 = arith.addf %add3A_637, %get3A_692 : vector<16xf32>
          %add3A_694 = arith.constant 6 : i32
          %add3A_695 = arith.addi %add3A_357, %add3A_694 : i32
          %get3A_696 = arith.index_cast %add3A_695 : i32 to index
          %get3A_697 = arith.constant 0 : index
          %get3A_698 = tpu.vector_load %arg7[%get3A_696, %get3A_697] {strides = array<i32>} : memref<192x128xf32, #tpu.memory_space<vmem>>, vector<1x16xf32>,
          %get3A_699 = vector.shape_cast %get3A_698 : vector<1x16xf32> to vector<16xf32>
          %add3A_700 = arith.addf %add3A_644, %get3A_699 : vector<16xf32>
          %add3A_701 = arith.constant 6 : i32
          %add3A_702 = arith.addi %add3A_357, %add3A_701 : i32
          %get3A_703 = arith.index_cast %add3A_702 : i32 to index
          %get3A_704 = arith.constant 16 : index
          %get3A_705 = tpu.vector_load %arg7[%get3A_703, %get3A_704] {strides = array<i32>} : memref<192x128xf32, #tpu.memory_space<vmem>>, vector<1x16xf32>,
          %get3A_706 = vector.shape_cast %get3A_705 : vector<1x16xf32> to vector<16xf32>
          %add3A_707 = arith.addf %add3A_651, %get3A_706 : vector<16xf32>
          %add3A_708 = arith.constant 6 : i32
          %add3A_709 = arith.addi %add3A_357, %add3A_708 : i32
          %get3A_710 = arith.index_cast %add3A_709 : i32 to index
          %get3A_711 = arith.constant 32 : index
          %get3A_712 = tpu.vector_load %arg7[%get3A_710, %get3A_711] {strides = array<i32>} : memref<192x128xf32, #tpu.memory_space<vmem>>, vector<1x16xf32>,
          %get3A_713 = vector.shape_cast %get3A_712 : vector<1x16xf32> to vector<16xf32>
          %add3A_714 = arith.addf %add3A_658, %get3A_713 : vector<16xf32>
          %add3A_715 = arith.constant 6 : i32
          %add3A_716 = arith.addi %add3A_357, %add3A_715 : i32
          %get3A_717 = arith.index_cast %add3A_716 : i32 to index
          %get3A_718 = arith.constant 48 : index
          %get3A_719 = tpu.vector_load %arg7[%get3A_717, %get3A_718] {strides = array<i32>} : memref<192x128xf32, #tpu.memory_space<vmem>>, vector<1x16xf32>,
          %get3A_720 = vector.shape_cast %get3A_719 : vector<1x16xf32> to vector<16xf32>
          %add3A_721 = arith.addf %add3A_665, %get3A_720 : vector<16xf32>
          %add3A_722 = arith.constant 6 : i32
          %add3A_723 = arith.addi %add3A_357, %add3A_722 : i32
          %get3A_724 = arith.index_cast %add3A_723 : i32 to index
          %get3A_725 = arith.constant 64 : index
          %get3A_726 = tpu.vector_load %arg7[%get3A_724, %get3A_725] {strides = array<i32>} : memref<192x128xf32, #tpu.memory_space<vmem>>, vector<1x16xf32>,
          %get3A_727 = vector.shape_cast %get3A_726 : vector<1x16xf32> to vector<16xf32>
          %add3A_728 = arith.addf %add3A_672, %get3A_727 : vector<16xf32>
          %add3A_729 = arith.constant 6 : i32
          %add3A_730 = arith.addi %add3A_357, %add3A_729 : i32
          %get3A_731 = arith.index_cast %add3A_730 : i32 to index
          %get3A_732 = arith.constant 80 : index
          %get3A_733 = tpu.vector_load %arg7[%get3A_731, %get3A_732] {strides = array<i32>} : memref<192x128xf32, #tpu.memory_space<vmem>>, vector<1x16xf32>,
          %get3A_734 = vector.shape_cast %get3A_733 : vector<1x16xf32> to vector<16xf32>
          %add3A_735 = arith.addf %add3A_679, %get3A_734 : vector<16xf32>
          %add3A_736 = arith.constant 6 : i32
          %add3A_737 = arith.addi %add3A_357, %add3A_736 : i32
          %get3A_738 = arith.index_cast %add3A_737 : i32 to index
          %get3A_739 = arith.constant 96 : index
          %get3A_740 = tpu.vector_load %arg7[%get3A_738, %get3A_739] {strides = array<i32>} : memref<192x128xf32, #tpu.memory_space<vmem>>, vector<1x16xf32>,
          %get3A_741 = vector.shape_cast %get3A_740 : vector<1x16xf32> to vector<16xf32>
          %add3A_742 = arith.addf %add3A_686, %get3A_741 : vector<16xf32>
          %add3A_743 = arith.constant 6 : i32
          %add3A_744 = arith.addi %add3A_357, %add3A_743 : i32
          %get3A_745 = arith.index_cast %add3A_744 : i32 to index
          %get3A_746 = arith.constant 112 : index
          %get3A_747 = tpu.vector_load %arg7[%get3A_745, %get3A_746] {strides = array<i32>} : memref<192x128xf32, #tpu.memory_space<vmem>>, vector<1x16xf32>,
          %get3A_748 = vector.shape_cast %get3A_747 : vector<1x16xf32> to vector<16xf32>
          %add3A_749 = arith.addf %add3A_693, %get3A_748 : vector<16xf32>
          %add3A_750 = arith.constant 7 : i32
          %add3A_751 = arith.addi %add3A_357, %add3A_750 : i32
          %get3A_752 = arith.index_cast %add3A_751 : i32 to index
          %get3A_753 = arith.constant 0 : index
          %get3A_754 = tpu.vector_load %arg7[%get3A_752, %get3A_753] {strides = array<i32>} : memref<192x128xf32, #tpu.memory_space<vmem>>, vector<1x16xf32>,
          %get3A_755 = vector.shape_cast %get3A_754 : vector<1x16xf32> to vector<16xf32>
          %add3A_756 = arith.addf %add3A_700, %get3A_755 : vector<16xf32>
          %add3A_757 = arith.constant 7 : i32
          %add3A_758 = arith.addi %add3A_357, %add3A_757 : i32
          %get3A_759 = arith.index_cast %add3A_758 : i32 to index
          %get3A_760 = arith.constant 16 : index
          %get3A_761 = tpu.vector_load %arg7[%get3A_759, %get3A_760] {strides = array<i32>} : memref<192x128xf32, #tpu.memory_space<vmem>>, vector<1x16xf32>,
          %get3A_762 = vector.shape_cast %get3A_761 : vector<1x16xf32> to vector<16xf32>
          %add3A_763 = arith.addf %add3A_707, %get3A_762 : vector<16xf32>
          %add3A_764 = arith.constant 7 : i32
          %add3A_765 = arith.addi %add3A_357, %add3A_764 : i32
          %get3A_766 = arith.index_cast %add3A_765 : i32 to index
          %get3A_767 = arith.constant 32 : index
          %get3A_768 = tpu.vector_load %arg7[%get3A_766, %get3A_767] {strides = array<i32>} : memref<192x128xf32, #tpu.memory_space<vmem>>, vector<1x16xf32>,
          %get3A_769 = vector.shape_cast %get3A_768 : vector<1x16xf32> to vector<16xf32>
          %add3A_770 = arith.addf %add3A_714, %get3A_769 : vector<16xf32>
          %add3A_771 = arith.constant 7 : i32
          %add3A_772 = arith.addi %add3A_357, %add3A_771 : i32
          %get3A_773 = arith.index_cast %add3A_772 : i32 to index
          %get3A_774 = arith.constant 48 : index
          %get3A_775 = tpu.vector_load %arg7[%get3A_773, %get3A_774] {strides = array<i32>} : memref<192x128xf32, #tpu.memory_space<vmem>>, vector<1x16xf32>,
          %get3A_776 = vector.shape_cast %get3A_775 : vector<1x16xf32> to vector<16xf32>
          %add3A_777 = arith.addf %add3A_721, %get3A_776 : vector<16xf32>
          %add3A_778 = arith.constant 7 : i32
          %add3A_779 = arith.addi %add3A_357, %add3A_778 : i32
          %get3A_780 = arith.index_cast %add3A_779 : i32 to index
          %get3A_781 = arith.constant 64 : index
          %get3A_782 = tpu.vector_load %arg7[%get3A_780, %get3A_781] {strides = array<i32>} : memref<192x128xf32, #tpu.memory_space<vmem>>, vector<1x16xf32>,
          %get3A_783 = vector.shape_cast %get3A_782 : vector<1x16xf32> to vector<16xf32>
          %add3A_784 = arith.addf %add3A_728, %get3A_783 : vector<16xf32>
          %add3A_785 = arith.constant 7 : i32
          %add3A_786 = arith.addi %add3A_357, %add3A_785 : i32
          %get3A_787 = arith.index_cast %add3A_786 : i32 to index
          %get3A_788 = arith.constant 80 : index
          %get3A_789 = tpu.vector_load %arg7[%get3A_787, %get3A_788] {strides = array<i32>} : memref<192x128xf32, #tpu.memory_space<vmem>>, vector<1x16xf32>,
          %get3A_790 = vector.shape_cast %get3A_789 : vector<1x16xf32> to vector<16xf32>
          %add3A_791 = arith.addf %add3A_735, %get3A_790 : vector<16xf32>
          %add3A_792 = arith.constant 7 : i32
          %add3A_793 = arith.addi %add3A_357, %add3A_792 : i32
          %get3A_794 = arith.index_cast %add3A_793 : i32 to index
          %get3A_795 = arith.constant 96 : index
          %get3A_796 = tpu.vector_load %arg7[%get3A_794, %get3A_795] {strides = array<i32>} : memref<192x128xf32, #tpu.memory_space<vmem>>, vector<1x16xf32>,
          %get3A_797 = vector.shape_cast %get3A_796 : vector<1x16xf32> to vector<16xf32>
          %add3A_798 = arith.addf %add3A_742, %get3A_797 : vector<16xf32>
          %add3A_799 = arith.constant 7 : i32
          %add3A_800 = arith.addi %add3A_357, %add3A_799 : i32
          %get3A_801 = arith.index_cast %add3A_800 : i32 to index
          %get3A_802 = arith.constant 112 : index
          %get3A_803 = tpu.vector_load %arg7[%get3A_801, %get3A_802] {strides = array<i32>} : memref<192x128xf32, #tpu.memory_space<vmem>>, vector<1x16xf32>,
          %get3A_804 = vector.shape_cast %get3A_803 : vector<1x16xf32> to vector<16xf32>
          %add3A_805 = arith.addf %add3A_749, %get3A_804 : vector<16xf32>
          %add3A_806 = arith.constant 8 : i32
          %add3A_807 = arith.addi %add3A_357, %add3A_806 : i32
          %get3A_808 = arith.index_cast %add3A_807 : i32 to index
          %get3A_809 = arith.constant 0 : index
          %get3A_810 = tpu.vector_load %arg7[%get3A_808, %get3A_809] {strides = array<i32>} : memref<192x128xf32, #tpu.memory_space<vmem>>, vector<1x16xf32>,
          %get3A_811 = vector.shape_cast %get3A_810 : vector<1x16xf32> to vector<16xf32>
          %add3A_812 = arith.addf %add3A_756, %get3A_811 : vector<16xf32>
          %add3A_813 = arith.constant 8 : i32
          %add3A_814 = arith.addi %add3A_357, %add3A_813 : i32
          %get3A_815 = arith.index_cast %add3A_814 : i32 to index
          %get3A_816 = arith.constant 16 : index
          %get3A_817 = tpu.vector_load %arg7[%get3A_815, %get3A_816] {strides = array<i32>} : memref<192x128xf32, #tpu.memory_space<vmem>>, vector<1x16xf32>,
          %get3A_818 = vector.shape_cast %get3A_817 : vector<1x16xf32> to vector<16xf32>
          %add3A_819 = arith.addf %add3A_763, %get3A_818 : vector<16xf32>
          %add3A_820 = arith.constant 8 : i32
          %add3A_821 = arith.addi %add3A_357, %add3A_820 : i32
          %get3A_822 = arith.index_cast %add3A_821 : i32 to index
          %get3A_823 = arith.constant 32 : index
          %get3A_824 = tpu.vector_load %arg7[%get3A_822, %get3A_823] {strides = array<i32>} : memref<192x128xf32, #tpu.memory_space<vmem>>, vector<1x16xf32>,
          %get3A_825 = vector.shape_cast %get3A_824 : vector<1x16xf32> to vector<16xf32>
          %add3A_826 = arith.addf %add3A_770, %get3A_825 : vector<16xf32>
          %add3A_827 = arith.constant 8 : i32
          %add3A_828 = arith.addi %add3A_357, %add3A_827 : i32
          %get3A_829 = arith.index_cast %add3A_828 : i32 to index
          %get3A_830 = arith.constant 48 : index
          %get3A_831 = tpu.vector_load %arg7[%get3A_829, %get3A_830] {strides = array<i32>} : memref<192x128xf32, #tpu.memory_space<vmem>>, vector<1x16xf32>,
          %get3A_832 = vector.shape_cast %get3A_831 : vector<1x16xf32> to vector<16xf32>
          %add3A_833 = arith.addf %add3A_777, %get3A_832 : vector<16xf32>
          %add3A_834 = arith.constant 8 : i32
          %add3A_835 = arith.addi %add3A_357, %add3A_834 : i32
          %get3A_836 = arith.index_cast %add3A_835 : i32 to index
          %get3A_837 = arith.constant 64 : index
          %get3A_838 = tpu.vector_load %arg7[%get3A_836, %get3A_837] {strides = array<i32>} : memref<192x128xf32, #tpu.memory_space<vmem>>, vector<1x16xf32>,
          %get3A_839 = vector.shape_cast %get3A_838 : vector<1x16xf32> to vector<16xf32>
          %add3A_840 = arith.addf %add3A_784, %get3A_839 : vector<16xf32>
          %add3A_841 = arith.constant 8 : i32
          %add3A_842 = arith.addi %add3A_357, %add3A_841 : i32
          %get3A_843 = arith.index_cast %add3A_842 : i32 to index
          %get3A_844 = arith.constant 80 : index
          %get3A_845 = tpu.vector_load %arg7[%get3A_843, %get3A_844] {strides = array<i32>} : memref<192x128xf32, #tpu.memory_space<vmem>>, vector<1x16xf32>,
          %get3A_846 = vector.shape_cast %get3A_845 : vector<1x16xf32> to vector<16xf32>
          %add3A_847 = arith.addf %add3A_791, %get3A_846 : vector<16xf32>
          %add3A_848 = arith.constant 8 : i32
          %add3A_849 = arith.addi %add3A_357, %add3A_848 : i32
          %get3A_850 = arith.index_cast %add3A_849 : i32 to index
          %get3A_851 = arith.constant 96 : index
          %get3A_852 = tpu.vector_load %arg7[%get3A_850, %get3A_851] {strides = array<i32>} : memref<192x128xf32, #tpu.memory_space<vmem>>, vector<1x16xf32>,
          %get3A_853 = vector.shape_cast %get3A_852 : vector<1x16xf32> to vector<16xf32>
          %add3A_854 = arith.addf %add3A_798, %get3A_853 : vector<16xf32>
          %add3A_855 = arith.constant 8 : i32
          %add3A_856 = arith.addi %add3A_357, %add3A_855 : i32
          %get3A_857 = arith.index_cast %add3A_856 : i32 to index
          %get3A_858 = arith.constant 112 : index
          %get3A_859 = tpu.vector_load %arg7[%get3A_857, %get3A_858] {strides = array<i32>} : memref<192x128xf32, #tpu.memory_space<vmem>>, vector<1x16xf32>,
          %get3A_860 = vector.shape_cast %get3A_859 : vector<1x16xf32> to vector<16xf32>
          %add3A_861 = arith.addf %add3A_805, %get3A_860 : vector<16xf32>
          %add3A_862 = arith.constant 9 : i32
          %add3A_863 = arith.addi %add3A_357, %add3A_862 : i32
          %get3A_864 = arith.index_cast %add3A_863 : i32 to index
          %get3A_865 = arith.constant 0 : index
          %get3A_866 = tpu.vector_load %arg7[%get3A_864, %get3A_865] {strides = array<i32>} : memref<192x128xf32, #tpu.memory_space<vmem>>, vector<1x16xf32>,
          %get3A_867 = vector.shape_cast %get3A_866 : vector<1x16xf32> to vector<16xf32>
          %add3A_868 = arith.addf %add3A_812, %get3A_867 : vector<16xf32>
          %add3A_869 = arith.constant 9 : i32
          %add3A_870 = arith.addi %add3A_357, %add3A_869 : i32
          %get3A_871 = arith.index_cast %add3A_870 : i32 to index
          %get3A_872 = arith.constant 16 : index
          %get3A_873 = tpu.vector_load %arg7[%get3A_871, %get3A_872] {strides = array<i32>} : memref<192x128xf32, #tpu.memory_space<vmem>>, vector<1x16xf32>,
          %get3A_874 = vector.shape_cast %get3A_873 : vector<1x16xf32> to vector<16xf32>
          %add3A_875 = arith.addf %add3A_819, %get3A_874 : vector<16xf32>
          %add3A_876 = arith.constant 9 : i32
          %add3A_877 = arith.addi %add3A_357, %add3A_876 : i32
          %get3A_878 = arith.index_cast %add3A_877 : i32 to index
          %get3A_879 = arith.constant 32 : index
          %get3A_880 = tpu.vector_load %arg7[%get3A_878, %get3A_879] {strides = array<i32>} : memref<192x128xf32, #tpu.memory_space<vmem>>, vector<1x16xf32>,
          %get3A_881 = vector.shape_cast %get3A_880 : vector<1x16xf32> to vector<16xf32>
          %add3A_882 = arith.addf %add3A_826, %get3A_881 : vector<16xf32>
          %add3A_883 = arith.constant 9 : i32
          %add3A_884 = arith.addi %add3A_357, %add3A_883 : i32
          %get3A_885 = arith.index_cast %add3A_884 : i32 to index
          %get3A_886 = arith.constant 48 : index
          %get3A_887 = tpu.vector_load %arg7[%get3A_885, %get3A_886] {strides = array<i32>} : memref<192x128xf32, #tpu.memory_space<vmem>>, vector<1x16xf32>,
          %get3A_888 = vector.shape_cast %get3A_887 : vector<1x16xf32> to vector<16xf32>
          %add3A_889 = arith.addf %add3A_833, %get3A_888 : vector<16xf32>
          %add3A_890 = arith.constant 9 : i32
          %add3A_891 = arith.addi %add3A_357, %add3A_890 : i32
          %get3A_892 = arith.index_cast %add3A_891 : i32 to index
          %get3A_893 = arith.constant 64 : index
          %get3A_894 = tpu.vector_load %arg7[%get3A_892, %get3A_893] {strides = array<i32>} : memref<192x128xf32, #tpu.memory_space<vmem>>, vector<1x16xf32>,
          %get3A_895 = vector.shape_cast %get3A_894 : vector<1x16xf32> to vector<16xf32>
          %add3A_896 = arith.addf %add3A_840, %get3A_895 : vector<16xf32>
          %add3A_897 = arith.constant 9 : i32
          %add3A_898 = arith.addi %add3A_357, %add3A_897 : i32
          %get3A_899 = arith.index_cast %add3A_898 : i32 to index
          %get3A_900 = arith.constant 80 : index
          %get3A_901 = tpu.vector_load %arg7[%get3A_899, %get3A_900] {strides = array<i32>} : memref<192x128xf32, #tpu.memory_space<vmem>>, vector<1x16xf32>,
          %get3A_902 = vector.shape_cast %get3A_901 : vector<1x16xf32> to vector<16xf32>
          %add3A_903 = arith.addf %add3A_847, %get3A_902 : vector<16xf32>
          %add3A_904 = arith.constant 9 : i32
          %add3A_905 = arith.addi %add3A_357, %add3A_904 : i32
          %get3A_906 = arith.index_cast %add3A_905 : i32 to index
          %get3A_907 = arith.constant 96 : index
          %get3A_908 = tpu.vector_load %arg7[%get3A_906, %get3A_907] {strides = array<i32>} : memref<192x128xf32, #tpu.memory_space<vmem>>, vector<1x16xf32>,
          %get3A_909 = vector.shape_cast %get3A_908 : vector<1x16xf32> to vector<16xf32>
          %add3A_910 = arith.addf %add3A_854, %get3A_909 : vector<16xf32>
          %add3A_911 = arith.constant 9 : i32
          %add3A_912 = arith.addi %add3A_357, %add3A_911 : i32
          %get3A_913 = arith.index_cast %add3A_912 : i32 to index
          %get3A_914 = arith.constant 112 : index
          %get3A_915 = tpu.vector_load %arg7[%get3A_913, %get3A_914] {strides = array<i32>} : memref<192x128xf32, #tpu.memory_space<vmem>>, vector<1x16xf32>,
          %get3A_916 = vector.shape_cast %get3A_915 : vector<1x16xf32> to vector<16xf32>
          %add3A_917 = arith.addf %add3A_861, %get3A_916 : vector<16xf32>
          scf.yield %add3A_868, %add3A_875, %add3A_882, %add3A_889, %add3A_896, %add3A_903, %add3A_910, %add3A_917 : vector<16xf32>, vector<16xf32>, vector<16xf32>, vector<16xf32>, vector<16xf32>, vector<16xf32>, vector<16xf32>, vector<16xf32>
        }
        %scan3A_117 = arith.constant 10 : i32
        %mul3A_118 = arith.mulf %scan3A_98#0, %get3A_6 : vector<16xf32>
        %mul3A_119 = arith.mulf %scan3A_104#0, %get3A_11 : vector<16xf32>
        %add3A_120 = arith.addf %mul3A_118, %mul3A_119 : vector<16xf32>
        %mul3A_121 = arith.mulf %scan3A_110#0, %get3A_16 : vector<16xf32>
        %add3A_122 = arith.addf %add3A_120, %mul3A_121 : vector<16xf32>
        %mul3A_123 = arith.mulf %scan3A_116#0, %get3A_21 : vector<16xf32>
        %add3A_124 = arith.addf %add3A_122, %mul3A_123 : vector<16xf32>
        %swap3A = arith.index_cast %mul3A_93 : i32 to index
        %swap3A_125 = arith.constant 0 : index
        %swap3A_126 = tpu.vector_load %arg10[%swap3A, %swap3A_125] {strides = array<i32>} : memref<64x128xf32, #tpu.memory_space<vmem>>, vector<1x16xf32>,
        %swap3A_127 = vector.shape_cast %swap3A_126 : vector<1x16xf32> to vector<16xf32>
        %swap3A_128 = vector.shape_cast %add3A_124 : vector<16xf32> to vector<1x16xf32>
        tpu.vector_store %arg10[%swap3A, %swap3A_125], %swap3A_128 {strides = array<i32>} : memref<64x128xf32, #tpu.memory_space<vmem>>, vector<1x16xf32>,
        %mul3A_129 = arith.mulf %scan3A_98#1, %get3A_6 : vector<16xf32>
        %mul3A_130 = arith.mulf %scan3A_104#1, %get3A_11 : vector<16xf32>
        %add3A_131 = arith.addf %mul3A_129, %mul3A_130 : vector<16xf32>
        %mul3A_132 = arith.mulf %scan3A_110#1, %get3A_16 : vector<16xf32>
        %add3A_133 = arith.addf %add3A_131, %mul3A_132 : vector<16xf32>
        %mul3A_134 = arith.mulf %scan3A_116#1, %get3A_21 : vector<16xf32>
        %add3A_135 = arith.addf %add3A_133, %mul3A_134 : vector<16xf32>
        %swap3A_136 = arith.index_cast %mul3A_93 : i32 to index
        %swap3A_137 = arith.constant 16 : index
        %swap3A_138 = tpu.vector_load %arg10[%swap3A_136, %swap3A_137] {strides = array<i32>} : memref<64x128xf32, #tpu.memory_space<vmem>>, vector<1x16xf32>,
        %swap3A_139 = vector.shape_cast %swap3A_138 : vector<1x16xf32> to vector<16xf32>
        %swap3A_140 = vector.shape_cast %add3A_135 : vector<16xf32> to vector<1x16xf32>
        tpu.vector_store %arg10[%swap3A_136, %swap3A_137], %swap3A_140 {strides = array<i32>} : memref<64x128xf32, #tpu.memory_space<vmem>>, vector<1x16xf32>,
        %mul3A_141 = arith.mulf %scan3A_98#2, %get3A_6 : vector<16xf32>
        %mul3A_142 = arith.mulf %scan3A_104#2, %get3A_11 : vector<16xf32>
        %add3A_143 = arith.addf %mul3A_141, %mul3A_142 : vector<16xf32>
        %mul3A_144 = arith.mulf %scan3A_110#2, %get3A_16 : vector<16xf32>
        %add3A_145 = arith.addf %add3A_143, %mul3A_144 : vector<16xf32>
        %mul3A_146 = arith.mulf %scan3A_116#2, %get3A_21 : vector<16xf32>
        %add3A_147 = arith.addf %add3A_145, %mul3A_146 : vector<16xf32>
        %swap3A_148 = arith.index_cast %mul3A_93 : i32 to index
        %swap3A_149 = arith.constant 32 : index
        %swap3A_150 = tpu.vector_load %arg10[%swap3A_148, %swap3A_149] {strides = array<i32>} : memref<64x128xf32, #tpu.memory_space<vmem>>, vector<1x16xf32>,
        %swap3A_151 = vector.shape_cast %swap3A_150 : vector<1x16xf32> to vector<16xf32>
        %swap3A_152 = vector.shape_cast %add3A_147 : vector<16xf32> to vector<1x16xf32>
        tpu.vector_store %arg10[%swap3A_148, %swap3A_149], %swap3A_152 {strides = array<i32>} : memref<64x128xf32, #tpu.memory_space<vmem>>, vector<1x16xf32>,
        %mul3A_153 = arith.mulf %scan3A_98#3, %get3A_6 : vector<16xf32>
        %mul3A_154 = arith.mulf %scan3A_104#3, %get3A_11 : vector<16xf32>
        %add3A_155 = arith.addf %mul3A_153, %mul3A_154 : vector<16xf32>
        %mul3A_156 = arith.mulf %scan3A_110#3, %get3A_16 : vector<16xf32>
        %add3A_157 = arith.addf %add3A_155, %mul3A_156 : vector<16xf32>
        %mul3A_158 = arith.mulf %scan3A_116#3, %get3A_21 : vector<16xf32>
        %add3A_159 = arith.addf %add3A_157, %mul3A_158 : vector<16xf32>
        %swap3A_160 = arith.index_cast %mul3A_93 : i32 to index
        %swap3A_161 = arith.constant 48 : index
        %swap3A_162 = tpu.vector_load %arg10[%swap3A_160, %swap3A_161] {strides = array<i32>} : memref<64x128xf32, #tpu.memory_space<vmem>>, vector<1x16xf32>,
        %swap3A_163 = vector.shape_cast %swap3A_162 : vector<1x16xf32> to vector<16xf32>
        %swap3A_164 = vector.shape_cast %add3A_159 : vector<16xf32> to vector<1x16xf32>
        tpu.vector_store %arg10[%swap3A_160, %swap3A_161], %swap3A_164 {strides = array<i32>} : memref<64x128xf32, #tpu.memory_space<vmem>>, vector<1x16xf32>,
        %mul3A_165 = arith.mulf %scan3A_98#4, %get3A_6 : vector<16xf32>
        %mul3A_166 = arith.mulf %scan3A_104#4, %get3A_11 : vector<16xf32>
        %add3A_167 = arith.addf %mul3A_165, %mul3A_166 : vector<16xf32>
        %mul3A_168 = arith.mulf %scan3A_110#4, %get3A_16 : vector<16xf32>
        %add3A_169 = arith.addf %add3A_167, %mul3A_168 : vector<16xf32>
        %mul3A_170 = arith.mulf %scan3A_116#4, %get3A_21 : vector<16xf32>
        %add3A_171 = arith.addf %add3A_169, %mul3A_170 : vector<16xf32>
        %swap3A_172 = arith.index_cast %mul3A_93 : i32 to index
        %swap3A_173 = arith.constant 64 : index
        %swap3A_174 = tpu.vector_load %arg10[%swap3A_172, %swap3A_173] {strides = array<i32>} : memref<64x128xf32, #tpu.memory_space<vmem>>, vector<1x16xf32>,
        %swap3A_175 = vector.shape_cast %swap3A_174 : vector<1x16xf32> to vector<16xf32>
        %swap3A_176 = vector.shape_cast %add3A_171 : vector<16xf32> to vector<1x16xf32>
        tpu.vector_store %arg10[%swap3A_172, %swap3A_173], %swap3A_176 {strides = array<i32>} : memref<64x128xf32, #tpu.memory_space<vmem>>, vector<1x16xf32>,
        %mul3A_177 = arith.mulf %scan3A_98#5, %get3A_6 : vector<16xf32>
        %mul3A_178 = arith.mulf %scan3A_104#5, %get3A_11 : vector<16xf32>
        %add3A_179 = arith.addf %mul3A_177, %mul3A_178 : vector<16xf32>
        %mul3A_180 = arith.mulf %scan3A_110#5, %get3A_16 : vector<16xf32>
        %add3A_181 = arith.addf %add3A_179, %mul3A_180 : vector<16xf32>
        %mul3A_182 = arith.mulf %scan3A_116#5, %get3A_21 : vector<16xf32>
        %add3A_183 = arith.addf %add3A_181, %mul3A_182 : vector<16xf32>
        %swap3A_184 = arith.index_cast %mul3A_93 : i32 to index
        %swap3A_185 = arith.constant 80 : index
        %swap3A_186 = tpu.vector_load %arg10[%swap3A_184, %swap3A_185] {strides = array<i32>} : memref<64x128xf32, #tpu.memory_space<vmem>>, vector<1x16xf32>,
        %swap3A_187 = vector.shape_cast %swap3A_186 : vector<1x16xf32> to vector<16xf32>
        %swap3A_188 = vector.shape_cast %add3A_183 : vector<16xf32> to vector<1x16xf32>
        tpu.vector_store %arg10[%swap3A_184, %swap3A_185], %swap3A_188 {strides = array<i32>} : memref<64x128xf32, #tpu.memory_space<vmem>>, vector<1x16xf32>,
        %mul3A_189 = arith.mulf %scan3A_98#6, %get3A_6 : vector<16xf32>
        %mul3A_190 = arith.mulf %scan3A_104#6, %get3A_11 : vector<16xf32>
        %add3A_191 = arith.addf %mul3A_189, %mul3A_190 : vector<16xf32>
        %mul3A_192 = arith.mulf %scan3A_110#6, %get3A_16 : vector<16xf32>
        %add3A_193 = arith.addf %add3A_191, %mul3A_192 : vector<16xf32>
        %mul3A_194 = arith.mulf %scan3A_116#6, %get3A_21 : vector<16xf32>
        %add3A_195 = arith.addf %add3A_193, %mul3A_194 : vector<16xf32>
        %swap3A_196 = arith.index_cast %mul3A_93 : i32 to index
        %swap3A_197 = arith.constant 96 : index
        %swap3A_198 = tpu.vector_load %arg10[%swap3A_196, %swap3A_197] {strides = array<i32>} : memref<64x128xf32, #tpu.memory_space<vmem>>, vector<1x16xf32>,
        %swap3A_199 = vector.shape_cast %swap3A_198 : vector<1x16xf32> to vector<16xf32>
        %swap3A_200 = vector.shape_cast %add3A_195 : vector<16xf32> to vector<1x16xf32>
        tpu.vector_store %arg10[%swap3A_196, %swap3A_197], %swap3A_200 {strides = array<i32>} : memref<64x128xf32, #tpu.memory_space<vmem>>, vector<1x16xf32>,
        %mul3A_201 = arith.mulf %scan3A_98#7, %get3A_6 : vector<16xf32>
        %mul3A_202 = arith.mulf %scan3A_104#7, %get3A_11 : vector<16xf32>
        %add3A_203 = arith.addf %mul3A_201, %mul3A_202 : vector<16xf32>
        %mul3A_204 = arith.mulf %scan3A_110#7, %get3A_16 : vector<16xf32>
        %add3A_205 = arith.addf %add3A_203, %mul3A_204 : vector<16xf32>
        %mul3A_206 = arith.mulf %scan3A_116#7, %get3A_21 : vector<16xf32>
        %add3A_207 = arith.addf %add3A_205, %mul3A_206 : vector<16xf32>
        %swap3A_208 = arith.index_cast %mul3A_93 : i32 to index
        %swap3A_209 = arith.constant 112 : index
        %swap3A_210 = tpu.vector_load %arg10[%swap3A_208, %swap3A_209] {strides = array<i32>} : memref<64x128xf32, #tpu.memory_space<vmem>>, vector<1x16xf32>,
        %swap3A_211 = vector.shape_cast %swap3A_210 : vector<1x16xf32> to vector<16xf32>
        %swap3A_212 = vector.shape_cast %add3A_207 : vector<16xf32> to vector<1x16xf32>
        tpu.vector_store %arg10[%swap3A_208, %swap3A_209], %swap3A_212 {strides = array<i32>} : memref<64x128xf32, #tpu.memory_space<vmem>>, vector<1x16xf32>,
        %lt3A = arith.constant 31 : i32
        %lt3A_213 = arith.cmpi slt, %scan3A_62, %lt3A : i32
        %convert_element_type3A = arith.extui %lt3A_213 : i1 to i32
        %cond3A = arith.constant 0 : i32
        %cond3A_214 = arith.cmpi ne, %convert_element_type3A, %cond3A : i32
        scf.if %cond3A_214 {
          %mul3A_345 = arith.constant 2 : i32
          %mul3A_346 = arith.muli %mul3A_345, %scan3A_62 : i32
          %add3A_347 = arith.constant 2 : i32
          %add3A_348 = arith.addi %mul3A_346, %add3A_347 : i32
          %dma_start3A_349 = arith.constant 0 : i32
          %dma_start3A_350 = arith.constant 0 : i32
          %dma_start3A_351 = arith.constant 0 : i32
          %dma_start3A_352 = tpu.memref_slice %arg7[%dma_start3A_350, %dma_start3A_351] : memref<192x128xf32, #tpu.memory_space<vmem>> -> memref<96x128xf32, #tpu.memory_space<vmem>>
          %dma_start3A_353 = arith.constant 0 : i32
          %dma_start3A_354 = tpu.memref_slice %arg6[%add3A_348, %dma_start3A_349, %dma_start3A_353] : memref<64x2x96xi32, #tpu.memory_space<vmem>> -> memref<1x1x96xi32, #tpu.memory_space<vmem>>
          %dma_start3A_355 = tpu.memref_squeeze %dma_start3A_354 : memref<1x1x96xi32, #tpu.memory_space<vmem>> -> memref<96xi32, #tpu.memory_space<vmem>>
          %dma_start3A_356 = arith.constant 0 : i32
          %dma_start3A_357 = arith.constant 0 : i32
          %dma_start3A_358 = tpu.memref_slice %arg2[%dma_start3A_356, %dma_start3A_357] : memref<100000x128xf32, #tpu.memory_space<hbm>> -> memref<100000x128xf32, #tpu.memory_space<hbm>>
          tpu.enqueue_indirect_dma source(%dma_start3A_358 : memref<100000x128xf32, #tpu.memory_space<hbm>>) target(%dma_start3A_352 : memref<96x128xf32, #tpu.memory_space<vmem>>) offsets(%dma_start3A_355 : memref<96xi32, #tpu.memory_space<vmem>>) semaphore(%arg11 : memref<!tpu.dma_semaphore, #tpu.memory_space<semaphore_mem>>)
          %dma_start3A_359 = arith.constant 1 : i32
          %dma_start3A_360 = arith.constant 96 : i32
          %dma_start3A_361 = arith.constant 0 : i32
          %dma_start3A_362 = tpu.memref_slice %arg7[%dma_start3A_360, %dma_start3A_361] : memref<192x128xf32, #tpu.memory_space<vmem>> -> memref<96x128xf32, #tpu.memory_space<vmem>>
          %dma_start3A_363 = arith.constant 0 : i32
          %dma_start3A_364 = tpu.memref_slice %arg6[%add3A_348, %dma_start3A_359, %dma_start3A_363] : memref<64x2x96xi32, #tpu.memory_space<vmem>> -> memref<1x1x96xi32, #tpu.memory_space<vmem>>
          %dma_start3A_365 = tpu.memref_squeeze %dma_start3A_364 : memref<1x1x96xi32, #tpu.memory_space<vmem>> -> memref<96xi32, #tpu.memory_space<vmem>>
          %dma_start3A_366 = arith.constant 0 : i32
          %dma_start3A_367 = arith.constant 0 : i32
          %dma_start3A_368 = tpu.memref_slice %arg2[%dma_start3A_366, %dma_start3A_367] : memref<100000x128xf32, #tpu.memory_space<hbm>> -> memref<100000x128xf32, #tpu.memory_space<hbm>>
          tpu.enqueue_indirect_dma source(%dma_start3A_368 : memref<100000x128xf32, #tpu.memory_space<hbm>>) target(%dma_start3A_362 : memref<96x128xf32, #tpu.memory_space<vmem>>) offsets(%dma_start3A_365 : memref<96xi32, #tpu.memory_space<vmem>>) semaphore(%arg11 : memref<!tpu.dma_semaphore, #tpu.memory_space<semaphore_mem>>)
        } else {
        }
        %dma_wait3A_215 = arith.constant 0 : i32
        %dma_wait3A_216 = arith.constant 0 : i32
        %dma_wait3A_217 = tpu.memref_slice %arg2[%dma_wait3A_215, %dma_wait3A_216] : memref<100000x128xf32, #tpu.memory_space<hbm>> -> memref<192x128xf32, #tpu.memory_space<hbm>>
        %dma_wait3A_218 = arith.constant 0 : i32
        %dma_wait3A_219 = arith.constant 0 : i32
        %dma_wait3A_220 = tpu.memref_slice %arg2[%dma_wait3A_218, %dma_wait3A_219] : memref<100000x128xf32, #tpu.memory_space<hbm>> -> memref<192x128xf32, #tpu.memory_space<hbm>>
        tpu.wait_dma2 semaphore(%arg12 : memref<!tpu.dma_semaphore, #tpu.memory_space<semaphore_mem>>) src(%dma_wait3A_220 : memref<192x128xf32, #tpu.memory_space<hbm>>) dst(%arg8 : memref<192x128xf32, #tpu.memory_space<vmem>>)
        %mul3A_221 = arith.constant 2 : i32
        %mul3A_222 = arith.muli %mul3A_221, %scan3A_62 : i32
        %add3A_223 = arith.constant 1 : i32
        %add3A_224 = arith.addi %mul3A_222, %add3A_223 : i32
        %scan3A_225 = arith.constant 0 : i32
        %scan3A_226 = arith.constant 2 : i32
        %scan3A_227 = arith.addi %scan3A_225, %scan3A_226 : i32
        %scan3A_228 = arith.constant 1 : i32
        %scan3A_229:8 = scf.for %scan3A_345 = %scan3A_225 to %scan3A_227 step %scan3A_228 iter_args(%scan3A_346 = %broadcast_in_dim3A_22, %scan3A_347 = %broadcast_in_dim3A_22, %scan3A_348 = %broadcast_in_dim3A_22, %scan3A_349 = %broadcast_in_dim3A_22, %scan3A_350 = %broadcast_in_dim3A_22, %scan3A_351 = %broadcast_in_dim3A_22, %scan3A_352 = %broadcast_in_dim3A_22, %scan3A_353 = %broadcast_in_dim3A_22) -> (vector<16xf32>, vector<16xf32>, vector<16xf32>, vector<16xf32>, vector<16xf32>, vector<16xf32>, vector<16xf32>, vector<16xf32>)  : i32 {
          %mul3A_354 = arith.constant 10 : i32
          %mul3A_355 = arith.muli %scan3A_345, %mul3A_354 : i32
          %add3A_356 = arith.constant 0 : i32
          %add3A_357 = arith.addi %add3A_356, %mul3A_355 : i32
          %add3A_358 = arith.constant 0 : i32
          %add3A_359 = arith.addi %add3A_357, %add3A_358 : i32
          %get3A_360 = arith.index_cast %add3A_359 : i32 to index
          %get3A_361 = arith.constant 0 : index
          %get3A_362 = tpu.vector_load %arg8[%get3A_360, %get3A_361] {strides = array<i32>} : memref<192x128xf32, #tpu.memory_space<vmem>>, vector<1x16xf32>,
          %get3A_363 = vector.shape_cast %get3A_362 : vector<1x16xf32> to vector<16xf32>
          %add3A_364 = arith.addf %scan3A_346, %get3A_363 : vector<16xf32>
          %add3A_365 = arith.constant 0 : i32
          %add3A_366 = arith.addi %add3A_357, %add3A_365 : i32
          %get3A_367 = arith.index_cast %add3A_366 : i32 to index
          %get3A_368 = arith.constant 16 : index
          %get3A_369 = tpu.vector_load %arg8[%get3A_367, %get3A_368] {strides = array<i32>} : memref<192x128xf32, #tpu.memory_space<vmem>>, vector<1x16xf32>,
          %get3A_370 = vector.shape_cast %get3A_369 : vector<1x16xf32> to vector<16xf32>
          %add3A_371 = arith.addf %scan3A_347, %get3A_370 : vector<16xf32>
          %add3A_372 = arith.constant 0 : i32
          %add3A_373 = arith.addi %add3A_357, %add3A_372 : i32
          %get3A_374 = arith.index_cast %add3A_373 : i32 to index
          %get3A_375 = arith.constant 32 : index
          %get3A_376 = tpu.vector_load %arg8[%get3A_374, %get3A_375] {strides = array<i32>} : memref<192x128xf32, #tpu.memory_space<vmem>>, vector<1x16xf32>,
          %get3A_377 = vector.shape_cast %get3A_376 : vector<1x16xf32> to vector<16xf32>
          %add3A_378 = arith.addf %scan3A_348, %get3A_377 : vector<16xf32>
          %add3A_379 = arith.constant 0 : i32
          %add3A_380 = arith.addi %add3A_357, %add3A_379 : i32
          %get3A_381 = arith.index_cast %add3A_380 : i32 to index
          %get3A_382 = arith.constant 48 : index
          %get3A_383 = tpu.vector_load %arg8[%get3A_381, %get3A_382] {strides = array<i32>} : memref<192x128xf32, #tpu.memory_space<vmem>>, vector<1x16xf32>,
          %get3A_384 = vector.shape_cast %get3A_383 : vector<1x16xf32> to vector<16xf32>
          %add3A_385 = arith.addf %scan3A_349, %get3A_384 : vector<16xf32>
          %add3A_386 = arith.constant 0 : i32
          %add3A_387 = arith.addi %add3A_357, %add3A_386 : i32
          %get3A_388 = arith.index_cast %add3A_387 : i32 to index
          %get3A_389 = arith.constant 64 : index
          %get3A_390 = tpu.vector_load %arg8[%get3A_388, %get3A_389] {strides = array<i32>} : memref<192x128xf32, #tpu.memory_space<vmem>>, vector<1x16xf32>,
          %get3A_391 = vector.shape_cast %get3A_390 : vector<1x16xf32> to vector<16xf32>
          %add3A_392 = arith.addf %scan3A_350, %get3A_391 : vector<16xf32>
          %add3A_393 = arith.constant 0 : i32
          %add3A_394 = arith.addi %add3A_357, %add3A_393 : i32
          %get3A_395 = arith.index_cast %add3A_394 : i32 to index
          %get3A_396 = arith.constant 80 : index
          %get3A_397 = tpu.vector_load %arg8[%get3A_395, %get3A_396] {strides = array<i32>} : memref<192x128xf32, #tpu.memory_space<vmem>>, vector<1x16xf32>,
          %get3A_398 = vector.shape_cast %get3A_397 : vector<1x16xf32> to vector<16xf32>
          %add3A_399 = arith.addf %scan3A_351, %get3A_398 : vector<16xf32>
          %add3A_400 = arith.constant 0 : i32
          %add3A_401 = arith.addi %add3A_357, %add3A_400 : i32
          %get3A_402 = arith.index_cast %add3A_401 : i32 to index
          %get3A_403 = arith.constant 96 : index
          %get3A_404 = tpu.vector_load %arg8[%get3A_402, %get3A_403] {strides = array<i32>} : memref<192x128xf32, #tpu.memory_space<vmem>>, vector<1x16xf32>,
          %get3A_405 = vector.shape_cast %get3A_404 : vector<1x16xf32> to vector<16xf32>
          %add3A_406 = arith.addf %scan3A_352, %get3A_405 : vector<16xf32>
          %add3A_407 = arith.constant 0 : i32
          %add3A_408 = arith.addi %add3A_357, %add3A_407 : i32
          %get3A_409 = arith.index_cast %add3A_408 : i32 to index
          %get3A_410 = arith.constant 112 : index
          %get3A_411 = tpu.vector_load %arg8[%get3A_409, %get3A_410] {strides = array<i32>} : memref<192x128xf32, #tpu.memory_space<vmem>>, vector<1x16xf32>,
          %get3A_412 = vector.shape_cast %get3A_411 : vector<1x16xf32> to vector<16xf32>
          %add3A_413 = arith.addf %scan3A_353, %get3A_412 : vector<16xf32>
          %add3A_414 = arith.constant 1 : i32
          %add3A_415 = arith.addi %add3A_357, %add3A_414 : i32
          %get3A_416 = arith.index_cast %add3A_415 : i32 to index
          %get3A_417 = arith.constant 0 : index
          %get3A_418 = tpu.vector_load %arg8[%get3A_416, %get3A_417] {strides = array<i32>} : memref<192x128xf32, #tpu.memory_space<vmem>>, vector<1x16xf32>,
          %get3A_419 = vector.shape_cast %get3A_418 : vector<1x16xf32> to vector<16xf32>
          %add3A_420 = arith.addf %add3A_364, %get3A_419 : vector<16xf32>
          %add3A_421 = arith.constant 1 : i32
          %add3A_422 = arith.addi %add3A_357, %add3A_421 : i32
          %get3A_423 = arith.index_cast %add3A_422 : i32 to index
          %get3A_424 = arith.constant 16 : index
          %get3A_425 = tpu.vector_load %arg8[%get3A_423, %get3A_424] {strides = array<i32>} : memref<192x128xf32, #tpu.memory_space<vmem>>, vector<1x16xf32>,
          %get3A_426 = vector.shape_cast %get3A_425 : vector<1x16xf32> to vector<16xf32>
          %add3A_427 = arith.addf %add3A_371, %get3A_426 : vector<16xf32>
          %add3A_428 = arith.constant 1 : i32
          %add3A_429 = arith.addi %add3A_357, %add3A_428 : i32
          %get3A_430 = arith.index_cast %add3A_429 : i32 to index
          %get3A_431 = arith.constant 32 : index
          %get3A_432 = tpu.vector_load %arg8[%get3A_430, %get3A_431] {strides = array<i32>} : memref<192x128xf32, #tpu.memory_space<vmem>>, vector<1x16xf32>,
          %get3A_433 = vector.shape_cast %get3A_432 : vector<1x16xf32> to vector<16xf32>
          %add3A_434 = arith.addf %add3A_378, %get3A_433 : vector<16xf32>
          %add3A_435 = arith.constant 1 : i32
          %add3A_436 = arith.addi %add3A_357, %add3A_435 : i32
          %get3A_437 = arith.index_cast %add3A_436 : i32 to index
          %get3A_438 = arith.constant 48 : index
          %get3A_439 = tpu.vector_load %arg8[%get3A_437, %get3A_438] {strides = array<i32>} : memref<192x128xf32, #tpu.memory_space<vmem>>, vector<1x16xf32>,
          %get3A_440 = vector.shape_cast %get3A_439 : vector<1x16xf32> to vector<16xf32>
          %add3A_441 = arith.addf %add3A_385, %get3A_440 : vector<16xf32>
          %add3A_442 = arith.constant 1 : i32
          %add3A_443 = arith.addi %add3A_357, %add3A_442 : i32
          %get3A_444 = arith.index_cast %add3A_443 : i32 to index
          %get3A_445 = arith.constant 64 : index
          %get3A_446 = tpu.vector_load %arg8[%get3A_444, %get3A_445] {strides = array<i32>} : memref<192x128xf32, #tpu.memory_space<vmem>>, vector<1x16xf32>,
          %get3A_447 = vector.shape_cast %get3A_446 : vector<1x16xf32> to vector<16xf32>
          %add3A_448 = arith.addf %add3A_392, %get3A_447 : vector<16xf32>
          %add3A_449 = arith.constant 1 : i32
          %add3A_450 = arith.addi %add3A_357, %add3A_449 : i32
          %get3A_451 = arith.index_cast %add3A_450 : i32 to index
          %get3A_452 = arith.constant 80 : index
          %get3A_453 = tpu.vector_load %arg8[%get3A_451, %get3A_452] {strides = array<i32>} : memref<192x128xf32, #tpu.memory_space<vmem>>, vector<1x16xf32>,
          %get3A_454 = vector.shape_cast %get3A_453 : vector<1x16xf32> to vector<16xf32>
          %add3A_455 = arith.addf %add3A_399, %get3A_454 : vector<16xf32>
          %add3A_456 = arith.constant 1 : i32
          %add3A_457 = arith.addi %add3A_357, %add3A_456 : i32
          %get3A_458 = arith.index_cast %add3A_457 : i32 to index
          %get3A_459 = arith.constant 96 : index
          %get3A_460 = tpu.vector_load %arg8[%get3A_458, %get3A_459] {strides = array<i32>} : memref<192x128xf32, #tpu.memory_space<vmem>>, vector<1x16xf32>,
          %get3A_461 = vector.shape_cast %get3A_460 : vector<1x16xf32> to vector<16xf32>
          %add3A_462 = arith.addf %add3A_406, %get3A_461 : vector<16xf32>
          %add3A_463 = arith.constant 1 : i32
          %add3A_464 = arith.addi %add3A_357, %add3A_463 : i32
          %get3A_465 = arith.index_cast %add3A_464 : i32 to index
          %get3A_466 = arith.constant 112 : index
          %get3A_467 = tpu.vector_load %arg8[%get3A_465, %get3A_466] {strides = array<i32>} : memref<192x128xf32, #tpu.memory_space<vmem>>, vector<1x16xf32>,
          %get3A_468 = vector.shape_cast %get3A_467 : vector<1x16xf32> to vector<16xf32>
          %add3A_469 = arith.addf %add3A_413, %get3A_468 : vector<16xf32>
          %add3A_470 = arith.constant 2 : i32
          %add3A_471 = arith.addi %add3A_357, %add3A_470 : i32
          %get3A_472 = arith.index_cast %add3A_471 : i32 to index
          %get3A_473 = arith.constant 0 : index
          %get3A_474 = tpu.vector_load %arg8[%get3A_472, %get3A_473] {strides = array<i32>} : memref<192x128xf32, #tpu.memory_space<vmem>>, vector<1x16xf32>,
          %get3A_475 = vector.shape_cast %get3A_474 : vector<1x16xf32> to vector<16xf32>
          %add3A_476 = arith.addf %add3A_420, %get3A_475 : vector<16xf32>
          %add3A_477 = arith.constant 2 : i32
          %add3A_478 = arith.addi %add3A_357, %add3A_477 : i32
          %get3A_479 = arith.index_cast %add3A_478 : i32 to index
          %get3A_480 = arith.constant 16 : index
          %get3A_481 = tpu.vector_load %arg8[%get3A_479, %get3A_480] {strides = array<i32>} : memref<192x128xf32, #tpu.memory_space<vmem>>, vector<1x16xf32>,
          %get3A_482 = vector.shape_cast %get3A_481 : vector<1x16xf32> to vector<16xf32>
          %add3A_483 = arith.addf %add3A_427, %get3A_482 : vector<16xf32>
          %add3A_484 = arith.constant 2 : i32
          %add3A_485 = arith.addi %add3A_357, %add3A_484 : i32
          %get3A_486 = arith.index_cast %add3A_485 : i32 to index
          %get3A_487 = arith.constant 32 : index
          %get3A_488 = tpu.vector_load %arg8[%get3A_486, %get3A_487] {strides = array<i32>} : memref<192x128xf32, #tpu.memory_space<vmem>>, vector<1x16xf32>,
          %get3A_489 = vector.shape_cast %get3A_488 : vector<1x16xf32> to vector<16xf32>
          %add3A_490 = arith.addf %add3A_434, %get3A_489 : vector<16xf32>
          %add3A_491 = arith.constant 2 : i32
          %add3A_492 = arith.addi %add3A_357, %add3A_491 : i32
          %get3A_493 = arith.index_cast %add3A_492 : i32 to index
          %get3A_494 = arith.constant 48 : index
          %get3A_495 = tpu.vector_load %arg8[%get3A_493, %get3A_494] {strides = array<i32>} : memref<192x128xf32, #tpu.memory_space<vmem>>, vector<1x16xf32>,
          %get3A_496 = vector.shape_cast %get3A_495 : vector<1x16xf32> to vector<16xf32>
          %add3A_497 = arith.addf %add3A_441, %get3A_496 : vector<16xf32>
          %add3A_498 = arith.constant 2 : i32
          %add3A_499 = arith.addi %add3A_357, %add3A_498 : i32
          %get3A_500 = arith.index_cast %add3A_499 : i32 to index
          %get3A_501 = arith.constant 64 : index
          %get3A_502 = tpu.vector_load %arg8[%get3A_500, %get3A_501] {strides = array<i32>} : memref<192x128xf32, #tpu.memory_space<vmem>>, vector<1x16xf32>,
          %get3A_503 = vector.shape_cast %get3A_502 : vector<1x16xf32> to vector<16xf32>
          %add3A_504 = arith.addf %add3A_448, %get3A_503 : vector<16xf32>
          %add3A_505 = arith.constant 2 : i32
          %add3A_506 = arith.addi %add3A_357, %add3A_505 : i32
          %get3A_507 = arith.index_cast %add3A_506 : i32 to index
          %get3A_508 = arith.constant 80 : index
          %get3A_509 = tpu.vector_load %arg8[%get3A_507, %get3A_508] {strides = array<i32>} : memref<192x128xf32, #tpu.memory_space<vmem>>, vector<1x16xf32>,
          %get3A_510 = vector.shape_cast %get3A_509 : vector<1x16xf32> to vector<16xf32>
          %add3A_511 = arith.addf %add3A_455, %get3A_510 : vector<16xf32>
          %add3A_512 = arith.constant 2 : i32
          %add3A_513 = arith.addi %add3A_357, %add3A_512 : i32
          %get3A_514 = arith.index_cast %add3A_513 : i32 to index
          %get3A_515 = arith.constant 96 : index
          %get3A_516 = tpu.vector_load %arg8[%get3A_514, %get3A_515] {strides = array<i32>} : memref<192x128xf32, #tpu.memory_space<vmem>>, vector<1x16xf32>,
          %get3A_517 = vector.shape_cast %get3A_516 : vector<1x16xf32> to vector<16xf32>
          %add3A_518 = arith.addf %add3A_462, %get3A_517 : vector<16xf32>
          %add3A_519 = arith.constant 2 : i32
          %add3A_520 = arith.addi %add3A_357, %add3A_519 : i32
          %get3A_521 = arith.index_cast %add3A_520 : i32 to index
          %get3A_522 = arith.constant 112 : index
          %get3A_523 = tpu.vector_load %arg8[%get3A_521, %get3A_522] {strides = array<i32>} : memref<192x128xf32, #tpu.memory_space<vmem>>, vector<1x16xf32>,
          %get3A_524 = vector.shape_cast %get3A_523 : vector<1x16xf32> to vector<16xf32>
          %add3A_525 = arith.addf %add3A_469, %get3A_524 : vector<16xf32>
          %add3A_526 = arith.constant 3 : i32
          %add3A_527 = arith.addi %add3A_357, %add3A_526 : i32
          %get3A_528 = arith.index_cast %add3A_527 : i32 to index
          %get3A_529 = arith.constant 0 : index
          %get3A_530 = tpu.vector_load %arg8[%get3A_528, %get3A_529] {strides = array<i32>} : memref<192x128xf32, #tpu.memory_space<vmem>>, vector<1x16xf32>,
          %get3A_531 = vector.shape_cast %get3A_530 : vector<1x16xf32> to vector<16xf32>
          %add3A_532 = arith.addf %add3A_476, %get3A_531 : vector<16xf32>
          %add3A_533 = arith.constant 3 : i32
          %add3A_534 = arith.addi %add3A_357, %add3A_533 : i32
          %get3A_535 = arith.index_cast %add3A_534 : i32 to index
          %get3A_536 = arith.constant 16 : index
          %get3A_537 = tpu.vector_load %arg8[%get3A_535, %get3A_536] {strides = array<i32>} : memref<192x128xf32, #tpu.memory_space<vmem>>, vector<1x16xf32>,
          %get3A_538 = vector.shape_cast %get3A_537 : vector<1x16xf32> to vector<16xf32>
          %add3A_539 = arith.addf %add3A_483, %get3A_538 : vector<16xf32>
          %add3A_540 = arith.constant 3 : i32
          %add3A_541 = arith.addi %add3A_357, %add3A_540 : i32
          %get3A_542 = arith.index_cast %add3A_541 : i32 to index
          %get3A_543 = arith.constant 32 : index
          %get3A_544 = tpu.vector_load %arg8[%get3A_542, %get3A_543] {strides = array<i32>} : memref<192x128xf32, #tpu.memory_space<vmem>>, vector<1x16xf32>,
          %get3A_545 = vector.shape_cast %get3A_544 : vector<1x16xf32> to vector<16xf32>
          %add3A_546 = arith.addf %add3A_490, %get3A_545 : vector<16xf32>
          %add3A_547 = arith.constant 3 : i32
          %add3A_548 = arith.addi %add3A_357, %add3A_547 : i32
          %get3A_549 = arith.index_cast %add3A_548 : i32 to index
          %get3A_550 = arith.constant 48 : index
          %get3A_551 = tpu.vector_load %arg8[%get3A_549, %get3A_550] {strides = array<i32>} : memref<192x128xf32, #tpu.memory_space<vmem>>, vector<1x16xf32>,
          %get3A_552 = vector.shape_cast %get3A_551 : vector<1x16xf32> to vector<16xf32>
          %add3A_553 = arith.addf %add3A_497, %get3A_552 : vector<16xf32>
          %add3A_554 = arith.constant 3 : i32
          %add3A_555 = arith.addi %add3A_357, %add3A_554 : i32
          %get3A_556 = arith.index_cast %add3A_555 : i32 to index
          %get3A_557 = arith.constant 64 : index
          %get3A_558 = tpu.vector_load %arg8[%get3A_556, %get3A_557] {strides = array<i32>} : memref<192x128xf32, #tpu.memory_space<vmem>>, vector<1x16xf32>,
          %get3A_559 = vector.shape_cast %get3A_558 : vector<1x16xf32> to vector<16xf32>
          %add3A_560 = arith.addf %add3A_504, %get3A_559 : vector<16xf32>
          %add3A_561 = arith.constant 3 : i32
          %add3A_562 = arith.addi %add3A_357, %add3A_561 : i32
          %get3A_563 = arith.index_cast %add3A_562 : i32 to index
          %get3A_564 = arith.constant 80 : index
          %get3A_565 = tpu.vector_load %arg8[%get3A_563, %get3A_564] {strides = array<i32>} : memref<192x128xf32, #tpu.memory_space<vmem>>, vector<1x16xf32>,
          %get3A_566 = vector.shape_cast %get3A_565 : vector<1x16xf32> to vector<16xf32>
          %add3A_567 = arith.addf %add3A_511, %get3A_566 : vector<16xf32>
          %add3A_568 = arith.constant 3 : i32
          %add3A_569 = arith.addi %add3A_357, %add3A_568 : i32
          %get3A_570 = arith.index_cast %add3A_569 : i32 to index
          %get3A_571 = arith.constant 96 : index
          %get3A_572 = tpu.vector_load %arg8[%get3A_570, %get3A_571] {strides = array<i32>} : memref<192x128xf32, #tpu.memory_space<vmem>>, vector<1x16xf32>,
          %get3A_573 = vector.shape_cast %get3A_572 : vector<1x16xf32> to vector<16xf32>
          %add3A_574 = arith.addf %add3A_518, %get3A_573 : vector<16xf32>
          %add3A_575 = arith.constant 3 : i32
          %add3A_576 = arith.addi %add3A_357, %add3A_575 : i32
          %get3A_577 = arith.index_cast %add3A_576 : i32 to index
          %get3A_578 = arith.constant 112 : index
          %get3A_579 = tpu.vector_load %arg8[%get3A_577, %get3A_578] {strides = array<i32>} : memref<192x128xf32, #tpu.memory_space<vmem>>, vector<1x16xf32>,
          %get3A_580 = vector.shape_cast %get3A_579 : vector<1x16xf32> to vector<16xf32>
          %add3A_581 = arith.addf %add3A_525, %get3A_580 : vector<16xf32>
          %add3A_582 = arith.constant 4 : i32
          %add3A_583 = arith.addi %add3A_357, %add3A_582 : i32
          %get3A_584 = arith.index_cast %add3A_583 : i32 to index
          %get3A_585 = arith.constant 0 : index
          %get3A_586 = tpu.vector_load %arg8[%get3A_584, %get3A_585] {strides = array<i32>} : memref<192x128xf32, #tpu.memory_space<vmem>>, vector<1x16xf32>,
          %get3A_587 = vector.shape_cast %get3A_586 : vector<1x16xf32> to vector<16xf32>
          %add3A_588 = arith.addf %add3A_532, %get3A_587 : vector<16xf32>
          %add3A_589 = arith.constant 4 : i32
          %add3A_590 = arith.addi %add3A_357, %add3A_589 : i32
          %get3A_591 = arith.index_cast %add3A_590 : i32 to index
          %get3A_592 = arith.constant 16 : index
          %get3A_593 = tpu.vector_load %arg8[%get3A_591, %get3A_592] {strides = array<i32>} : memref<192x128xf32, #tpu.memory_space<vmem>>, vector<1x16xf32>,
          %get3A_594 = vector.shape_cast %get3A_593 : vector<1x16xf32> to vector<16xf32>
          %add3A_595 = arith.addf %add3A_539, %get3A_594 : vector<16xf32>
          %add3A_596 = arith.constant 4 : i32
          %add3A_597 = arith.addi %add3A_357, %add3A_596 : i32
          %get3A_598 = arith.index_cast %add3A_597 : i32 to index
          %get3A_599 = arith.constant 32 : index
          %get3A_600 = tpu.vector_load %arg8[%get3A_598, %get3A_599] {strides = array<i32>} : memref<192x128xf32, #tpu.memory_space<vmem>>, vector<1x16xf32>,
          %get3A_601 = vector.shape_cast %get3A_600 : vector<1x16xf32> to vector<16xf32>
          %add3A_602 = arith.addf %add3A_546, %get3A_601 : vector<16xf32>
          %add3A_603 = arith.constant 4 : i32
          %add3A_604 = arith.addi %add3A_357, %add3A_603 : i32
          %get3A_605 = arith.index_cast %add3A_604 : i32 to index
          %get3A_606 = arith.constant 48 : index
          %get3A_607 = tpu.vector_load %arg8[%get3A_605, %get3A_606] {strides = array<i32>} : memref<192x128xf32, #tpu.memory_space<vmem>>, vector<1x16xf32>,
          %get3A_608 = vector.shape_cast %get3A_607 : vector<1x16xf32> to vector<16xf32>
          %add3A_609 = arith.addf %add3A_553, %get3A_608 : vector<16xf32>
          %add3A_610 = arith.constant 4 : i32
          %add3A_611 = arith.addi %add3A_357, %add3A_610 : i32
          %get3A_612 = arith.index_cast %add3A_611 : i32 to index
          %get3A_613 = arith.constant 64 : index
          %get3A_614 = tpu.vector_load %arg8[%get3A_612, %get3A_613] {strides = array<i32>} : memref<192x128xf32, #tpu.memory_space<vmem>>, vector<1x16xf32>,
          %get3A_615 = vector.shape_cast %get3A_614 : vector<1x16xf32> to vector<16xf32>
          %add3A_616 = arith.addf %add3A_560, %get3A_615 : vector<16xf32>
          %add3A_617 = arith.constant 4 : i32
          %add3A_618 = arith.addi %add3A_357, %add3A_617 : i32
          %get3A_619 = arith.index_cast %add3A_618 : i32 to index
          %get3A_620 = arith.constant 80 : index
          %get3A_621 = tpu.vector_load %arg8[%get3A_619, %get3A_620] {strides = array<i32>} : memref<192x128xf32, #tpu.memory_space<vmem>>, vector<1x16xf32>,
          %get3A_622 = vector.shape_cast %get3A_621 : vector<1x16xf32> to vector<16xf32>
          %add3A_623 = arith.addf %add3A_567, %get3A_622 : vector<16xf32>
          %add3A_624 = arith.constant 4 : i32
          %add3A_625 = arith.addi %add3A_357, %add3A_624 : i32
          %get3A_626 = arith.index_cast %add3A_625 : i32 to index
          %get3A_627 = arith.constant 96 : index
          %get3A_628 = tpu.vector_load %arg8[%get3A_626, %get3A_627] {strides = array<i32>} : memref<192x128xf32, #tpu.memory_space<vmem>>, vector<1x16xf32>,
          %get3A_629 = vector.shape_cast %get3A_628 : vector<1x16xf32> to vector<16xf32>
          %add3A_630 = arith.addf %add3A_574, %get3A_629 : vector<16xf32>
          %add3A_631 = arith.constant 4 : i32
          %add3A_632 = arith.addi %add3A_357, %add3A_631 : i32
          %get3A_633 = arith.index_cast %add3A_632 : i32 to index
          %get3A_634 = arith.constant 112 : index
          %get3A_635 = tpu.vector_load %arg8[%get3A_633, %get3A_634] {strides = array<i32>} : memref<192x128xf32, #tpu.memory_space<vmem>>, vector<1x16xf32>,
          %get3A_636 = vector.shape_cast %get3A_635 : vector<1x16xf32> to vector<16xf32>
          %add3A_637 = arith.addf %add3A_581, %get3A_636 : vector<16xf32>
          %add3A_638 = arith.constant 5 : i32
          %add3A_639 = arith.addi %add3A_357, %add3A_638 : i32
          %get3A_640 = arith.index_cast %add3A_639 : i32 to index
          %get3A_641 = arith.constant 0 : index
          %get3A_642 = tpu.vector_load %arg8[%get3A_640, %get3A_641] {strides = array<i32>} : memref<192x128xf32, #tpu.memory_space<vmem>>, vector<1x16xf32>,
          %get3A_643 = vector.shape_cast %get3A_642 : vector<1x16xf32> to vector<16xf32>
          %add3A_644 = arith.addf %add3A_588, %get3A_643 : vector<16xf32>
          %add3A_645 = arith.constant 5 : i32
          %add3A_646 = arith.addi %add3A_357, %add3A_645 : i32
          %get3A_647 = arith.index_cast %add3A_646 : i32 to index
          %get3A_648 = arith.constant 16 : index
          %get3A_649 = tpu.vector_load %arg8[%get3A_647, %get3A_648] {strides = array<i32>} : memref<192x128xf32, #tpu.memory_space<vmem>>, vector<1x16xf32>,
          %get3A_650 = vector.shape_cast %get3A_649 : vector<1x16xf32> to vector<16xf32>
          %add3A_651 = arith.addf %add3A_595, %get3A_650 : vector<16xf32>
          %add3A_652 = arith.constant 5 : i32
          %add3A_653 = arith.addi %add3A_357, %add3A_652 : i32
          %get3A_654 = arith.index_cast %add3A_653 : i32 to index
          %get3A_655 = arith.constant 32 : index
          %get3A_656 = tpu.vector_load %arg8[%get3A_654, %get3A_655] {strides = array<i32>} : memref<192x128xf32, #tpu.memory_space<vmem>>, vector<1x16xf32>,
          %get3A_657 = vector.shape_cast %get3A_656 : vector<1x16xf32> to vector<16xf32>
          %add3A_658 = arith.addf %add3A_602, %get3A_657 : vector<16xf32>
          %add3A_659 = arith.constant 5 : i32
          %add3A_660 = arith.addi %add3A_357, %add3A_659 : i32
          %get3A_661 = arith.index_cast %add3A_660 : i32 to index
          %get3A_662 = arith.constant 48 : index
          %get3A_663 = tpu.vector_load %arg8[%get3A_661, %get3A_662] {strides = array<i32>} : memref<192x128xf32, #tpu.memory_space<vmem>>, vector<1x16xf32>,
          %get3A_664 = vector.shape_cast %get3A_663 : vector<1x16xf32> to vector<16xf32>
          %add3A_665 = arith.addf %add3A_609, %get3A_664 : vector<16xf32>
          %add3A_666 = arith.constant 5 : i32
          %add3A_667 = arith.addi %add3A_357, %add3A_666 : i32
          %get3A_668 = arith.index_cast %add3A_667 : i32 to index
          %get3A_669 = arith.constant 64 : index
          %get3A_670 = tpu.vector_load %arg8[%get3A_668, %get3A_669] {strides = array<i32>} : memref<192x128xf32, #tpu.memory_space<vmem>>, vector<1x16xf32>,
          %get3A_671 = vector.shape_cast %get3A_670 : vector<1x16xf32> to vector<16xf32>
          %add3A_672 = arith.addf %add3A_616, %get3A_671 : vector<16xf32>
          %add3A_673 = arith.constant 5 : i32
          %add3A_674 = arith.addi %add3A_357, %add3A_673 : i32
          %get3A_675 = arith.index_cast %add3A_674 : i32 to index
          %get3A_676 = arith.constant 80 : index
          %get3A_677 = tpu.vector_load %arg8[%get3A_675, %get3A_676] {strides = array<i32>} : memref<192x128xf32, #tpu.memory_space<vmem>>, vector<1x16xf32>,
          %get3A_678 = vector.shape_cast %get3A_677 : vector<1x16xf32> to vector<16xf32>
          %add3A_679 = arith.addf %add3A_623, %get3A_678 : vector<16xf32>
          %add3A_680 = arith.constant 5 : i32
          %add3A_681 = arith.addi %add3A_357, %add3A_680 : i32
          %get3A_682 = arith.index_cast %add3A_681 : i32 to index
          %get3A_683 = arith.constant 96 : index
          %get3A_684 = tpu.vector_load %arg8[%get3A_682, %get3A_683] {strides = array<i32>} : memref<192x128xf32, #tpu.memory_space<vmem>>, vector<1x16xf32>,
          %get3A_685 = vector.shape_cast %get3A_684 : vector<1x16xf32> to vector<16xf32>
          %add3A_686 = arith.addf %add3A_630, %get3A_685 : vector<16xf32>
          %add3A_687 = arith.constant 5 : i32
          %add3A_688 = arith.addi %add3A_357, %add3A_687 : i32
          %get3A_689 = arith.index_cast %add3A_688 : i32 to index
          %get3A_690 = arith.constant 112 : index
          %get3A_691 = tpu.vector_load %arg8[%get3A_689, %get3A_690] {strides = array<i32>} : memref<192x128xf32, #tpu.memory_space<vmem>>, vector<1x16xf32>,
          %get3A_692 = vector.shape_cast %get3A_691 : vector<1x16xf32> to vector<16xf32>
          %add3A_693 = arith.addf %add3A_637, %get3A_692 : vector<16xf32>
          %add3A_694 = arith.constant 6 : i32
          %add3A_695 = arith.addi %add3A_357, %add3A_694 : i32
          %get3A_696 = arith.index_cast %add3A_695 : i32 to index
          %get3A_697 = arith.constant 0 : index
          %get3A_698 = tpu.vector_load %arg8[%get3A_696, %get3A_697] {strides = array<i32>} : memref<192x128xf32, #tpu.memory_space<vmem>>, vector<1x16xf32>,
          %get3A_699 = vector.shape_cast %get3A_698 : vector<1x16xf32> to vector<16xf32>
          %add3A_700 = arith.addf %add3A_644, %get3A_699 : vector<16xf32>
          %add3A_701 = arith.constant 6 : i32
          %add3A_702 = arith.addi %add3A_357, %add3A_701 : i32
          %get3A_703 = arith.index_cast %add3A_702 : i32 to index
          %get3A_704 = arith.constant 16 : index
          %get3A_705 = tpu.vector_load %arg8[%get3A_703, %get3A_704] {strides = array<i32>} : memref<192x128xf32, #tpu.memory_space<vmem>>, vector<1x16xf32>,
          %get3A_706 = vector.shape_cast %get3A_705 : vector<1x16xf32> to vector<16xf32>
          %add3A_707 = arith.addf %add3A_651, %get3A_706 : vector<16xf32>
          %add3A_708 = arith.constant 6 : i32
          %add3A_709 = arith.addi %add3A_357, %add3A_708 : i32
          %get3A_710 = arith.index_cast %add3A_709 : i32 to index
          %get3A_711 = arith.constant 32 : index
          %get3A_712 = tpu.vector_load %arg8[%get3A_710, %get3A_711] {strides = array<i32>} : memref<192x128xf32, #tpu.memory_space<vmem>>, vector<1x16xf32>,
          %get3A_713 = vector.shape_cast %get3A_712 : vector<1x16xf32> to vector<16xf32>
          %add3A_714 = arith.addf %add3A_658, %get3A_713 : vector<16xf32>
          %add3A_715 = arith.constant 6 : i32
          %add3A_716 = arith.addi %add3A_357, %add3A_715 : i32
          %get3A_717 = arith.index_cast %add3A_716 : i32 to index
          %get3A_718 = arith.constant 48 : index
          %get3A_719 = tpu.vector_load %arg8[%get3A_717, %get3A_718] {strides = array<i32>} : memref<192x128xf32, #tpu.memory_space<vmem>>, vector<1x16xf32>,
          %get3A_720 = vector.shape_cast %get3A_719 : vector<1x16xf32> to vector<16xf32>
          %add3A_721 = arith.addf %add3A_665, %get3A_720 : vector<16xf32>
          %add3A_722 = arith.constant 6 : i32
          %add3A_723 = arith.addi %add3A_357, %add3A_722 : i32
          %get3A_724 = arith.index_cast %add3A_723 : i32 to index
          %get3A_725 = arith.constant 64 : index
          %get3A_726 = tpu.vector_load %arg8[%get3A_724, %get3A_725] {strides = array<i32>} : memref<192x128xf32, #tpu.memory_space<vmem>>, vector<1x16xf32>,
          %get3A_727 = vector.shape_cast %get3A_726 : vector<1x16xf32> to vector<16xf32>
          %add3A_728 = arith.addf %add3A_672, %get3A_727 : vector<16xf32>
          %add3A_729 = arith.constant 6 : i32
          %add3A_730 = arith.addi %add3A_357, %add3A_729 : i32
          %get3A_731 = arith.index_cast %add3A_730 : i32 to index
          %get3A_732 = arith.constant 80 : index
          %get3A_733 = tpu.vector_load %arg8[%get3A_731, %get3A_732] {strides = array<i32>} : memref<192x128xf32, #tpu.memory_space<vmem>>, vector<1x16xf32>,
          %get3A_734 = vector.shape_cast %get3A_733 : vector<1x16xf32> to vector<16xf32>
          %add3A_735 = arith.addf %add3A_679, %get3A_734 : vector<16xf32>
          %add3A_736 = arith.constant 6 : i32
          %add3A_737 = arith.addi %add3A_357, %add3A_736 : i32
          %get3A_738 = arith.index_cast %add3A_737 : i32 to index
          %get3A_739 = arith.constant 96 : index
          %get3A_740 = tpu.vector_load %arg8[%get3A_738, %get3A_739] {strides = array<i32>} : memref<192x128xf32, #tpu.memory_space<vmem>>, vector<1x16xf32>,
          %get3A_741 = vector.shape_cast %get3A_740 : vector<1x16xf32> to vector<16xf32>
          %add3A_742 = arith.addf %add3A_686, %get3A_741 : vector<16xf32>
          %add3A_743 = arith.constant 6 : i32
          %add3A_744 = arith.addi %add3A_357, %add3A_743 : i32
          %get3A_745 = arith.index_cast %add3A_744 : i32 to index
          %get3A_746 = arith.constant 112 : index
          %get3A_747 = tpu.vector_load %arg8[%get3A_745, %get3A_746] {strides = array<i32>} : memref<192x128xf32, #tpu.memory_space<vmem>>, vector<1x16xf32>,
          %get3A_748 = vector.shape_cast %get3A_747 : vector<1x16xf32> to vector<16xf32>
          %add3A_749 = arith.addf %add3A_693, %get3A_748 : vector<16xf32>
          %add3A_750 = arith.constant 7 : i32
          %add3A_751 = arith.addi %add3A_357, %add3A_750 : i32
          %get3A_752 = arith.index_cast %add3A_751 : i32 to index
          %get3A_753 = arith.constant 0 : index
          %get3A_754 = tpu.vector_load %arg8[%get3A_752, %get3A_753] {strides = array<i32>} : memref<192x128xf32, #tpu.memory_space<vmem>>, vector<1x16xf32>,
          %get3A_755 = vector.shape_cast %get3A_754 : vector<1x16xf32> to vector<16xf32>
          %add3A_756 = arith.addf %add3A_700, %get3A_755 : vector<16xf32>
          %add3A_757 = arith.constant 7 : i32
          %add3A_758 = arith.addi %add3A_357, %add3A_757 : i32
          %get3A_759 = arith.index_cast %add3A_758 : i32 to index
          %get3A_760 = arith.constant 16 : index
          %get3A_761 = tpu.vector_load %arg8[%get3A_759, %get3A_760] {strides = array<i32>} : memref<192x128xf32, #tpu.memory_space<vmem>>, vector<1x16xf32>,
          %get3A_762 = vector.shape_cast %get3A_761 : vector<1x16xf32> to vector<16xf32>
          %add3A_763 = arith.addf %add3A_707, %get3A_762 : vector<16xf32>
          %add3A_764 = arith.constant 7 : i32
          %add3A_765 = arith.addi %add3A_357, %add3A_764 : i32
          %get3A_766 = arith.index_cast %add3A_765 : i32 to index
          %get3A_767 = arith.constant 32 : index
          %get3A_768 = tpu.vector_load %arg8[%get3A_766, %get3A_767] {strides = array<i32>} : memref<192x128xf32, #tpu.memory_space<vmem>>, vector<1x16xf32>,
          %get3A_769 = vector.shape_cast %get3A_768 : vector<1x16xf32> to vector<16xf32>
          %add3A_770 = arith.addf %add3A_714, %get3A_769 : vector<16xf32>
          %add3A_771 = arith.constant 7 : i32
          %add3A_772 = arith.addi %add3A_357, %add3A_771 : i32
          %get3A_773 = arith.index_cast %add3A_772 : i32 to index
          %get3A_774 = arith.constant 48 : index
          %get3A_775 = tpu.vector_load %arg8[%get3A_773, %get3A_774] {strides = array<i32>} : memref<192x128xf32, #tpu.memory_space<vmem>>, vector<1x16xf32>,
          %get3A_776 = vector.shape_cast %get3A_775 : vector<1x16xf32> to vector<16xf32>
          %add3A_777 = arith.addf %add3A_721, %get3A_776 : vector<16xf32>
          %add3A_778 = arith.constant 7 : i32
          %add3A_779 = arith.addi %add3A_357, %add3A_778 : i32
          %get3A_780 = arith.index_cast %add3A_779 : i32 to index
          %get3A_781 = arith.constant 64 : index
          %get3A_782 = tpu.vector_load %arg8[%get3A_780, %get3A_781] {strides = array<i32>} : memref<192x128xf32, #tpu.memory_space<vmem>>, vector<1x16xf32>,
          %get3A_783 = vector.shape_cast %get3A_782 : vector<1x16xf32> to vector<16xf32>
          %add3A_784 = arith.addf %add3A_728, %get3A_783 : vector<16xf32>
          %add3A_785 = arith.constant 7 : i32
          %add3A_786 = arith.addi %add3A_357, %add3A_785 : i32
          %get3A_787 = arith.index_cast %add3A_786 : i32 to index
          %get3A_788 = arith.constant 80 : index
          %get3A_789 = tpu.vector_load %arg8[%get3A_787, %get3A_788] {strides = array<i32>} : memref<192x128xf32, #tpu.memory_space<vmem>>, vector<1x16xf32>,
          %get3A_790 = vector.shape_cast %get3A_789 : vector<1x16xf32> to vector<16xf32>
          %add3A_791 = arith.addf %add3A_735, %get3A_790 : vector<16xf32>
          %add3A_792 = arith.constant 7 : i32
          %add3A_793 = arith.addi %add3A_357, %add3A_792 : i32
          %get3A_794 = arith.index_cast %add3A_793 : i32 to index
          %get3A_795 = arith.constant 96 : index
          %get3A_796 = tpu.vector_load %arg8[%get3A_794, %get3A_795] {strides = array<i32>} : memref<192x128xf32, #tpu.memory_space<vmem>>, vector<1x16xf32>,
          %get3A_797 = vector.shape_cast %get3A_796 : vector<1x16xf32> to vector<16xf32>
          %add3A_798 = arith.addf %add3A_742, %get3A_797 : vector<16xf32>
          %add3A_799 = arith.constant 7 : i32
          %add3A_800 = arith.addi %add3A_357, %add3A_799 : i32
          %get3A_801 = arith.index_cast %add3A_800 : i32 to index
          %get3A_802 = arith.constant 112 : index
          %get3A_803 = tpu.vector_load %arg8[%get3A_801, %get3A_802] {strides = array<i32>} : memref<192x128xf32, #tpu.memory_space<vmem>>, vector<1x16xf32>,
          %get3A_804 = vector.shape_cast %get3A_803 : vector<1x16xf32> to vector<16xf32>
          %add3A_805 = arith.addf %add3A_749, %get3A_804 : vector<16xf32>
          %add3A_806 = arith.constant 8 : i32
          %add3A_807 = arith.addi %add3A_357, %add3A_806 : i32
          %get3A_808 = arith.index_cast %add3A_807 : i32 to index
          %get3A_809 = arith.constant 0 : index
          %get3A_810 = tpu.vector_load %arg8[%get3A_808, %get3A_809] {strides = array<i32>} : memref<192x128xf32, #tpu.memory_space<vmem>>, vector<1x16xf32>,
          %get3A_811 = vector.shape_cast %get3A_810 : vector<1x16xf32> to vector<16xf32>
          %add3A_812 = arith.addf %add3A_756, %get3A_811 : vector<16xf32>
          %add3A_813 = arith.constant 8 : i32
          %add3A_814 = arith.addi %add3A_357, %add3A_813 : i32
          %get3A_815 = arith.index_cast %add3A_814 : i32 to index
          %get3A_816 = arith.constant 16 : index
          %get3A_817 = tpu.vector_load %arg8[%get3A_815, %get3A_816] {strides = array<i32>} : memref<192x128xf32, #tpu.memory_space<vmem>>, vector<1x16xf32>,
          %get3A_818 = vector.shape_cast %get3A_817 : vector<1x16xf32> to vector<16xf32>
          %add3A_819 = arith.addf %add3A_763, %get3A_818 : vector<16xf32>
          %add3A_820 = arith.constant 8 : i32
          %add3A_821 = arith.addi %add3A_357, %add3A_820 : i32
          %get3A_822 = arith.index_cast %add3A_821 : i32 to index
          %get3A_823 = arith.constant 32 : index
          %get3A_824 = tpu.vector_load %arg8[%get3A_822, %get3A_823] {strides = array<i32>} : memref<192x128xf32, #tpu.memory_space<vmem>>, vector<1x16xf32>,
          %get3A_825 = vector.shape_cast %get3A_824 : vector<1x16xf32> to vector<16xf32>
          %add3A_826 = arith.addf %add3A_770, %get3A_825 : vector<16xf32>
          %add3A_827 = arith.constant 8 : i32
          %add3A_828 = arith.addi %add3A_357, %add3A_827 : i32
          %get3A_829 = arith.index_cast %add3A_828 : i32 to index
          %get3A_830 = arith.constant 48 : index
          %get3A_831 = tpu.vector_load %arg8[%get3A_829, %get3A_830] {strides = array<i32>} : memref<192x128xf32, #tpu.memory_space<vmem>>, vector<1x16xf32>,
          %get3A_832 = vector.shape_cast %get3A_831 : vector<1x16xf32> to vector<16xf32>
          %add3A_833 = arith.addf %add3A_777, %get3A_832 : vector<16xf32>
          %add3A_834 = arith.constant 8 : i32
          %add3A_835 = arith.addi %add3A_357, %add3A_834 : i32
          %get3A_836 = arith.index_cast %add3A_835 : i32 to index
          %get3A_837 = arith.constant 64 : index
          %get3A_838 = tpu.vector_load %arg8[%get3A_836, %get3A_837] {strides = array<i32>} : memref<192x128xf32, #tpu.memory_space<vmem>>, vector<1x16xf32>,
          %get3A_839 = vector.shape_cast %get3A_838 : vector<1x16xf32> to vector<16xf32>
          %add3A_840 = arith.addf %add3A_784, %get3A_839 : vector<16xf32>
          %add3A_841 = arith.constant 8 : i32
          %add3A_842 = arith.addi %add3A_357, %add3A_841 : i32
          %get3A_843 = arith.index_cast %add3A_842 : i32 to index
          %get3A_844 = arith.constant 80 : index
          %get3A_845 = tpu.vector_load %arg8[%get3A_843, %get3A_844] {strides = array<i32>} : memref<192x128xf32, #tpu.memory_space<vmem>>, vector<1x16xf32>,
          %get3A_846 = vector.shape_cast %get3A_845 : vector<1x16xf32> to vector<16xf32>
          %add3A_847 = arith.addf %add3A_791, %get3A_846 : vector<16xf32>
          %add3A_848 = arith.constant 8 : i32
          %add3A_849 = arith.addi %add3A_357, %add3A_848 : i32
          %get3A_850 = arith.index_cast %add3A_849 : i32 to index
          %get3A_851 = arith.constant 96 : index
          %get3A_852 = tpu.vector_load %arg8[%get3A_850, %get3A_851] {strides = array<i32>} : memref<192x128xf32, #tpu.memory_space<vmem>>, vector<1x16xf32>,
          %get3A_853 = vector.shape_cast %get3A_852 : vector<1x16xf32> to vector<16xf32>
          %add3A_854 = arith.addf %add3A_798, %get3A_853 : vector<16xf32>
          %add3A_855 = arith.constant 8 : i32
          %add3A_856 = arith.addi %add3A_357, %add3A_855 : i32
          %get3A_857 = arith.index_cast %add3A_856 : i32 to index
          %get3A_858 = arith.constant 112 : index
          %get3A_859 = tpu.vector_load %arg8[%get3A_857, %get3A_858] {strides = array<i32>} : memref<192x128xf32, #tpu.memory_space<vmem>>, vector<1x16xf32>,
          %get3A_860 = vector.shape_cast %get3A_859 : vector<1x16xf32> to vector<16xf32>
          %add3A_861 = arith.addf %add3A_805, %get3A_860 : vector<16xf32>
          %add3A_862 = arith.constant 9 : i32
          %add3A_863 = arith.addi %add3A_357, %add3A_862 : i32
          %get3A_864 = arith.index_cast %add3A_863 : i32 to index
          %get3A_865 = arith.constant 0 : index
          %get3A_866 = tpu.vector_load %arg8[%get3A_864, %get3A_865] {strides = array<i32>} : memref<192x128xf32, #tpu.memory_space<vmem>>, vector<1x16xf32>,
          %get3A_867 = vector.shape_cast %get3A_866 : vector<1x16xf32> to vector<16xf32>
          %add3A_868 = arith.addf %add3A_812, %get3A_867 : vector<16xf32>
          %add3A_869 = arith.constant 9 : i32
          %add3A_870 = arith.addi %add3A_357, %add3A_869 : i32
          %get3A_871 = arith.index_cast %add3A_870 : i32 to index
          %get3A_872 = arith.constant 16 : index
          %get3A_873 = tpu.vector_load %arg8[%get3A_871, %get3A_872] {strides = array<i32>} : memref<192x128xf32, #tpu.memory_space<vmem>>, vector<1x16xf32>,
          %get3A_874 = vector.shape_cast %get3A_873 : vector<1x16xf32> to vector<16xf32>
          %add3A_875 = arith.addf %add3A_819, %get3A_874 : vector<16xf32>
          %add3A_876 = arith.constant 9 : i32
          %add3A_877 = arith.addi %add3A_357, %add3A_876 : i32
          %get3A_878 = arith.index_cast %add3A_877 : i32 to index
          %get3A_879 = arith.constant 32 : index
          %get3A_880 = tpu.vector_load %arg8[%get3A_878, %get3A_879] {strides = array<i32>} : memref<192x128xf32, #tpu.memory_space<vmem>>, vector<1x16xf32>,
          %get3A_881 = vector.shape_cast %get3A_880 : vector<1x16xf32> to vector<16xf32>
          %add3A_882 = arith.addf %add3A_826, %get3A_881 : vector<16xf32>
          %add3A_883 = arith.constant 9 : i32
          %add3A_884 = arith.addi %add3A_357, %add3A_883 : i32
          %get3A_885 = arith.index_cast %add3A_884 : i32 to index
          %get3A_886 = arith.constant 48 : index
          %get3A_887 = tpu.vector_load %arg8[%get3A_885, %get3A_886] {strides = array<i32>} : memref<192x128xf32, #tpu.memory_space<vmem>>, vector<1x16xf32>,
          %get3A_888 = vector.shape_cast %get3A_887 : vector<1x16xf32> to vector<16xf32>
          %add3A_889 = arith.addf %add3A_833, %get3A_888 : vector<16xf32>
          %add3A_890 = arith.constant 9 : i32
          %add3A_891 = arith.addi %add3A_357, %add3A_890 : i32
          %get3A_892 = arith.index_cast %add3A_891 : i32 to index
          %get3A_893 = arith.constant 64 : index
          %get3A_894 = tpu.vector_load %arg8[%get3A_892, %get3A_893] {strides = array<i32>} : memref<192x128xf32, #tpu.memory_space<vmem>>, vector<1x16xf32>,
          %get3A_895 = vector.shape_cast %get3A_894 : vector<1x16xf32> to vector<16xf32>
          %add3A_896 = arith.addf %add3A_840, %get3A_895 : vector<16xf32>
          %add3A_897 = arith.constant 9 : i32
          %add3A_898 = arith.addi %add3A_357, %add3A_897 : i32
          %get3A_899 = arith.index_cast %add3A_898 : i32 to index
          %get3A_900 = arith.constant 80 : index
          %get3A_901 = tpu.vector_load %arg8[%get3A_899, %get3A_900] {strides = array<i32>} : memref<192x128xf32, #tpu.memory_space<vmem>>, vector<1x16xf32>,
          %get3A_902 = vector.shape_cast %get3A_901 : vector<1x16xf32> to vector<16xf32>
          %add3A_903 = arith.addf %add3A_847, %get3A_902 : vector<16xf32>
          %add3A_904 = arith.constant 9 : i32
          %add3A_905 = arith.addi %add3A_357, %add3A_904 : i32
          %get3A_906 = arith.index_cast %add3A_905 : i32 to index
          %get3A_907 = arith.constant 96 : index
          %get3A_908 = tpu.vector_load %arg8[%get3A_906, %get3A_907] {strides = array<i32>} : memref<192x128xf32, #tpu.memory_space<vmem>>, vector<1x16xf32>,
          %get3A_909 = vector.shape_cast %get3A_908 : vector<1x16xf32> to vector<16xf32>
          %add3A_910 = arith.addf %add3A_854, %get3A_909 : vector<16xf32>
          %add3A_911 = arith.constant 9 : i32
          %add3A_912 = arith.addi %add3A_357, %add3A_911 : i32
          %get3A_913 = arith.index_cast %add3A_912 : i32 to index
          %get3A_914 = arith.constant 112 : index
          %get3A_915 = tpu.vector_load %arg8[%get3A_913, %get3A_914] {strides = array<i32>} : memref<192x128xf32, #tpu.memory_space<vmem>>, vector<1x16xf32>,
          %get3A_916 = vector.shape_cast %get3A_915 : vector<1x16xf32> to vector<16xf32>
          %add3A_917 = arith.addf %add3A_861, %get3A_916 : vector<16xf32>
          scf.yield %add3A_868, %add3A_875, %add3A_882, %add3A_889, %add3A_896, %add3A_903, %add3A_910, %add3A_917 : vector<16xf32>, vector<16xf32>, vector<16xf32>, vector<16xf32>, vector<16xf32>, vector<16xf32>, vector<16xf32>, vector<16xf32>
        }
        %scan3A_230 = arith.constant 2 : i32
        %scan3A_231 = arith.constant 0 : i32
        %scan3A_232 = arith.constant 2 : i32
        %scan3A_233 = arith.addi %scan3A_231, %scan3A_232 : i32
        %scan3A_234 = arith.constant 1 : i32
        %scan3A_235:8 = scf.for %scan3A_345 = %scan3A_231 to %scan3A_233 step %scan3A_234 iter_args(%scan3A_346 = %broadcast_in_dim3A_22, %scan3A_347 = %broadcast_in_dim3A_22, %scan3A_348 = %broadcast_in_dim3A_22, %scan3A_349 = %broadcast_in_dim3A_22, %scan3A_350 = %broadcast_in_dim3A_22, %scan3A_351 = %broadcast_in_dim3A_22, %scan3A_352 = %broadcast_in_dim3A_22, %scan3A_353 = %broadcast_in_dim3A_22) -> (vector<16xf32>, vector<16xf32>, vector<16xf32>, vector<16xf32>, vector<16xf32>, vector<16xf32>, vector<16xf32>, vector<16xf32>)  : i32 {
          %mul3A_354 = arith.constant 10 : i32
          %mul3A_355 = arith.muli %scan3A_345, %mul3A_354 : i32
          %add3A_356 = arith.constant 20 : i32
          %add3A_357 = arith.addi %add3A_356, %mul3A_355 : i32
          %add3A_358 = arith.constant 0 : i32
          %add3A_359 = arith.addi %add3A_357, %add3A_358 : i32
          %get3A_360 = arith.index_cast %add3A_359 : i32 to index
          %get3A_361 = arith.constant 0 : index
          %get3A_362 = tpu.vector_load %arg8[%get3A_360, %get3A_361] {strides = array<i32>} : memref<192x128xf32, #tpu.memory_space<vmem>>, vector<1x16xf32>,
          %get3A_363 = vector.shape_cast %get3A_362 : vector<1x16xf32> to vector<16xf32>
          %add3A_364 = arith.addf %scan3A_346, %get3A_363 : vector<16xf32>
          %add3A_365 = arith.constant 0 : i32
          %add3A_366 = arith.addi %add3A_357, %add3A_365 : i32
          %get3A_367 = arith.index_cast %add3A_366 : i32 to index
          %get3A_368 = arith.constant 16 : index
          %get3A_369 = tpu.vector_load %arg8[%get3A_367, %get3A_368] {strides = array<i32>} : memref<192x128xf32, #tpu.memory_space<vmem>>, vector<1x16xf32>,
          %get3A_370 = vector.shape_cast %get3A_369 : vector<1x16xf32> to vector<16xf32>
          %add3A_371 = arith.addf %scan3A_347, %get3A_370 : vector<16xf32>
          %add3A_372 = arith.constant 0 : i32
          %add3A_373 = arith.addi %add3A_357, %add3A_372 : i32
          %get3A_374 = arith.index_cast %add3A_373 : i32 to index
          %get3A_375 = arith.constant 32 : index
          %get3A_376 = tpu.vector_load %arg8[%get3A_374, %get3A_375] {strides = array<i32>} : memref<192x128xf32, #tpu.memory_space<vmem>>, vector<1x16xf32>,
          %get3A_377 = vector.shape_cast %get3A_376 : vector<1x16xf32> to vector<16xf32>
          %add3A_378 = arith.addf %scan3A_348, %get3A_377 : vector<16xf32>
          %add3A_379 = arith.constant 0 : i32
          %add3A_380 = arith.addi %add3A_357, %add3A_379 : i32
          %get3A_381 = arith.index_cast %add3A_380 : i32 to index
          %get3A_382 = arith.constant 48 : index
          %get3A_383 = tpu.vector_load %arg8[%get3A_381, %get3A_382] {strides = array<i32>} : memref<192x128xf32, #tpu.memory_space<vmem>>, vector<1x16xf32>,
          %get3A_384 = vector.shape_cast %get3A_383 : vector<1x16xf32> to vector<16xf32>
          %add3A_385 = arith.addf %scan3A_349, %get3A_384 : vector<16xf32>
          %add3A_386 = arith.constant 0 : i32
          %add3A_387 = arith.addi %add3A_357, %add3A_386 : i32
          %get3A_388 = arith.index_cast %add3A_387 : i32 to index
          %get3A_389 = arith.constant 64 : index
          %get3A_390 = tpu.vector_load %arg8[%get3A_388, %get3A_389] {strides = array<i32>} : memref<192x128xf32, #tpu.memory_space<vmem>>, vector<1x16xf32>,
          %get3A_391 = vector.shape_cast %get3A_390 : vector<1x16xf32> to vector<16xf32>
          %add3A_392 = arith.addf %scan3A_350, %get3A_391 : vector<16xf32>
          %add3A_393 = arith.constant 0 : i32
          %add3A_394 = arith.addi %add3A_357, %add3A_393 : i32
          %get3A_395 = arith.index_cast %add3A_394 : i32 to index
          %get3A_396 = arith.constant 80 : index
          %get3A_397 = tpu.vector_load %arg8[%get3A_395, %get3A_396] {strides = array<i32>} : memref<192x128xf32, #tpu.memory_space<vmem>>, vector<1x16xf32>,
          %get3A_398 = vector.shape_cast %get3A_397 : vector<1x16xf32> to vector<16xf32>
          %add3A_399 = arith.addf %scan3A_351, %get3A_398 : vector<16xf32>
          %add3A_400 = arith.constant 0 : i32
          %add3A_401 = arith.addi %add3A_357, %add3A_400 : i32
          %get3A_402 = arith.index_cast %add3A_401 : i32 to index
          %get3A_403 = arith.constant 96 : index
          %get3A_404 = tpu.vector_load %arg8[%get3A_402, %get3A_403] {strides = array<i32>} : memref<192x128xf32, #tpu.memory_space<vmem>>, vector<1x16xf32>,
          %get3A_405 = vector.shape_cast %get3A_404 : vector<1x16xf32> to vector<16xf32>
          %add3A_406 = arith.addf %scan3A_352, %get3A_405 : vector<16xf32>
          %add3A_407 = arith.constant 0 : i32
          %add3A_408 = arith.addi %add3A_357, %add3A_407 : i32
          %get3A_409 = arith.index_cast %add3A_408 : i32 to index
          %get3A_410 = arith.constant 112 : index
          %get3A_411 = tpu.vector_load %arg8[%get3A_409, %get3A_410] {strides = array<i32>} : memref<192x128xf32, #tpu.memory_space<vmem>>, vector<1x16xf32>,
          %get3A_412 = vector.shape_cast %get3A_411 : vector<1x16xf32> to vector<16xf32>
          %add3A_413 = arith.addf %scan3A_353, %get3A_412 : vector<16xf32>
          %add3A_414 = arith.constant 1 : i32
          %add3A_415 = arith.addi %add3A_357, %add3A_414 : i32
          %get3A_416 = arith.index_cast %add3A_415 : i32 to index
          %get3A_417 = arith.constant 0 : index
          %get3A_418 = tpu.vector_load %arg8[%get3A_416, %get3A_417] {strides = array<i32>} : memref<192x128xf32, #tpu.memory_space<vmem>>, vector<1x16xf32>,
          %get3A_419 = vector.shape_cast %get3A_418 : vector<1x16xf32> to vector<16xf32>
          %add3A_420 = arith.addf %add3A_364, %get3A_419 : vector<16xf32>
          %add3A_421 = arith.constant 1 : i32
          %add3A_422 = arith.addi %add3A_357, %add3A_421 : i32
          %get3A_423 = arith.index_cast %add3A_422 : i32 to index
          %get3A_424 = arith.constant 16 : index
          %get3A_425 = tpu.vector_load %arg8[%get3A_423, %get3A_424] {strides = array<i32>} : memref<192x128xf32, #tpu.memory_space<vmem>>, vector<1x16xf32>,
          %get3A_426 = vector.shape_cast %get3A_425 : vector<1x16xf32> to vector<16xf32>
          %add3A_427 = arith.addf %add3A_371, %get3A_426 : vector<16xf32>
          %add3A_428 = arith.constant 1 : i32
          %add3A_429 = arith.addi %add3A_357, %add3A_428 : i32
          %get3A_430 = arith.index_cast %add3A_429 : i32 to index
          %get3A_431 = arith.constant 32 : index
          %get3A_432 = tpu.vector_load %arg8[%get3A_430, %get3A_431] {strides = array<i32>} : memref<192x128xf32, #tpu.memory_space<vmem>>, vector<1x16xf32>,
          %get3A_433 = vector.shape_cast %get3A_432 : vector<1x16xf32> to vector<16xf32>
          %add3A_434 = arith.addf %add3A_378, %get3A_433 : vector<16xf32>
          %add3A_435 = arith.constant 1 : i32
          %add3A_436 = arith.addi %add3A_357, %add3A_435 : i32
          %get3A_437 = arith.index_cast %add3A_436 : i32 to index
          %get3A_438 = arith.constant 48 : index
          %get3A_439 = tpu.vector_load %arg8[%get3A_437, %get3A_438] {strides = array<i32>} : memref<192x128xf32, #tpu.memory_space<vmem>>, vector<1x16xf32>,
          %get3A_440 = vector.shape_cast %get3A_439 : vector<1x16xf32> to vector<16xf32>
          %add3A_441 = arith.addf %add3A_385, %get3A_440 : vector<16xf32>
          %add3A_442 = arith.constant 1 : i32
          %add3A_443 = arith.addi %add3A_357, %add3A_442 : i32
          %get3A_444 = arith.index_cast %add3A_443 : i32 to index
          %get3A_445 = arith.constant 64 : index
          %get3A_446 = tpu.vector_load %arg8[%get3A_444, %get3A_445] {strides = array<i32>} : memref<192x128xf32, #tpu.memory_space<vmem>>, vector<1x16xf32>,
          %get3A_447 = vector.shape_cast %get3A_446 : vector<1x16xf32> to vector<16xf32>
          %add3A_448 = arith.addf %add3A_392, %get3A_447 : vector<16xf32>
          %add3A_449 = arith.constant 1 : i32
          %add3A_450 = arith.addi %add3A_357, %add3A_449 : i32
          %get3A_451 = arith.index_cast %add3A_450 : i32 to index
          %get3A_452 = arith.constant 80 : index
          %get3A_453 = tpu.vector_load %arg8[%get3A_451, %get3A_452] {strides = array<i32>} : memref<192x128xf32, #tpu.memory_space<vmem>>, vector<1x16xf32>,
          %get3A_454 = vector.shape_cast %get3A_453 : vector<1x16xf32> to vector<16xf32>
          %add3A_455 = arith.addf %add3A_399, %get3A_454 : vector<16xf32>
          %add3A_456 = arith.constant 1 : i32
          %add3A_457 = arith.addi %add3A_357, %add3A_456 : i32
          %get3A_458 = arith.index_cast %add3A_457 : i32 to index
          %get3A_459 = arith.constant 96 : index
          %get3A_460 = tpu.vector_load %arg8[%get3A_458, %get3A_459] {strides = array<i32>} : memref<192x128xf32, #tpu.memory_space<vmem>>, vector<1x16xf32>,
          %get3A_461 = vector.shape_cast %get3A_460 : vector<1x16xf32> to vector<16xf32>
          %add3A_462 = arith.addf %add3A_406, %get3A_461 : vector<16xf32>
          %add3A_463 = arith.constant 1 : i32
          %add3A_464 = arith.addi %add3A_357, %add3A_463 : i32
          %get3A_465 = arith.index_cast %add3A_464 : i32 to index
          %get3A_466 = arith.constant 112 : index
          %get3A_467 = tpu.vector_load %arg8[%get3A_465, %get3A_466] {strides = array<i32>} : memref<192x128xf32, #tpu.memory_space<vmem>>, vector<1x16xf32>,
          %get3A_468 = vector.shape_cast %get3A_467 : vector<1x16xf32> to vector<16xf32>
          %add3A_469 = arith.addf %add3A_413, %get3A_468 : vector<16xf32>
          %add3A_470 = arith.constant 2 : i32
          %add3A_471 = arith.addi %add3A_357, %add3A_470 : i32
          %get3A_472 = arith.index_cast %add3A_471 : i32 to index
          %get3A_473 = arith.constant 0 : index
          %get3A_474 = tpu.vector_load %arg8[%get3A_472, %get3A_473] {strides = array<i32>} : memref<192x128xf32, #tpu.memory_space<vmem>>, vector<1x16xf32>,
          %get3A_475 = vector.shape_cast %get3A_474 : vector<1x16xf32> to vector<16xf32>
          %add3A_476 = arith.addf %add3A_420, %get3A_475 : vector<16xf32>
          %add3A_477 = arith.constant 2 : i32
          %add3A_478 = arith.addi %add3A_357, %add3A_477 : i32
          %get3A_479 = arith.index_cast %add3A_478 : i32 to index
          %get3A_480 = arith.constant 16 : index
          %get3A_481 = tpu.vector_load %arg8[%get3A_479, %get3A_480] {strides = array<i32>} : memref<192x128xf32, #tpu.memory_space<vmem>>, vector<1x16xf32>,
          %get3A_482 = vector.shape_cast %get3A_481 : vector<1x16xf32> to vector<16xf32>
          %add3A_483 = arith.addf %add3A_427, %get3A_482 : vector<16xf32>
          %add3A_484 = arith.constant 2 : i32
          %add3A_485 = arith.addi %add3A_357, %add3A_484 : i32
          %get3A_486 = arith.index_cast %add3A_485 : i32 to index
          %get3A_487 = arith.constant 32 : index
          %get3A_488 = tpu.vector_load %arg8[%get3A_486, %get3A_487] {strides = array<i32>} : memref<192x128xf32, #tpu.memory_space<vmem>>, vector<1x16xf32>,
          %get3A_489 = vector.shape_cast %get3A_488 : vector<1x16xf32> to vector<16xf32>
          %add3A_490 = arith.addf %add3A_434, %get3A_489 : vector<16xf32>
          %add3A_491 = arith.constant 2 : i32
          %add3A_492 = arith.addi %add3A_357, %add3A_491 : i32
          %get3A_493 = arith.index_cast %add3A_492 : i32 to index
          %get3A_494 = arith.constant 48 : index
          %get3A_495 = tpu.vector_load %arg8[%get3A_493, %get3A_494] {strides = array<i32>} : memref<192x128xf32, #tpu.memory_space<vmem>>, vector<1x16xf32>,
          %get3A_496 = vector.shape_cast %get3A_495 : vector<1x16xf32> to vector<16xf32>
          %add3A_497 = arith.addf %add3A_441, %get3A_496 : vector<16xf32>
          %add3A_498 = arith.constant 2 : i32
          %add3A_499 = arith.addi %add3A_357, %add3A_498 : i32
          %get3A_500 = arith.index_cast %add3A_499 : i32 to index
          %get3A_501 = arith.constant 64 : index
          %get3A_502 = tpu.vector_load %arg8[%get3A_500, %get3A_501] {strides = array<i32>} : memref<192x128xf32, #tpu.memory_space<vmem>>, vector<1x16xf32>,
          %get3A_503 = vector.shape_cast %get3A_502 : vector<1x16xf32> to vector<16xf32>
          %add3A_504 = arith.addf %add3A_448, %get3A_503 : vector<16xf32>
          %add3A_505 = arith.constant 2 : i32
          %add3A_506 = arith.addi %add3A_357, %add3A_505 : i32
          %get3A_507 = arith.index_cast %add3A_506 : i32 to index
          %get3A_508 = arith.constant 80 : index
          %get3A_509 = tpu.vector_load %arg8[%get3A_507, %get3A_508] {strides = array<i32>} : memref<192x128xf32, #tpu.memory_space<vmem>>, vector<1x16xf32>,
          %get3A_510 = vector.shape_cast %get3A_509 : vector<1x16xf32> to vector<16xf32>
          %add3A_511 = arith.addf %add3A_455, %get3A_510 : vector<16xf32>
          %add3A_512 = arith.constant 2 : i32
          %add3A_513 = arith.addi %add3A_357, %add3A_512 : i32
          %get3A_514 = arith.index_cast %add3A_513 : i32 to index
          %get3A_515 = arith.constant 96 : index
          %get3A_516 = tpu.vector_load %arg8[%get3A_514, %get3A_515] {strides = array<i32>} : memref<192x128xf32, #tpu.memory_space<vmem>>, vector<1x16xf32>,
          %get3A_517 = vector.shape_cast %get3A_516 : vector<1x16xf32> to vector<16xf32>
          %add3A_518 = arith.addf %add3A_462, %get3A_517 : vector<16xf32>
          %add3A_519 = arith.constant 2 : i32
          %add3A_520 = arith.addi %add3A_357, %add3A_519 : i32
          %get3A_521 = arith.index_cast %add3A_520 : i32 to index
          %get3A_522 = arith.constant 112 : index
          %get3A_523 = tpu.vector_load %arg8[%get3A_521, %get3A_522] {strides = array<i32>} : memref<192x128xf32, #tpu.memory_space<vmem>>, vector<1x16xf32>,
          %get3A_524 = vector.shape_cast %get3A_523 : vector<1x16xf32> to vector<16xf32>
          %add3A_525 = arith.addf %add3A_469, %get3A_524 : vector<16xf32>
          %add3A_526 = arith.constant 3 : i32
          %add3A_527 = arith.addi %add3A_357, %add3A_526 : i32
          %get3A_528 = arith.index_cast %add3A_527 : i32 to index
          %get3A_529 = arith.constant 0 : index
          %get3A_530 = tpu.vector_load %arg8[%get3A_528, %get3A_529] {strides = array<i32>} : memref<192x128xf32, #tpu.memory_space<vmem>>, vector<1x16xf32>,
          %get3A_531 = vector.shape_cast %get3A_530 : vector<1x16xf32> to vector<16xf32>
          %add3A_532 = arith.addf %add3A_476, %get3A_531 : vector<16xf32>
          %add3A_533 = arith.constant 3 : i32
          %add3A_534 = arith.addi %add3A_357, %add3A_533 : i32
          %get3A_535 = arith.index_cast %add3A_534 : i32 to index
          %get3A_536 = arith.constant 16 : index
          %get3A_537 = tpu.vector_load %arg8[%get3A_535, %get3A_536] {strides = array<i32>} : memref<192x128xf32, #tpu.memory_space<vmem>>, vector<1x16xf32>,
          %get3A_538 = vector.shape_cast %get3A_537 : vector<1x16xf32> to vector<16xf32>
          %add3A_539 = arith.addf %add3A_483, %get3A_538 : vector<16xf32>
          %add3A_540 = arith.constant 3 : i32
          %add3A_541 = arith.addi %add3A_357, %add3A_540 : i32
          %get3A_542 = arith.index_cast %add3A_541 : i32 to index
          %get3A_543 = arith.constant 32 : index
          %get3A_544 = tpu.vector_load %arg8[%get3A_542, %get3A_543] {strides = array<i32>} : memref<192x128xf32, #tpu.memory_space<vmem>>, vector<1x16xf32>,
          %get3A_545 = vector.shape_cast %get3A_544 : vector<1x16xf32> to vector<16xf32>
          %add3A_546 = arith.addf %add3A_490, %get3A_545 : vector<16xf32>
          %add3A_547 = arith.constant 3 : i32
          %add3A_548 = arith.addi %add3A_357, %add3A_547 : i32
          %get3A_549 = arith.index_cast %add3A_548 : i32 to index
          %get3A_550 = arith.constant 48 : index
          %get3A_551 = tpu.vector_load %arg8[%get3A_549, %get3A_550] {strides = array<i32>} : memref<192x128xf32, #tpu.memory_space<vmem>>, vector<1x16xf32>,
          %get3A_552 = vector.shape_cast %get3A_551 : vector<1x16xf32> to vector<16xf32>
          %add3A_553 = arith.addf %add3A_497, %get3A_552 : vector<16xf32>
          %add3A_554 = arith.constant 3 : i32
          %add3A_555 = arith.addi %add3A_357, %add3A_554 : i32
          %get3A_556 = arith.index_cast %add3A_555 : i32 to index
          %get3A_557 = arith.constant 64 : index
          %get3A_558 = tpu.vector_load %arg8[%get3A_556, %get3A_557] {strides = array<i32>} : memref<192x128xf32, #tpu.memory_space<vmem>>, vector<1x16xf32>,
          %get3A_559 = vector.shape_cast %get3A_558 : vector<1x16xf32> to vector<16xf32>
          %add3A_560 = arith.addf %add3A_504, %get3A_559 : vector<16xf32>
          %add3A_561 = arith.constant 3 : i32
          %add3A_562 = arith.addi %add3A_357, %add3A_561 : i32
          %get3A_563 = arith.index_cast %add3A_562 : i32 to index
          %get3A_564 = arith.constant 80 : index
          %get3A_565 = tpu.vector_load %arg8[%get3A_563, %get3A_564] {strides = array<i32>} : memref<192x128xf32, #tpu.memory_space<vmem>>, vector<1x16xf32>,
          %get3A_566 = vector.shape_cast %get3A_565 : vector<1x16xf32> to vector<16xf32>
          %add3A_567 = arith.addf %add3A_511, %get3A_566 : vector<16xf32>
          %add3A_568 = arith.constant 3 : i32
          %add3A_569 = arith.addi %add3A_357, %add3A_568 : i32
          %get3A_570 = arith.index_cast %add3A_569 : i32 to index
          %get3A_571 = arith.constant 96 : index
          %get3A_572 = tpu.vector_load %arg8[%get3A_570, %get3A_571] {strides = array<i32>} : memref<192x128xf32, #tpu.memory_space<vmem>>, vector<1x16xf32>,
          %get3A_573 = vector.shape_cast %get3A_572 : vector<1x16xf32> to vector<16xf32>
          %add3A_574 = arith.addf %add3A_518, %get3A_573 : vector<16xf32>
          %add3A_575 = arith.constant 3 : i32
          %add3A_576 = arith.addi %add3A_357, %add3A_575 : i32
          %get3A_577 = arith.index_cast %add3A_576 : i32 to index
          %get3A_578 = arith.constant 112 : index
          %get3A_579 = tpu.vector_load %arg8[%get3A_577, %get3A_578] {strides = array<i32>} : memref<192x128xf32, #tpu.memory_space<vmem>>, vector<1x16xf32>,
          %get3A_580 = vector.shape_cast %get3A_579 : vector<1x16xf32> to vector<16xf32>
          %add3A_581 = arith.addf %add3A_525, %get3A_580 : vector<16xf32>
          %add3A_582 = arith.constant 4 : i32
          %add3A_583 = arith.addi %add3A_357, %add3A_582 : i32
          %get3A_584 = arith.index_cast %add3A_583 : i32 to index
          %get3A_585 = arith.constant 0 : index
          %get3A_586 = tpu.vector_load %arg8[%get3A_584, %get3A_585] {strides = array<i32>} : memref<192x128xf32, #tpu.memory_space<vmem>>, vector<1x16xf32>,
          %get3A_587 = vector.shape_cast %get3A_586 : vector<1x16xf32> to vector<16xf32>
          %add3A_588 = arith.addf %add3A_532, %get3A_587 : vector<16xf32>
          %add3A_589 = arith.constant 4 : i32
          %add3A_590 = arith.addi %add3A_357, %add3A_589 : i32
          %get3A_591 = arith.index_cast %add3A_590 : i32 to index
          %get3A_592 = arith.constant 16 : index
          %get3A_593 = tpu.vector_load %arg8[%get3A_591, %get3A_592] {strides = array<i32>} : memref<192x128xf32, #tpu.memory_space<vmem>>, vector<1x16xf32>,
          %get3A_594 = vector.shape_cast %get3A_593 : vector<1x16xf32> to vector<16xf32>
          %add3A_595 = arith.addf %add3A_539, %get3A_594 : vector<16xf32>
          %add3A_596 = arith.constant 4 : i32
          %add3A_597 = arith.addi %add3A_357, %add3A_596 : i32
          %get3A_598 = arith.index_cast %add3A_597 : i32 to index
          %get3A_599 = arith.constant 32 : index
          %get3A_600 = tpu.vector_load %arg8[%get3A_598, %get3A_599] {strides = array<i32>} : memref<192x128xf32, #tpu.memory_space<vmem>>, vector<1x16xf32>,
          %get3A_601 = vector.shape_cast %get3A_600 : vector<1x16xf32> to vector<16xf32>
          %add3A_602 = arith.addf %add3A_546, %get3A_601 : vector<16xf32>
          %add3A_603 = arith.constant 4 : i32
          %add3A_604 = arith.addi %add3A_357, %add3A_603 : i32
          %get3A_605 = arith.index_cast %add3A_604 : i32 to index
          %get3A_606 = arith.constant 48 : index
          %get3A_607 = tpu.vector_load %arg8[%get3A_605, %get3A_606] {strides = array<i32>} : memref<192x128xf32, #tpu.memory_space<vmem>>, vector<1x16xf32>,
          %get3A_608 = vector.shape_cast %get3A_607 : vector<1x16xf32> to vector<16xf32>
          %add3A_609 = arith.addf %add3A_553, %get3A_608 : vector<16xf32>
          %add3A_610 = arith.constant 4 : i32
          %add3A_611 = arith.addi %add3A_357, %add3A_610 : i32
          %get3A_612 = arith.index_cast %add3A_611 : i32 to index
          %get3A_613 = arith.constant 64 : index
          %get3A_614 = tpu.vector_load %arg8[%get3A_612, %get3A_613] {strides = array<i32>} : memref<192x128xf32, #tpu.memory_space<vmem>>, vector<1x16xf32>,
          %get3A_615 = vector.shape_cast %get3A_614 : vector<1x16xf32> to vector<16xf32>
          %add3A_616 = arith.addf %add3A_560, %get3A_615 : vector<16xf32>
          %add3A_617 = arith.constant 4 : i32
          %add3A_618 = arith.addi %add3A_357, %add3A_617 : i32
          %get3A_619 = arith.index_cast %add3A_618 : i32 to index
          %get3A_620 = arith.constant 80 : index
          %get3A_621 = tpu.vector_load %arg8[%get3A_619, %get3A_620] {strides = array<i32>} : memref<192x128xf32, #tpu.memory_space<vmem>>, vector<1x16xf32>,
          %get3A_622 = vector.shape_cast %get3A_621 : vector<1x16xf32> to vector<16xf32>
          %add3A_623 = arith.addf %add3A_567, %get3A_622 : vector<16xf32>
          %add3A_624 = arith.constant 4 : i32
          %add3A_625 = arith.addi %add3A_357, %add3A_624 : i32
          %get3A_626 = arith.index_cast %add3A_625 : i32 to index
          %get3A_627 = arith.constant 96 : index
          %get3A_628 = tpu.vector_load %arg8[%get3A_626, %get3A_627] {strides = array<i32>} : memref<192x128xf32, #tpu.memory_space<vmem>>, vector<1x16xf32>,
          %get3A_629 = vector.shape_cast %get3A_628 : vector<1x16xf32> to vector<16xf32>
          %add3A_630 = arith.addf %add3A_574, %get3A_629 : vector<16xf32>
          %add3A_631 = arith.constant 4 : i32
          %add3A_632 = arith.addi %add3A_357, %add3A_631 : i32
          %get3A_633 = arith.index_cast %add3A_632 : i32 to index
          %get3A_634 = arith.constant 112 : index
          %get3A_635 = tpu.vector_load %arg8[%get3A_633, %get3A_634] {strides = array<i32>} : memref<192x128xf32, #tpu.memory_space<vmem>>, vector<1x16xf32>,
          %get3A_636 = vector.shape_cast %get3A_635 : vector<1x16xf32> to vector<16xf32>
          %add3A_637 = arith.addf %add3A_581, %get3A_636 : vector<16xf32>
          %add3A_638 = arith.constant 5 : i32
          %add3A_639 = arith.addi %add3A_357, %add3A_638 : i32
          %get3A_640 = arith.index_cast %add3A_639 : i32 to index
          %get3A_641 = arith.constant 0 : index
          %get3A_642 = tpu.vector_load %arg8[%get3A_640, %get3A_641] {strides = array<i32>} : memref<192x128xf32, #tpu.memory_space<vmem>>, vector<1x16xf32>,
          %get3A_643 = vector.shape_cast %get3A_642 : vector<1x16xf32> to vector<16xf32>
          %add3A_644 = arith.addf %add3A_588, %get3A_643 : vector<16xf32>
          %add3A_645 = arith.constant 5 : i32
          %add3A_646 = arith.addi %add3A_357, %add3A_645 : i32
          %get3A_647 = arith.index_cast %add3A_646 : i32 to index
          %get3A_648 = arith.constant 16 : index
          %get3A_649 = tpu.vector_load %arg8[%get3A_647, %get3A_648] {strides = array<i32>} : memref<192x128xf32, #tpu.memory_space<vmem>>, vector<1x16xf32>,
          %get3A_650 = vector.shape_cast %get3A_649 : vector<1x16xf32> to vector<16xf32>
          %add3A_651 = arith.addf %add3A_595, %get3A_650 : vector<16xf32>
          %add3A_652 = arith.constant 5 : i32
          %add3A_653 = arith.addi %add3A_357, %add3A_652 : i32
          %get3A_654 = arith.index_cast %add3A_653 : i32 to index
          %get3A_655 = arith.constant 32 : index
          %get3A_656 = tpu.vector_load %arg8[%get3A_654, %get3A_655] {strides = array<i32>} : memref<192x128xf32, #tpu.memory_space<vmem>>, vector<1x16xf32>,
          %get3A_657 = vector.shape_cast %get3A_656 : vector<1x16xf32> to vector<16xf32>
          %add3A_658 = arith.addf %add3A_602, %get3A_657 : vector<16xf32>
          %add3A_659 = arith.constant 5 : i32
          %add3A_660 = arith.addi %add3A_357, %add3A_659 : i32
          %get3A_661 = arith.index_cast %add3A_660 : i32 to index
          %get3A_662 = arith.constant 48 : index
          %get3A_663 = tpu.vector_load %arg8[%get3A_661, %get3A_662] {strides = array<i32>} : memref<192x128xf32, #tpu.memory_space<vmem>>, vector<1x16xf32>,
          %get3A_664 = vector.shape_cast %get3A_663 : vector<1x16xf32> to vector<16xf32>
          %add3A_665 = arith.addf %add3A_609, %get3A_664 : vector<16xf32>
          %add3A_666 = arith.constant 5 : i32
          %add3A_667 = arith.addi %add3A_357, %add3A_666 : i32
          %get3A_668 = arith.index_cast %add3A_667 : i32 to index
          %get3A_669 = arith.constant 64 : index
          %get3A_670 = tpu.vector_load %arg8[%get3A_668, %get3A_669] {strides = array<i32>} : memref<192x128xf32, #tpu.memory_space<vmem>>, vector<1x16xf32>,
          %get3A_671 = vector.shape_cast %get3A_670 : vector<1x16xf32> to vector<16xf32>
          %add3A_672 = arith.addf %add3A_616, %get3A_671 : vector<16xf32>
          %add3A_673 = arith.constant 5 : i32
          %add3A_674 = arith.addi %add3A_357, %add3A_673 : i32
          %get3A_675 = arith.index_cast %add3A_674 : i32 to index
          %get3A_676 = arith.constant 80 : index
          %get3A_677 = tpu.vector_load %arg8[%get3A_675, %get3A_676] {strides = array<i32>} : memref<192x128xf32, #tpu.memory_space<vmem>>, vector<1x16xf32>,
          %get3A_678 = vector.shape_cast %get3A_677 : vector<1x16xf32> to vector<16xf32>
          %add3A_679 = arith.addf %add3A_623, %get3A_678 : vector<16xf32>
          %add3A_680 = arith.constant 5 : i32
          %add3A_681 = arith.addi %add3A_357, %add3A_680 : i32
          %get3A_682 = arith.index_cast %add3A_681 : i32 to index
          %get3A_683 = arith.constant 96 : index
          %get3A_684 = tpu.vector_load %arg8[%get3A_682, %get3A_683] {strides = array<i32>} : memref<192x128xf32, #tpu.memory_space<vmem>>, vector<1x16xf32>,
          %get3A_685 = vector.shape_cast %get3A_684 : vector<1x16xf32> to vector<16xf32>
          %add3A_686 = arith.addf %add3A_630, %get3A_685 : vector<16xf32>
          %add3A_687 = arith.constant 5 : i32
          %add3A_688 = arith.addi %add3A_357, %add3A_687 : i32
          %get3A_689 = arith.index_cast %add3A_688 : i32 to index
          %get3A_690 = arith.constant 112 : index
          %get3A_691 = tpu.vector_load %arg8[%get3A_689, %get3A_690] {strides = array<i32>} : memref<192x128xf32, #tpu.memory_space<vmem>>, vector<1x16xf32>,
          %get3A_692 = vector.shape_cast %get3A_691 : vector<1x16xf32> to vector<16xf32>
          %add3A_693 = arith.addf %add3A_637, %get3A_692 : vector<16xf32>
          %add3A_694 = arith.constant 6 : i32
          %add3A_695 = arith.addi %add3A_357, %add3A_694 : i32
          %get3A_696 = arith.index_cast %add3A_695 : i32 to index
          %get3A_697 = arith.constant 0 : index
          %get3A_698 = tpu.vector_load %arg8[%get3A_696, %get3A_697] {strides = array<i32>} : memref<192x128xf32, #tpu.memory_space<vmem>>, vector<1x16xf32>,
          %get3A_699 = vector.shape_cast %get3A_698 : vector<1x16xf32> to vector<16xf32>
          %add3A_700 = arith.addf %add3A_644, %get3A_699 : vector<16xf32>
          %add3A_701 = arith.constant 6 : i32
          %add3A_702 = arith.addi %add3A_357, %add3A_701 : i32
          %get3A_703 = arith.index_cast %add3A_702 : i32 to index
          %get3A_704 = arith.constant 16 : index
          %get3A_705 = tpu.vector_load %arg8[%get3A_703, %get3A_704] {strides = array<i32>} : memref<192x128xf32, #tpu.memory_space<vmem>>, vector<1x16xf32>,
          %get3A_706 = vector.shape_cast %get3A_705 : vector<1x16xf32> to vector<16xf32>
          %add3A_707 = arith.addf %add3A_651, %get3A_706 : vector<16xf32>
          %add3A_708 = arith.constant 6 : i32
          %add3A_709 = arith.addi %add3A_357, %add3A_708 : i32
          %get3A_710 = arith.index_cast %add3A_709 : i32 to index
          %get3A_711 = arith.constant 32 : index
          %get3A_712 = tpu.vector_load %arg8[%get3A_710, %get3A_711] {strides = array<i32>} : memref<192x128xf32, #tpu.memory_space<vmem>>, vector<1x16xf32>,
          %get3A_713 = vector.shape_cast %get3A_712 : vector<1x16xf32> to vector<16xf32>
          %add3A_714 = arith.addf %add3A_658, %get3A_713 : vector<16xf32>
          %add3A_715 = arith.constant 6 : i32
          %add3A_716 = arith.addi %add3A_357, %add3A_715 : i32
          %get3A_717 = arith.index_cast %add3A_716 : i32 to index
          %get3A_718 = arith.constant 48 : index
          %get3A_719 = tpu.vector_load %arg8[%get3A_717, %get3A_718] {strides = array<i32>} : memref<192x128xf32, #tpu.memory_space<vmem>>, vector<1x16xf32>,
          %get3A_720 = vector.shape_cast %get3A_719 : vector<1x16xf32> to vector<16xf32>
          %add3A_721 = arith.addf %add3A_665, %get3A_720 : vector<16xf32>
          %add3A_722 = arith.constant 6 : i32
          %add3A_723 = arith.addi %add3A_357, %add3A_722 : i32
          %get3A_724 = arith.index_cast %add3A_723 : i32 to index
          %get3A_725 = arith.constant 64 : index
          %get3A_726 = tpu.vector_load %arg8[%get3A_724, %get3A_725] {strides = array<i32>} : memref<192x128xf32, #tpu.memory_space<vmem>>, vector<1x16xf32>,
          %get3A_727 = vector.shape_cast %get3A_726 : vector<1x16xf32> to vector<16xf32>
          %add3A_728 = arith.addf %add3A_672, %get3A_727 : vector<16xf32>
          %add3A_729 = arith.constant 6 : i32
          %add3A_730 = arith.addi %add3A_357, %add3A_729 : i32
          %get3A_731 = arith.index_cast %add3A_730 : i32 to index
          %get3A_732 = arith.constant 80 : index
          %get3A_733 = tpu.vector_load %arg8[%get3A_731, %get3A_732] {strides = array<i32>} : memref<192x128xf32, #tpu.memory_space<vmem>>, vector<1x16xf32>,
          %get3A_734 = vector.shape_cast %get3A_733 : vector<1x16xf32> to vector<16xf32>
          %add3A_735 = arith.addf %add3A_679, %get3A_734 : vector<16xf32>
          %add3A_736 = arith.constant 6 : i32
          %add3A_737 = arith.addi %add3A_357, %add3A_736 : i32
          %get3A_738 = arith.index_cast %add3A_737 : i32 to index
          %get3A_739 = arith.constant 96 : index
          %get3A_740 = tpu.vector_load %arg8[%get3A_738, %get3A_739] {strides = array<i32>} : memref<192x128xf32, #tpu.memory_space<vmem>>, vector<1x16xf32>,
          %get3A_741 = vector.shape_cast %get3A_740 : vector<1x16xf32> to vector<16xf32>
          %add3A_742 = arith.addf %add3A_686, %get3A_741 : vector<16xf32>
          %add3A_743 = arith.constant 6 : i32
          %add3A_744 = arith.addi %add3A_357, %add3A_743 : i32
          %get3A_745 = arith.index_cast %add3A_744 : i32 to index
          %get3A_746 = arith.constant 112 : index
          %get3A_747 = tpu.vector_load %arg8[%get3A_745, %get3A_746] {strides = array<i32>} : memref<192x128xf32, #tpu.memory_space<vmem>>, vector<1x16xf32>,
          %get3A_748 = vector.shape_cast %get3A_747 : vector<1x16xf32> to vector<16xf32>
          %add3A_749 = arith.addf %add3A_693, %get3A_748 : vector<16xf32>
          %add3A_750 = arith.constant 7 : i32
          %add3A_751 = arith.addi %add3A_357, %add3A_750 : i32
          %get3A_752 = arith.index_cast %add3A_751 : i32 to index
          %get3A_753 = arith.constant 0 : index
          %get3A_754 = tpu.vector_load %arg8[%get3A_752, %get3A_753] {strides = array<i32>} : memref<192x128xf32, #tpu.memory_space<vmem>>, vector<1x16xf32>,
          %get3A_755 = vector.shape_cast %get3A_754 : vector<1x16xf32> to vector<16xf32>
          %add3A_756 = arith.addf %add3A_700, %get3A_755 : vector<16xf32>
          %add3A_757 = arith.constant 7 : i32
          %add3A_758 = arith.addi %add3A_357, %add3A_757 : i32
          %get3A_759 = arith.index_cast %add3A_758 : i32 to index
          %get3A_760 = arith.constant 16 : index
          %get3A_761 = tpu.vector_load %arg8[%get3A_759, %get3A_760] {strides = array<i32>} : memref<192x128xf32, #tpu.memory_space<vmem>>, vector<1x16xf32>,
          %get3A_762 = vector.shape_cast %get3A_761 : vector<1x16xf32> to vector<16xf32>
          %add3A_763 = arith.addf %add3A_707, %get3A_762 : vector<16xf32>
          %add3A_764 = arith.constant 7 : i32
          %add3A_765 = arith.addi %add3A_357, %add3A_764 : i32
          %get3A_766 = arith.index_cast %add3A_765 : i32 to index
          %get3A_767 = arith.constant 32 : index
          %get3A_768 = tpu.vector_load %arg8[%get3A_766, %get3A_767] {strides = array<i32>} : memref<192x128xf32, #tpu.memory_space<vmem>>, vector<1x16xf32>,
          %get3A_769 = vector.shape_cast %get3A_768 : vector<1x16xf32> to vector<16xf32>
          %add3A_770 = arith.addf %add3A_714, %get3A_769 : vector<16xf32>
          %add3A_771 = arith.constant 7 : i32
          %add3A_772 = arith.addi %add3A_357, %add3A_771 : i32
          %get3A_773 = arith.index_cast %add3A_772 : i32 to index
          %get3A_774 = arith.constant 48 : index
          %get3A_775 = tpu.vector_load %arg8[%get3A_773, %get3A_774] {strides = array<i32>} : memref<192x128xf32, #tpu.memory_space<vmem>>, vector<1x16xf32>,
          %get3A_776 = vector.shape_cast %get3A_775 : vector<1x16xf32> to vector<16xf32>
          %add3A_777 = arith.addf %add3A_721, %get3A_776 : vector<16xf32>
          %add3A_778 = arith.constant 7 : i32
          %add3A_779 = arith.addi %add3A_357, %add3A_778 : i32
          %get3A_780 = arith.index_cast %add3A_779 : i32 to index
          %get3A_781 = arith.constant 64 : index
          %get3A_782 = tpu.vector_load %arg8[%get3A_780, %get3A_781] {strides = array<i32>} : memref<192x128xf32, #tpu.memory_space<vmem>>, vector<1x16xf32>,
          %get3A_783 = vector.shape_cast %get3A_782 : vector<1x16xf32> to vector<16xf32>
          %add3A_784 = arith.addf %add3A_728, %get3A_783 : vector<16xf32>
          %add3A_785 = arith.constant 7 : i32
          %add3A_786 = arith.addi %add3A_357, %add3A_785 : i32
          %get3A_787 = arith.index_cast %add3A_786 : i32 to index
          %get3A_788 = arith.constant 80 : index
          %get3A_789 = tpu.vector_load %arg8[%get3A_787, %get3A_788] {strides = array<i32>} : memref<192x128xf32, #tpu.memory_space<vmem>>, vector<1x16xf32>,
          %get3A_790 = vector.shape_cast %get3A_789 : vector<1x16xf32> to vector<16xf32>
          %add3A_791 = arith.addf %add3A_735, %get3A_790 : vector<16xf32>
          %add3A_792 = arith.constant 7 : i32
          %add3A_793 = arith.addi %add3A_357, %add3A_792 : i32
          %get3A_794 = arith.index_cast %add3A_793 : i32 to index
          %get3A_795 = arith.constant 96 : index
          %get3A_796 = tpu.vector_load %arg8[%get3A_794, %get3A_795] {strides = array<i32>} : memref<192x128xf32, #tpu.memory_space<vmem>>, vector<1x16xf32>,
          %get3A_797 = vector.shape_cast %get3A_796 : vector<1x16xf32> to vector<16xf32>
          %add3A_798 = arith.addf %add3A_742, %get3A_797 : vector<16xf32>
          %add3A_799 = arith.constant 7 : i32
          %add3A_800 = arith.addi %add3A_357, %add3A_799 : i32
          %get3A_801 = arith.index_cast %add3A_800 : i32 to index
          %get3A_802 = arith.constant 112 : index
          %get3A_803 = tpu.vector_load %arg8[%get3A_801, %get3A_802] {strides = array<i32>} : memref<192x128xf32, #tpu.memory_space<vmem>>, vector<1x16xf32>,
          %get3A_804 = vector.shape_cast %get3A_803 : vector<1x16xf32> to vector<16xf32>
          %add3A_805 = arith.addf %add3A_749, %get3A_804 : vector<16xf32>
          %add3A_806 = arith.constant 8 : i32
          %add3A_807 = arith.addi %add3A_357, %add3A_806 : i32
          %get3A_808 = arith.index_cast %add3A_807 : i32 to index
          %get3A_809 = arith.constant 0 : index
          %get3A_810 = tpu.vector_load %arg8[%get3A_808, %get3A_809] {strides = array<i32>} : memref<192x128xf32, #tpu.memory_space<vmem>>, vector<1x16xf32>,
          %get3A_811 = vector.shape_cast %get3A_810 : vector<1x16xf32> to vector<16xf32>
          %add3A_812 = arith.addf %add3A_756, %get3A_811 : vector<16xf32>
          %add3A_813 = arith.constant 8 : i32
          %add3A_814 = arith.addi %add3A_357, %add3A_813 : i32
          %get3A_815 = arith.index_cast %add3A_814 : i32 to index
          %get3A_816 = arith.constant 16 : index
          %get3A_817 = tpu.vector_load %arg8[%get3A_815, %get3A_816] {strides = array<i32>} : memref<192x128xf32, #tpu.memory_space<vmem>>, vector<1x16xf32>,
          %get3A_818 = vector.shape_cast %get3A_817 : vector<1x16xf32> to vector<16xf32>
          %add3A_819 = arith.addf %add3A_763, %get3A_818 : vector<16xf32>
          %add3A_820 = arith.constant 8 : i32
          %add3A_821 = arith.addi %add3A_357, %add3A_820 : i32
          %get3A_822 = arith.index_cast %add3A_821 : i32 to index
          %get3A_823 = arith.constant 32 : index
          %get3A_824 = tpu.vector_load %arg8[%get3A_822, %get3A_823] {strides = array<i32>} : memref<192x128xf32, #tpu.memory_space<vmem>>, vector<1x16xf32>,
          %get3A_825 = vector.shape_cast %get3A_824 : vector<1x16xf32> to vector<16xf32>
          %add3A_826 = arith.addf %add3A_770, %get3A_825 : vector<16xf32>
          %add3A_827 = arith.constant 8 : i32
          %add3A_828 = arith.addi %add3A_357, %add3A_827 : i32
          %get3A_829 = arith.index_cast %add3A_828 : i32 to index
          %get3A_830 = arith.constant 48 : index
          %get3A_831 = tpu.vector_load %arg8[%get3A_829, %get3A_830] {strides = array<i32>} : memref<192x128xf32, #tpu.memory_space<vmem>>, vector<1x16xf32>,
          %get3A_832 = vector.shape_cast %get3A_831 : vector<1x16xf32> to vector<16xf32>
          %add3A_833 = arith.addf %add3A_777, %get3A_832 : vector<16xf32>
          %add3A_834 = arith.constant 8 : i32
          %add3A_835 = arith.addi %add3A_357, %add3A_834 : i32
          %get3A_836 = arith.index_cast %add3A_835 : i32 to index
          %get3A_837 = arith.constant 64 : index
          %get3A_838 = tpu.vector_load %arg8[%get3A_836, %get3A_837] {strides = array<i32>} : memref<192x128xf32, #tpu.memory_space<vmem>>, vector<1x16xf32>,
          %get3A_839 = vector.shape_cast %get3A_838 : vector<1x16xf32> to vector<16xf32>
          %add3A_840 = arith.addf %add3A_784, %get3A_839 : vector<16xf32>
          %add3A_841 = arith.constant 8 : i32
          %add3A_842 = arith.addi %add3A_357, %add3A_841 : i32
          %get3A_843 = arith.index_cast %add3A_842 : i32 to index
          %get3A_844 = arith.constant 80 : index
          %get3A_845 = tpu.vector_load %arg8[%get3A_843, %get3A_844] {strides = array<i32>} : memref<192x128xf32, #tpu.memory_space<vmem>>, vector<1x16xf32>,
          %get3A_846 = vector.shape_cast %get3A_845 : vector<1x16xf32> to vector<16xf32>
          %add3A_847 = arith.addf %add3A_791, %get3A_846 : vector<16xf32>
          %add3A_848 = arith.constant 8 : i32
          %add3A_849 = arith.addi %add3A_357, %add3A_848 : i32
          %get3A_850 = arith.index_cast %add3A_849 : i32 to index
          %get3A_851 = arith.constant 96 : index
          %get3A_852 = tpu.vector_load %arg8[%get3A_850, %get3A_851] {strides = array<i32>} : memref<192x128xf32, #tpu.memory_space<vmem>>, vector<1x16xf32>,
          %get3A_853 = vector.shape_cast %get3A_852 : vector<1x16xf32> to vector<16xf32>
          %add3A_854 = arith.addf %add3A_798, %get3A_853 : vector<16xf32>
          %add3A_855 = arith.constant 8 : i32
          %add3A_856 = arith.addi %add3A_357, %add3A_855 : i32
          %get3A_857 = arith.index_cast %add3A_856 : i32 to index
          %get3A_858 = arith.constant 112 : index
          %get3A_859 = tpu.vector_load %arg8[%get3A_857, %get3A_858] {strides = array<i32>} : memref<192x128xf32, #tpu.memory_space<vmem>>, vector<1x16xf32>,
          %get3A_860 = vector.shape_cast %get3A_859 : vector<1x16xf32> to vector<16xf32>
          %add3A_861 = arith.addf %add3A_805, %get3A_860 : vector<16xf32>
          %add3A_862 = arith.constant 9 : i32
          %add3A_863 = arith.addi %add3A_357, %add3A_862 : i32
          %get3A_864 = arith.index_cast %add3A_863 : i32 to index
          %get3A_865 = arith.constant 0 : index
          %get3A_866 = tpu.vector_load %arg8[%get3A_864, %get3A_865] {strides = array<i32>} : memref<192x128xf32, #tpu.memory_space<vmem>>, vector<1x16xf32>,
          %get3A_867 = vector.shape_cast %get3A_866 : vector<1x16xf32> to vector<16xf32>
          %add3A_868 = arith.addf %add3A_812, %get3A_867 : vector<16xf32>
          %add3A_869 = arith.constant 9 : i32
          %add3A_870 = arith.addi %add3A_357, %add3A_869 : i32
          %get3A_871 = arith.index_cast %add3A_870 : i32 to index
          %get3A_872 = arith.constant 16 : index
          %get3A_873 = tpu.vector_load %arg8[%get3A_871, %get3A_872] {strides = array<i32>} : memref<192x128xf32, #tpu.memory_space<vmem>>, vector<1x16xf32>,
          %get3A_874 = vector.shape_cast %get3A_873 : vector<1x16xf32> to vector<16xf32>
          %add3A_875 = arith.addf %add3A_819, %get3A_874 : vector<16xf32>
          %add3A_876 = arith.constant 9 : i32
          %add3A_877 = arith.addi %add3A_357, %add3A_876 : i32
          %get3A_878 = arith.index_cast %add3A_877 : i32 to index
          %get3A_879 = arith.constant 32 : index
          %get3A_880 = tpu.vector_load %arg8[%get3A_878, %get3A_879] {strides = array<i32>} : memref<192x128xf32, #tpu.memory_space<vmem>>, vector<1x16xf32>,
          %get3A_881 = vector.shape_cast %get3A_880 : vector<1x16xf32> to vector<16xf32>
          %add3A_882 = arith.addf %add3A_826, %get3A_881 : vector<16xf32>
          %add3A_883 = arith.constant 9 : i32
          %add3A_884 = arith.addi %add3A_357, %add3A_883 : i32
          %get3A_885 = arith.index_cast %add3A_884 : i32 to index
          %get3A_886 = arith.constant 48 : index
          %get3A_887 = tpu.vector_load %arg8[%get3A_885, %get3A_886] {strides = array<i32>} : memref<192x128xf32, #tpu.memory_space<vmem>>, vector<1x16xf32>,
          %get3A_888 = vector.shape_cast %get3A_887 : vector<1x16xf32> to vector<16xf32>
          %add3A_889 = arith.addf %add3A_833, %get3A_888 : vector<16xf32>
          %add3A_890 = arith.constant 9 : i32
          %add3A_891 = arith.addi %add3A_357, %add3A_890 : i32
          %get3A_892 = arith.index_cast %add3A_891 : i32 to index
          %get3A_893 = arith.constant 64 : index
          %get3A_894 = tpu.vector_load %arg8[%get3A_892, %get3A_893] {strides = array<i32>} : memref<192x128xf32, #tpu.memory_space<vmem>>, vector<1x16xf32>,
          %get3A_895 = vector.shape_cast %get3A_894 : vector<1x16xf32> to vector<16xf32>
          %add3A_896 = arith.addf %add3A_840, %get3A_895 : vector<16xf32>
          %add3A_897 = arith.constant 9 : i32
          %add3A_898 = arith.addi %add3A_357, %add3A_897 : i32
          %get3A_899 = arith.index_cast %add3A_898 : i32 to index
          %get3A_900 = arith.constant 80 : index
          %get3A_901 = tpu.vector_load %arg8[%get3A_899, %get3A_900] {strides = array<i32>} : memref<192x128xf32, #tpu.memory_space<vmem>>, vector<1x16xf32>,
          %get3A_902 = vector.shape_cast %get3A_901 : vector<1x16xf32> to vector<16xf32>
          %add3A_903 = arith.addf %add3A_847, %get3A_902 : vector<16xf32>
          %add3A_904 = arith.constant 9 : i32
          %add3A_905 = arith.addi %add3A_357, %add3A_904 : i32
          %get3A_906 = arith.index_cast %add3A_905 : i32 to index
          %get3A_907 = arith.constant 96 : index
          %get3A_908 = tpu.vector_load %arg8[%get3A_906, %get3A_907] {strides = array<i32>} : memref<192x128xf32, #tpu.memory_space<vmem>>, vector<1x16xf32>,
          %get3A_909 = vector.shape_cast %get3A_908 : vector<1x16xf32> to vector<16xf32>
          %add3A_910 = arith.addf %add3A_854, %get3A_909 : vector<16xf32>
          %add3A_911 = arith.constant 9 : i32
          %add3A_912 = arith.addi %add3A_357, %add3A_911 : i32
          %get3A_913 = arith.index_cast %add3A_912 : i32 to index
          %get3A_914 = arith.constant 112 : index
          %get3A_915 = tpu.vector_load %arg8[%get3A_913, %get3A_914] {strides = array<i32>} : memref<192x128xf32, #tpu.memory_space<vmem>>, vector<1x16xf32>,
          %get3A_916 = vector.shape_cast %get3A_915 : vector<1x16xf32> to vector<16xf32>
          %add3A_917 = arith.addf %add3A_861, %get3A_916 : vector<16xf32>
          scf.yield %add3A_868, %add3A_875, %add3A_882, %add3A_889, %add3A_896, %add3A_903, %add3A_910, %add3A_917 : vector<16xf32>, vector<16xf32>, vector<16xf32>, vector<16xf32>, vector<16xf32>, vector<16xf32>, vector<16xf32>, vector<16xf32>
        }
        %scan3A_236 = arith.constant 2 : i32
        %scan3A_237 = arith.constant 0 : i32
        %scan3A_238 = arith.constant 5 : i32
        %scan3A_239 = arith.addi %scan3A_237, %scan3A_238 : i32
        %scan3A_240 = arith.constant 1 : i32
        %scan3A_241:8 = scf.for %scan3A_345 = %scan3A_237 to %scan3A_239 step %scan3A_240 iter_args(%scan3A_346 = %broadcast_in_dim3A_22, %scan3A_347 = %broadcast_in_dim3A_22, %scan3A_348 = %broadcast_in_dim3A_22, %scan3A_349 = %broadcast_in_dim3A_22, %scan3A_350 = %broadcast_in_dim3A_22, %scan3A_351 = %broadcast_in_dim3A_22, %scan3A_352 = %broadcast_in_dim3A_22, %scan3A_353 = %broadcast_in_dim3A_22) -> (vector<16xf32>, vector<16xf32>, vector<16xf32>, vector<16xf32>, vector<16xf32>, vector<16xf32>, vector<16xf32>, vector<16xf32>)  : i32 {
          %mul3A_354 = arith.constant 10 : i32
          %mul3A_355 = arith.muli %scan3A_345, %mul3A_354 : i32
          %add3A_356 = arith.constant 40 : i32
          %add3A_357 = arith.addi %add3A_356, %mul3A_355 : i32
          %add3A_358 = arith.constant 0 : i32
          %add3A_359 = arith.addi %add3A_357, %add3A_358 : i32
          %get3A_360 = arith.index_cast %add3A_359 : i32 to index
          %get3A_361 = arith.constant 0 : index
          %get3A_362 = tpu.vector_load %arg8[%get3A_360, %get3A_361] {strides = array<i32>} : memref<192x128xf32, #tpu.memory_space<vmem>>, vector<1x16xf32>,
          %get3A_363 = vector.shape_cast %get3A_362 : vector<1x16xf32> to vector<16xf32>
          %add3A_364 = arith.addf %scan3A_346, %get3A_363 : vector<16xf32>
          %add3A_365 = arith.constant 0 : i32
          %add3A_366 = arith.addi %add3A_357, %add3A_365 : i32
          %get3A_367 = arith.index_cast %add3A_366 : i32 to index
          %get3A_368 = arith.constant 16 : index
          %get3A_369 = tpu.vector_load %arg8[%get3A_367, %get3A_368] {strides = array<i32>} : memref<192x128xf32, #tpu.memory_space<vmem>>, vector<1x16xf32>,
          %get3A_370 = vector.shape_cast %get3A_369 : vector<1x16xf32> to vector<16xf32>
          %add3A_371 = arith.addf %scan3A_347, %get3A_370 : vector<16xf32>
          %add3A_372 = arith.constant 0 : i32
          %add3A_373 = arith.addi %add3A_357, %add3A_372 : i32
          %get3A_374 = arith.index_cast %add3A_373 : i32 to index
          %get3A_375 = arith.constant 32 : index
          %get3A_376 = tpu.vector_load %arg8[%get3A_374, %get3A_375] {strides = array<i32>} : memref<192x128xf32, #tpu.memory_space<vmem>>, vector<1x16xf32>,
          %get3A_377 = vector.shape_cast %get3A_376 : vector<1x16xf32> to vector<16xf32>
          %add3A_378 = arith.addf %scan3A_348, %get3A_377 : vector<16xf32>
          %add3A_379 = arith.constant 0 : i32
          %add3A_380 = arith.addi %add3A_357, %add3A_379 : i32
          %get3A_381 = arith.index_cast %add3A_380 : i32 to index
          %get3A_382 = arith.constant 48 : index
          %get3A_383 = tpu.vector_load %arg8[%get3A_381, %get3A_382] {strides = array<i32>} : memref<192x128xf32, #tpu.memory_space<vmem>>, vector<1x16xf32>,
          %get3A_384 = vector.shape_cast %get3A_383 : vector<1x16xf32> to vector<16xf32>
          %add3A_385 = arith.addf %scan3A_349, %get3A_384 : vector<16xf32>
          %add3A_386 = arith.constant 0 : i32
          %add3A_387 = arith.addi %add3A_357, %add3A_386 : i32
          %get3A_388 = arith.index_cast %add3A_387 : i32 to index
          %get3A_389 = arith.constant 64 : index
          %get3A_390 = tpu.vector_load %arg8[%get3A_388, %get3A_389] {strides = array<i32>} : memref<192x128xf32, #tpu.memory_space<vmem>>, vector<1x16xf32>,
          %get3A_391 = vector.shape_cast %get3A_390 : vector<1x16xf32> to vector<16xf32>
          %add3A_392 = arith.addf %scan3A_350, %get3A_391 : vector<16xf32>
          %add3A_393 = arith.constant 0 : i32
          %add3A_394 = arith.addi %add3A_357, %add3A_393 : i32
          %get3A_395 = arith.index_cast %add3A_394 : i32 to index
          %get3A_396 = arith.constant 80 : index
          %get3A_397 = tpu.vector_load %arg8[%get3A_395, %get3A_396] {strides = array<i32>} : memref<192x128xf32, #tpu.memory_space<vmem>>, vector<1x16xf32>,
          %get3A_398 = vector.shape_cast %get3A_397 : vector<1x16xf32> to vector<16xf32>
          %add3A_399 = arith.addf %scan3A_351, %get3A_398 : vector<16xf32>
          %add3A_400 = arith.constant 0 : i32
          %add3A_401 = arith.addi %add3A_357, %add3A_400 : i32
          %get3A_402 = arith.index_cast %add3A_401 : i32 to index
          %get3A_403 = arith.constant 96 : index
          %get3A_404 = tpu.vector_load %arg8[%get3A_402, %get3A_403] {strides = array<i32>} : memref<192x128xf32, #tpu.memory_space<vmem>>, vector<1x16xf32>,
          %get3A_405 = vector.shape_cast %get3A_404 : vector<1x16xf32> to vector<16xf32>
          %add3A_406 = arith.addf %scan3A_352, %get3A_405 : vector<16xf32>
          %add3A_407 = arith.constant 0 : i32
          %add3A_408 = arith.addi %add3A_357, %add3A_407 : i32
          %get3A_409 = arith.index_cast %add3A_408 : i32 to index
          %get3A_410 = arith.constant 112 : index
          %get3A_411 = tpu.vector_load %arg8[%get3A_409, %get3A_410] {strides = array<i32>} : memref<192x128xf32, #tpu.memory_space<vmem>>, vector<1x16xf32>,
          %get3A_412 = vector.shape_cast %get3A_411 : vector<1x16xf32> to vector<16xf32>
          %add3A_413 = arith.addf %scan3A_353, %get3A_412 : vector<16xf32>
          %add3A_414 = arith.constant 1 : i32
          %add3A_415 = arith.addi %add3A_357, %add3A_414 : i32
          %get3A_416 = arith.index_cast %add3A_415 : i32 to index
          %get3A_417 = arith.constant 0 : index
          %get3A_418 = tpu.vector_load %arg8[%get3A_416, %get3A_417] {strides = array<i32>} : memref<192x128xf32, #tpu.memory_space<vmem>>, vector<1x16xf32>,
          %get3A_419 = vector.shape_cast %get3A_418 : vector<1x16xf32> to vector<16xf32>
          %add3A_420 = arith.addf %add3A_364, %get3A_419 : vector<16xf32>
          %add3A_421 = arith.constant 1 : i32
          %add3A_422 = arith.addi %add3A_357, %add3A_421 : i32
          %get3A_423 = arith.index_cast %add3A_422 : i32 to index
          %get3A_424 = arith.constant 16 : index
          %get3A_425 = tpu.vector_load %arg8[%get3A_423, %get3A_424] {strides = array<i32>} : memref<192x128xf32, #tpu.memory_space<vmem>>, vector<1x16xf32>,
          %get3A_426 = vector.shape_cast %get3A_425 : vector<1x16xf32> to vector<16xf32>
          %add3A_427 = arith.addf %add3A_371, %get3A_426 : vector<16xf32>
          %add3A_428 = arith.constant 1 : i32
          %add3A_429 = arith.addi %add3A_357, %add3A_428 : i32
          %get3A_430 = arith.index_cast %add3A_429 : i32 to index
          %get3A_431 = arith.constant 32 : index
          %get3A_432 = tpu.vector_load %arg8[%get3A_430, %get3A_431] {strides = array<i32>} : memref<192x128xf32, #tpu.memory_space<vmem>>, vector<1x16xf32>,
          %get3A_433 = vector.shape_cast %get3A_432 : vector<1x16xf32> to vector<16xf32>
          %add3A_434 = arith.addf %add3A_378, %get3A_433 : vector<16xf32>
          %add3A_435 = arith.constant 1 : i32
          %add3A_436 = arith.addi %add3A_357, %add3A_435 : i32
          %get3A_437 = arith.index_cast %add3A_436 : i32 to index
          %get3A_438 = arith.constant 48 : index
          %get3A_439 = tpu.vector_load %arg8[%get3A_437, %get3A_438] {strides = array<i32>} : memref<192x128xf32, #tpu.memory_space<vmem>>, vector<1x16xf32>,
          %get3A_440 = vector.shape_cast %get3A_439 : vector<1x16xf32> to vector<16xf32>
          %add3A_441 = arith.addf %add3A_385, %get3A_440 : vector<16xf32>
          %add3A_442 = arith.constant 1 : i32
          %add3A_443 = arith.addi %add3A_357, %add3A_442 : i32
          %get3A_444 = arith.index_cast %add3A_443 : i32 to index
          %get3A_445 = arith.constant 64 : index
          %get3A_446 = tpu.vector_load %arg8[%get3A_444, %get3A_445] {strides = array<i32>} : memref<192x128xf32, #tpu.memory_space<vmem>>, vector<1x16xf32>,
          %get3A_447 = vector.shape_cast %get3A_446 : vector<1x16xf32> to vector<16xf32>
          %add3A_448 = arith.addf %add3A_392, %get3A_447 : vector<16xf32>
          %add3A_449 = arith.constant 1 : i32
          %add3A_450 = arith.addi %add3A_357, %add3A_449 : i32
          %get3A_451 = arith.index_cast %add3A_450 : i32 to index
          %get3A_452 = arith.constant 80 : index
          %get3A_453 = tpu.vector_load %arg8[%get3A_451, %get3A_452] {strides = array<i32>} : memref<192x128xf32, #tpu.memory_space<vmem>>, vector<1x16xf32>,
          %get3A_454 = vector.shape_cast %get3A_453 : vector<1x16xf32> to vector<16xf32>
          %add3A_455 = arith.addf %add3A_399, %get3A_454 : vector<16xf32>
          %add3A_456 = arith.constant 1 : i32
          %add3A_457 = arith.addi %add3A_357, %add3A_456 : i32
          %get3A_458 = arith.index_cast %add3A_457 : i32 to index
          %get3A_459 = arith.constant 96 : index
          %get3A_460 = tpu.vector_load %arg8[%get3A_458, %get3A_459] {strides = array<i32>} : memref<192x128xf32, #tpu.memory_space<vmem>>, vector<1x16xf32>,
          %get3A_461 = vector.shape_cast %get3A_460 : vector<1x16xf32> to vector<16xf32>
          %add3A_462 = arith.addf %add3A_406, %get3A_461 : vector<16xf32>
          %add3A_463 = arith.constant 1 : i32
          %add3A_464 = arith.addi %add3A_357, %add3A_463 : i32
          %get3A_465 = arith.index_cast %add3A_464 : i32 to index
          %get3A_466 = arith.constant 112 : index
          %get3A_467 = tpu.vector_load %arg8[%get3A_465, %get3A_466] {strides = array<i32>} : memref<192x128xf32, #tpu.memory_space<vmem>>, vector<1x16xf32>,
          %get3A_468 = vector.shape_cast %get3A_467 : vector<1x16xf32> to vector<16xf32>
          %add3A_469 = arith.addf %add3A_413, %get3A_468 : vector<16xf32>
          %add3A_470 = arith.constant 2 : i32
          %add3A_471 = arith.addi %add3A_357, %add3A_470 : i32
          %get3A_472 = arith.index_cast %add3A_471 : i32 to index
          %get3A_473 = arith.constant 0 : index
          %get3A_474 = tpu.vector_load %arg8[%get3A_472, %get3A_473] {strides = array<i32>} : memref<192x128xf32, #tpu.memory_space<vmem>>, vector<1x16xf32>,
          %get3A_475 = vector.shape_cast %get3A_474 : vector<1x16xf32> to vector<16xf32>
          %add3A_476 = arith.addf %add3A_420, %get3A_475 : vector<16xf32>
          %add3A_477 = arith.constant 2 : i32
          %add3A_478 = arith.addi %add3A_357, %add3A_477 : i32
          %get3A_479 = arith.index_cast %add3A_478 : i32 to index
          %get3A_480 = arith.constant 16 : index
          %get3A_481 = tpu.vector_load %arg8[%get3A_479, %get3A_480] {strides = array<i32>} : memref<192x128xf32, #tpu.memory_space<vmem>>, vector<1x16xf32>,
          %get3A_482 = vector.shape_cast %get3A_481 : vector<1x16xf32> to vector<16xf32>
          %add3A_483 = arith.addf %add3A_427, %get3A_482 : vector<16xf32>
          %add3A_484 = arith.constant 2 : i32
          %add3A_485 = arith.addi %add3A_357, %add3A_484 : i32
          %get3A_486 = arith.index_cast %add3A_485 : i32 to index
          %get3A_487 = arith.constant 32 : index
          %get3A_488 = tpu.vector_load %arg8[%get3A_486, %get3A_487] {strides = array<i32>} : memref<192x128xf32, #tpu.memory_space<vmem>>, vector<1x16xf32>,
          %get3A_489 = vector.shape_cast %get3A_488 : vector<1x16xf32> to vector<16xf32>
          %add3A_490 = arith.addf %add3A_434, %get3A_489 : vector<16xf32>
          %add3A_491 = arith.constant 2 : i32
          %add3A_492 = arith.addi %add3A_357, %add3A_491 : i32
          %get3A_493 = arith.index_cast %add3A_492 : i32 to index
          %get3A_494 = arith.constant 48 : index
          %get3A_495 = tpu.vector_load %arg8[%get3A_493, %get3A_494] {strides = array<i32>} : memref<192x128xf32, #tpu.memory_space<vmem>>, vector<1x16xf32>,
          %get3A_496 = vector.shape_cast %get3A_495 : vector<1x16xf32> to vector<16xf32>
          %add3A_497 = arith.addf %add3A_441, %get3A_496 : vector<16xf32>
          %add3A_498 = arith.constant 2 : i32
          %add3A_499 = arith.addi %add3A_357, %add3A_498 : i32
          %get3A_500 = arith.index_cast %add3A_499 : i32 to index
          %get3A_501 = arith.constant 64 : index
          %get3A_502 = tpu.vector_load %arg8[%get3A_500, %get3A_501] {strides = array<i32>} : memref<192x128xf32, #tpu.memory_space<vmem>>, vector<1x16xf32>,
          %get3A_503 = vector.shape_cast %get3A_502 : vector<1x16xf32> to vector<16xf32>
          %add3A_504 = arith.addf %add3A_448, %get3A_503 : vector<16xf32>
          %add3A_505 = arith.constant 2 : i32
          %add3A_506 = arith.addi %add3A_357, %add3A_505 : i32
          %get3A_507 = arith.index_cast %add3A_506 : i32 to index
          %get3A_508 = arith.constant 80 : index
          %get3A_509 = tpu.vector_load %arg8[%get3A_507, %get3A_508] {strides = array<i32>} : memref<192x128xf32, #tpu.memory_space<vmem>>, vector<1x16xf32>,
          %get3A_510 = vector.shape_cast %get3A_509 : vector<1x16xf32> to vector<16xf32>
          %add3A_511 = arith.addf %add3A_455, %get3A_510 : vector<16xf32>
          %add3A_512 = arith.constant 2 : i32
          %add3A_513 = arith.addi %add3A_357, %add3A_512 : i32
          %get3A_514 = arith.index_cast %add3A_513 : i32 to index
          %get3A_515 = arith.constant 96 : index
          %get3A_516 = tpu.vector_load %arg8[%get3A_514, %get3A_515] {strides = array<i32>} : memref<192x128xf32, #tpu.memory_space<vmem>>, vector<1x16xf32>,
          %get3A_517 = vector.shape_cast %get3A_516 : vector<1x16xf32> to vector<16xf32>
          %add3A_518 = arith.addf %add3A_462, %get3A_517 : vector<16xf32>
          %add3A_519 = arith.constant 2 : i32
          %add3A_520 = arith.addi %add3A_357, %add3A_519 : i32
          %get3A_521 = arith.index_cast %add3A_520 : i32 to index
          %get3A_522 = arith.constant 112 : index
          %get3A_523 = tpu.vector_load %arg8[%get3A_521, %get3A_522] {strides = array<i32>} : memref<192x128xf32, #tpu.memory_space<vmem>>, vector<1x16xf32>,
          %get3A_524 = vector.shape_cast %get3A_523 : vector<1x16xf32> to vector<16xf32>
          %add3A_525 = arith.addf %add3A_469, %get3A_524 : vector<16xf32>
          %add3A_526 = arith.constant 3 : i32
          %add3A_527 = arith.addi %add3A_357, %add3A_526 : i32
          %get3A_528 = arith.index_cast %add3A_527 : i32 to index
          %get3A_529 = arith.constant 0 : index
          %get3A_530 = tpu.vector_load %arg8[%get3A_528, %get3A_529] {strides = array<i32>} : memref<192x128xf32, #tpu.memory_space<vmem>>, vector<1x16xf32>,
          %get3A_531 = vector.shape_cast %get3A_530 : vector<1x16xf32> to vector<16xf32>
          %add3A_532 = arith.addf %add3A_476, %get3A_531 : vector<16xf32>
          %add3A_533 = arith.constant 3 : i32
          %add3A_534 = arith.addi %add3A_357, %add3A_533 : i32
          %get3A_535 = arith.index_cast %add3A_534 : i32 to index
          %get3A_536 = arith.constant 16 : index
          %get3A_537 = tpu.vector_load %arg8[%get3A_535, %get3A_536] {strides = array<i32>} : memref<192x128xf32, #tpu.memory_space<vmem>>, vector<1x16xf32>,
          %get3A_538 = vector.shape_cast %get3A_537 : vector<1x16xf32> to vector<16xf32>
          %add3A_539 = arith.addf %add3A_483, %get3A_538 : vector<16xf32>
          %add3A_540 = arith.constant 3 : i32
          %add3A_541 = arith.addi %add3A_357, %add3A_540 : i32
          %get3A_542 = arith.index_cast %add3A_541 : i32 to index
          %get3A_543 = arith.constant 32 : index
          %get3A_544 = tpu.vector_load %arg8[%get3A_542, %get3A_543] {strides = array<i32>} : memref<192x128xf32, #tpu.memory_space<vmem>>, vector<1x16xf32>,
          %get3A_545 = vector.shape_cast %get3A_544 : vector<1x16xf32> to vector<16xf32>
          %add3A_546 = arith.addf %add3A_490, %get3A_545 : vector<16xf32>
          %add3A_547 = arith.constant 3 : i32
          %add3A_548 = arith.addi %add3A_357, %add3A_547 : i32
          %get3A_549 = arith.index_cast %add3A_548 : i32 to index
          %get3A_550 = arith.constant 48 : index
          %get3A_551 = tpu.vector_load %arg8[%get3A_549, %get3A_550] {strides = array<i32>} : memref<192x128xf32, #tpu.memory_space<vmem>>, vector<1x16xf32>,
          %get3A_552 = vector.shape_cast %get3A_551 : vector<1x16xf32> to vector<16xf32>
          %add3A_553 = arith.addf %add3A_497, %get3A_552 : vector<16xf32>
          %add3A_554 = arith.constant 3 : i32
          %add3A_555 = arith.addi %add3A_357, %add3A_554 : i32
          %get3A_556 = arith.index_cast %add3A_555 : i32 to index
          %get3A_557 = arith.constant 64 : index
          %get3A_558 = tpu.vector_load %arg8[%get3A_556, %get3A_557] {strides = array<i32>} : memref<192x128xf32, #tpu.memory_space<vmem>>, vector<1x16xf32>,
          %get3A_559 = vector.shape_cast %get3A_558 : vector<1x16xf32> to vector<16xf32>
          %add3A_560 = arith.addf %add3A_504, %get3A_559 : vector<16xf32>
          %add3A_561 = arith.constant 3 : i32
          %add3A_562 = arith.addi %add3A_357, %add3A_561 : i32
          %get3A_563 = arith.index_cast %add3A_562 : i32 to index
          %get3A_564 = arith.constant 80 : index
          %get3A_565 = tpu.vector_load %arg8[%get3A_563, %get3A_564] {strides = array<i32>} : memref<192x128xf32, #tpu.memory_space<vmem>>, vector<1x16xf32>,
          %get3A_566 = vector.shape_cast %get3A_565 : vector<1x16xf32> to vector<16xf32>
          %add3A_567 = arith.addf %add3A_511, %get3A_566 : vector<16xf32>
          %add3A_568 = arith.constant 3 : i32
          %add3A_569 = arith.addi %add3A_357, %add3A_568 : i32
          %get3A_570 = arith.index_cast %add3A_569 : i32 to index
          %get3A_571 = arith.constant 96 : index
          %get3A_572 = tpu.vector_load %arg8[%get3A_570, %get3A_571] {strides = array<i32>} : memref<192x128xf32, #tpu.memory_space<vmem>>, vector<1x16xf32>,
          %get3A_573 = vector.shape_cast %get3A_572 : vector<1x16xf32> to vector<16xf32>
          %add3A_574 = arith.addf %add3A_518, %get3A_573 : vector<16xf32>
          %add3A_575 = arith.constant 3 : i32
          %add3A_576 = arith.addi %add3A_357, %add3A_575 : i32
          %get3A_577 = arith.index_cast %add3A_576 : i32 to index
          %get3A_578 = arith.constant 112 : index
          %get3A_579 = tpu.vector_load %arg8[%get3A_577, %get3A_578] {strides = array<i32>} : memref<192x128xf32, #tpu.memory_space<vmem>>, vector<1x16xf32>,
          %get3A_580 = vector.shape_cast %get3A_579 : vector<1x16xf32> to vector<16xf32>
          %add3A_581 = arith.addf %add3A_525, %get3A_580 : vector<16xf32>
          %add3A_582 = arith.constant 4 : i32
          %add3A_583 = arith.addi %add3A_357, %add3A_582 : i32
          %get3A_584 = arith.index_cast %add3A_583 : i32 to index
          %get3A_585 = arith.constant 0 : index
          %get3A_586 = tpu.vector_load %arg8[%get3A_584, %get3A_585] {strides = array<i32>} : memref<192x128xf32, #tpu.memory_space<vmem>>, vector<1x16xf32>,
          %get3A_587 = vector.shape_cast %get3A_586 : vector<1x16xf32> to vector<16xf32>
          %add3A_588 = arith.addf %add3A_532, %get3A_587 : vector<16xf32>
          %add3A_589 = arith.constant 4 : i32
          %add3A_590 = arith.addi %add3A_357, %add3A_589 : i32
          %get3A_591 = arith.index_cast %add3A_590 : i32 to index
          %get3A_592 = arith.constant 16 : index
          %get3A_593 = tpu.vector_load %arg8[%get3A_591, %get3A_592] {strides = array<i32>} : memref<192x128xf32, #tpu.memory_space<vmem>>, vector<1x16xf32>,
          %get3A_594 = vector.shape_cast %get3A_593 : vector<1x16xf32> to vector<16xf32>
          %add3A_595 = arith.addf %add3A_539, %get3A_594 : vector<16xf32>
          %add3A_596 = arith.constant 4 : i32
          %add3A_597 = arith.addi %add3A_357, %add3A_596 : i32
          %get3A_598 = arith.index_cast %add3A_597 : i32 to index
          %get3A_599 = arith.constant 32 : index
          %get3A_600 = tpu.vector_load %arg8[%get3A_598, %get3A_599] {strides = array<i32>} : memref<192x128xf32, #tpu.memory_space<vmem>>, vector<1x16xf32>,
          %get3A_601 = vector.shape_cast %get3A_600 : vector<1x16xf32> to vector<16xf32>
          %add3A_602 = arith.addf %add3A_546, %get3A_601 : vector<16xf32>
          %add3A_603 = arith.constant 4 : i32
          %add3A_604 = arith.addi %add3A_357, %add3A_603 : i32
          %get3A_605 = arith.index_cast %add3A_604 : i32 to index
          %get3A_606 = arith.constant 48 : index
          %get3A_607 = tpu.vector_load %arg8[%get3A_605, %get3A_606] {strides = array<i32>} : memref<192x128xf32, #tpu.memory_space<vmem>>, vector<1x16xf32>,
          %get3A_608 = vector.shape_cast %get3A_607 : vector<1x16xf32> to vector<16xf32>
          %add3A_609 = arith.addf %add3A_553, %get3A_608 : vector<16xf32>
          %add3A_610 = arith.constant 4 : i32
          %add3A_611 = arith.addi %add3A_357, %add3A_610 : i32
          %get3A_612 = arith.index_cast %add3A_611 : i32 to index
          %get3A_613 = arith.constant 64 : index
          %get3A_614 = tpu.vector_load %arg8[%get3A_612, %get3A_613] {strides = array<i32>} : memref<192x128xf32, #tpu.memory_space<vmem>>, vector<1x16xf32>,
          %get3A_615 = vector.shape_cast %get3A_614 : vector<1x16xf32> to vector<16xf32>
          %add3A_616 = arith.addf %add3A_560, %get3A_615 : vector<16xf32>
          %add3A_617 = arith.constant 4 : i32
          %add3A_618 = arith.addi %add3A_357, %add3A_617 : i32
          %get3A_619 = arith.index_cast %add3A_618 : i32 to index
          %get3A_620 = arith.constant 80 : index
          %get3A_621 = tpu.vector_load %arg8[%get3A_619, %get3A_620] {strides = array<i32>} : memref<192x128xf32, #tpu.memory_space<vmem>>, vector<1x16xf32>,
          %get3A_622 = vector.shape_cast %get3A_621 : vector<1x16xf32> to vector<16xf32>
          %add3A_623 = arith.addf %add3A_567, %get3A_622 : vector<16xf32>
          %add3A_624 = arith.constant 4 : i32
          %add3A_625 = arith.addi %add3A_357, %add3A_624 : i32
          %get3A_626 = arith.index_cast %add3A_625 : i32 to index
          %get3A_627 = arith.constant 96 : index
          %get3A_628 = tpu.vector_load %arg8[%get3A_626, %get3A_627] {strides = array<i32>} : memref<192x128xf32, #tpu.memory_space<vmem>>, vector<1x16xf32>,
          %get3A_629 = vector.shape_cast %get3A_628 : vector<1x16xf32> to vector<16xf32>
          %add3A_630 = arith.addf %add3A_574, %get3A_629 : vector<16xf32>
          %add3A_631 = arith.constant 4 : i32
          %add3A_632 = arith.addi %add3A_357, %add3A_631 : i32
          %get3A_633 = arith.index_cast %add3A_632 : i32 to index
          %get3A_634 = arith.constant 112 : index
          %get3A_635 = tpu.vector_load %arg8[%get3A_633, %get3A_634] {strides = array<i32>} : memref<192x128xf32, #tpu.memory_space<vmem>>, vector<1x16xf32>,
          %get3A_636 = vector.shape_cast %get3A_635 : vector<1x16xf32> to vector<16xf32>
          %add3A_637 = arith.addf %add3A_581, %get3A_636 : vector<16xf32>
          %add3A_638 = arith.constant 5 : i32
          %add3A_639 = arith.addi %add3A_357, %add3A_638 : i32
          %get3A_640 = arith.index_cast %add3A_639 : i32 to index
          %get3A_641 = arith.constant 0 : index
          %get3A_642 = tpu.vector_load %arg8[%get3A_640, %get3A_641] {strides = array<i32>} : memref<192x128xf32, #tpu.memory_space<vmem>>, vector<1x16xf32>,
          %get3A_643 = vector.shape_cast %get3A_642 : vector<1x16xf32> to vector<16xf32>
          %add3A_644 = arith.addf %add3A_588, %get3A_643 : vector<16xf32>
          %add3A_645 = arith.constant 5 : i32
          %add3A_646 = arith.addi %add3A_357, %add3A_645 : i32
          %get3A_647 = arith.index_cast %add3A_646 : i32 to index
          %get3A_648 = arith.constant 16 : index
          %get3A_649 = tpu.vector_load %arg8[%get3A_647, %get3A_648] {strides = array<i32>} : memref<192x128xf32, #tpu.memory_space<vmem>>, vector<1x16xf32>,
          %get3A_650 = vector.shape_cast %get3A_649 : vector<1x16xf32> to vector<16xf32>
          %add3A_651 = arith.addf %add3A_595, %get3A_650 : vector<16xf32>
          %add3A_652 = arith.constant 5 : i32
          %add3A_653 = arith.addi %add3A_357, %add3A_652 : i32
          %get3A_654 = arith.index_cast %add3A_653 : i32 to index
          %get3A_655 = arith.constant 32 : index
          %get3A_656 = tpu.vector_load %arg8[%get3A_654, %get3A_655] {strides = array<i32>} : memref<192x128xf32, #tpu.memory_space<vmem>>, vector<1x16xf32>,
          %get3A_657 = vector.shape_cast %get3A_656 : vector<1x16xf32> to vector<16xf32>
          %add3A_658 = arith.addf %add3A_602, %get3A_657 : vector<16xf32>
          %add3A_659 = arith.constant 5 : i32
          %add3A_660 = arith.addi %add3A_357, %add3A_659 : i32
          %get3A_661 = arith.index_cast %add3A_660 : i32 to index
          %get3A_662 = arith.constant 48 : index
          %get3A_663 = tpu.vector_load %arg8[%get3A_661, %get3A_662] {strides = array<i32>} : memref<192x128xf32, #tpu.memory_space<vmem>>, vector<1x16xf32>,
          %get3A_664 = vector.shape_cast %get3A_663 : vector<1x16xf32> to vector<16xf32>
          %add3A_665 = arith.addf %add3A_609, %get3A_664 : vector<16xf32>
          %add3A_666 = arith.constant 5 : i32
          %add3A_667 = arith.addi %add3A_357, %add3A_666 : i32
          %get3A_668 = arith.index_cast %add3A_667 : i32 to index
          %get3A_669 = arith.constant 64 : index
          %get3A_670 = tpu.vector_load %arg8[%get3A_668, %get3A_669] {strides = array<i32>} : memref<192x128xf32, #tpu.memory_space<vmem>>, vector<1x16xf32>,
          %get3A_671 = vector.shape_cast %get3A_670 : vector<1x16xf32> to vector<16xf32>
          %add3A_672 = arith.addf %add3A_616, %get3A_671 : vector<16xf32>
          %add3A_673 = arith.constant 5 : i32
          %add3A_674 = arith.addi %add3A_357, %add3A_673 : i32
          %get3A_675 = arith.index_cast %add3A_674 : i32 to index
          %get3A_676 = arith.constant 80 : index
          %get3A_677 = tpu.vector_load %arg8[%get3A_675, %get3A_676] {strides = array<i32>} : memref<192x128xf32, #tpu.memory_space<vmem>>, vector<1x16xf32>,
          %get3A_678 = vector.shape_cast %get3A_677 : vector<1x16xf32> to vector<16xf32>
          %add3A_679 = arith.addf %add3A_623, %get3A_678 : vector<16xf32>
          %add3A_680 = arith.constant 5 : i32
          %add3A_681 = arith.addi %add3A_357, %add3A_680 : i32
          %get3A_682 = arith.index_cast %add3A_681 : i32 to index
          %get3A_683 = arith.constant 96 : index
          %get3A_684 = tpu.vector_load %arg8[%get3A_682, %get3A_683] {strides = array<i32>} : memref<192x128xf32, #tpu.memory_space<vmem>>, vector<1x16xf32>,
          %get3A_685 = vector.shape_cast %get3A_684 : vector<1x16xf32> to vector<16xf32>
          %add3A_686 = arith.addf %add3A_630, %get3A_685 : vector<16xf32>
          %add3A_687 = arith.constant 5 : i32
          %add3A_688 = arith.addi %add3A_357, %add3A_687 : i32
          %get3A_689 = arith.index_cast %add3A_688 : i32 to index
          %get3A_690 = arith.constant 112 : index
          %get3A_691 = tpu.vector_load %arg8[%get3A_689, %get3A_690] {strides = array<i32>} : memref<192x128xf32, #tpu.memory_space<vmem>>, vector<1x16xf32>,
          %get3A_692 = vector.shape_cast %get3A_691 : vector<1x16xf32> to vector<16xf32>
          %add3A_693 = arith.addf %add3A_637, %get3A_692 : vector<16xf32>
          %add3A_694 = arith.constant 6 : i32
          %add3A_695 = arith.addi %add3A_357, %add3A_694 : i32
          %get3A_696 = arith.index_cast %add3A_695 : i32 to index
          %get3A_697 = arith.constant 0 : index
          %get3A_698 = tpu.vector_load %arg8[%get3A_696, %get3A_697] {strides = array<i32>} : memref<192x128xf32, #tpu.memory_space<vmem>>, vector<1x16xf32>,
          %get3A_699 = vector.shape_cast %get3A_698 : vector<1x16xf32> to vector<16xf32>
          %add3A_700 = arith.addf %add3A_644, %get3A_699 : vector<16xf32>
          %add3A_701 = arith.constant 6 : i32
          %add3A_702 = arith.addi %add3A_357, %add3A_701 : i32
          %get3A_703 = arith.index_cast %add3A_702 : i32 to index
          %get3A_704 = arith.constant 16 : index
          %get3A_705 = tpu.vector_load %arg8[%get3A_703, %get3A_704] {strides = array<i32>} : memref<192x128xf32, #tpu.memory_space<vmem>>, vector<1x16xf32>,
          %get3A_706 = vector.shape_cast %get3A_705 : vector<1x16xf32> to vector<16xf32>
          %add3A_707 = arith.addf %add3A_651, %get3A_706 : vector<16xf32>
          %add3A_708 = arith.constant 6 : i32
          %add3A_709 = arith.addi %add3A_357, %add3A_708 : i32
          %get3A_710 = arith.index_cast %add3A_709 : i32 to index
          %get3A_711 = arith.constant 32 : index
          %get3A_712 = tpu.vector_load %arg8[%get3A_710, %get3A_711] {strides = array<i32>} : memref<192x128xf32, #tpu.memory_space<vmem>>, vector<1x16xf32>,
          %get3A_713 = vector.shape_cast %get3A_712 : vector<1x16xf32> to vector<16xf32>
          %add3A_714 = arith.addf %add3A_658, %get3A_713 : vector<16xf32>
          %add3A_715 = arith.constant 6 : i32
          %add3A_716 = arith.addi %add3A_357, %add3A_715 : i32
          %get3A_717 = arith.index_cast %add3A_716 : i32 to index
          %get3A_718 = arith.constant 48 : index
          %get3A_719 = tpu.vector_load %arg8[%get3A_717, %get3A_718] {strides = array<i32>} : memref<192x128xf32, #tpu.memory_space<vmem>>, vector<1x16xf32>,
          %get3A_720 = vector.shape_cast %get3A_719 : vector<1x16xf32> to vector<16xf32>
          %add3A_721 = arith.addf %add3A_665, %get3A_720 : vector<16xf32>
          %add3A_722 = arith.constant 6 : i32
          %add3A_723 = arith.addi %add3A_357, %add3A_722 : i32
          %get3A_724 = arith.index_cast %add3A_723 : i32 to index
          %get3A_725 = arith.constant 64 : index
          %get3A_726 = tpu.vector_load %arg8[%get3A_724, %get3A_725] {strides = array<i32>} : memref<192x128xf32, #tpu.memory_space<vmem>>, vector<1x16xf32>,
          %get3A_727 = vector.shape_cast %get3A_726 : vector<1x16xf32> to vector<16xf32>
          %add3A_728 = arith.addf %add3A_672, %get3A_727 : vector<16xf32>
          %add3A_729 = arith.constant 6 : i32
          %add3A_730 = arith.addi %add3A_357, %add3A_729 : i32
          %get3A_731 = arith.index_cast %add3A_730 : i32 to index
          %get3A_732 = arith.constant 80 : index
          %get3A_733 = tpu.vector_load %arg8[%get3A_731, %get3A_732] {strides = array<i32>} : memref<192x128xf32, #tpu.memory_space<vmem>>, vector<1x16xf32>,
          %get3A_734 = vector.shape_cast %get3A_733 : vector<1x16xf32> to vector<16xf32>
          %add3A_735 = arith.addf %add3A_679, %get3A_734 : vector<16xf32>
          %add3A_736 = arith.constant 6 : i32
          %add3A_737 = arith.addi %add3A_357, %add3A_736 : i32
          %get3A_738 = arith.index_cast %add3A_737 : i32 to index
          %get3A_739 = arith.constant 96 : index
          %get3A_740 = tpu.vector_load %arg8[%get3A_738, %get3A_739] {strides = array<i32>} : memref<192x128xf32, #tpu.memory_space<vmem>>, vector<1x16xf32>,
          %get3A_741 = vector.shape_cast %get3A_740 : vector<1x16xf32> to vector<16xf32>
          %add3A_742 = arith.addf %add3A_686, %get3A_741 : vector<16xf32>
          %add3A_743 = arith.constant 6 : i32
          %add3A_744 = arith.addi %add3A_357, %add3A_743 : i32
          %get3A_745 = arith.index_cast %add3A_744 : i32 to index
          %get3A_746 = arith.constant 112 : index
          %get3A_747 = tpu.vector_load %arg8[%get3A_745, %get3A_746] {strides = array<i32>} : memref<192x128xf32, #tpu.memory_space<vmem>>, vector<1x16xf32>,
          %get3A_748 = vector.shape_cast %get3A_747 : vector<1x16xf32> to vector<16xf32>
          %add3A_749 = arith.addf %add3A_693, %get3A_748 : vector<16xf32>
          %add3A_750 = arith.constant 7 : i32
          %add3A_751 = arith.addi %add3A_357, %add3A_750 : i32
          %get3A_752 = arith.index_cast %add3A_751 : i32 to index
          %get3A_753 = arith.constant 0 : index
          %get3A_754 = tpu.vector_load %arg8[%get3A_752, %get3A_753] {strides = array<i32>} : memref<192x128xf32, #tpu.memory_space<vmem>>, vector<1x16xf32>,
          %get3A_755 = vector.shape_cast %get3A_754 : vector<1x16xf32> to vector<16xf32>
          %add3A_756 = arith.addf %add3A_700, %get3A_755 : vector<16xf32>
          %add3A_757 = arith.constant 7 : i32
          %add3A_758 = arith.addi %add3A_357, %add3A_757 : i32
          %get3A_759 = arith.index_cast %add3A_758 : i32 to index
          %get3A_760 = arith.constant 16 : index
          %get3A_761 = tpu.vector_load %arg8[%get3A_759, %get3A_760] {strides = array<i32>} : memref<192x128xf32, #tpu.memory_space<vmem>>, vector<1x16xf32>,
          %get3A_762 = vector.shape_cast %get3A_761 : vector<1x16xf32> to vector<16xf32>
          %add3A_763 = arith.addf %add3A_707, %get3A_762 : vector<16xf32>
          %add3A_764 = arith.constant 7 : i32
          %add3A_765 = arith.addi %add3A_357, %add3A_764 : i32
          %get3A_766 = arith.index_cast %add3A_765 : i32 to index
          %get3A_767 = arith.constant 32 : index
          %get3A_768 = tpu.vector_load %arg8[%get3A_766, %get3A_767] {strides = array<i32>} : memref<192x128xf32, #tpu.memory_space<vmem>>, vector<1x16xf32>,
          %get3A_769 = vector.shape_cast %get3A_768 : vector<1x16xf32> to vector<16xf32>
          %add3A_770 = arith.addf %add3A_714, %get3A_769 : vector<16xf32>
          %add3A_771 = arith.constant 7 : i32
          %add3A_772 = arith.addi %add3A_357, %add3A_771 : i32
          %get3A_773 = arith.index_cast %add3A_772 : i32 to index
          %get3A_774 = arith.constant 48 : index
          %get3A_775 = tpu.vector_load %arg8[%get3A_773, %get3A_774] {strides = array<i32>} : memref<192x128xf32, #tpu.memory_space<vmem>>, vector<1x16xf32>,
          %get3A_776 = vector.shape_cast %get3A_775 : vector<1x16xf32> to vector<16xf32>
          %add3A_777 = arith.addf %add3A_721, %get3A_776 : vector<16xf32>
          %add3A_778 = arith.constant 7 : i32
          %add3A_779 = arith.addi %add3A_357, %add3A_778 : i32
          %get3A_780 = arith.index_cast %add3A_779 : i32 to index
          %get3A_781 = arith.constant 64 : index
          %get3A_782 = tpu.vector_load %arg8[%get3A_780, %get3A_781] {strides = array<i32>} : memref<192x128xf32, #tpu.memory_space<vmem>>, vector<1x16xf32>,
          %get3A_783 = vector.shape_cast %get3A_782 : vector<1x16xf32> to vector<16xf32>
          %add3A_784 = arith.addf %add3A_728, %get3A_783 : vector<16xf32>
          %add3A_785 = arith.constant 7 : i32
          %add3A_786 = arith.addi %add3A_357, %add3A_785 : i32
          %get3A_787 = arith.index_cast %add3A_786 : i32 to index
          %get3A_788 = arith.constant 80 : index
          %get3A_789 = tpu.vector_load %arg8[%get3A_787, %get3A_788] {strides = array<i32>} : memref<192x128xf32, #tpu.memory_space<vmem>>, vector<1x16xf32>,
          %get3A_790 = vector.shape_cast %get3A_789 : vector<1x16xf32> to vector<16xf32>
          %add3A_791 = arith.addf %add3A_735, %get3A_790 : vector<16xf32>
          %add3A_792 = arith.constant 7 : i32
          %add3A_793 = arith.addi %add3A_357, %add3A_792 : i32
          %get3A_794 = arith.index_cast %add3A_793 : i32 to index
          %get3A_795 = arith.constant 96 : index
          %get3A_796 = tpu.vector_load %arg8[%get3A_794, %get3A_795] {strides = array<i32>} : memref<192x128xf32, #tpu.memory_space<vmem>>, vector<1x16xf32>,
          %get3A_797 = vector.shape_cast %get3A_796 : vector<1x16xf32> to vector<16xf32>
          %add3A_798 = arith.addf %add3A_742, %get3A_797 : vector<16xf32>
          %add3A_799 = arith.constant 7 : i32
          %add3A_800 = arith.addi %add3A_357, %add3A_799 : i32
          %get3A_801 = arith.index_cast %add3A_800 : i32 to index
          %get3A_802 = arith.constant 112 : index
          %get3A_803 = tpu.vector_load %arg8[%get3A_801, %get3A_802] {strides = array<i32>} : memref<192x128xf32, #tpu.memory_space<vmem>>, vector<1x16xf32>,
          %get3A_804 = vector.shape_cast %get3A_803 : vector<1x16xf32> to vector<16xf32>
          %add3A_805 = arith.addf %add3A_749, %get3A_804 : vector<16xf32>
          %add3A_806 = arith.constant 8 : i32
          %add3A_807 = arith.addi %add3A_357, %add3A_806 : i32
          %get3A_808 = arith.index_cast %add3A_807 : i32 to index
          %get3A_809 = arith.constant 0 : index
          %get3A_810 = tpu.vector_load %arg8[%get3A_808, %get3A_809] {strides = array<i32>} : memref<192x128xf32, #tpu.memory_space<vmem>>, vector<1x16xf32>,
          %get3A_811 = vector.shape_cast %get3A_810 : vector<1x16xf32> to vector<16xf32>
          %add3A_812 = arith.addf %add3A_756, %get3A_811 : vector<16xf32>
          %add3A_813 = arith.constant 8 : i32
          %add3A_814 = arith.addi %add3A_357, %add3A_813 : i32
          %get3A_815 = arith.index_cast %add3A_814 : i32 to index
          %get3A_816 = arith.constant 16 : index
          %get3A_817 = tpu.vector_load %arg8[%get3A_815, %get3A_816] {strides = array<i32>} : memref<192x128xf32, #tpu.memory_space<vmem>>, vector<1x16xf32>,
          %get3A_818 = vector.shape_cast %get3A_817 : vector<1x16xf32> to vector<16xf32>
          %add3A_819 = arith.addf %add3A_763, %get3A_818 : vector<16xf32>
          %add3A_820 = arith.constant 8 : i32
          %add3A_821 = arith.addi %add3A_357, %add3A_820 : i32
          %get3A_822 = arith.index_cast %add3A_821 : i32 to index
          %get3A_823 = arith.constant 32 : index
          %get3A_824 = tpu.vector_load %arg8[%get3A_822, %get3A_823] {strides = array<i32>} : memref<192x128xf32, #tpu.memory_space<vmem>>, vector<1x16xf32>,
          %get3A_825 = vector.shape_cast %get3A_824 : vector<1x16xf32> to vector<16xf32>
          %add3A_826 = arith.addf %add3A_770, %get3A_825 : vector<16xf32>
          %add3A_827 = arith.constant 8 : i32
          %add3A_828 = arith.addi %add3A_357, %add3A_827 : i32
          %get3A_829 = arith.index_cast %add3A_828 : i32 to index
          %get3A_830 = arith.constant 48 : index
          %get3A_831 = tpu.vector_load %arg8[%get3A_829, %get3A_830] {strides = array<i32>} : memref<192x128xf32, #tpu.memory_space<vmem>>, vector<1x16xf32>,
          %get3A_832 = vector.shape_cast %get3A_831 : vector<1x16xf32> to vector<16xf32>
          %add3A_833 = arith.addf %add3A_777, %get3A_832 : vector<16xf32>
          %add3A_834 = arith.constant 8 : i32
          %add3A_835 = arith.addi %add3A_357, %add3A_834 : i32
          %get3A_836 = arith.index_cast %add3A_835 : i32 to index
          %get3A_837 = arith.constant 64 : index
          %get3A_838 = tpu.vector_load %arg8[%get3A_836, %get3A_837] {strides = array<i32>} : memref<192x128xf32, #tpu.memory_space<vmem>>, vector<1x16xf32>,
          %get3A_839 = vector.shape_cast %get3A_838 : vector<1x16xf32> to vector<16xf32>
          %add3A_840 = arith.addf %add3A_784, %get3A_839 : vector<16xf32>
          %add3A_841 = arith.constant 8 : i32
          %add3A_842 = arith.addi %add3A_357, %add3A_841 : i32
          %get3A_843 = arith.index_cast %add3A_842 : i32 to index
          %get3A_844 = arith.constant 80 : index
          %get3A_845 = tpu.vector_load %arg8[%get3A_843, %get3A_844] {strides = array<i32>} : memref<192x128xf32, #tpu.memory_space<vmem>>, vector<1x16xf32>,
          %get3A_846 = vector.shape_cast %get3A_845 : vector<1x16xf32> to vector<16xf32>
          %add3A_847 = arith.addf %add3A_791, %get3A_846 : vector<16xf32>
          %add3A_848 = arith.constant 8 : i32
          %add3A_849 = arith.addi %add3A_357, %add3A_848 : i32
          %get3A_850 = arith.index_cast %add3A_849 : i32 to index
          %get3A_851 = arith.constant 96 : index
          %get3A_852 = tpu.vector_load %arg8[%get3A_850, %get3A_851] {strides = array<i32>} : memref<192x128xf32, #tpu.memory_space<vmem>>, vector<1x16xf32>,
          %get3A_853 = vector.shape_cast %get3A_852 : vector<1x16xf32> to vector<16xf32>
          %add3A_854 = arith.addf %add3A_798, %get3A_853 : vector<16xf32>
          %add3A_855 = arith.constant 8 : i32
          %add3A_856 = arith.addi %add3A_357, %add3A_855 : i32
          %get3A_857 = arith.index_cast %add3A_856 : i32 to index
          %get3A_858 = arith.constant 112 : index
          %get3A_859 = tpu.vector_load %arg8[%get3A_857, %get3A_858] {strides = array<i32>} : memref<192x128xf32, #tpu.memory_space<vmem>>, vector<1x16xf32>,
          %get3A_860 = vector.shape_cast %get3A_859 : vector<1x16xf32> to vector<16xf32>
          %add3A_861 = arith.addf %add3A_805, %get3A_860 : vector<16xf32>
          %add3A_862 = arith.constant 9 : i32
          %add3A_863 = arith.addi %add3A_357, %add3A_862 : i32
          %get3A_864 = arith.index_cast %add3A_863 : i32 to index
          %get3A_865 = arith.constant 0 : index
          %get3A_866 = tpu.vector_load %arg8[%get3A_864, %get3A_865] {strides = array<i32>} : memref<192x128xf32, #tpu.memory_space<vmem>>, vector<1x16xf32>,
          %get3A_867 = vector.shape_cast %get3A_866 : vector<1x16xf32> to vector<16xf32>
          %add3A_868 = arith.addf %add3A_812, %get3A_867 : vector<16xf32>
          %add3A_869 = arith.constant 9 : i32
          %add3A_870 = arith.addi %add3A_357, %add3A_869 : i32
          %get3A_871 = arith.index_cast %add3A_870 : i32 to index
          %get3A_872 = arith.constant 16 : index
          %get3A_873 = tpu.vector_load %arg8[%get3A_871, %get3A_872] {strides = array<i32>} : memref<192x128xf32, #tpu.memory_space<vmem>>, vector<1x16xf32>,
          %get3A_874 = vector.shape_cast %get3A_873 : vector<1x16xf32> to vector<16xf32>
          %add3A_875 = arith.addf %add3A_819, %get3A_874 : vector<16xf32>
          %add3A_876 = arith.constant 9 : i32
          %add3A_877 = arith.addi %add3A_357, %add3A_876 : i32
          %get3A_878 = arith.index_cast %add3A_877 : i32 to index
          %get3A_879 = arith.constant 32 : index
          %get3A_880 = tpu.vector_load %arg8[%get3A_878, %get3A_879] {strides = array<i32>} : memref<192x128xf32, #tpu.memory_space<vmem>>, vector<1x16xf32>,
          %get3A_881 = vector.shape_cast %get3A_880 : vector<1x16xf32> to vector<16xf32>
          %add3A_882 = arith.addf %add3A_826, %get3A_881 : vector<16xf32>
          %add3A_883 = arith.constant 9 : i32
          %add3A_884 = arith.addi %add3A_357, %add3A_883 : i32
          %get3A_885 = arith.index_cast %add3A_884 : i32 to index
          %get3A_886 = arith.constant 48 : index
          %get3A_887 = tpu.vector_load %arg8[%get3A_885, %get3A_886] {strides = array<i32>} : memref<192x128xf32, #tpu.memory_space<vmem>>, vector<1x16xf32>,
          %get3A_888 = vector.shape_cast %get3A_887 : vector<1x16xf32> to vector<16xf32>
          %add3A_889 = arith.addf %add3A_833, %get3A_888 : vector<16xf32>
          %add3A_890 = arith.constant 9 : i32
          %add3A_891 = arith.addi %add3A_357, %add3A_890 : i32
          %get3A_892 = arith.index_cast %add3A_891 : i32 to index
          %get3A_893 = arith.constant 64 : index
          %get3A_894 = tpu.vector_load %arg8[%get3A_892, %get3A_893] {strides = array<i32>} : memref<192x128xf32, #tpu.memory_space<vmem>>, vector<1x16xf32>,
          %get3A_895 = vector.shape_cast %get3A_894 : vector<1x16xf32> to vector<16xf32>
          %add3A_896 = arith.addf %add3A_840, %get3A_895 : vector<16xf32>
          %add3A_897 = arith.constant 9 : i32
          %add3A_898 = arith.addi %add3A_357, %add3A_897 : i32
          %get3A_899 = arith.index_cast %add3A_898 : i32 to index
          %get3A_900 = arith.constant 80 : index
          %get3A_901 = tpu.vector_load %arg8[%get3A_899, %get3A_900] {strides = array<i32>} : memref<192x128xf32, #tpu.memory_space<vmem>>, vector<1x16xf32>,
          %get3A_902 = vector.shape_cast %get3A_901 : vector<1x16xf32> to vector<16xf32>
          %add3A_903 = arith.addf %add3A_847, %get3A_902 : vector<16xf32>
          %add3A_904 = arith.constant 9 : i32
          %add3A_905 = arith.addi %add3A_357, %add3A_904 : i32
          %get3A_906 = arith.index_cast %add3A_905 : i32 to index
          %get3A_907 = arith.constant 96 : index
          %get3A_908 = tpu.vector_load %arg8[%get3A_906, %get3A_907] {strides = array<i32>} : memref<192x128xf32, #tpu.memory_space<vmem>>, vector<1x16xf32>,
          %get3A_909 = vector.shape_cast %get3A_908 : vector<1x16xf32> to vector<16xf32>
          %add3A_910 = arith.addf %add3A_854, %get3A_909 : vector<16xf32>
          %add3A_911 = arith.constant 9 : i32
          %add3A_912 = arith.addi %add3A_357, %add3A_911 : i32
          %get3A_913 = arith.index_cast %add3A_912 : i32 to index
          %get3A_914 = arith.constant 112 : index
          %get3A_915 = tpu.vector_load %arg8[%get3A_913, %get3A_914] {strides = array<i32>} : memref<192x128xf32, #tpu.memory_space<vmem>>, vector<1x16xf32>,
          %get3A_916 = vector.shape_cast %get3A_915 : vector<1x16xf32> to vector<16xf32>
          %add3A_917 = arith.addf %add3A_861, %get3A_916 : vector<16xf32>
          scf.yield %add3A_868, %add3A_875, %add3A_882, %add3A_889, %add3A_896, %add3A_903, %add3A_910, %add3A_917 : vector<16xf32>, vector<16xf32>, vector<16xf32>, vector<16xf32>, vector<16xf32>, vector<16xf32>, vector<16xf32>, vector<16xf32>
        }
        %scan3A_242 = arith.constant 5 : i32
        %scan3A_243 = arith.constant 0 : i32
        %scan3A_244 = arith.constant 10 : i32
        %scan3A_245 = arith.addi %scan3A_243, %scan3A_244 : i32
        %scan3A_246 = arith.constant 1 : i32
        %scan3A_247:8 = scf.for %scan3A_345 = %scan3A_243 to %scan3A_245 step %scan3A_246 iter_args(%scan3A_346 = %broadcast_in_dim3A_22, %scan3A_347 = %broadcast_in_dim3A_22, %scan3A_348 = %broadcast_in_dim3A_22, %scan3A_349 = %broadcast_in_dim3A_22, %scan3A_350 = %broadcast_in_dim3A_22, %scan3A_351 = %broadcast_in_dim3A_22, %scan3A_352 = %broadcast_in_dim3A_22, %scan3A_353 = %broadcast_in_dim3A_22) -> (vector<16xf32>, vector<16xf32>, vector<16xf32>, vector<16xf32>, vector<16xf32>, vector<16xf32>, vector<16xf32>, vector<16xf32>)  : i32 {
          %mul3A_354 = arith.constant 10 : i32
          %mul3A_355 = arith.muli %scan3A_345, %mul3A_354 : i32
          %add3A_356 = arith.constant 90 : i32
          %add3A_357 = arith.addi %add3A_356, %mul3A_355 : i32
          %add3A_358 = arith.constant 0 : i32
          %add3A_359 = arith.addi %add3A_357, %add3A_358 : i32
          %get3A_360 = arith.index_cast %add3A_359 : i32 to index
          %get3A_361 = arith.constant 0 : index
          %get3A_362 = tpu.vector_load %arg8[%get3A_360, %get3A_361] {strides = array<i32>} : memref<192x128xf32, #tpu.memory_space<vmem>>, vector<1x16xf32>,
          %get3A_363 = vector.shape_cast %get3A_362 : vector<1x16xf32> to vector<16xf32>
          %add3A_364 = arith.addf %scan3A_346, %get3A_363 : vector<16xf32>
          %add3A_365 = arith.constant 0 : i32
          %add3A_366 = arith.addi %add3A_357, %add3A_365 : i32
          %get3A_367 = arith.index_cast %add3A_366 : i32 to index
          %get3A_368 = arith.constant 16 : index
          %get3A_369 = tpu.vector_load %arg8[%get3A_367, %get3A_368] {strides = array<i32>} : memref<192x128xf32, #tpu.memory_space<vmem>>, vector<1x16xf32>,
          %get3A_370 = vector.shape_cast %get3A_369 : vector<1x16xf32> to vector<16xf32>
          %add3A_371 = arith.addf %scan3A_347, %get3A_370 : vector<16xf32>
          %add3A_372 = arith.constant 0 : i32
          %add3A_373 = arith.addi %add3A_357, %add3A_372 : i32
          %get3A_374 = arith.index_cast %add3A_373 : i32 to index
          %get3A_375 = arith.constant 32 : index
          %get3A_376 = tpu.vector_load %arg8[%get3A_374, %get3A_375] {strides = array<i32>} : memref<192x128xf32, #tpu.memory_space<vmem>>, vector<1x16xf32>,
          %get3A_377 = vector.shape_cast %get3A_376 : vector<1x16xf32> to vector<16xf32>
          %add3A_378 = arith.addf %scan3A_348, %get3A_377 : vector<16xf32>
          %add3A_379 = arith.constant 0 : i32
          %add3A_380 = arith.addi %add3A_357, %add3A_379 : i32
          %get3A_381 = arith.index_cast %add3A_380 : i32 to index
          %get3A_382 = arith.constant 48 : index
          %get3A_383 = tpu.vector_load %arg8[%get3A_381, %get3A_382] {strides = array<i32>} : memref<192x128xf32, #tpu.memory_space<vmem>>, vector<1x16xf32>,
          %get3A_384 = vector.shape_cast %get3A_383 : vector<1x16xf32> to vector<16xf32>
          %add3A_385 = arith.addf %scan3A_349, %get3A_384 : vector<16xf32>
          %add3A_386 = arith.constant 0 : i32
          %add3A_387 = arith.addi %add3A_357, %add3A_386 : i32
          %get3A_388 = arith.index_cast %add3A_387 : i32 to index
          %get3A_389 = arith.constant 64 : index
          %get3A_390 = tpu.vector_load %arg8[%get3A_388, %get3A_389] {strides = array<i32>} : memref<192x128xf32, #tpu.memory_space<vmem>>, vector<1x16xf32>,
          %get3A_391 = vector.shape_cast %get3A_390 : vector<1x16xf32> to vector<16xf32>
          %add3A_392 = arith.addf %scan3A_350, %get3A_391 : vector<16xf32>
          %add3A_393 = arith.constant 0 : i32
          %add3A_394 = arith.addi %add3A_357, %add3A_393 : i32
          %get3A_395 = arith.index_cast %add3A_394 : i32 to index
          %get3A_396 = arith.constant 80 : index
          %get3A_397 = tpu.vector_load %arg8[%get3A_395, %get3A_396] {strides = array<i32>} : memref<192x128xf32, #tpu.memory_space<vmem>>, vector<1x16xf32>,
          %get3A_398 = vector.shape_cast %get3A_397 : vector<1x16xf32> to vector<16xf32>
          %add3A_399 = arith.addf %scan3A_351, %get3A_398 : vector<16xf32>
          %add3A_400 = arith.constant 0 : i32
          %add3A_401 = arith.addi %add3A_357, %add3A_400 : i32
          %get3A_402 = arith.index_cast %add3A_401 : i32 to index
          %get3A_403 = arith.constant 96 : index
          %get3A_404 = tpu.vector_load %arg8[%get3A_402, %get3A_403] {strides = array<i32>} : memref<192x128xf32, #tpu.memory_space<vmem>>, vector<1x16xf32>,
          %get3A_405 = vector.shape_cast %get3A_404 : vector<1x16xf32> to vector<16xf32>
          %add3A_406 = arith.addf %scan3A_352, %get3A_405 : vector<16xf32>
          %add3A_407 = arith.constant 0 : i32
          %add3A_408 = arith.addi %add3A_357, %add3A_407 : i32
          %get3A_409 = arith.index_cast %add3A_408 : i32 to index
          %get3A_410 = arith.constant 112 : index
          %get3A_411 = tpu.vector_load %arg8[%get3A_409, %get3A_410] {strides = array<i32>} : memref<192x128xf32, #tpu.memory_space<vmem>>, vector<1x16xf32>,
          %get3A_412 = vector.shape_cast %get3A_411 : vector<1x16xf32> to vector<16xf32>
          %add3A_413 = arith.addf %scan3A_353, %get3A_412 : vector<16xf32>
          %add3A_414 = arith.constant 1 : i32
          %add3A_415 = arith.addi %add3A_357, %add3A_414 : i32
          %get3A_416 = arith.index_cast %add3A_415 : i32 to index
          %get3A_417 = arith.constant 0 : index
          %get3A_418 = tpu.vector_load %arg8[%get3A_416, %get3A_417] {strides = array<i32>} : memref<192x128xf32, #tpu.memory_space<vmem>>, vector<1x16xf32>,
          %get3A_419 = vector.shape_cast %get3A_418 : vector<1x16xf32> to vector<16xf32>
          %add3A_420 = arith.addf %add3A_364, %get3A_419 : vector<16xf32>
          %add3A_421 = arith.constant 1 : i32
          %add3A_422 = arith.addi %add3A_357, %add3A_421 : i32
          %get3A_423 = arith.index_cast %add3A_422 : i32 to index
          %get3A_424 = arith.constant 16 : index
          %get3A_425 = tpu.vector_load %arg8[%get3A_423, %get3A_424] {strides = array<i32>} : memref<192x128xf32, #tpu.memory_space<vmem>>, vector<1x16xf32>,
          %get3A_426 = vector.shape_cast %get3A_425 : vector<1x16xf32> to vector<16xf32>
          %add3A_427 = arith.addf %add3A_371, %get3A_426 : vector<16xf32>
          %add3A_428 = arith.constant 1 : i32
          %add3A_429 = arith.addi %add3A_357, %add3A_428 : i32
          %get3A_430 = arith.index_cast %add3A_429 : i32 to index
          %get3A_431 = arith.constant 32 : index
          %get3A_432 = tpu.vector_load %arg8[%get3A_430, %get3A_431] {strides = array<i32>} : memref<192x128xf32, #tpu.memory_space<vmem>>, vector<1x16xf32>,
          %get3A_433 = vector.shape_cast %get3A_432 : vector<1x16xf32> to vector<16xf32>
          %add3A_434 = arith.addf %add3A_378, %get3A_433 : vector<16xf32>
          %add3A_435 = arith.constant 1 : i32
          %add3A_436 = arith.addi %add3A_357, %add3A_435 : i32
          %get3A_437 = arith.index_cast %add3A_436 : i32 to index
          %get3A_438 = arith.constant 48 : index
          %get3A_439 = tpu.vector_load %arg8[%get3A_437, %get3A_438] {strides = array<i32>} : memref<192x128xf32, #tpu.memory_space<vmem>>, vector<1x16xf32>,
          %get3A_440 = vector.shape_cast %get3A_439 : vector<1x16xf32> to vector<16xf32>
          %add3A_441 = arith.addf %add3A_385, %get3A_440 : vector<16xf32>
          %add3A_442 = arith.constant 1 : i32
          %add3A_443 = arith.addi %add3A_357, %add3A_442 : i32
          %get3A_444 = arith.index_cast %add3A_443 : i32 to index
          %get3A_445 = arith.constant 64 : index
          %get3A_446 = tpu.vector_load %arg8[%get3A_444, %get3A_445] {strides = array<i32>} : memref<192x128xf32, #tpu.memory_space<vmem>>, vector<1x16xf32>,
          %get3A_447 = vector.shape_cast %get3A_446 : vector<1x16xf32> to vector<16xf32>
          %add3A_448 = arith.addf %add3A_392, %get3A_447 : vector<16xf32>
          %add3A_449 = arith.constant 1 : i32
          %add3A_450 = arith.addi %add3A_357, %add3A_449 : i32
          %get3A_451 = arith.index_cast %add3A_450 : i32 to index
          %get3A_452 = arith.constant 80 : index
          %get3A_453 = tpu.vector_load %arg8[%get3A_451, %get3A_452] {strides = array<i32>} : memref<192x128xf32, #tpu.memory_space<vmem>>, vector<1x16xf32>,
          %get3A_454 = vector.shape_cast %get3A_453 : vector<1x16xf32> to vector<16xf32>
          %add3A_455 = arith.addf %add3A_399, %get3A_454 : vector<16xf32>
          %add3A_456 = arith.constant 1 : i32
          %add3A_457 = arith.addi %add3A_357, %add3A_456 : i32
          %get3A_458 = arith.index_cast %add3A_457 : i32 to index
          %get3A_459 = arith.constant 96 : index
          %get3A_460 = tpu.vector_load %arg8[%get3A_458, %get3A_459] {strides = array<i32>} : memref<192x128xf32, #tpu.memory_space<vmem>>, vector<1x16xf32>,
          %get3A_461 = vector.shape_cast %get3A_460 : vector<1x16xf32> to vector<16xf32>
          %add3A_462 = arith.addf %add3A_406, %get3A_461 : vector<16xf32>
          %add3A_463 = arith.constant 1 : i32
          %add3A_464 = arith.addi %add3A_357, %add3A_463 : i32
          %get3A_465 = arith.index_cast %add3A_464 : i32 to index
          %get3A_466 = arith.constant 112 : index
          %get3A_467 = tpu.vector_load %arg8[%get3A_465, %get3A_466] {strides = array<i32>} : memref<192x128xf32, #tpu.memory_space<vmem>>, vector<1x16xf32>,
          %get3A_468 = vector.shape_cast %get3A_467 : vector<1x16xf32> to vector<16xf32>
          %add3A_469 = arith.addf %add3A_413, %get3A_468 : vector<16xf32>
          %add3A_470 = arith.constant 2 : i32
          %add3A_471 = arith.addi %add3A_357, %add3A_470 : i32
          %get3A_472 = arith.index_cast %add3A_471 : i32 to index
          %get3A_473 = arith.constant 0 : index
          %get3A_474 = tpu.vector_load %arg8[%get3A_472, %get3A_473] {strides = array<i32>} : memref<192x128xf32, #tpu.memory_space<vmem>>, vector<1x16xf32>,
          %get3A_475 = vector.shape_cast %get3A_474 : vector<1x16xf32> to vector<16xf32>
          %add3A_476 = arith.addf %add3A_420, %get3A_475 : vector<16xf32>
          %add3A_477 = arith.constant 2 : i32
          %add3A_478 = arith.addi %add3A_357, %add3A_477 : i32
          %get3A_479 = arith.index_cast %add3A_478 : i32 to index
          %get3A_480 = arith.constant 16 : index
          %get3A_481 = tpu.vector_load %arg8[%get3A_479, %get3A_480] {strides = array<i32>} : memref<192x128xf32, #tpu.memory_space<vmem>>, vector<1x16xf32>,
          %get3A_482 = vector.shape_cast %get3A_481 : vector<1x16xf32> to vector<16xf32>
          %add3A_483 = arith.addf %add3A_427, %get3A_482 : vector<16xf32>
          %add3A_484 = arith.constant 2 : i32
          %add3A_485 = arith.addi %add3A_357, %add3A_484 : i32
          %get3A_486 = arith.index_cast %add3A_485 : i32 to index
          %get3A_487 = arith.constant 32 : index
          %get3A_488 = tpu.vector_load %arg8[%get3A_486, %get3A_487] {strides = array<i32>} : memref<192x128xf32, #tpu.memory_space<vmem>>, vector<1x16xf32>,
          %get3A_489 = vector.shape_cast %get3A_488 : vector<1x16xf32> to vector<16xf32>
          %add3A_490 = arith.addf %add3A_434, %get3A_489 : vector<16xf32>
          %add3A_491 = arith.constant 2 : i32
          %add3A_492 = arith.addi %add3A_357, %add3A_491 : i32
          %get3A_493 = arith.index_cast %add3A_492 : i32 to index
          %get3A_494 = arith.constant 48 : index
          %get3A_495 = tpu.vector_load %arg8[%get3A_493, %get3A_494] {strides = array<i32>} : memref<192x128xf32, #tpu.memory_space<vmem>>, vector<1x16xf32>,
          %get3A_496 = vector.shape_cast %get3A_495 : vector<1x16xf32> to vector<16xf32>
          %add3A_497 = arith.addf %add3A_441, %get3A_496 : vector<16xf32>
          %add3A_498 = arith.constant 2 : i32
          %add3A_499 = arith.addi %add3A_357, %add3A_498 : i32
          %get3A_500 = arith.index_cast %add3A_499 : i32 to index
          %get3A_501 = arith.constant 64 : index
          %get3A_502 = tpu.vector_load %arg8[%get3A_500, %get3A_501] {strides = array<i32>} : memref<192x128xf32, #tpu.memory_space<vmem>>, vector<1x16xf32>,
          %get3A_503 = vector.shape_cast %get3A_502 : vector<1x16xf32> to vector<16xf32>
          %add3A_504 = arith.addf %add3A_448, %get3A_503 : vector<16xf32>
          %add3A_505 = arith.constant 2 : i32
          %add3A_506 = arith.addi %add3A_357, %add3A_505 : i32
          %get3A_507 = arith.index_cast %add3A_506 : i32 to index
          %get3A_508 = arith.constant 80 : index
          %get3A_509 = tpu.vector_load %arg8[%get3A_507, %get3A_508] {strides = array<i32>} : memref<192x128xf32, #tpu.memory_space<vmem>>, vector<1x16xf32>,
          %get3A_510 = vector.shape_cast %get3A_509 : vector<1x16xf32> to vector<16xf32>
          %add3A_511 = arith.addf %add3A_455, %get3A_510 : vector<16xf32>
          %add3A_512 = arith.constant 2 : i32
          %add3A_513 = arith.addi %add3A_357, %add3A_512 : i32
          %get3A_514 = arith.index_cast %add3A_513 : i32 to index
          %get3A_515 = arith.constant 96 : index
          %get3A_516 = tpu.vector_load %arg8[%get3A_514, %get3A_515] {strides = array<i32>} : memref<192x128xf32, #tpu.memory_space<vmem>>, vector<1x16xf32>,
          %get3A_517 = vector.shape_cast %get3A_516 : vector<1x16xf32> to vector<16xf32>
          %add3A_518 = arith.addf %add3A_462, %get3A_517 : vector<16xf32>
          %add3A_519 = arith.constant 2 : i32
          %add3A_520 = arith.addi %add3A_357, %add3A_519 : i32
          %get3A_521 = arith.index_cast %add3A_520 : i32 to index
          %get3A_522 = arith.constant 112 : index
          %get3A_523 = tpu.vector_load %arg8[%get3A_521, %get3A_522] {strides = array<i32>} : memref<192x128xf32, #tpu.memory_space<vmem>>, vector<1x16xf32>,
          %get3A_524 = vector.shape_cast %get3A_523 : vector<1x16xf32> to vector<16xf32>
          %add3A_525 = arith.addf %add3A_469, %get3A_524 : vector<16xf32>
          %add3A_526 = arith.constant 3 : i32
          %add3A_527 = arith.addi %add3A_357, %add3A_526 : i32
          %get3A_528 = arith.index_cast %add3A_527 : i32 to index
          %get3A_529 = arith.constant 0 : index
          %get3A_530 = tpu.vector_load %arg8[%get3A_528, %get3A_529] {strides = array<i32>} : memref<192x128xf32, #tpu.memory_space<vmem>>, vector<1x16xf32>,
          %get3A_531 = vector.shape_cast %get3A_530 : vector<1x16xf32> to vector<16xf32>
          %add3A_532 = arith.addf %add3A_476, %get3A_531 : vector<16xf32>
          %add3A_533 = arith.constant 3 : i32
          %add3A_534 = arith.addi %add3A_357, %add3A_533 : i32
          %get3A_535 = arith.index_cast %add3A_534 : i32 to index
          %get3A_536 = arith.constant 16 : index
          %get3A_537 = tpu.vector_load %arg8[%get3A_535, %get3A_536] {strides = array<i32>} : memref<192x128xf32, #tpu.memory_space<vmem>>, vector<1x16xf32>,
          %get3A_538 = vector.shape_cast %get3A_537 : vector<1x16xf32> to vector<16xf32>
          %add3A_539 = arith.addf %add3A_483, %get3A_538 : vector<16xf32>
          %add3A_540 = arith.constant 3 : i32
          %add3A_541 = arith.addi %add3A_357, %add3A_540 : i32
          %get3A_542 = arith.index_cast %add3A_541 : i32 to index
          %get3A_543 = arith.constant 32 : index
          %get3A_544 = tpu.vector_load %arg8[%get3A_542, %get3A_543] {strides = array<i32>} : memref<192x128xf32, #tpu.memory_space<vmem>>, vector<1x16xf32>,
          %get3A_545 = vector.shape_cast %get3A_544 : vector<1x16xf32> to vector<16xf32>
          %add3A_546 = arith.addf %add3A_490, %get3A_545 : vector<16xf32>
          %add3A_547 = arith.constant 3 : i32
          %add3A_548 = arith.addi %add3A_357, %add3A_547 : i32
          %get3A_549 = arith.index_cast %add3A_548 : i32 to index
          %get3A_550 = arith.constant 48 : index
          %get3A_551 = tpu.vector_load %arg8[%get3A_549, %get3A_550] {strides = array<i32>} : memref<192x128xf32, #tpu.memory_space<vmem>>, vector<1x16xf32>,
          %get3A_552 = vector.shape_cast %get3A_551 : vector<1x16xf32> to vector<16xf32>
          %add3A_553 = arith.addf %add3A_497, %get3A_552 : vector<16xf32>
          %add3A_554 = arith.constant 3 : i32
          %add3A_555 = arith.addi %add3A_357, %add3A_554 : i32
          %get3A_556 = arith.index_cast %add3A_555 : i32 to index
          %get3A_557 = arith.constant 64 : index
          %get3A_558 = tpu.vector_load %arg8[%get3A_556, %get3A_557] {strides = array<i32>} : memref<192x128xf32, #tpu.memory_space<vmem>>, vector<1x16xf32>,
          %get3A_559 = vector.shape_cast %get3A_558 : vector<1x16xf32> to vector<16xf32>
          %add3A_560 = arith.addf %add3A_504, %get3A_559 : vector<16xf32>
          %add3A_561 = arith.constant 3 : i32
          %add3A_562 = arith.addi %add3A_357, %add3A_561 : i32
          %get3A_563 = arith.index_cast %add3A_562 : i32 to index
          %get3A_564 = arith.constant 80 : index
          %get3A_565 = tpu.vector_load %arg8[%get3A_563, %get3A_564] {strides = array<i32>} : memref<192x128xf32, #tpu.memory_space<vmem>>, vector<1x16xf32>,
          %get3A_566 = vector.shape_cast %get3A_565 : vector<1x16xf32> to vector<16xf32>
          %add3A_567 = arith.addf %add3A_511, %get3A_566 : vector<16xf32>
          %add3A_568 = arith.constant 3 : i32
          %add3A_569 = arith.addi %add3A_357, %add3A_568 : i32
          %get3A_570 = arith.index_cast %add3A_569 : i32 to index
          %get3A_571 = arith.constant 96 : index
          %get3A_572 = tpu.vector_load %arg8[%get3A_570, %get3A_571] {strides = array<i32>} : memref<192x128xf32, #tpu.memory_space<vmem>>, vector<1x16xf32>,
          %get3A_573 = vector.shape_cast %get3A_572 : vector<1x16xf32> to vector<16xf32>
          %add3A_574 = arith.addf %add3A_518, %get3A_573 : vector<16xf32>
          %add3A_575 = arith.constant 3 : i32
          %add3A_576 = arith.addi %add3A_357, %add3A_575 : i32
          %get3A_577 = arith.index_cast %add3A_576 : i32 to index
          %get3A_578 = arith.constant 112 : index
          %get3A_579 = tpu.vector_load %arg8[%get3A_577, %get3A_578] {strides = array<i32>} : memref<192x128xf32, #tpu.memory_space<vmem>>, vector<1x16xf32>,
          %get3A_580 = vector.shape_cast %get3A_579 : vector<1x16xf32> to vector<16xf32>
          %add3A_581 = arith.addf %add3A_525, %get3A_580 : vector<16xf32>
          %add3A_582 = arith.constant 4 : i32
          %add3A_583 = arith.addi %add3A_357, %add3A_582 : i32
          %get3A_584 = arith.index_cast %add3A_583 : i32 to index
          %get3A_585 = arith.constant 0 : index
          %get3A_586 = tpu.vector_load %arg8[%get3A_584, %get3A_585] {strides = array<i32>} : memref<192x128xf32, #tpu.memory_space<vmem>>, vector<1x16xf32>,
          %get3A_587 = vector.shape_cast %get3A_586 : vector<1x16xf32> to vector<16xf32>
          %add3A_588 = arith.addf %add3A_532, %get3A_587 : vector<16xf32>
          %add3A_589 = arith.constant 4 : i32
          %add3A_590 = arith.addi %add3A_357, %add3A_589 : i32
          %get3A_591 = arith.index_cast %add3A_590 : i32 to index
          %get3A_592 = arith.constant 16 : index
          %get3A_593 = tpu.vector_load %arg8[%get3A_591, %get3A_592] {strides = array<i32>} : memref<192x128xf32, #tpu.memory_space<vmem>>, vector<1x16xf32>,
          %get3A_594 = vector.shape_cast %get3A_593 : vector<1x16xf32> to vector<16xf32>
          %add3A_595 = arith.addf %add3A_539, %get3A_594 : vector<16xf32>
          %add3A_596 = arith.constant 4 : i32
          %add3A_597 = arith.addi %add3A_357, %add3A_596 : i32
          %get3A_598 = arith.index_cast %add3A_597 : i32 to index
          %get3A_599 = arith.constant 32 : index
          %get3A_600 = tpu.vector_load %arg8[%get3A_598, %get3A_599] {strides = array<i32>} : memref<192x128xf32, #tpu.memory_space<vmem>>, vector<1x16xf32>,
          %get3A_601 = vector.shape_cast %get3A_600 : vector<1x16xf32> to vector<16xf32>
          %add3A_602 = arith.addf %add3A_546, %get3A_601 : vector<16xf32>
          %add3A_603 = arith.constant 4 : i32
          %add3A_604 = arith.addi %add3A_357, %add3A_603 : i32
          %get3A_605 = arith.index_cast %add3A_604 : i32 to index
          %get3A_606 = arith.constant 48 : index
          %get3A_607 = tpu.vector_load %arg8[%get3A_605, %get3A_606] {strides = array<i32>} : memref<192x128xf32, #tpu.memory_space<vmem>>, vector<1x16xf32>,
          %get3A_608 = vector.shape_cast %get3A_607 : vector<1x16xf32> to vector<16xf32>
          %add3A_609 = arith.addf %add3A_553, %get3A_608 : vector<16xf32>
          %add3A_610 = arith.constant 4 : i32
          %add3A_611 = arith.addi %add3A_357, %add3A_610 : i32
          %get3A_612 = arith.index_cast %add3A_611 : i32 to index
          %get3A_613 = arith.constant 64 : index
          %get3A_614 = tpu.vector_load %arg8[%get3A_612, %get3A_613] {strides = array<i32>} : memref<192x128xf32, #tpu.memory_space<vmem>>, vector<1x16xf32>,
          %get3A_615 = vector.shape_cast %get3A_614 : vector<1x16xf32> to vector<16xf32>
          %add3A_616 = arith.addf %add3A_560, %get3A_615 : vector<16xf32>
          %add3A_617 = arith.constant 4 : i32
          %add3A_618 = arith.addi %add3A_357, %add3A_617 : i32
          %get3A_619 = arith.index_cast %add3A_618 : i32 to index
          %get3A_620 = arith.constant 80 : index
          %get3A_621 = tpu.vector_load %arg8[%get3A_619, %get3A_620] {strides = array<i32>} : memref<192x128xf32, #tpu.memory_space<vmem>>, vector<1x16xf32>,
          %get3A_622 = vector.shape_cast %get3A_621 : vector<1x16xf32> to vector<16xf32>
          %add3A_623 = arith.addf %add3A_567, %get3A_622 : vector<16xf32>
          %add3A_624 = arith.constant 4 : i32
          %add3A_625 = arith.addi %add3A_357, %add3A_624 : i32
          %get3A_626 = arith.index_cast %add3A_625 : i32 to index
          %get3A_627 = arith.constant 96 : index
          %get3A_628 = tpu.vector_load %arg8[%get3A_626, %get3A_627] {strides = array<i32>} : memref<192x128xf32, #tpu.memory_space<vmem>>, vector<1x16xf32>,
          %get3A_629 = vector.shape_cast %get3A_628 : vector<1x16xf32> to vector<16xf32>
          %add3A_630 = arith.addf %add3A_574, %get3A_629 : vector<16xf32>
          %add3A_631 = arith.constant 4 : i32
          %add3A_632 = arith.addi %add3A_357, %add3A_631 : i32
          %get3A_633 = arith.index_cast %add3A_632 : i32 to index
          %get3A_634 = arith.constant 112 : index
          %get3A_635 = tpu.vector_load %arg8[%get3A_633, %get3A_634] {strides = array<i32>} : memref<192x128xf32, #tpu.memory_space<vmem>>, vector<1x16xf32>,
          %get3A_636 = vector.shape_cast %get3A_635 : vector<1x16xf32> to vector<16xf32>
          %add3A_637 = arith.addf %add3A_581, %get3A_636 : vector<16xf32>
          %add3A_638 = arith.constant 5 : i32
          %add3A_639 = arith.addi %add3A_357, %add3A_638 : i32
          %get3A_640 = arith.index_cast %add3A_639 : i32 to index
          %get3A_641 = arith.constant 0 : index
          %get3A_642 = tpu.vector_load %arg8[%get3A_640, %get3A_641] {strides = array<i32>} : memref<192x128xf32, #tpu.memory_space<vmem>>, vector<1x16xf32>,
          %get3A_643 = vector.shape_cast %get3A_642 : vector<1x16xf32> to vector<16xf32>
          %add3A_644 = arith.addf %add3A_588, %get3A_643 : vector<16xf32>
          %add3A_645 = arith.constant 5 : i32
          %add3A_646 = arith.addi %add3A_357, %add3A_645 : i32
          %get3A_647 = arith.index_cast %add3A_646 : i32 to index
          %get3A_648 = arith.constant 16 : index
          %get3A_649 = tpu.vector_load %arg8[%get3A_647, %get3A_648] {strides = array<i32>} : memref<192x128xf32, #tpu.memory_space<vmem>>, vector<1x16xf32>,
          %get3A_650 = vector.shape_cast %get3A_649 : vector<1x16xf32> to vector<16xf32>
          %add3A_651 = arith.addf %add3A_595, %get3A_650 : vector<16xf32>
          %add3A_652 = arith.constant 5 : i32
          %add3A_653 = arith.addi %add3A_357, %add3A_652 : i32
          %get3A_654 = arith.index_cast %add3A_653 : i32 to index
          %get3A_655 = arith.constant 32 : index
          %get3A_656 = tpu.vector_load %arg8[%get3A_654, %get3A_655] {strides = array<i32>} : memref<192x128xf32, #tpu.memory_space<vmem>>, vector<1x16xf32>,
          %get3A_657 = vector.shape_cast %get3A_656 : vector<1x16xf32> to vector<16xf32>
          %add3A_658 = arith.addf %add3A_602, %get3A_657 : vector<16xf32>
          %add3A_659 = arith.constant 5 : i32
          %add3A_660 = arith.addi %add3A_357, %add3A_659 : i32
          %get3A_661 = arith.index_cast %add3A_660 : i32 to index
          %get3A_662 = arith.constant 48 : index
          %get3A_663 = tpu.vector_load %arg8[%get3A_661, %get3A_662] {strides = array<i32>} : memref<192x128xf32, #tpu.memory_space<vmem>>, vector<1x16xf32>,
          %get3A_664 = vector.shape_cast %get3A_663 : vector<1x16xf32> to vector<16xf32>
          %add3A_665 = arith.addf %add3A_609, %get3A_664 : vector<16xf32>
          %add3A_666 = arith.constant 5 : i32
          %add3A_667 = arith.addi %add3A_357, %add3A_666 : i32
          %get3A_668 = arith.index_cast %add3A_667 : i32 to index
          %get3A_669 = arith.constant 64 : index
          %get3A_670 = tpu.vector_load %arg8[%get3A_668, %get3A_669] {strides = array<i32>} : memref<192x128xf32, #tpu.memory_space<vmem>>, vector<1x16xf32>,
          %get3A_671 = vector.shape_cast %get3A_670 : vector<1x16xf32> to vector<16xf32>
          %add3A_672 = arith.addf %add3A_616, %get3A_671 : vector<16xf32>
          %add3A_673 = arith.constant 5 : i32
          %add3A_674 = arith.addi %add3A_357, %add3A_673 : i32
          %get3A_675 = arith.index_cast %add3A_674 : i32 to index
          %get3A_676 = arith.constant 80 : index
          %get3A_677 = tpu.vector_load %arg8[%get3A_675, %get3A_676] {strides = array<i32>} : memref<192x128xf32, #tpu.memory_space<vmem>>, vector<1x16xf32>,
          %get3A_678 = vector.shape_cast %get3A_677 : vector<1x16xf32> to vector<16xf32>
          %add3A_679 = arith.addf %add3A_623, %get3A_678 : vector<16xf32>
          %add3A_680 = arith.constant 5 : i32
          %add3A_681 = arith.addi %add3A_357, %add3A_680 : i32
          %get3A_682 = arith.index_cast %add3A_681 : i32 to index
          %get3A_683 = arith.constant 96 : index
          %get3A_684 = tpu.vector_load %arg8[%get3A_682, %get3A_683] {strides = array<i32>} : memref<192x128xf32, #tpu.memory_space<vmem>>, vector<1x16xf32>,
          %get3A_685 = vector.shape_cast %get3A_684 : vector<1x16xf32> to vector<16xf32>
          %add3A_686 = arith.addf %add3A_630, %get3A_685 : vector<16xf32>
          %add3A_687 = arith.constant 5 : i32
          %add3A_688 = arith.addi %add3A_357, %add3A_687 : i32
          %get3A_689 = arith.index_cast %add3A_688 : i32 to index
          %get3A_690 = arith.constant 112 : index
          %get3A_691 = tpu.vector_load %arg8[%get3A_689, %get3A_690] {strides = array<i32>} : memref<192x128xf32, #tpu.memory_space<vmem>>, vector<1x16xf32>,
          %get3A_692 = vector.shape_cast %get3A_691 : vector<1x16xf32> to vector<16xf32>
          %add3A_693 = arith.addf %add3A_637, %get3A_692 : vector<16xf32>
          %add3A_694 = arith.constant 6 : i32
          %add3A_695 = arith.addi %add3A_357, %add3A_694 : i32
          %get3A_696 = arith.index_cast %add3A_695 : i32 to index
          %get3A_697 = arith.constant 0 : index
          %get3A_698 = tpu.vector_load %arg8[%get3A_696, %get3A_697] {strides = array<i32>} : memref<192x128xf32, #tpu.memory_space<vmem>>, vector<1x16xf32>,
          %get3A_699 = vector.shape_cast %get3A_698 : vector<1x16xf32> to vector<16xf32>
          %add3A_700 = arith.addf %add3A_644, %get3A_699 : vector<16xf32>
          %add3A_701 = arith.constant 6 : i32
          %add3A_702 = arith.addi %add3A_357, %add3A_701 : i32
          %get3A_703 = arith.index_cast %add3A_702 : i32 to index
          %get3A_704 = arith.constant 16 : index
          %get3A_705 = tpu.vector_load %arg8[%get3A_703, %get3A_704] {strides = array<i32>} : memref<192x128xf32, #tpu.memory_space<vmem>>, vector<1x16xf32>,
          %get3A_706 = vector.shape_cast %get3A_705 : vector<1x16xf32> to vector<16xf32>
          %add3A_707 = arith.addf %add3A_651, %get3A_706 : vector<16xf32>
          %add3A_708 = arith.constant 6 : i32
          %add3A_709 = arith.addi %add3A_357, %add3A_708 : i32
          %get3A_710 = arith.index_cast %add3A_709 : i32 to index
          %get3A_711 = arith.constant 32 : index
          %get3A_712 = tpu.vector_load %arg8[%get3A_710, %get3A_711] {strides = array<i32>} : memref<192x128xf32, #tpu.memory_space<vmem>>, vector<1x16xf32>,
          %get3A_713 = vector.shape_cast %get3A_712 : vector<1x16xf32> to vector<16xf32>
          %add3A_714 = arith.addf %add3A_658, %get3A_713 : vector<16xf32>
          %add3A_715 = arith.constant 6 : i32
          %add3A_716 = arith.addi %add3A_357, %add3A_715 : i32
          %get3A_717 = arith.index_cast %add3A_716 : i32 to index
          %get3A_718 = arith.constant 48 : index
          %get3A_719 = tpu.vector_load %arg8[%get3A_717, %get3A_718] {strides = array<i32>} : memref<192x128xf32, #tpu.memory_space<vmem>>, vector<1x16xf32>,
          %get3A_720 = vector.shape_cast %get3A_719 : vector<1x16xf32> to vector<16xf32>
          %add3A_721 = arith.addf %add3A_665, %get3A_720 : vector<16xf32>
          %add3A_722 = arith.constant 6 : i32
          %add3A_723 = arith.addi %add3A_357, %add3A_722 : i32
          %get3A_724 = arith.index_cast %add3A_723 : i32 to index
          %get3A_725 = arith.constant 64 : index
          %get3A_726 = tpu.vector_load %arg8[%get3A_724, %get3A_725] {strides = array<i32>} : memref<192x128xf32, #tpu.memory_space<vmem>>, vector<1x16xf32>,
          %get3A_727 = vector.shape_cast %get3A_726 : vector<1x16xf32> to vector<16xf32>
          %add3A_728 = arith.addf %add3A_672, %get3A_727 : vector<16xf32>
          %add3A_729 = arith.constant 6 : i32
          %add3A_730 = arith.addi %add3A_357, %add3A_729 : i32
          %get3A_731 = arith.index_cast %add3A_730 : i32 to index
          %get3A_732 = arith.constant 80 : index
          %get3A_733 = tpu.vector_load %arg8[%get3A_731, %get3A_732] {strides = array<i32>} : memref<192x128xf32, #tpu.memory_space<vmem>>, vector<1x16xf32>,
          %get3A_734 = vector.shape_cast %get3A_733 : vector<1x16xf32> to vector<16xf32>
          %add3A_735 = arith.addf %add3A_679, %get3A_734 : vector<16xf32>
          %add3A_736 = arith.constant 6 : i32
          %add3A_737 = arith.addi %add3A_357, %add3A_736 : i32
          %get3A_738 = arith.index_cast %add3A_737 : i32 to index
          %get3A_739 = arith.constant 96 : index
          %get3A_740 = tpu.vector_load %arg8[%get3A_738, %get3A_739] {strides = array<i32>} : memref<192x128xf32, #tpu.memory_space<vmem>>, vector<1x16xf32>,
          %get3A_741 = vector.shape_cast %get3A_740 : vector<1x16xf32> to vector<16xf32>
          %add3A_742 = arith.addf %add3A_686, %get3A_741 : vector<16xf32>
          %add3A_743 = arith.constant 6 : i32
          %add3A_744 = arith.addi %add3A_357, %add3A_743 : i32
          %get3A_745 = arith.index_cast %add3A_744 : i32 to index
          %get3A_746 = arith.constant 112 : index
          %get3A_747 = tpu.vector_load %arg8[%get3A_745, %get3A_746] {strides = array<i32>} : memref<192x128xf32, #tpu.memory_space<vmem>>, vector<1x16xf32>,
          %get3A_748 = vector.shape_cast %get3A_747 : vector<1x16xf32> to vector<16xf32>
          %add3A_749 = arith.addf %add3A_693, %get3A_748 : vector<16xf32>
          %add3A_750 = arith.constant 7 : i32
          %add3A_751 = arith.addi %add3A_357, %add3A_750 : i32
          %get3A_752 = arith.index_cast %add3A_751 : i32 to index
          %get3A_753 = arith.constant 0 : index
          %get3A_754 = tpu.vector_load %arg8[%get3A_752, %get3A_753] {strides = array<i32>} : memref<192x128xf32, #tpu.memory_space<vmem>>, vector<1x16xf32>,
          %get3A_755 = vector.shape_cast %get3A_754 : vector<1x16xf32> to vector<16xf32>
          %add3A_756 = arith.addf %add3A_700, %get3A_755 : vector<16xf32>
          %add3A_757 = arith.constant 7 : i32
          %add3A_758 = arith.addi %add3A_357, %add3A_757 : i32
          %get3A_759 = arith.index_cast %add3A_758 : i32 to index
          %get3A_760 = arith.constant 16 : index
          %get3A_761 = tpu.vector_load %arg8[%get3A_759, %get3A_760] {strides = array<i32>} : memref<192x128xf32, #tpu.memory_space<vmem>>, vector<1x16xf32>,
          %get3A_762 = vector.shape_cast %get3A_761 : vector<1x16xf32> to vector<16xf32>
          %add3A_763 = arith.addf %add3A_707, %get3A_762 : vector<16xf32>
          %add3A_764 = arith.constant 7 : i32
          %add3A_765 = arith.addi %add3A_357, %add3A_764 : i32
          %get3A_766 = arith.index_cast %add3A_765 : i32 to index
          %get3A_767 = arith.constant 32 : index
          %get3A_768 = tpu.vector_load %arg8[%get3A_766, %get3A_767] {strides = array<i32>} : memref<192x128xf32, #tpu.memory_space<vmem>>, vector<1x16xf32>,
          %get3A_769 = vector.shape_cast %get3A_768 : vector<1x16xf32> to vector<16xf32>
          %add3A_770 = arith.addf %add3A_714, %get3A_769 : vector<16xf32>
          %add3A_771 = arith.constant 7 : i32
          %add3A_772 = arith.addi %add3A_357, %add3A_771 : i32
          %get3A_773 = arith.index_cast %add3A_772 : i32 to index
          %get3A_774 = arith.constant 48 : index
          %get3A_775 = tpu.vector_load %arg8[%get3A_773, %get3A_774] {strides = array<i32>} : memref<192x128xf32, #tpu.memory_space<vmem>>, vector<1x16xf32>,
          %get3A_776 = vector.shape_cast %get3A_775 : vector<1x16xf32> to vector<16xf32>
          %add3A_777 = arith.addf %add3A_721, %get3A_776 : vector<16xf32>
          %add3A_778 = arith.constant 7 : i32
          %add3A_779 = arith.addi %add3A_357, %add3A_778 : i32
          %get3A_780 = arith.index_cast %add3A_779 : i32 to index
          %get3A_781 = arith.constant 64 : index
          %get3A_782 = tpu.vector_load %arg8[%get3A_780, %get3A_781] {strides = array<i32>} : memref<192x128xf32, #tpu.memory_space<vmem>>, vector<1x16xf32>,
          %get3A_783 = vector.shape_cast %get3A_782 : vector<1x16xf32> to vector<16xf32>
          %add3A_784 = arith.addf %add3A_728, %get3A_783 : vector<16xf32>
          %add3A_785 = arith.constant 7 : i32
          %add3A_786 = arith.addi %add3A_357, %add3A_785 : i32
          %get3A_787 = arith.index_cast %add3A_786 : i32 to index
          %get3A_788 = arith.constant 80 : index
          %get3A_789 = tpu.vector_load %arg8[%get3A_787, %get3A_788] {strides = array<i32>} : memref<192x128xf32, #tpu.memory_space<vmem>>, vector<1x16xf32>,
          %get3A_790 = vector.shape_cast %get3A_789 : vector<1x16xf32> to vector<16xf32>
          %add3A_791 = arith.addf %add3A_735, %get3A_790 : vector<16xf32>
          %add3A_792 = arith.constant 7 : i32
          %add3A_793 = arith.addi %add3A_357, %add3A_792 : i32
          %get3A_794 = arith.index_cast %add3A_793 : i32 to index
          %get3A_795 = arith.constant 96 : index
          %get3A_796 = tpu.vector_load %arg8[%get3A_794, %get3A_795] {strides = array<i32>} : memref<192x128xf32, #tpu.memory_space<vmem>>, vector<1x16xf32>,
          %get3A_797 = vector.shape_cast %get3A_796 : vector<1x16xf32> to vector<16xf32>
          %add3A_798 = arith.addf %add3A_742, %get3A_797 : vector<16xf32>
          %add3A_799 = arith.constant 7 : i32
          %add3A_800 = arith.addi %add3A_357, %add3A_799 : i32
          %get3A_801 = arith.index_cast %add3A_800 : i32 to index
          %get3A_802 = arith.constant 112 : index
          %get3A_803 = tpu.vector_load %arg8[%get3A_801, %get3A_802] {strides = array<i32>} : memref<192x128xf32, #tpu.memory_space<vmem>>, vector<1x16xf32>,
          %get3A_804 = vector.shape_cast %get3A_803 : vector<1x16xf32> to vector<16xf32>
          %add3A_805 = arith.addf %add3A_749, %get3A_804 : vector<16xf32>
          %add3A_806 = arith.constant 8 : i32
          %add3A_807 = arith.addi %add3A_357, %add3A_806 : i32
          %get3A_808 = arith.index_cast %add3A_807 : i32 to index
          %get3A_809 = arith.constant 0 : index
          %get3A_810 = tpu.vector_load %arg8[%get3A_808, %get3A_809] {strides = array<i32>} : memref<192x128xf32, #tpu.memory_space<vmem>>, vector<1x16xf32>,
          %get3A_811 = vector.shape_cast %get3A_810 : vector<1x16xf32> to vector<16xf32>
          %add3A_812 = arith.addf %add3A_756, %get3A_811 : vector<16xf32>
          %add3A_813 = arith.constant 8 : i32
          %add3A_814 = arith.addi %add3A_357, %add3A_813 : i32
          %get3A_815 = arith.index_cast %add3A_814 : i32 to index
          %get3A_816 = arith.constant 16 : index
          %get3A_817 = tpu.vector_load %arg8[%get3A_815, %get3A_816] {strides = array<i32>} : memref<192x128xf32, #tpu.memory_space<vmem>>, vector<1x16xf32>,
          %get3A_818 = vector.shape_cast %get3A_817 : vector<1x16xf32> to vector<16xf32>
          %add3A_819 = arith.addf %add3A_763, %get3A_818 : vector<16xf32>
          %add3A_820 = arith.constant 8 : i32
          %add3A_821 = arith.addi %add3A_357, %add3A_820 : i32
          %get3A_822 = arith.index_cast %add3A_821 : i32 to index
          %get3A_823 = arith.constant 32 : index
          %get3A_824 = tpu.vector_load %arg8[%get3A_822, %get3A_823] {strides = array<i32>} : memref<192x128xf32, #tpu.memory_space<vmem>>, vector<1x16xf32>,
          %get3A_825 = vector.shape_cast %get3A_824 : vector<1x16xf32> to vector<16xf32>
          %add3A_826 = arith.addf %add3A_770, %get3A_825 : vector<16xf32>
          %add3A_827 = arith.constant 8 : i32
          %add3A_828 = arith.addi %add3A_357, %add3A_827 : i32
          %get3A_829 = arith.index_cast %add3A_828 : i32 to index
          %get3A_830 = arith.constant 48 : index
          %get3A_831 = tpu.vector_load %arg8[%get3A_829, %get3A_830] {strides = array<i32>} : memref<192x128xf32, #tpu.memory_space<vmem>>, vector<1x16xf32>,
          %get3A_832 = vector.shape_cast %get3A_831 : vector<1x16xf32> to vector<16xf32>
          %add3A_833 = arith.addf %add3A_777, %get3A_832 : vector<16xf32>
          %add3A_834 = arith.constant 8 : i32
          %add3A_835 = arith.addi %add3A_357, %add3A_834 : i32
          %get3A_836 = arith.index_cast %add3A_835 : i32 to index
          %get3A_837 = arith.constant 64 : index
          %get3A_838 = tpu.vector_load %arg8[%get3A_836, %get3A_837] {strides = array<i32>} : memref<192x128xf32, #tpu.memory_space<vmem>>, vector<1x16xf32>,
          %get3A_839 = vector.shape_cast %get3A_838 : vector<1x16xf32> to vector<16xf32>
          %add3A_840 = arith.addf %add3A_784, %get3A_839 : vector<16xf32>
          %add3A_841 = arith.constant 8 : i32
          %add3A_842 = arith.addi %add3A_357, %add3A_841 : i32
          %get3A_843 = arith.index_cast %add3A_842 : i32 to index
          %get3A_844 = arith.constant 80 : index
          %get3A_845 = tpu.vector_load %arg8[%get3A_843, %get3A_844] {strides = array<i32>} : memref<192x128xf32, #tpu.memory_space<vmem>>, vector<1x16xf32>,
          %get3A_846 = vector.shape_cast %get3A_845 : vector<1x16xf32> to vector<16xf32>
          %add3A_847 = arith.addf %add3A_791, %get3A_846 : vector<16xf32>
          %add3A_848 = arith.constant 8 : i32
          %add3A_849 = arith.addi %add3A_357, %add3A_848 : i32
          %get3A_850 = arith.index_cast %add3A_849 : i32 to index
          %get3A_851 = arith.constant 96 : index
          %get3A_852 = tpu.vector_load %arg8[%get3A_850, %get3A_851] {strides = array<i32>} : memref<192x128xf32, #tpu.memory_space<vmem>>, vector<1x16xf32>,
          %get3A_853 = vector.shape_cast %get3A_852 : vector<1x16xf32> to vector<16xf32>
          %add3A_854 = arith.addf %add3A_798, %get3A_853 : vector<16xf32>
          %add3A_855 = arith.constant 8 : i32
          %add3A_856 = arith.addi %add3A_357, %add3A_855 : i32
          %get3A_857 = arith.index_cast %add3A_856 : i32 to index
          %get3A_858 = arith.constant 112 : index
          %get3A_859 = tpu.vector_load %arg8[%get3A_857, %get3A_858] {strides = array<i32>} : memref<192x128xf32, #tpu.memory_space<vmem>>, vector<1x16xf32>,
          %get3A_860 = vector.shape_cast %get3A_859 : vector<1x16xf32> to vector<16xf32>
          %add3A_861 = arith.addf %add3A_805, %get3A_860 : vector<16xf32>
          %add3A_862 = arith.constant 9 : i32
          %add3A_863 = arith.addi %add3A_357, %add3A_862 : i32
          %get3A_864 = arith.index_cast %add3A_863 : i32 to index
          %get3A_865 = arith.constant 0 : index
          %get3A_866 = tpu.vector_load %arg8[%get3A_864, %get3A_865] {strides = array<i32>} : memref<192x128xf32, #tpu.memory_space<vmem>>, vector<1x16xf32>,
          %get3A_867 = vector.shape_cast %get3A_866 : vector<1x16xf32> to vector<16xf32>
          %add3A_868 = arith.addf %add3A_812, %get3A_867 : vector<16xf32>
          %add3A_869 = arith.constant 9 : i32
          %add3A_870 = arith.addi %add3A_357, %add3A_869 : i32
          %get3A_871 = arith.index_cast %add3A_870 : i32 to index
          %get3A_872 = arith.constant 16 : index
          %get3A_873 = tpu.vector_load %arg8[%get3A_871, %get3A_872] {strides = array<i32>} : memref<192x128xf32, #tpu.memory_space<vmem>>, vector<1x16xf32>,
          %get3A_874 = vector.shape_cast %get3A_873 : vector<1x16xf32> to vector<16xf32>
          %add3A_875 = arith.addf %add3A_819, %get3A_874 : vector<16xf32>
          %add3A_876 = arith.constant 9 : i32
          %add3A_877 = arith.addi %add3A_357, %add3A_876 : i32
          %get3A_878 = arith.index_cast %add3A_877 : i32 to index
          %get3A_879 = arith.constant 32 : index
          %get3A_880 = tpu.vector_load %arg8[%get3A_878, %get3A_879] {strides = array<i32>} : memref<192x128xf32, #tpu.memory_space<vmem>>, vector<1x16xf32>,
          %get3A_881 = vector.shape_cast %get3A_880 : vector<1x16xf32> to vector<16xf32>
          %add3A_882 = arith.addf %add3A_826, %get3A_881 : vector<16xf32>
          %add3A_883 = arith.constant 9 : i32
          %add3A_884 = arith.addi %add3A_357, %add3A_883 : i32
          %get3A_885 = arith.index_cast %add3A_884 : i32 to index
          %get3A_886 = arith.constant 48 : index
          %get3A_887 = tpu.vector_load %arg8[%get3A_885, %get3A_886] {strides = array<i32>} : memref<192x128xf32, #tpu.memory_space<vmem>>, vector<1x16xf32>,
          %get3A_888 = vector.shape_cast %get3A_887 : vector<1x16xf32> to vector<16xf32>
          %add3A_889 = arith.addf %add3A_833, %get3A_888 : vector<16xf32>
          %add3A_890 = arith.constant 9 : i32
          %add3A_891 = arith.addi %add3A_357, %add3A_890 : i32
          %get3A_892 = arith.index_cast %add3A_891 : i32 to index
          %get3A_893 = arith.constant 64 : index
          %get3A_894 = tpu.vector_load %arg8[%get3A_892, %get3A_893] {strides = array<i32>} : memref<192x128xf32, #tpu.memory_space<vmem>>, vector<1x16xf32>,
          %get3A_895 = vector.shape_cast %get3A_894 : vector<1x16xf32> to vector<16xf32>
          %add3A_896 = arith.addf %add3A_840, %get3A_895 : vector<16xf32>
          %add3A_897 = arith.constant 9 : i32
          %add3A_898 = arith.addi %add3A_357, %add3A_897 : i32
          %get3A_899 = arith.index_cast %add3A_898 : i32 to index
          %get3A_900 = arith.constant 80 : index
          %get3A_901 = tpu.vector_load %arg8[%get3A_899, %get3A_900] {strides = array<i32>} : memref<192x128xf32, #tpu.memory_space<vmem>>, vector<1x16xf32>,
          %get3A_902 = vector.shape_cast %get3A_901 : vector<1x16xf32> to vector<16xf32>
          %add3A_903 = arith.addf %add3A_847, %get3A_902 : vector<16xf32>
          %add3A_904 = arith.constant 9 : i32
          %add3A_905 = arith.addi %add3A_357, %add3A_904 : i32
          %get3A_906 = arith.index_cast %add3A_905 : i32 to index
          %get3A_907 = arith.constant 96 : index
          %get3A_908 = tpu.vector_load %arg8[%get3A_906, %get3A_907] {strides = array<i32>} : memref<192x128xf32, #tpu.memory_space<vmem>>, vector<1x16xf32>,
          %get3A_909 = vector.shape_cast %get3A_908 : vector<1x16xf32> to vector<16xf32>
          %add3A_910 = arith.addf %add3A_854, %get3A_909 : vector<16xf32>
          %add3A_911 = arith.constant 9 : i32
          %add3A_912 = arith.addi %add3A_357, %add3A_911 : i32
          %get3A_913 = arith.index_cast %add3A_912 : i32 to index
          %get3A_914 = arith.constant 112 : index
          %get3A_915 = tpu.vector_load %arg8[%get3A_913, %get3A_914] {strides = array<i32>} : memref<192x128xf32, #tpu.memory_space<vmem>>, vector<1x16xf32>,
          %get3A_916 = vector.shape_cast %get3A_915 : vector<1x16xf32> to vector<16xf32>
          %add3A_917 = arith.addf %add3A_861, %get3A_916 : vector<16xf32>
          scf.yield %add3A_868, %add3A_875, %add3A_882, %add3A_889, %add3A_896, %add3A_903, %add3A_910, %add3A_917 : vector<16xf32>, vector<16xf32>, vector<16xf32>, vector<16xf32>, vector<16xf32>, vector<16xf32>, vector<16xf32>, vector<16xf32>
        }
        %scan3A_248 = arith.constant 10 : i32
        %mul3A_249 = arith.mulf %scan3A_229#0, %get3A_6 : vector<16xf32>
        %mul3A_250 = arith.mulf %scan3A_235#0, %get3A_11 : vector<16xf32>
        %add3A_251 = arith.addf %mul3A_249, %mul3A_250 : vector<16xf32>
        %mul3A_252 = arith.mulf %scan3A_241#0, %get3A_16 : vector<16xf32>
        %add3A_253 = arith.addf %add3A_251, %mul3A_252 : vector<16xf32>
        %mul3A_254 = arith.mulf %scan3A_247#0, %get3A_21 : vector<16xf32>
        %add3A_255 = arith.addf %add3A_253, %mul3A_254 : vector<16xf32>
        %swap3A_256 = arith.index_cast %add3A_224 : i32 to index
        %swap3A_257 = arith.constant 0 : index
        %swap3A_258 = tpu.vector_load %arg10[%swap3A_256, %swap3A_257] {strides = array<i32>} : memref<64x128xf32, #tpu.memory_space<vmem>>, vector<1x16xf32>,
        %swap3A_259 = vector.shape_cast %swap3A_258 : vector<1x16xf32> to vector<16xf32>
        %swap3A_260 = vector.shape_cast %add3A_255 : vector<16xf32> to vector<1x16xf32>
        tpu.vector_store %arg10[%swap3A_256, %swap3A_257], %swap3A_260 {strides = array<i32>} : memref<64x128xf32, #tpu.memory_space<vmem>>, vector<1x16xf32>,
        %mul3A_261 = arith.mulf %scan3A_229#1, %get3A_6 : vector<16xf32>
        %mul3A_262 = arith.mulf %scan3A_235#1, %get3A_11 : vector<16xf32>
        %add3A_263 = arith.addf %mul3A_261, %mul3A_262 : vector<16xf32>
        %mul3A_264 = arith.mulf %scan3A_241#1, %get3A_16 : vector<16xf32>
        %add3A_265 = arith.addf %add3A_263, %mul3A_264 : vector<16xf32>
        %mul3A_266 = arith.mulf %scan3A_247#1, %get3A_21 : vector<16xf32>
        %add3A_267 = arith.addf %add3A_265, %mul3A_266 : vector<16xf32>
        %swap3A_268 = arith.index_cast %add3A_224 : i32 to index
        %swap3A_269 = arith.constant 16 : index
        %swap3A_270 = tpu.vector_load %arg10[%swap3A_268, %swap3A_269] {strides = array<i32>} : memref<64x128xf32, #tpu.memory_space<vmem>>, vector<1x16xf32>,
        %swap3A_271 = vector.shape_cast %swap3A_270 : vector<1x16xf32> to vector<16xf32>
        %swap3A_272 = vector.shape_cast %add3A_267 : vector<16xf32> to vector<1x16xf32>
        tpu.vector_store %arg10[%swap3A_268, %swap3A_269], %swap3A_272 {strides = array<i32>} : memref<64x128xf32, #tpu.memory_space<vmem>>, vector<1x16xf32>,
        %mul3A_273 = arith.mulf %scan3A_229#2, %get3A_6 : vector<16xf32>
        %mul3A_274 = arith.mulf %scan3A_235#2, %get3A_11 : vector<16xf32>
        %add3A_275 = arith.addf %mul3A_273, %mul3A_274 : vector<16xf32>
        %mul3A_276 = arith.mulf %scan3A_241#2, %get3A_16 : vector<16xf32>
        %add3A_277 = arith.addf %add3A_275, %mul3A_276 : vector<16xf32>
        %mul3A_278 = arith.mulf %scan3A_247#2, %get3A_21 : vector<16xf32>
        %add3A_279 = arith.addf %add3A_277, %mul3A_278 : vector<16xf32>
        %swap3A_280 = arith.index_cast %add3A_224 : i32 to index
        %swap3A_281 = arith.constant 32 : index
        %swap3A_282 = tpu.vector_load %arg10[%swap3A_280, %swap3A_281] {strides = array<i32>} : memref<64x128xf32, #tpu.memory_space<vmem>>, vector<1x16xf32>,
        %swap3A_283 = vector.shape_cast %swap3A_282 : vector<1x16xf32> to vector<16xf32>
        %swap3A_284 = vector.shape_cast %add3A_279 : vector<16xf32> to vector<1x16xf32>
        tpu.vector_store %arg10[%swap3A_280, %swap3A_281], %swap3A_284 {strides = array<i32>} : memref<64x128xf32, #tpu.memory_space<vmem>>, vector<1x16xf32>,
        %mul3A_285 = arith.mulf %scan3A_229#3, %get3A_6 : vector<16xf32>
        %mul3A_286 = arith.mulf %scan3A_235#3, %get3A_11 : vector<16xf32>
        %add3A_287 = arith.addf %mul3A_285, %mul3A_286 : vector<16xf32>
        %mul3A_288 = arith.mulf %scan3A_241#3, %get3A_16 : vector<16xf32>
        %add3A_289 = arith.addf %add3A_287, %mul3A_288 : vector<16xf32>
        %mul3A_290 = arith.mulf %scan3A_247#3, %get3A_21 : vector<16xf32>
        %add3A_291 = arith.addf %add3A_289, %mul3A_290 : vector<16xf32>
        %swap3A_292 = arith.index_cast %add3A_224 : i32 to index
        %swap3A_293 = arith.constant 48 : index
        %swap3A_294 = tpu.vector_load %arg10[%swap3A_292, %swap3A_293] {strides = array<i32>} : memref<64x128xf32, #tpu.memory_space<vmem>>, vector<1x16xf32>,
        %swap3A_295 = vector.shape_cast %swap3A_294 : vector<1x16xf32> to vector<16xf32>
        %swap3A_296 = vector.shape_cast %add3A_291 : vector<16xf32> to vector<1x16xf32>
        tpu.vector_store %arg10[%swap3A_292, %swap3A_293], %swap3A_296 {strides = array<i32>} : memref<64x128xf32, #tpu.memory_space<vmem>>, vector<1x16xf32>,
        %mul3A_297 = arith.mulf %scan3A_229#4, %get3A_6 : vector<16xf32>
        %mul3A_298 = arith.mulf %scan3A_235#4, %get3A_11 : vector<16xf32>
        %add3A_299 = arith.addf %mul3A_297, %mul3A_298 : vector<16xf32>
        %mul3A_300 = arith.mulf %scan3A_241#4, %get3A_16 : vector<16xf32>
        %add3A_301 = arith.addf %add3A_299, %mul3A_300 : vector<16xf32>
        %mul3A_302 = arith.mulf %scan3A_247#4, %get3A_21 : vector<16xf32>
        %add3A_303 = arith.addf %add3A_301, %mul3A_302 : vector<16xf32>
        %swap3A_304 = arith.index_cast %add3A_224 : i32 to index
        %swap3A_305 = arith.constant 64 : index
        %swap3A_306 = tpu.vector_load %arg10[%swap3A_304, %swap3A_305] {strides = array<i32>} : memref<64x128xf32, #tpu.memory_space<vmem>>, vector<1x16xf32>,
        %swap3A_307 = vector.shape_cast %swap3A_306 : vector<1x16xf32> to vector<16xf32>
        %swap3A_308 = vector.shape_cast %add3A_303 : vector<16xf32> to vector<1x16xf32>
        tpu.vector_store %arg10[%swap3A_304, %swap3A_305], %swap3A_308 {strides = array<i32>} : memref<64x128xf32, #tpu.memory_space<vmem>>, vector<1x16xf32>,
        %mul3A_309 = arith.mulf %scan3A_229#5, %get3A_6 : vector<16xf32>
        %mul3A_310 = arith.mulf %scan3A_235#5, %get3A_11 : vector<16xf32>
        %add3A_311 = arith.addf %mul3A_309, %mul3A_310 : vector<16xf32>
        %mul3A_312 = arith.mulf %scan3A_241#5, %get3A_16 : vector<16xf32>
        %add3A_313 = arith.addf %add3A_311, %mul3A_312 : vector<16xf32>
        %mul3A_314 = arith.mulf %scan3A_247#5, %get3A_21 : vector<16xf32>
        %add3A_315 = arith.addf %add3A_313, %mul3A_314 : vector<16xf32>
        %swap3A_316 = arith.index_cast %add3A_224 : i32 to index
        %swap3A_317 = arith.constant 80 : index
        %swap3A_318 = tpu.vector_load %arg10[%swap3A_316, %swap3A_317] {strides = array<i32>} : memref<64x128xf32, #tpu.memory_space<vmem>>, vector<1x16xf32>,
        %swap3A_319 = vector.shape_cast %swap3A_318 : vector<1x16xf32> to vector<16xf32>
        %swap3A_320 = vector.shape_cast %add3A_315 : vector<16xf32> to vector<1x16xf32>
        tpu.vector_store %arg10[%swap3A_316, %swap3A_317], %swap3A_320 {strides = array<i32>} : memref<64x128xf32, #tpu.memory_space<vmem>>, vector<1x16xf32>,
        %mul3A_321 = arith.mulf %scan3A_229#6, %get3A_6 : vector<16xf32>
        %mul3A_322 = arith.mulf %scan3A_235#6, %get3A_11 : vector<16xf32>
        %add3A_323 = arith.addf %mul3A_321, %mul3A_322 : vector<16xf32>
        %mul3A_324 = arith.mulf %scan3A_241#6, %get3A_16 : vector<16xf32>
        %add3A_325 = arith.addf %add3A_323, %mul3A_324 : vector<16xf32>
        %mul3A_326 = arith.mulf %scan3A_247#6, %get3A_21 : vector<16xf32>
        %add3A_327 = arith.addf %add3A_325, %mul3A_326 : vector<16xf32>
        %swap3A_328 = arith.index_cast %add3A_224 : i32 to index
        %swap3A_329 = arith.constant 96 : index
        %swap3A_330 = tpu.vector_load %arg10[%swap3A_328, %swap3A_329] {strides = array<i32>} : memref<64x128xf32, #tpu.memory_space<vmem>>, vector<1x16xf32>,
        %swap3A_331 = vector.shape_cast %swap3A_330 : vector<1x16xf32> to vector<16xf32>
        %swap3A_332 = vector.shape_cast %add3A_327 : vector<16xf32> to vector<1x16xf32>
        tpu.vector_store %arg10[%swap3A_328, %swap3A_329], %swap3A_332 {strides = array<i32>} : memref<64x128xf32, #tpu.memory_space<vmem>>, vector<1x16xf32>,
        %mul3A_333 = arith.mulf %scan3A_229#7, %get3A_6 : vector<16xf32>
        %mul3A_334 = arith.mulf %scan3A_235#7, %get3A_11 : vector<16xf32>
        %add3A_335 = arith.addf %mul3A_333, %mul3A_334 : vector<16xf32>
        %mul3A_336 = arith.mulf %scan3A_241#7, %get3A_16 : vector<16xf32>
        %add3A_337 = arith.addf %add3A_335, %mul3A_336 : vector<16xf32>
        %mul3A_338 = arith.mulf %scan3A_247#7, %get3A_21 : vector<16xf32>
        %add3A_339 = arith.addf %add3A_337, %mul3A_338 : vector<16xf32>
        %swap3A_340 = arith.index_cast %add3A_224 : i32 to index
        %swap3A_341 = arith.constant 112 : index
        %swap3A_342 = tpu.vector_load %arg10[%swap3A_340, %swap3A_341] {strides = array<i32>} : memref<64x128xf32, #tpu.memory_space<vmem>>, vector<1x16xf32>,
        %swap3A_343 = vector.shape_cast %swap3A_342 : vector<1x16xf32> to vector<16xf32>
        %swap3A_344 = vector.shape_cast %add3A_339 : vector<16xf32> to vector<1x16xf32>
        tpu.vector_store %arg10[%swap3A_340, %swap3A_341], %swap3A_344 {strides = array<i32>} : memref<64x128xf32, #tpu.memory_space<vmem>>, vector<1x16xf32>,
      }
      %scan3A_58 = arith.constant 32 : i32
      %mul3A_59 = arith.constant 64 : i32
      %mul3A_60 = arith.muli %scan3A_28, %mul3A_59 : i32
      %add3A_61 = arith.addi %mul3A_2, %mul3A_60 : i32
      "tpu.region"() ({
        %run_scoped3A = tpu.sem_alloc : memref<!tpu.dma_semaphore, #tpu.memory_space<semaphore_mem>>
        %dma_start3A_62 = arith.constant 0 : i32
        %dma_start3A_63 = tpu.memref_slice %arg5[%add3A_61, %dma_start3A_62] : memref<16384x128xf32, #tpu.memory_space<hbm>> -> memref<64x128xf32, #tpu.memory_space<hbm>>
        %dma_start3A_64 = arith.constant 0 : i32
        %dma_start3A_65 = tpu.memref_slice %arg5[%add3A_61, %dma_start3A_64] : memref<16384x128xf32, #tpu.memory_space<hbm>> -> memref<64x128xf32, #tpu.memory_space<hbm>>
        tpu.enqueue_dma source(%arg10 : memref<64x128xf32, #tpu.memory_space<vmem>>) target(%dma_start3A_65 : memref<64x128xf32, #tpu.memory_space<hbm>>) target_semaphore(%run_scoped3A : memref<!tpu.dma_semaphore, #tpu.memory_space<semaphore_mem>>)
        %dma_wait3A = arith.constant 0 : i32
        %dma_wait3A_66 = tpu.memref_slice %arg5[%add3A_61, %dma_wait3A] : memref<16384x128xf32, #tpu.memory_space<hbm>> -> memref<64x128xf32, #tpu.memory_space<hbm>>
        %dma_wait3A_67 = arith.constant 0 : i32
        %dma_wait3A_68 = tpu.memref_slice %arg5[%add3A_61, %dma_wait3A_67] : memref<16384x128xf32, #tpu.memory_space<hbm>> -> memref<64x128xf32, #tpu.memory_space<hbm>>
        tpu.wait_dma2 semaphore(%run_scoped3A : memref<!tpu.dma_semaphore, #tpu.memory_space<semaphore_mem>>) src(%arg10 : memref<64x128xf32, #tpu.memory_space<vmem>>) dst(%dma_wait3A_68 : memref<64x128xf32, #tpu.memory_space<hbm>>)
        tpu.yield
      }) : () -> ()
    }
    %scan3A_27 = arith.constant 8 : i32
    return
  }
}

module attributes {stable_mosaic.version = 14 : i64} {
  func.func @nrm(%arg0: i32, %arg1: memref<2048x128xf32, #tpu.memory_space<vmem>>, %arg2: memref<2048x128xf32, #tpu.memory_space<vmem>>) attributes {dimension_semantics = [#tpu.dimension_semantics<arbitrary>], iteration_bounds = array<i64: 8>, scalar_prefetch = 0 : i64, scratch_operands = 0 : i64, tpu.core_type = #tpu.core_type<tc>, window_params = [{transform_indices = @transform_0, window_bounds = array<i64: 2048, 128>}, {transform_indices = @transform_1, window_bounds = array<i64: 2048, 128>}]} {
    %get3A = arith.constant 0 : index
    %get3A_0 = arith.constant 0 : index
    %get3A_1 = vector.load %arg1[%get3A, %get3A_0] : memref<2048x128xf32, #tpu.memory_space<vmem>>, vector<2048x128xf32>
    %mul3A = arith.mulf %get3A_1, %get3A_1 : vector<2048x128xf32>
    %reduce_sum3A = arith.constant dense<0.000000e+00> : vector<2048xf32>
    %reduce_sum3A_2 = vector.multi_reduction <add>, %mul3A, %reduce_sum3A [1] : vector<2048x128xf32> to vector<2048xf32>
    %broadcast_in_dim3A = vector.shape_cast %reduce_sum3A_2 : vector<2048xf32> to vector<2048x1xf32>
    %sqrt3A = math.sqrt %broadcast_in_dim3A : vector<2048x1xf32>
    %max3A = arith.constant 9.99999996E-13 : f32
    %max3A_3 = vector.broadcast %max3A : f32 to vector<2048x1xf32>
    %max3A_4 = arith.maximumf %sqrt3A, %max3A_3 : vector<2048x1xf32>
    %div3A = vector.broadcast %max3A_4 : vector<2048x1xf32> to vector<2048x128xf32>
    %div3A_5 = arith.divf %get3A_1, %div3A : vector<2048x128xf32>
    %swap3A = arith.constant 0 : index
    %swap3A_6 = arith.constant 0 : index
    %swap3A_7 = vector.load %arg2[%swap3A, %swap3A_6] : memref<2048x128xf32, #tpu.memory_space<vmem>>, vector<2048x128xf32>
    tpu.vector_store %arg2[%swap3A, %swap3A_6], %div3A_5 {strides = array<i32>} : memref<2048x128xf32, #tpu.memory_space<vmem>>, vector<2048x128xf32>,
    return
  }
  func.func @transform_0(%arg0: i32) -> (i32, i32) {
    %c0_i32 = arith.constant 0 : i32
    %c0_i32_0 = arith.constant 0 : i32
    return %arg0, %c0_i32 : i32, i32
  }
  func.func @transform_1(%arg0: i32) -> (i32, i32) {
    %c0_i32 = arith.constant 0 : i32
    %c0_i32_0 = arith.constant 0 : i32
    return %arg0, %c0_i32 : i32, i32
  }
}

</mosaic_0001>

<sc_bundles>
// kernel: kernel.4.cloned.1.call-start
scs
__scs_entry_jumppad:
0x0: {  	(pc) =	sbr.rel $0x88, $3  }
0x1: {  	(tag) =	ssettag $0x0;
	lr =	simm.s32 $0x1  }
0x2: {  	[smem:$0x3F9B] =	sst lr;
	_ =	strace $0xD0000000  }
0x3: {  	_ = 	snop  }
0x4: {  	_ = 	snop  }
0x5: {  	_ = 	snop  }
0x6: {  	_ = 	snop  }
0x7: {  	_ = 	snop  }
__scs_overlays_trampoline_lowered:
0x8: {  	[smem:$0x3FAA] =	sst s0  }
0x9: {  	[smem:$0x3FAB] =	sst s1  }
0xa: {  	[smem:$0x3FAC] =	sst s2  }
0xb: {  	[smem:$0x3FAD] =	sst s3  }
0xc: {  	[smem:$0x3FAE] =	sst s4  }
0xd: {  	[smem:$0x3FAF] =	sst s5  }
0xe: {  	[smem:$0x3FB0] =	sst s6  }
0xf: {  	[smem:$0x3FB1] =	sst s7  }
0x10: {  	[smem:$0x3FB2] =	sst s8  }
0x11: {  	[smem:$0x3FB3] =	sst s9;
	s0 =	simm.s32 @!p0 $0x0  }
0x12: {  	s1 =	sld [smem:$0x3F99];
	s0 =	simm.s32 @p0 $0x1  }
0x13: {  	[smem:$0x3FB4] =	sst s0;
	s0 =	simm.s32 @!p1 $0x0  }
0x14: {  	s2 =	sld [smem:$0x3F98];
	s0 =	simm.s32 @p1 $0x1  }
0x15: {  	[smem:$0x3FB5] =	sst s0;
	s0 =	simm.s32 @!p2 $0x0  }
0x16: {  	s3 =	sld [smem:$0x3FDB];
	s0 =	simm.s32 @p2 $0x1  }
0x17: {  	s4 =	simm.s32 $0x1BF5;
	[smem:$0x3FB7] =	sst s0  }
0x18: {  	s0 =	sld [smem:$0x3F9A];
	_ =	swait.ge [sflag:s4], $0x0  }
0x19: {  	s7 =	sld [smem:$0x3F9B]  }
0x1a: {  	s8 =	sadd.s32 $0xFFFFE003, lr  }
0x1b: {  	s9 =	sadd.s32 $0xFFFFFEF7, lr;
	s5 =	simm.s32 $0xFFFFFFFF;
	p2 =	slt.u32 s8, $0xFFFFF086  }
0x1c: {  	p1 =	slt.u32 s9, $0xF7A;
	s5 =	simm.s32 @!p2 $0x0  }
0x1d: {  	s5 =	simm.s32 @p1 $0x1;
	p0 =	seq.s32 s7, s2  }
0x1e: {  	s7 =	smul.u32 @!p0 $0xF7A, s2;
	p2 =	seq.s32 @!p0 s5, $0x0  }
0x1f: {  	s9 =	smul.u32 $0xF7A, s1;
	s8 =	simm.s32 @!p0 $0x1BF5;
	p2 =	por !p2, p0  }
0x20: {  	[sflag:s8] =	ssyncset.s32 @!p0 $0xFFFFF086;
	s6 =	sadd.s32 @!p0 s3, s7;
	s7 =	simm.s32 @!p0 $0x108  }
0x21: {  	s3 =	sadd.s32 s3, s9;
	s6 =	sadd.s32 @!p0 $0x88, s6;
	s7 =	simm.s32 @p2 $0x1082  }
0x22: {  	[simem:s7], [sflag:s8] =	dma.local @!p0 [hbm:s6], $0xF7A  }
0x23: {  	s9 =	sor.u32 $0xD0000000, s2;
	s6 =	simm.s32 $0x108;
	_ =	swait.ge @!p0 [sflag:s8], $0x0  }
0x24: {  	s3 =	sadd.s32 $0x88, s3;
	s6 =	simm.s32 @!p1 $0x1082;
	[sflag:s4] =	ssyncset.s32 $0xFFFFF086  }
0x25: {  	[simem:s6], [sflag:s4] =	dma.local [hbm:s3], $0xF7A  }
0x26: {  	[smem:$0x3F9B] =	sst s1;
	(tag) =	ssettag s2;
	_ =	strace s9  }
0x27: {  	s1 =	sld [smem:$0x3FAB]  }
0x28: {  	s2 =	sld [smem:$0x3FAC]  }
0x29: {  	s4 =	sld [smem:$0x3FAE]  }
0x2a: {  	p0 =	seq.s32 s5, $0x0;
	s5 =	sld [smem:$0x3FAF]  }
0x2b: {  	s6 =	sld [smem:$0x3FB0]  }
0x2c: {  	s7 =	sld [smem:$0x3FB1]  }
0x2d: {  	s3 =	simm.s32 $0x108;
	s8 =	sld [smem:$0x3FB2]  }
0x2e: {  	s3 =	simm.s32 @!p0 $0x1082;
	s9 =	sld [smem:$0x3FB3]  }
0x2f: {  	lr =	sadd.s32 s0, s3;
	s0 =	sld [smem:$0x3FAA]  }
0x30: {  	s3 =	sld [smem:$0x3FAD]  }
0x31: {  	[smem:$0x3FB6] =	sst s10  }
0x32: {  	s10 =	sld [smem:$0x3FB4];
	_ =	sdelay $0x3  }
0x33: {  	p0 =	seq.s32 s10, $0x1;
	s10 =	sld [smem:$0x3FB6];
	_ =	sdelay $0x3  }
0x34: {  	[smem:$0x3FB6] =	sst s10  }
0x35: {  	s10 =	sld [smem:$0x3FB5];
	_ =	sdelay $0x3  }
0x36: {  	p1 =	seq.s32 s10, $0x1;
	s10 =	sld [smem:$0x3FB6];
	_ =	sdelay $0x3  }
0x37: {  	[smem:$0x3FB6] =	sst s10  }
0x38: {  	s10 =	sld [smem:$0x3FB7]  }
0x39: {  	_ = 	snop;
	(pc) =	sbr.ind lr, $3  }
0x3a: {  	_ = 	snop  }
0x3b: {  	_ = 	snop  }
0x3c: {  	p2 =	seq.s32 s10, $0x1;
	s10 =	sld [smem:$0x3FB6]  }
0x3d: {  	_ =	shalt  }
0x3e: {  	_ =	shalt  }
0x3f: {  	_ =	shalt  }
0x40: {  	_ =	shalt  }
0x41: {  	_ =	shalt  }
0x42: {  	_ =	shalt  }
0x43: {  	_ =	shalt  }
0x44: {  	_ =	shalt  }
0x45: {  	_ =	shalt  }
0x46: {  	_ =	shalt  }
0x47: {  	_ =	shalt  }
0x48: {  	_ =	shalt  }
0x49: {  	_ =	shalt  }
0x4a: {  	_ =	shalt  }
0x4b: {  	_ =	shalt  }
0x4c: {  	_ =	shalt  }
0x4d: {  	_ =	shalt  }
0x4e: {  	_ =	shalt  }
0x4f: {  	_ =	shalt  }
0x50: {  	_ =	shalt  }
0x51: {  	_ =	shalt  }
0x52: {  	_ =	shalt  }
0x53: {  	_ =	shalt  }
0x54: {  	_ =	shalt  }
0x55: {  	_ =	shalt  }
0x56: {  	_ =	shalt  }
0x57: {  	_ =	shalt  }
0x58: {  	_ =	shalt  }
0x59: {  	_ =	shalt  }
0x5a: {  	_ =	shalt  }
0x5b: {  	_ =	shalt  }
0x5c: {  	_ =	shalt  }
0x5d: {  	_ =	shalt  }
0x5e: {  	_ =	shalt  }
0x5f: {  	_ =	shalt  }
0x60: {  	_ =	shalt  }
0x61: {  	_ =	shalt  }
0x62: {  	_ =	shalt  }
0x63: {  	_ =	shalt  }
0x64: {  	_ =	shalt  }
0x65: {  	_ =	shalt  }
0x66: {  	_ =	shalt  }
0x67: {  	_ =	shalt  }
0x68: {  	_ =	shalt  }
0x69: {  	_ =	shalt  }
0x6a: {  	_ =	shalt  }
0x6b: {  	_ =	shalt  }
0x6c: {  	_ =	shalt  }
0x6d: {  	_ =	shalt  }
0x6e: {  	_ =	shalt  }
0x6f: {  	_ =	shalt  }
0x70: {  	_ =	shalt  }
0x71: {  	_ =	shalt  }
0x72: {  	_ =	shalt  }
0x73: {  	_ =	shalt  }
0x74: {  	_ =	shalt  }
0x75: {  	_ =	shalt  }
0x76: {  	_ =	shalt  }
0x77: {  	_ =	shalt  }
0x78: {  	_ =	shalt  }
0x79: {  	_ =	shalt  }
0x7a: {  	_ =	shalt  }
0x7b: {  	_ =	shalt  }
0x7c: {  	_ =	shalt  }
0x7d: {  	_ =	shalt  }
0x7e: {  	_ =	shalt  }
0x7f: {  	_ =	shalt  }
0x80: {  	_ =	shalt  }
0x81: {  	_ =	shalt  }
0x82: {  	_ =	shalt  }
0x83: {  	_ =	shalt  }
0x84: {  	_ =	shalt  }
0x85: {  	_ =	shalt  }
0x86: {  	_ =	shalt  }
0x87: {  	_ =	shalt  }
.Lfunc_end0:
.L_simem_size_0:
called_computation_lowered:
.L_overlay_start_0:
0x88: {  	s2 =	sld [smem:$0x3FD9]  }
0x89: {  	s3 =	sld [smem:$0x3FFE];
	_ =	sdelay $0x1  }
0x8a: {  	s1 =	srdreg.scid  }
0x8b: {  	s0 =	sand.u32 $0x1, s1  }
0x8c: {  	s17 =	sshll.u32 s0, $0xA;
	s2 =	sadd.s32 s3, s2  }
0x8d: {  	s2 =	sadd.s32 s2, s17  }
0x8e: {  	[smem:$0x3FC2] =	sst s2  }
0x8f: {  	_ = 	snop  }
0x90: {  	s2 =	sld [smem:$0x3FC5]  }
0x91: {  	s18 =	sld [smem:$0x3FD0];
	(tm) =	ssettm $0x1  }
0x92: {  	s4 =	sld [smem:$0x3FFB];
	_ =	sdelay $0x3  }
0x93: {  	_ =	strace s4  }
0x94: {  	s4 =	sld [smem:$0x3FFC];
	_ =	sdelay $0x3  }
0x95: {  	_ =	strace s4  }
0x96: {  	s4 =	sld [smem:$0x3FFD];
	_ =	sdelay $0x3  }
0x97: {  	_ =	strace s4  }
0x98: {  	_ =	strace $0x8FFFFFFF  }
0x99: {  	s19 =	sld [smem:$0x3FDB];
	_ =	sdelay $0x1  }
0x9a: {  	s5 =	simm.s32 $_scs_section_size  }
0x9b: {  	s6 =	simm.s32 $_size__tile_overlayer_lowered;
	s7 =	simm.s32 $_tile_overlayer_lowered  }
0x9c: {  	s22 =	simm.s32 $0x1BFF;
	s21 =	sshll.u32 s7, $0x1;
	s4 =	sadd.s32 s5, s19  }
0x9d: {  	s8 =	simm.s32 $0x0;
	s20 =	sshll.u32 s6, $0x1;
	s6 =	sadd.s32 s21, s4  }
0x9e: {  	[timem:s8], [sflag:s22] =	dma.local [hbm:s6], s20  }
0x9f: {  	_ =	swait.ge [sflag:s22], s20  }
0xa0: {  	s5 =	ssub.s32 $0x0, s20;
	[sflag:s22] =	ssyncset.done $0x0  }
0xa1: {  	[sflag:s22] =	ssyncadd.s32 s5;
	_ =	sdelay $0x1  }
0xa2: {  	s23 =	simm.s32 $0x1B8B  }
0xa3: {  	_ =	swait.ge [sflag:s23], $0x1  }
0xa4: {  	[sflag:s23] =	ssyncset.done $0x0  }
0xa5: {  	s25 =	simm.s32 $0x1B8E;
	s24 =	sld [smem:$0x3FFE];
	[sflag:s23] =	ssyncadd.s32 $0xFFFFFFFF  }
0xa6: {  	s26 =	simm.s32 $execute0_lowered;
	[smem:$0x3FD2] =	sst s25  }
0xa7: {  	s6 =	sshll.u32 s26, $0x1;
	_ =	strace $0x80000046;
	[dreg:$0x1] =	wrdreg $0xFFFFFFFF  }
0xa8: {  	s28 =	simm.s32 $_size_execute0_lowered;
	s4 =	sadd.s32 s4, s6;
	[dreg:$0x0] =	wrdreg $0x0  }
0xa9: {  	s6 =	sshll.u32 s28, $0x1;
	[dreg:$0x2] =	wrdreg s4  }
0xaa: {  	[dreg:$0x3] =	wrdreg s6  }
0xab: {  	[dreg:$0x4] =	wrdreg $0xC0  }
0xac: {  	_ =	task [dreg:s8], $0x5FFFF  }
0xad: {  	[dreg:$0x1] =	wrdreg $0xFFFFFFFF  }
0xae: {  	[dreg:$0x0] =	wrdreg $0x60  }
0xaf: {  	[dreg:$0x2] =	wrdreg s2  }
0xb0: {  	[dreg:$0x3] =	wrdreg s24  }
0xb1: {  	[dreg:$0x4] =	wrdreg s18  }
0xb2: {  	[dreg:$0x5] =	wrdreg $0x9  }
0xb3: {  	_ =	task.clear_ibuf [dreg:s8], $0x6FFFF;
	_ =	strace $0x90000046  }
0xb4: {  	s29 =	simm.s32 $0x9;
	_ =	strace $0x80000048  }
0xb5: {  	_ =	swait.ge [sflag:s29], $0x1  }
0xb6: {  	[sflag:s29] =	ssyncadd.s32 $0xFFFFFFFF  }
0xb7: {  	_ =	strace $0x90000048  }
0xb8: {  	_ =	sfence  }
0xb9: {  	s30 =	sld [smem:$0x0];
	_ =	sdelay $0x2  }
0xba: {  	s31 =	sshll.u32 s1, $0xD;
	s1 =	sshrl.u32 s1, $0x2  }
0xbb: {  	s3 =	sand.u32 $0x4000, s31;
	s1 =	sadd.s32 s1, s30  }
0xbc: {  	s0 =	sor.u32 s3, s0;
	s1 =	sshll.u32 s1, $0x11  }
0xbd: {  	s0 =	sor.u32 s1, s0  }
0xbe: {  	s0 =	sadd.s32 $0x8F2B, s0  }
0xbf: {  	[sflag:s0] =	ssyncadd.remote.s32 $0x1  }
0xc0: {  	_ =	sfence.sel $0xFFFF  }
0xc1: {  	[dreg:$0x0] =	wrdreg $0xFFFFFFFF;
	(pc) =	sbr.abs _section_cstart, $3  }
0xc2: {  	[dreg:$0x1] =	wrdreg $0xFFFFFFFF  }
0xc3: {  	_ =	task.clear_ibuf [dreg:s8], $0x2FFFF;
	_ =	strace $0x9FFFFFFF  }
0xc4: {  	(tm) =	ssettm $0x7FFFFFFF  }
0xc5: {  	_ =	shalt  }
tec
execute0_lowered:
.L_overlay_start_1:
0x0: {  	(tag) =	ssettag $0x1  }
0x1: {  	s1 =	rddreg [dreg:$0x0]  }
0x2: {  	s6 =	rddreg [dreg:$0x1]  }
0x3: {  	s2 =	rddreg [dreg:$0x2]  }
0x4: {  	s0 =	rddreg [dreg:$0x3]  }
0x5: {  	s3 =	simm.s32 $0x0;
	s4 =	srdreg.scid;
	s10 =	simm.s32 $0x3  }
0x6: {  	s11 =	simm.s32 $0x60;
	s12 =	simm.s32 $0x4000;
	s13 =	simm.s32 $0x80  }
0x7: {  	s14 =	simm.s32 $0x7000;
	s15 =	simm.s32 $0xA000;
	s16 =	simm.s32 $0xD000  }
0x8: {  	s17 =	simm.s32 $0x1;
	s18 =	simm.s32 $0x2;
	s19 =	simm.s32 $0x10200  }
0x9: {  	s20 =	simm.s32 $0x0;
	[smem:$0x7FF] =	sst s3;
	s7 =	sand.u32 $0x1, s4  }
0xa: {  	s5 =	sadd.s32 $0xA00, s6;
	s4 =	stileid.u32;
	s8 =	ssub.s32 $0x2, s7  }
0xb: {  	s6 =	sadd.s32 $0x80A00, s6;
	_ =	strace $0x80000047;
	s9 =	sshrl.u32 s8, $0x1  }
0xc: {  	s31 =	sshll.u32 s4, $0xA;
	s7 =	sshll.u32 s7, $0x9;
	s8 =	ssub.s32 s8, s9  }
0xd: {  	s7 =	sor.u32 s7, s31;
	s9 =	simm.s32 $0x10000;
	s8 =	smax.u32 s8, $0x1  }
.LBB2_1:
0xe: {  	[tilespmem:s9], [sflag:$0x3] =	stream.linear.gather [hbm4b:s6+s3], $0x200, $0x38;
	[tilespmem:$0x12200] =	vst v63  }
0xf: {  	_ =	swait.ge [sflag:s10], $0x200  }
0x10: {  	[sflag:s10] =	ssyncset.done $0x0  }
0x11: {  	[sflag:s10] =	ssyncadd.s32 $0xFFFFFE00  }
0x12: {  	v0 =	vld [tilespmem:$0x10000]  }
0x13: {  	v61 =	vld [tilespmem:$0x10080]  }
0x14: {  	v62 =	vld [tilespmem:$0x10100]  }
0x15: {  	v63 =	vld [tilespmem:$0x10180];
	_ =	sdelay $0x1  }
0x16: {  	[tilespmem:$0x1FFC0] =	vst v0  }
0x17: {  	[tilespmem:$0x1FFD0] =	vst v61  }
0x18: {  	[tilespmem:$0x1FFE0] =	vst v62  }
0x19: {  	s21 =	simm.s32 $0x0;
	[tilespmem:$0x1FFF0] =	vst v63  }
.LBB2_2:
0x1a: {  	s22 =	sshll.u32 s21, $0x6  }
0x1b: {  	s22 =	sadd.s32 s7, s22  }
0x1c: {  	s23 =	sshll.u32 s22, $0x5  }
0x1d: {  	s24 =	sadd.s32 s5, s23;
	s23 =	simm.s32 $0x0  }
0x1e: {  	[tilespmem:s23], [sflag:$0x3] =	stream.linear.gather [hbm4b:s24+s23], $0x4000, $0x38;
	[tilespmem:$0x12200] =	vst v63  }
0x1f: {  	_ =	swait.ge [sflag:s10], $0x4000  }
0x20: {  	[sflag:s10] =	ssyncset.done $0x0  }
0x21: {  	[sflag:s10] =	ssyncadd.s32 $0xFFFFC000  }
0x22: {  	[tilespmem:s12], [sflag:$0x1] =	stream.indirect.gather [hbm4b:s1+s11], $0x80, s23, s11, $0xb8;
	[tilespmem:$0x12200] =	vst v63  }
0x23: {  	_ = 	snop  }
0x24: {  	[tilespmem:s14], [sflag:$0x1] =	stream.indirect.gather [hbm4b:s1+s11], $0x80, s13, s11, $0xb8;
	[tilespmem:$0x12200] =	vst v63  }
.LBB2_3:
0x25: {  	s24 =	sshllo.u32 s23, $0x1  }
0x26: {  	s25 =	sshll.u32 s24, $0x8  }
0x27: {  	s25 =	sand.u32 $0x3FFFFF00, s25  }
0x28: {  	[tilespmem:s15], [sflag:$0x2] =	stream.indirect.gather [hbm4b:s1+s11], $0x80, s25, s11, $0xb8;
	[tilespmem:$0x12200] =	vst v63  }
0x29: {  	s25 =	sor.u32 $0x80, s25  }
0x2a: {  	[tilespmem:s16], [sflag:$0x2] =	stream.indirect.gather [hbm4b:s1+s11], $0x80, s25, s11, $0xb8;
	[tilespmem:$0x12200] =	vst v63  }
0x2b: {  	v57 =	vimm.f32 $0.0e+00;
	v50 =	vimm.f32 $0.0e+00;
	v51 =	vimm.f32 $0.0e+00;
	_ =	swait.ge [sflag:s17], $0x6000  }
0x2c: {  	v8 =	vimm.f32 $0.0e+00;
	v52 =	vimm.f32 $0.0e+00;
	v9 =	vimm.f32 $0.0e+00;
	p0 =	por $0x1, $0x1;
	[sflag:s17] =	ssyncset.done $0x0  }
0x2d: {  	v10 =	vimm.f32 $0.0e+00;
	v11 =	vimm.f32 $0.0e+00;
	v12 =	vimm.f32 $0.0e+00;
	p1 =	por $0x1, $0x1;
	s25 =	simm.s32 $0x0;
	[sflag:s17] =	ssyncadd.s32 $0xFFFFA000  }
.LBB2_4:
0x2e: {  	s25 =	sshra.s32 s25, $0x2  }
0x2f: {  	v0 =	vld [tilespmem:s25+$0x4000]  }
0x30: {  	v1 =	vld [tilespmem:s25+$0x4010]  }
0x31: {  	v2 =	vld [tilespmem:s25+$0x4020]  }
0x32: {  	v3 =	vld [tilespmem:s25+$0x4030]  }
0x33: {  	v4 =	vld [tilespmem:s25+$0x4040]  }
0x34: {  	v5 =	vld [tilespmem:s25+$0x4050]  }
0x35: {  	v6 =	vld [tilespmem:s25+$0x4060]  }
0x36: {  	v7 =	vld [tilespmem:s25+$0x4070]  }
0x37: {  	v13 =	vld [tilespmem:s25+$0x4080]  }
0x38: {  	v14 =	vld [tilespmem:s25+$0x4090]  }
0x39: {  	v15 =	vld [tilespmem:s25+$0x40A0]  }
0x3a: {  	v16 =	vld [tilespmem:s25+$0x40B0]  }
0x3b: {  	v17 =	vld [tilespmem:s25+$0x40C0]  }
0x3c: {  	v18 =	vld [tilespmem:s25+$0x40D0]  }
0x3d: {  	v19 =	vld [tilespmem:s25+$0x40E0]  }
0x3e: {  	v20 =	vld [tilespmem:s25+$0x40F0]  }
0x3f: {  	v21 =	vld [tilespmem:s25+$0x4100]  }
0x40: {  	v22 =	vld [tilespmem:s25+$0x4110]  }
0x41: {  	v23 =	vld [tilespmem:s25+$0x4120]  }
0x42: {  	v24 =	vld [tilespmem:s25+$0x4130]  }
0x43: {  	v25 =	vld [tilespmem:s25+$0x4140]  }
0x44: {  	v26 =	vld [tilespmem:s25+$0x4150]  }
0x45: {  	v27 =	vld [tilespmem:s25+$0x4160]  }
0x46: {  	v28 =	vld [tilespmem:s25+$0x4170]  }
0x47: {  	v29 =	vld [tilespmem:s25+$0x4180]  }
0x48: {  	v30 =	vld [tilespmem:s25+$0x4190]  }
0x49: {  	v31 =	vld [tilespmem:s25+$0x41A0]  }
0x4a: {  	v32 =	vld [tilespmem:s25+$0x41B0]  }
0x4b: {  	v33 =	vld [tilespmem:s25+$0x41C0]  }
0x4c: {  	v34 =	vld [tilespmem:s25+$0x41D0]  }
0x4d: {  	v35 =	vld [tilespmem:s25+$0x41E0]  }
0x4e: {  	v36 =	vld [tilespmem:s25+$0x41F0]  }
0x4f: {  	v37 =	vld [tilespmem:s25+$0x4200]  }
0x50: {  	v38 =	vld [tilespmem:s25+$0x4210]  }
0x51: {  	v39 =	vld [tilespmem:s25+$0x4220]  }
0x52: {  	v40 =	vld [tilespmem:s25+$0x4230]  }
0x53: {  	v41 =	vld [tilespmem:s25+$0x4240]  }
0x54: {  	v42 =	vld [tilespmem:s25+$0x4250]  }
0x55: {  	v43 =	vld [tilespmem:s25+$0x4260]  }
0x56: {  	v44 =	vld [tilespmem:s25+$0x4270]  }
0x57: {  	v45 =	vld [tilespmem:s25+$0x4280]  }
0x58: {  	v46 =	vld [tilespmem:s25+$0x4290]  }
0x59: {  	v47 =	vld [tilespmem:s25+$0x42A0]  }
0x5a: {  	v48 =	vld [tilespmem:s25+$0x42B0]  }
0x5b: {  	v49 =	vld [tilespmem:s25+$0x42C0]  }
0x5c: {  	v59 =	vld [tilespmem:s25+$0x4350];
	v0 =	vadd.f32 v0, v12;
	v1 =	vadd.f32 v1, v11  }
0x5d: {  	v60 =	vld [tilespmem:s25+$0x4360];
	v2 =	vadd.f32 v2, v10;
	v3 =	vadd.f32 v3, v9  }
0x5e: {  	v61 =	vld [tilespmem:s25+$0x4370];
	v4 =	vadd.f32 v4, v52;
	v5 =	vadd.f32 v5, v8  }
0x5f: {  	v62 =	vld [tilespmem:s25+$0x4380];
	v6 =	vadd.f32 v6, v51;
	v7 =	vadd.f32 v7, v50  }
0x60: {  	v63 =	vld [tilespmem:s25+$0x4390];
	v0 =	vadd.f32 v13, v0;
	v1 =	vadd.f32 v14, v1  }
0x61: {  	v53 =	vld [tilespmem:s25+$0x43E0];
	v2 =	vadd.f32 v15, v2;
	v3 =	vadd.f32 v16, v3  }
0x62: {  	v54 =	vld [tilespmem:s25+$0x43F0];
	v4 =	vadd.f32 v17, v4;
	v5 =	vadd.f32 v18, v5  }
0x63: {  	v55 =	vld [tilespmem:s25+$0x4400];
	v6 =	vadd.f32 v19, v6;
	v7 =	vadd.f32 v20, v7  }
0x64: {  	v56 =	vld [tilespmem:s25+$0x4410];
	v0 =	vadd.f32 v21, v0;
	v1 =	vadd.f32 v22, v1  }
0x65: {  	v58 =	vld [tilespmem:s25+$0x4420];
	v2 =	vadd.f32 v23, v2;
	v3 =	vadd.f32 v24, v3  }
0x66: {  	v11 =	vld [tilespmem:s25+$0x42D0];
	v4 =	vadd.f32 v25, v4;
	v5 =	vadd.f32 v26, v5  }
0x67: {  	v9 =	vld [tilespmem:s25+$0x42E0];
	v6 =	vadd.f32 v27, v6;
	v7 =	vadd.f32 v28, v7  }
0x68: {  	v8 =	vld [tilespmem:s25+$0x42F0];
	v0 =	vadd.f32 v29, v0;
	v1 =	vadd.f32 v30, v1  }
0x69: {  	v10 =	vld [tilespmem:s25+$0x4300];
	v2 =	vadd.f32 v31, v2;
	v3 =	vadd.f32 v32, v3  }
0x6a: {  	v12 =	vld [tilespmem:s25+$0x4310];
	v4 =	vadd.f32 v33, v4;
	v5 =	vadd.f32 v34, v5  }
0x6b: {  	v50 =	vld [tilespmem:s25+$0x43B0];
	v6 =	vadd.f32 v35, v6;
	v7 =	vadd.f32 v36, v7  }
0x6c: {  	v51 =	vld [tilespmem:s25+$0x43C0];
	v0 =	vadd.f32 v37, v0;
	v1 =	vadd.f32 v38, v1  }
0x6d: {  	v52 =	vld [tilespmem:s25+$0x43D0];
	v2 =	vadd.f32 v39, v2;
	v3 =	vadd.f32 v40, v3  }
0x6e: {  	v13 =	vld [tilespmem:s25+$0x4320];
	v4 =	vadd.f32 v41, v4;
	v5 =	vadd.f32 v42, v5  }
0x6f: {  	v14 =	vld [tilespmem:s25+$0x4330];
	v6 =	vadd.f32 v43, v6;
	v7 =	vadd.f32 v44, v7  }
0x70: {  	v15 =	vld [tilespmem:s25+$0x4340];
	v0 =	vadd.f32 v45, v0;
	v1 =	vadd.f32 v46, v1  }
0x71: {  	v32 =	vld [tilespmem:s25+$0x43A0];
	v2 =	vadd.f32 v47, v2;
	v3 =	vadd.f32 v48, v3  }
0x72: {  	v4 =	vadd.f32 v49, v4;
	v5 =	vadd.f32 v11, v5;
	v11 =	vld [tilespmem:s25+$0x4430]  }
0x73: {  	v6 =	vadd.f32 v9, v6;
	v7 =	vadd.f32 v8, v7;
	v8 =	vld [tilespmem:s25+$0x4440]  }
0x74: {  	v9 =	vld [tilespmem:s25+$0x4450];
	v0 =	vadd.f32 v10, v0;
	v1 =	vadd.f32 v12, v1  }
0x75: {  	v2 =	vadd.f32 v13, v2;
	v3 =	vadd.f32 v14, v3;
	v10 =	vld [tilespmem:s25+$0x4460]  }
0x76: {  	v4 =	vadd.f32 v15, v4;
	v5 =	vadd.f32 v59, v5;
	v12 =	vld [tilespmem:s25+$0x4470]  }
0x77: {  	v6 =	vadd.f32 v60, v6;
	v7 =	vadd.f32 v61, v7;
	v13 =	vld [tilespmem:s25+$0x4480]  }
0x78: {  	v14 =	vld [tilespmem:s25+$0x4490];
	v0 =	vadd.f32 v62, v0;
	v1 =	vadd.f32 v63, v1  }
0x79: {  	v15 =	vld [tilespmem:s25+$0x44A0];
	v2 =	vadd.f32 v32, v2;
	v3 =	vadd.f32 v50, v3  }
0x7a: {  	v59 =	vld [tilespmem:s25+$0x44B0];
	v4 =	vadd.f32 v51, v4;
	v5 =	vadd.f32 v52, v5  }
0x7b: {  	v60 =	vld [tilespmem:s25+$0x44C0];
	v6 =	vadd.f32 v53, v6;
	v7 =	vadd.f32 v54, v7  }
0x7c: {  	v61 =	vld [tilespmem:s25+$0x44D0];
	v0 =	vadd.f32 v55, v0;
	v1 =	vadd.f32 v56, v1  }
0x7d: {  	v62 =	vld [tilespmem:s25+$0x44E0];
	v2 =	vadd.f32 v58, v2;
	v3 =	vadd.f32 v11, v3  }
0x7e: {  	p2 =	por p1, p1;
	v63 =	vld [tilespmem:s25+$0x44F0];
	v4 =	vadd.f32 v8, v4;
	v5 =	vadd.f32 v9, v5  }
.Ltmp0:
0x7f: {  	v6 =	vadd.f32 v10, v6;
	v7 =	vadd.f32 v12, v7;
	(pc) =	sbr.rel @p2 .LBB2_4-.Ltmp0, $4  }
0x80: {  	v12 =	vadd.f32 v13, v0;
	v11 =	vadd.f32 v14, v1  }
0x81: {  	v10 =	vadd.f32 v15, v2;
	v9 =	vadd.f32 v59, v3  }
0x82: {  	v52 =	vadd.f32 v60, v4;
	v8 =	vadd.f32 v61, v5  }
0x83: {  	s26 =	simm.s32 $0x0;
	p1 =	por $0x0, $0x0;
	s25 =	simm.s32 $0x1400;
	v51 =	vadd.f32 v62, v6;
	v50 =	vadd.f32 v63, v7  }
0x84: {  	[tilespmem:$0x1FF70] =	vst v9  }
0x85: {  	[tilespmem:$0x1FF80] =	vst v52  }
0x86: {  	[tilespmem:$0x1FF90] =	vst v8;
	v13 =	vimm.f32 $0.0e+00  }
0x87: {  	v14 =	vimm.f32 $0.0e+00;
	v15 =	vimm.f32 $0.0e+00;
	v16 =	vimm.f32 $0.0e+00;
	[tilespmem:$0x1FFA0] =	vst v51  }
0x88: {  	v17 =	vimm.f32 $0.0e+00;
	v18 =	vimm.f32 $0.0e+00;
	v19 =	vimm.f32 $0.0e+00;
	s25 =	simm.s32 $0x0;
	[tilespmem:$0x1FFB0] =	vst v50  }
.LBB2_6:
0x89: {  	s25 =	sshra.s32 s25, $0x2  }
0x8a: {  	v0 =	vld [tilespmem:s25+$0x4A00]  }
0x8b: {  	v1 =	vld [tilespmem:s25+$0x4A10]  }
0x8c: {  	v2 =	vld [tilespmem:s25+$0x4A20]  }
0x8d: {  	v3 =	vld [tilespmem:s25+$0x4A30]  }
0x8e: {  	v4 =	vld [tilespmem:s25+$0x4A40]  }
0x8f: {  	v5 =	vld [tilespmem:s25+$0x4A50]  }
0x90: {  	v6 =	vld [tilespmem:s25+$0x4A60]  }
0x91: {  	v7 =	vld [tilespmem:s25+$0x4A70]  }
0x92: {  	v20 =	vld [tilespmem:s25+$0x4A80]  }
0x93: {  	v21 =	vld [tilespmem:s25+$0x4A90]  }
0x94: {  	v22 =	vld [tilespmem:s25+$0x4AA0]  }
0x95: {  	v23 =	vld [tilespmem:s25+$0x4AB0]  }
0x96: {  	v24 =	vld [tilespmem:s25+$0x4AC0]  }
0x97: {  	v25 =	vld [tilespmem:s25+$0x4AD0]  }
0x98: {  	v26 =	vld [tilespmem:s25+$0x4AE0]  }
0x99: {  	v27 =	vld [tilespmem:s25+$0x4AF0]  }
0x9a: {  	v28 =	vld [tilespmem:s25+$0x4B00]  }
0x9b: {  	v29 =	vld [tilespmem:s25+$0x4B10]  }
0x9c: {  	v30 =	vld [tilespmem:s25+$0x4B20]  }
0x9d: {  	v31 =	vld [tilespmem:s25+$0x4B30]  }
0x9e: {  	v32 =	vld [tilespmem:s25+$0x4B40]  }
0x9f: {  	v33 =	vld [tilespmem:s25+$0x4B50]  }
0xa0: {  	v34 =	vld [tilespmem:s25+$0x4B60]  }
0xa1: {  	v35 =	vld [tilespmem:s25+$0x4B70]  }
0xa2: {  	v36 =	vld [tilespmem:s25+$0x4B80]  }
0xa3: {  	v37 =	vld [tilespmem:s25+$0x4B90]  }
0xa4: {  	v38 =	vld [tilespmem:s25+$0x4BA0]  }
0xa5: {  	v39 =	vld [tilespmem:s25+$0x4BB0]  }
0xa6: {  	v40 =	vld [tilespmem:s25+$0x4BC0]  }
0xa7: {  	v41 =	vld [tilespmem:s25+$0x4BD0]  }
0xa8: {  	v42 =	vld [tilespmem:s25+$0x4BE0]  }
0xa9: {  	v43 =	vld [tilespmem:s25+$0x4BF0]  }
0xaa: {  	v44 =	vld [tilespmem:s25+$0x4C00]  }
0xab: {  	v45 =	vld [tilespmem:s25+$0x4C10]  }
0xac: {  	v46 =	vld [tilespmem:s25+$0x4C20]  }
0xad: {  	v47 =	vld [tilespmem:s25+$0x4C30]  }
0xae: {  	v48 =	vld [tilespmem:s25+$0x4C40]  }
0xaf: {  	v49 =	vld [tilespmem:s25+$0x4C50]  }
0xb0: {  	v50 =	vld [tilespmem:s25+$0x4C60]  }
0xb1: {  	v51 =	vld [tilespmem:s25+$0x4C70]  }
0xb2: {  	v52 =	vld [tilespmem:s25+$0x4C80]  }
0xb3: {  	v53 =	vld [tilespmem:s25+$0x4C90]  }
0xb4: {  	v54 =	vld [tilespmem:s25+$0x4CA0]  }
0xb5: {  	v55 =	vld [tilespmem:s25+$0x4CB0]  }
0xb6: {  	v56 =	vld [tilespmem:s25+$0x4CC0]  }
0xb7: {  	v63 =	vld [tilespmem:s25+$0x4D80];
	v0 =	vadd.f32 v0, v19;
	v1 =	vadd.f32 v1, v18  }
0xb8: {  	v58 =	vld [tilespmem:s25+$0x4E00];
	v2 =	vadd.f32 v2, v17;
	v3 =	vadd.f32 v3, v16  }
0xb9: {  	v59 =	vld [tilespmem:s25+$0x4E10];
	v4 =	vadd.f32 v4, v15;
	v5 =	vadd.f32 v5, v14  }
0xba: {  	v60 =	vld [tilespmem:s25+$0x4E20];
	v6 =	vadd.f32 v6, v13;
	v7 =	vadd.f32 v7, v57  }
0xbb: {  	v61 =	vld [tilespmem:s25+$0x4ED0];
	v0 =	vadd.f32 v20, v0;
	v1 =	vadd.f32 v21, v1  }
0xbc: {  	v62 =	vld [tilespmem:s25+$0x4EE0];
	v2 =	vadd.f32 v22, v2;
	v3 =	vadd.f32 v23, v3  }
0xbd: {  	v18 =	vld [tilespmem:s25+$0x4CD0];
	v4 =	vadd.f32 v24, v4;
	v5 =	vadd.f32 v25, v5  }
0xbe: {  	v16 =	vld [tilespmem:s25+$0x4CE0];
	v6 =	vadd.f32 v26, v6;
	v7 =	vadd.f32 v27, v7  }
0xbf: {  	v14 =	vld [tilespmem:s25+$0x4CF0];
	v0 =	vadd.f32 v28, v0;
	v1 =	vadd.f32 v29, v1  }
0xc0: {  	v13 =	vld [tilespmem:s25+$0x4D00];
	v2 =	vadd.f32 v30, v2;
	v3 =	vadd.f32 v31, v3  }
0xc1: {  	v15 =	vld [tilespmem:s25+$0x4D10];
	v4 =	vadd.f32 v32, v4;
	v5 =	vadd.f32 v33, v5  }
0xc2: {  	v17 =	vld [tilespmem:s25+$0x4D20];
	v6 =	vadd.f32 v34, v6;
	v7 =	vadd.f32 v35, v7  }
0xc3: {  	v19 =	vld [tilespmem:s25+$0x4D30];
	v0 =	vadd.f32 v36, v0;
	v1 =	vadd.f32 v37, v1  }
0xc4: {  	v57 =	vld [tilespmem:s25+$0x4DF0];
	v2 =	vadd.f32 v38, v2;
	v3 =	vadd.f32 v39, v3  }
0xc5: {  	v20 =	vld [tilespmem:s25+$0x4D40];
	v4 =	vadd.f32 v40, v4;
	v5 =	vadd.f32 v41, v5  }
0xc6: {  	v21 =	vld [tilespmem:s25+$0x4D50];
	v6 =	vadd.f32 v42, v6;
	v7 =	vadd.f32 v43, v7  }
0xc7: {  	v22 =	vld [tilespmem:s25+$0x4D60];
	v0 =	vadd.f32 v44, v0;
	v1 =	vadd.f32 v45, v1  }
0xc8: {  	v23 =	vld [tilespmem:s25+$0x4D70];
	v2 =	vadd.f32 v46, v2;
	v3 =	vadd.f32 v47, v3  }
0xc9: {  	v37 =	vld [tilespmem:s25+$0x4D90];
	v4 =	vadd.f32 v48, v4;
	v5 =	vadd.f32 v49, v5  }
0xca: {  	v39 =	vld [tilespmem:s25+$0x4DA0];
	v6 =	vadd.f32 v50, v6;
	v7 =	vadd.f32 v51, v7  }
0xcb: {  	v41 =	vld [tilespmem:s25+$0x4DB0];
	v0 =	vadd.f32 v52, v0;
	v1 =	vadd.f32 v53, v1  }
0xcc: {  	v43 =	vld [tilespmem:s25+$0x4DC0];
	v2 =	vadd.f32 v54, v2;
	v3 =	vadd.f32 v55, v3  }
0xcd: {  	v45 =	vld [tilespmem:s25+$0x4DD0];
	v4 =	vadd.f32 v56, v4;
	v5 =	vadd.f32 v18, v5  }
0xce: {  	v47 =	vld [tilespmem:s25+$0x4DE0];
	v6 =	vadd.f32 v16, v6;
	v7 =	vadd.f32 v14, v7  }
0xcf: {  	v18 =	vld [tilespmem:s25+$0x4E30];
	v0 =	vadd.f32 v13, v0;
	v1 =	vadd.f32 v15, v1  }
0xd0: {  	v14 =	vld [tilespmem:s25+$0x4E40];
	v2 =	vadd.f32 v17, v2;
	v3 =	vadd.f32 v19, v3  }
0xd1: {  	v16 =	vld [tilespmem:s25+$0x4E70];
	v4 =	vadd.f32 v20, v4;
	v5 =	vadd.f32 v21, v5  }
0xd2: {  	v13 =	vld [tilespmem:s25+$0x4E50];
	v6 =	vadd.f32 v22, v6;
	v7 =	vadd.f32 v23, v7  }
0xd3: {  	v15 =	vld [tilespmem:s25+$0x4E60];
	v0 =	vadd.f32 v63, v0;
	v1 =	vadd.f32 v37, v1  }
0xd4: {  	v17 =	vld [tilespmem:s25+$0x4E80];
	v2 =	vadd.f32 v39, v2;
	v3 =	vadd.f32 v41, v3  }
0xd5: {  	v20 =	vld [tilespmem:s25+$0x4E90];
	v4 =	vadd.f32 v43, v4;
	v5 =	vadd.f32 v45, v5  }
0xd6: {  	v21 =	vld [tilespmem:s25+$0x4EA0];
	v6 =	vadd.f32 v47, v6;
	v7 =	vadd.f32 v57, v7  }
0xd7: {  	v22 =	vld [tilespmem:s25+$0x4EB0];
	v0 =	vadd.f32 v58, v0;
	v1 =	vadd.f32 v59, v1  }
0xd8: {  	v23 =	vld [tilespmem:s25+$0x4EC0];
	v2 =	vadd.f32 v60, v2;
	v3 =	vadd.f32 v18, v3  }
0xd9: {  	p1 =	por p0, p0;
	v63 =	vld [tilespmem:s25+$0x4EF0];
	v4 =	vadd.f32 v14, v4;
	v7 =	vadd.f32 v16, v7  }
.Ltmp1:
0xda: {  	v5 =	vadd.f32 v13, v5;
	v6 =	vadd.f32 v15, v6;
	(pc) =	sbr.rel @p1 .LBB2_6-.Ltmp1, $4  }
0xdb: {  	v19 =	vadd.f32 v17, v0;
	v18 =	vadd.f32 v20, v1  }
0xdc: {  	v17 =	vadd.f32 v21, v2;
	v16 =	vadd.f32 v22, v3  }
0xdd: {  	v15 =	vadd.f32 v23, v4;
	v14 =	vadd.f32 v61, v5  }
0xde: {  	p0 =	por $0x0, $0x0;
	s25 =	simm.s32 $0x1400;
	v20 =	vimm.f32 $0.0e+00;
	v13 =	vadd.f32 v62, v6;
	v57 =	vadd.f32 v63, v7  }
0xdf: {  	s25 =	sshra.s32 s26, $0x2  }
0xe0: {  	v22 =	vld [tilespmem:s25+$0x5880]  }
0xe1: {  	v24 =	vld [tilespmem:s25+$0x5890]  }
0xe2: {  	v40 =	vld [tilespmem:s25+$0x58A0]  }
0xe3: {  	v45 =	vld [tilespmem:s25+$0x58B0]  }
0xe4: {  	v25 =	vld [tilespmem:s25+$0x58C0]  }
0xe5: {  	v26 =	vld [tilespmem:s25+$0x58D0]  }
0xe6: {  	v28 =	vld [tilespmem:s25+$0x5800]  }
0xe7: {  	v52 =	vld [tilespmem:s25+$0x5810]  }
0xe8: {  	v27 =	vld [tilespmem:s25+$0x5820]  }
0xe9: {  	v37 =	vld [tilespmem:s25+$0x5830]  }
0xea: {  	v31 =	vld [tilespmem:s25+$0x5840]  }
0xeb: {  	v32 =	vld [tilespmem:s25+$0x5850]  }
0xec: {  	v2 =	vld [tilespmem:s25+$0x5780]  }
0xed: {  	v3 =	vld [tilespmem:s25+$0x5790]  }
0xee: {  	v6 =	vld [tilespmem:s25+$0x57A0]  }
0xef: {  	v7 =	vld [tilespmem:s25+$0x57B0]  }
0xf0: {  	v35 =	vld [tilespmem:s25+$0x57C0]  }
0xf1: {  	v36 =	vld [tilespmem:s25+$0x57D0]  }
0xf2: {  	v0 =	vld [tilespmem:s25+$0x5700]  }
0xf3: {  	v1 =	vld [tilespmem:s25+$0x5710]  }
0xf4: {  	v4 =	vld [tilespmem:s25+$0x5720]  }
0xf5: {  	v5 =	vld [tilespmem:s25+$0x5730]  }
0xf6: {  	v38 =	vld [tilespmem:s25+$0x5740]  }
0xf7: {  	v39 =	vld [tilespmem:s25+$0x5750]  }
0xf8: {  	v21 =	vld [tilespmem:s25+$0x5680]  }
0xf9: {  	v23 =	vld [tilespmem:s25+$0x5690]  }
0xfa: {  	v29 =	vld [tilespmem:s25+$0x56A0]  }
0xfb: {  	v30 =	vld [tilespmem:s25+$0x56B0]  }
0xfc: {  	v46 =	vld [tilespmem:s25+$0x56C0]  }
0xfd: {  	v33 =	vld [tilespmem:s25+$0x5600]  }
0xfe: {  	v34 =	vld [tilespmem:s25+$0x5610]  }
0xff: {  	v41 =	vld [tilespmem:s25+$0x5580]  }
0x100: {  	v42 =	vld [tilespmem:s25+$0x5590]  }
0x101: {  	v43 =	vld [tilespmem:s25+$0x5500]  }
0x102: {  	v44 =	vld [tilespmem:s25+$0x5510]  }
0x103: {  	v47 =	vld [tilespmem:s25+$0x5480]  }
0x104: {  	v48 =	vld [tilespmem:s25+$0x5490]  }
0x105: {  	v49 =	vld [tilespmem:s25+$0x5400]  }
0x106: {  	v50 =	vld [tilespmem:s25+$0x5410]  }
0x107: {  	v51 =	vld [tilespmem:s25+$0x5420]  }
0x108: {  	v53 =	vld [tilespmem:s25+$0x5430]  }
0x109: {  	v54 =	vld [tilespmem:s25+$0x54A0]  }
0x10a: {  	v55 =	vld [tilespmem:s25+$0x54B0]  }
0x10b: {  	v56 =	vld [tilespmem:s25+$0x5520]  }
0x10c: {  	v63 =	vld [tilespmem:s25+$0x5530]  }
0x10d: {  	v59 =	vld [tilespmem:s25+$0x55A0];
	v49 =	vadd.f32 v49, v20;
	v50 =	vadd.f32 v50, v20  }
0x10e: {  	v60 =	vld [tilespmem:s25+$0x55B0];
	v51 =	vadd.f32 v51, v20;
	v53 =	vadd.f32 v53, v20  }
0x10f: {  	[tilespmem:$0x1FF60] =	vst v57;
	v57 =	vld [tilespmem:s25+$0x5640];
	v47 =	vadd.f32 v47, v49;
	v48 =	vadd.f32 v48, v50  }
0x110: {  	v61 =	vadd.f32 v54, v51;
	v53 =	vadd.f32 v55, v53;
	v54 =	vld [tilespmem:s25+$0x5620]  }
0x111: {  	v43 =	vadd.f32 v43, v47;
	v44 =	vadd.f32 v44, v48;
	v47 =	vld [tilespmem:s25+$0x5630]  }
0x112: {  	v58 =	vld [tilespmem:s25+$0x5650];
	v62 =	vadd.f32 v56, v61;
	v63 =	vadd.f32 v63, v53  }
0x113: {  	v51 =	vld [tilespmem:s25+$0x56D0];
	v41 =	vadd.f32 v41, v43;
	v42 =	vadd.f32 v42, v44  }
0x114: {  	v61 =	vld [tilespmem:s25+$0x5540];
	v48 =	vadd.f32 v59, v62;
	v53 =	vadd.f32 v60, v63  }
0x115: {  	v59 =	vld [tilespmem:s25+$0x55C0];
	v33 =	vadd.f32 v33, v41;
	v34 =	vadd.f32 v34, v42  }
0x116: {  	v60 =	vld [tilespmem:s25+$0x55D0];
	v55 =	vadd.f32 v54, v48;
	v56 =	vadd.f32 v47, v53  }
0x117: {  	v62 =	vld [tilespmem:s25+$0x5550];
	v21 =	vadd.f32 v21, v33;
	v23 =	vadd.f32 v23, v34  }
0x118: {  	v63 =	vld [tilespmem:s25+$0x54C0];
	v29 =	vadd.f32 v29, v55;
	v30 =	vadd.f32 v30, v56  }
0x119: {  	v54 =	vimm.f32 $0.0e+00;
	v21 =	vadd.f32 v0, v21;
	v23 =	vadd.f32 v1, v23;
	v0 =	vld [tilespmem:s25+$0x54D0]  }
0x11a: {  	v53 =	vimm.f32 $0.0e+00;
	v29 =	vadd.f32 v4, v29;
	v1 =	vld [tilespmem:s25+$0x5440];
	v30 =	vadd.f32 v5, v30  }
0x11b: {  	v55 =	vimm.f32 $0.0e+00;
	v4 =	vadd.f32 v2, v21;
	v5 =	vadd.f32 v3, v23;
	v2 =	vld [tilespmem:s25+$0x5450]  }
0x11c: {  	s26 =	sadd.s32 $0x1400, s26;
	v56 =	vimm.f32 $0.0e+00;
	v6 =	vadd.f32 v6, v29;
	v3 =	vld [tilespmem:s25+$0x5460];
	v7 =	vadd.f32 v7, v30  }
.LBB2_8:
0x11d: {  	p0 =	sne.s32 s26, $0x5000;
	v33 =	vld [tilespmem:s25+$0x5470];
	v4 =	vadd.f32 v28, v4;
	v5 =	vadd.f32 v52, v5  }
0x11e: {  	v28 =	vld [tilespmem:s25+$0x54E0];
	v6 =	vadd.f32 v27, v6;
	v7 =	vadd.f32 v37, v7  }
0x11f: {  	v27 =	vld [tilespmem:s25+$0x54F0];
	v21 =	vadd.f32 v22, v4;
	v23 =	vadd.f32 v24, v5  }
0x120: {  	v4 =	vld [tilespmem:s25+$0x5560];
	v29 =	vadd.f32 v40, v6;
	v30 =	vadd.f32 v45, v7  }
0x121: {  	v1 =	vadd.f32 v1, v53;
	v2 =	vadd.f32 v2, v56;
	v5 =	vld [tilespmem:s25+$0x5570]  }
0x122: {  	v3 =	vadd.f32 v3, v54;
	v6 =	vadd.f32 v33, v55;
	v7 =	vld [tilespmem:s25+$0x55E0]  }
0x123: {  	v1 =	vadd.f32 v63, v1;
	v0 =	vadd.f32 v0, v2;
	v2 =	vld [tilespmem:s25+$0x55F0]  }
0x124: {  	v3 =	vadd.f32 v28, v3;
	v6 =	vadd.f32 v27, v6;
	v22 =	vld [tilespmem:s25+$0x5660]  }
0x125: {  	v1 =	vadd.f32 v61, v1;
	v0 =	vadd.f32 v62, v0;
	v24 =	vld [tilespmem:s25+$0x5670]  }
0x126: {  	v3 =	vadd.f32 v4, v3;
	v4 =	vadd.f32 v5, v6;
	v5 =	vld [tilespmem:s25+$0x56E0]  }
0x127: {  	v1 =	vadd.f32 v59, v1;
	v0 =	vadd.f32 v60, v0;
	v6 =	vld [tilespmem:s25+$0x56F0]  }
0x128: {  	v3 =	vadd.f32 v7, v3;
	v2 =	vadd.f32 v2, v4;
	v4 =	vld [tilespmem:s25+$0x5760]  }
0x129: {  	v1 =	vadd.f32 v57, v1;
	v0 =	vadd.f32 v58, v0;
	v7 =	vld [tilespmem:s25+$0x5770]  }
0x12a: {  	v3 =	vadd.f32 v22, v3;
	v2 =	vadd.f32 v24, v2;
	v24 =	vld [tilespmem:s25+$0x57E0]  }
0x12b: {  	v1 =	vadd.f32 v46, v1;
	v0 =	vadd.f32 v51, v0;
	v27 =	vld [tilespmem:s25+$0x57F0]  }
0x12c: {  	v3 =	vadd.f32 v5, v3;
	v2 =	vadd.f32 v6, v2;
	v5 =	vld [tilespmem:s25+$0x5860]  }
0x12d: {  	v1 =	vadd.f32 v38, v1;
	v0 =	vadd.f32 v39, v0;
	v6 =	vld [tilespmem:s25+$0x5870]  }
0x12e: {  	v3 =	vadd.f32 v4, v3;
	v2 =	vadd.f32 v7, v2;
	v4 =	vld [tilespmem:s25+$0x58E0]  }
0x12f: {  	v1 =	vadd.f32 v35, v1;
	v0 =	vadd.f32 v36, v0;
	v7 =	vld [tilespmem:s25+$0x58F0];
	s25 =	sshra.s32 s26, $0x2  }
0x130: {  	v3 =	vadd.f32 v24, v3;
	v22 =	vld [tilespmem:s25+$0x5880];
	v2 =	vadd.f32 v27, v2  }
0x131: {  	v1 =	vadd.f32 v31, v1;
	v0 =	vadd.f32 v32, v0;
	v24 =	vld [tilespmem:s25+$0x5890]  }
0x132: {  	v3 =	vadd.f32 v5, v3;
	v40 =	vld [tilespmem:s25+$0x58A0];
	v2 =	vadd.f32 v6, v2  }
0x133: {  	v53 =	vadd.f32 v25, v1;
	v56 =	vadd.f32 v26, v0;
	v45 =	vld [tilespmem:s25+$0x58B0]  }
0x134: {  	v54 =	vadd.f32 v4, v3;
	v25 =	vld [tilespmem:s25+$0x58C0];
	v55 =	vadd.f32 v7, v2  }
0x135: {  	v26 =	vld [tilespmem:s25+$0x58D0]  }
0x136: {  	v28 =	vld [tilespmem:s25+$0x5800]  }
0x137: {  	v52 =	vld [tilespmem:s25+$0x5810]  }
0x138: {  	v27 =	vld [tilespmem:s25+$0x5820]  }
0x139: {  	v37 =	vld [tilespmem:s25+$0x5830]  }
0x13a: {  	v31 =	vld [tilespmem:s25+$0x5840]  }
0x13b: {  	v32 =	vld [tilespmem:s25+$0x5850]  }
0x13c: {  	v3 =	vld [tilespmem:s25+$0x5780]  }
0x13d: {  	v5 =	vld [tilespmem:s25+$0x5790]  }
0x13e: {  	v6 =	vld [tilespmem:s25+$0x57A0]  }
0x13f: {  	v7 =	vld [tilespmem:s25+$0x57B0]  }
0x140: {  	v35 =	vld [tilespmem:s25+$0x57C0]  }
0x141: {  	v36 =	vld [tilespmem:s25+$0x57D0]  }
0x142: {  	v1 =	vld [tilespmem:s25+$0x5700]  }
0x143: {  	v2 =	vld [tilespmem:s25+$0x5710]  }
0x144: {  	v4 =	vld [tilespmem:s25+$0x5720]  }
0x145: {  	v33 =	vld [tilespmem:s25+$0x5730]  }
0x146: {  	v38 =	vld [tilespmem:s25+$0x5740]  }
0x147: {  	v39 =	vld [tilespmem:s25+$0x5750]  }
0x148: {  	v0 =	vld [tilespmem:s25+$0x5680]  }
0x149: {  	v34 =	vld [tilespmem:s25+$0x5690]  }
0x14a: {  	v41 =	vld [tilespmem:s25+$0x56A0]  }
0x14b: {  	v42 =	vld [tilespmem:s25+$0x56B0]  }
0x14c: {  	v46 =	vld [tilespmem:s25+$0x56C0]  }
0x14d: {  	v51 =	vld [tilespmem:s25+$0x56D0]  }
0x14e: {  	v43 =	vld [tilespmem:s25+$0x5600]  }
0x14f: {  	v44 =	vld [tilespmem:s25+$0x5610]  }
0x150: {  	v47 =	vld [tilespmem:s25+$0x5580]  }
0x151: {  	v48 =	vld [tilespmem:s25+$0x5590]  }
0x152: {  	v49 =	vld [tilespmem:s25+$0x5500]  }
0x153: {  	v50 =	vld [tilespmem:s25+$0x5510]  }
0x154: {  	v57 =	vld [tilespmem:s25+$0x5480]  }
0x155: {  	v58 =	vld [tilespmem:s25+$0x5490]  }
0x156: {  	v59 =	vld [tilespmem:s25+$0x5400]  }
0x157: {  	v60 =	vld [tilespmem:s25+$0x5410]  }
0x158: {  	v61 =	vld [tilespmem:s25+$0x5420]  }
0x159: {  	v62 =	vld [tilespmem:s25+$0x5430]  }
0x15a: {  	v63 =	vld [tilespmem:s25+$0x54A0]  }
0x15b: {  	v8 =	vld [tilespmem:s25+$0x54B0]  }
0x15c: {  	v9 =	vld [tilespmem:s25+$0x5520]  }
0x15d: {  	v21 =	vadd.f32 v59, v21;
	v23 =	vadd.f32 v60, v23;
	v59 =	vld [tilespmem:s25+$0x5530]  }
0x15e: {  	v29 =	vadd.f32 v61, v29;
	v30 =	vadd.f32 v62, v30;
	v60 =	vld [tilespmem:s25+$0x55A0]  }
0x15f: {  	v21 =	vadd.f32 v57, v21;
	v23 =	vadd.f32 v58, v23;
	v61 =	vld [tilespmem:s25+$0x55B0]  }
0x160: {  	v29 =	vadd.f32 v63, v29;
	v8 =	vadd.f32 v8, v30;
	v30 =	vld [tilespmem:s25+$0x5620]  }
0x161: {  	v21 =	vadd.f32 v49, v21;
	v23 =	vadd.f32 v50, v23;
	v49 =	vld [tilespmem:s25+$0x5630]  }
0x162: {  	v9 =	vadd.f32 v9, v29;
	v8 =	vadd.f32 v59, v8;
	v57 =	vld [tilespmem:s25+$0x5640]  }
0x163: {  	v21 =	vadd.f32 v47, v21;
	v23 =	vadd.f32 v48, v23;
	v58 =	vld [tilespmem:s25+$0x5650]  }
0x164: {  	v9 =	vadd.f32 v60, v9;
	v8 =	vadd.f32 v61, v8;
	v59 =	vld [tilespmem:s25+$0x55C0]  }
0x165: {  	v21 =	vadd.f32 v43, v21;
	v23 =	vadd.f32 v44, v23;
	v60 =	vld [tilespmem:s25+$0x55D0]  }
0x166: {  	v9 =	vadd.f32 v30, v9;
	v61 =	vld [tilespmem:s25+$0x5540];
	v8 =	vadd.f32 v49, v8  }
0x167: {  	v21 =	vadd.f32 v0, v21;
	v23 =	vadd.f32 v34, v23;
	v62 =	vld [tilespmem:s25+$0x5550]  }
.Ltmp2:
0x168: {  	v9 =	vadd.f32 v41, v9;
	v63 =	vld [tilespmem:s25+$0x54C0];
	v8 =	vadd.f32 v42, v8;
	(pc) =	sbr.rel @p0 .LBB2_8-.Ltmp2, $4  }
0x169: {  	v21 =	vadd.f32 v1, v21;
	v23 =	vadd.f32 v2, v23;
	v0 =	vld [tilespmem:s25+$0x54D0]  }
0x16a: {  	v9 =	vadd.f32 v4, v9;
	v1 =	vld [tilespmem:s25+$0x5440];
	v8 =	vadd.f32 v33, v8  }
0x16b: {  	v4 =	vadd.f32 v3, v21;
	v5 =	vadd.f32 v5, v23;
	v2 =	vld [tilespmem:s25+$0x5450]  }
0x16c: {  	s26 =	sadd.s32 $0x1400, s26;
	v6 =	vadd.f32 v6, v9;
	v3 =	vld [tilespmem:s25+$0x5460];
	v7 =	vadd.f32 v7, v8  }
0x16d: {  	v9 =	vld [tilespmem:s25+$0x54E0];
	_ =	sdelay $0x4  }
0x16e: {  	[tilespmem:$0x1FDB0] =	vst v9;
	v9 =	vld [tilespmem:s25+$0x54F0];
	_ =	sdelay $0x4  }
0x16f: {  	[tilespmem:$0x1FDC0] =	vst v9;
	v9 =	vld [tilespmem:s25+$0x5560];
	_ =	sdelay $0x4  }
0x170: {  	v4 =	vadd.f32 v28, v4;
	[tilespmem:$0x1FDD0] =	vst v9;
	v9 =	vld [tilespmem:s25+$0x5570];
	_ =	sdelay $0x1  }
0x171: {  	v5 =	vadd.f32 v52, v5;
	v4 =	vadd.f32 v22, v4;
	_ =	sdelay $0x1  }
0x172: {  	v6 =	vadd.f32 v27, v6;
	[tilespmem:$0x1FD70] =	vst v4;
	v4 =	vadd.f32 v24, v5  }
0x173: {  	[tilespmem:$0x1FDE0] =	vst v9;
	v9 =	vld [tilespmem:s25+$0x55E0]  }
0x174: {  	v7 =	vadd.f32 v37, v7;
	[tilespmem:$0x1FD80] =	vst v4;
	v4 =	vadd.f32 v40, v6  }
0x175: {  	v8 =	vld [tilespmem:s25+$0x5470]  }
0x176: {  	[tilespmem:$0x1FD90] =	vst v4;
	v4 =	vadd.f32 v45, v7;
	v7 =	vld [tilespmem:$0x1FDB0];
	_ =	sdelay $0x1  }
0x177: {  	[tilespmem:$0x1FDF0] =	vst v9;
	v9 =	vld [tilespmem:s25+$0x55F0]  }
0x178: {  	v3 =	vadd.f32 v3, v54  }
0x179: {  	v5 =	vadd.f32 v8, v55;
	v8 =	vld [tilespmem:$0x1FDD0]  }
0x17a: {  	v3 =	vadd.f32 v7, v3;
	v7 =	vld [tilespmem:$0x1FDC0]  }
0x17b: {  	v22 =	vld [tilespmem:$0x1FDF0]  }
0x17c: {  	[tilespmem:$0x1FE00] =	vst v9;
	v9 =	vld [tilespmem:s25+$0x5660];
	_ =	sdelay $0x1  }
0x17d: {  	v3 =	vadd.f32 v8, v3;
	v8 =	vld [tilespmem:$0x1FDE0];
	_ =	sdelay $0x1  }
0x17e: {  	v3 =	vadd.f32 v22, v3;
	v22 =	vld [tilespmem:$0x1FE00]  }
0x17f: {  	v5 =	vadd.f32 v7, v5;
	[tilespmem:$0x1FE10] =	vst v9;
	v9 =	vld [tilespmem:s25+$0x5670];
	_ =	sdelay $0x1  }
0x180: {  	v5 =	vadd.f32 v8, v5;
	_ =	sdelay $0x1  }
0x181: {  	v5 =	vadd.f32 v22, v5;
	v22 =	vld [tilespmem:$0x1FE10]  }
0x182: {  	[tilespmem:$0x1FE20] =	vst v9;
	v9 =	vld [tilespmem:s25+$0x56E0];
	_ =	sdelay $0x3  }
0x183: {  	v3 =	vadd.f32 v22, v3;
	v22 =	vld [tilespmem:$0x1FE20]  }
0x184: {  	[tilespmem:$0x1FE30] =	vst v9;
	v9 =	vld [tilespmem:s25+$0x56F0];
	_ =	sdelay $0x3  }
0x185: {  	v5 =	vadd.f32 v22, v5;
	v22 =	vld [tilespmem:$0x1FE30]  }
0x186: {  	[tilespmem:$0x1FE40] =	vst v9;
	v9 =	vld [tilespmem:s25+$0x5760];
	_ =	sdelay $0x3  }
0x187: {  	v3 =	vadd.f32 v22, v3;
	v22 =	vld [tilespmem:$0x1FE40]  }
0x188: {  	[tilespmem:$0x1FE50] =	vst v9;
	v9 =	vld [tilespmem:s25+$0x5770];
	_ =	sdelay $0x3  }
0x189: {  	v5 =	vadd.f32 v22, v5;
	v22 =	vld [tilespmem:$0x1FE50]  }
0x18a: {  	[tilespmem:$0x1FE60] =	vst v9;
	v9 =	vld [tilespmem:s25+$0x57E0];
	_ =	sdelay $0x3  }
0x18b: {  	v3 =	vadd.f32 v22, v3;
	v22 =	vld [tilespmem:$0x1FE60]  }
0x18c: {  	[tilespmem:$0x1FE70] =	vst v9;
	v9 =	vld [tilespmem:s25+$0x57F0];
	_ =	sdelay $0x3  }
0x18d: {  	v5 =	vadd.f32 v22, v5;
	v22 =	vld [tilespmem:$0x1FE70]  }
0x18e: {  	[tilespmem:$0x1FE80] =	vst v9;
	v9 =	vld [tilespmem:s25+$0x5860];
	_ =	sdelay $0x3  }
0x18f: {  	v3 =	vadd.f32 v22, v3;
	v22 =	vld [tilespmem:$0x1FE80]  }
0x190: {  	[tilespmem:$0x1FE90] =	vst v9;
	v9 =	vld [tilespmem:s25+$0x5870];
	_ =	sdelay $0x3  }
0x191: {  	v5 =	vadd.f32 v22, v5;
	v22 =	vld [tilespmem:$0x1FE90]  }
0x192: {  	[tilespmem:$0x1FEA0] =	vst v9;
	v9 =	vld [tilespmem:s25+$0x58E0];
	_ =	sdelay $0x3  }
0x193: {  	v3 =	vadd.f32 v22, v3;
	v22 =	vld [tilespmem:$0x1FEA0]  }
0x194: {  	[tilespmem:$0x1FEC0] =	vst v9;
	v9 =	vld [tilespmem:s25+$0x58F0];
	s25 =	simm.s32 $0x0  }
0x195: {  	v41 =	vld [tilespmem:s25+$0x7180]  }
0x196: {  	v42 =	vld [tilespmem:s25+$0x7190]  }
0x197: {  	v43 =	vld [tilespmem:s25+$0x71A0]  }
0x198: {  	v44 =	vld [tilespmem:s25+$0x71B0]  }
0x199: {  	v21 =	vld [tilespmem:s25+$0x71C0]  }
0x19a: {  	v23 =	vld [tilespmem:s25+$0x71D0]  }
0x19b: {  	v48 =	vld [tilespmem:s25+$0x7100]  }
0x19c: {  	v50 =	vld [tilespmem:s25+$0x7110]  }
0x19d: {  	v47 =	vld [tilespmem:s25+$0x7120]  }
0x19e: {  	v49 =	vld [tilespmem:s25+$0x7130]  }
0x19f: {  	v29 =	vld [tilespmem:s25+$0x7140]  }
0x1a0: {  	v30 =	vld [tilespmem:s25+$0x7150]  }
0x1a1: {  	v1 =	vadd.f32 v1, v53;
	v33 =	vld [tilespmem:s25+$0x7080]  }
0x1a2: {  	v34 =	vld [tilespmem:s25+$0x70D0]  }
0x1a3: {  	v2 =	vadd.f32 v2, v56;
	v1 =	vadd.f32 v63, v1;
	v52 =	vld [tilespmem:s25+$0x7020]  }
0x1a4: {  	v27 =	vld [tilespmem:s25+$0x7030]  }
0x1a5: {  	v0 =	vadd.f32 v0, v2;
	v1 =	vadd.f32 v61, v1;
	v37 =	vld [tilespmem:s25+$0x7040]  }
0x1a6: {  	v40 =	vld [tilespmem:s25+$0x7050]  }
0x1a7: {  	v0 =	vadd.f32 v62, v0;
	v1 =	vadd.f32 v59, v1;
	[tilespmem:$0x1FDA0] =	vst v4;
	v4 =	vld [tilespmem:s25+$0x6F80]  }
0x1a8: {  	v6 =	vld [tilespmem:s25+$0x6F90]  }
0x1a9: {  	v0 =	vadd.f32 v60, v0;
	v1 =	vadd.f32 v57, v1;
	v2 =	vld [tilespmem:s25+$0x6FA0]  }
0x1aa: {  	v7 =	vld [tilespmem:s25+$0x6FB0]  }
0x1ab: {  	v0 =	vadd.f32 v58, v0;
	v1 =	vadd.f32 v46, v1;
	v45 =	vld [tilespmem:s25+$0x6FC0]  }
0x1ac: {  	v8 =	vld [tilespmem:s25+$0x6F00]  }
0x1ad: {  	v0 =	vadd.f32 v51, v0;
	v1 =	vadd.f32 v38, v1;
	v53 =	vld [tilespmem:s25+$0x6E80]  }
0x1ae: {  	v55 =	vld [tilespmem:s25+$0x6E90]  }
0x1af: {  	v0 =	vadd.f32 v39, v0;
	v1 =	vadd.f32 v35, v1;
	v54 =	vld [tilespmem:s25+$0x6E00]  }
0x1b0: {  	v46 =	vld [tilespmem:s25+$0x6E10]  }
0x1b1: {  	v0 =	vadd.f32 v36, v0;
	v1 =	vadd.f32 v31, v1;
	v51 =	vld [tilespmem:s25+$0x6D80]  }
0x1b2: {  	v38 =	vld [tilespmem:s25+$0x6D90]  }
0x1b3: {  	v0 =	vadd.f32 v32, v0;
	v32 =	vadd.f32 v25, v1;
	v1 =	vld [tilespmem:$0x1FEC0]  }
0x1b4: {  	v24 =	vld [tilespmem:s25+$0x6D00]  }
0x1b5: {  	v60 =	vld [tilespmem:s25+$0x6D10]  }
0x1b6: {  	v61 =	vld [tilespmem:s25+$0x6D20]  }
0x1b7: {  	v62 =	vld [tilespmem:s25+$0x6D30]  }
0x1b8: {  	v63 =	vld [tilespmem:s25+$0x6DA0];
	v1 =	vadd.f32 v1, v3  }
0x1b9: {  	v0 =	vadd.f32 v26, v0;
	[tilespmem:$0x1FEE0] =	vst v9;
	v9 =	vld [tilespmem:s25+$0x7000]  }
0x1ba: {  	[tilespmem:$0x1FED0] =	vst v1;
	v1 =	vld [tilespmem:$0x1FEE0]  }
0x1bb: {  	[tilespmem:$0x1FEB0] =	vst v0;
	v0 =	vld [tilespmem:s25+$0x6DB0]  }
0x1bc: {  	v39 =	vld [tilespmem:s25+$0x6E30]  }
0x1bd: {  	v5 =	vadd.f32 v22, v5;
	v26 =	vld [tilespmem:s25+$0x6EA0]  }
0x1be: {  	v35 =	vld [tilespmem:s25+$0x6FD0]  }
0x1bf: {  	[tilespmem:$0x1FF00] =	vst v9;
	v9 =	vld [tilespmem:s25+$0x7010];
	v1 =	vadd.f32 v1, v5  }
0x1c0: {  	[tilespmem:$0x1FF20] =	vst v33;
	v33 =	vld [tilespmem:s25+$0x7090]  }
0x1c1: {  	v3 =	vadd.f32 v24, v20;
	v5 =	vadd.f32 v60, v20;
	[tilespmem:$0x1FEF0] =	vst v1;
	v1 =	vld [tilespmem:s25+$0x6E20]  }
0x1c2: {  	v24 =	vadd.f32 v61, v20;
	v25 =	vadd.f32 v62, v20;
	v62 =	vld [tilespmem:s25+$0x6F20]  }
0x1c3: {  	v3 =	vadd.f32 v51, v3;
	v60 =	vld [tilespmem:s25+$0x6EB0];
	v5 =	vadd.f32 v38, v5  }
0x1c4: {  	v61 =	vadd.f32 v63, v24;
	v0 =	vadd.f32 v0, v25;
	[tilespmem:$0x1FF10] =	vst v9;
	v9 =	vld [tilespmem:s25+$0x6F10]  }
0x1c5: {  	v63 =	vld [tilespmem:s25+$0x6F30];
	v3 =	vadd.f32 v54, v3;
	v5 =	vadd.f32 v46, v5  }
0x1c6: {  	v0 =	vadd.f32 v39, v0;
	[tilespmem:$0x1FF30] =	vst v33;
	v33 =	vld [tilespmem:s25+$0x70A0];
	v1 =	vadd.f32 v1, v61  }
0x1c7: {  	v56 =	vld [tilespmem:s25+$0x6EC0];
	v3 =	vadd.f32 v53, v3;
	v5 =	vadd.f32 v55, v5  }
0x1c8: {  	v57 =	vld [tilespmem:s25+$0x6ED0];
	v0 =	vadd.f32 v60, v0;
	v1 =	vadd.f32 v26, v1  }
0x1c9: {  	v58 =	vld [tilespmem:s25+$0x6E50];
	v3 =	vadd.f32 v8, v3;
	v5 =	vadd.f32 v9, v5  }
0x1ca: {  	v54 =	vld [tilespmem:s25+$0x6F40];
	v8 =	vadd.f32 v63, v0;
	v1 =	vadd.f32 v62, v1  }
0x1cb: {  	[tilespmem:$0x1FF40] =	vst v33;
	v33 =	vld [tilespmem:s25+$0x70B0];
	v3 =	vadd.f32 v4, v3;
	v4 =	vadd.f32 v6, v5  }
0x1cc: {  	v6 =	vadd.f32 v7, v8;
	v5 =	vadd.f32 v2, v1;
	v2 =	vld [tilespmem:$0x1FF00]  }
0x1cd: {  	v9 =	vld [tilespmem:$0x1FF40]  }
0x1ce: {  	v8 =	vadd.f32 v27, v6;
	v6 =	vld [tilespmem:$0x1FF20]  }
0x1cf: {  	v55 =	vld [tilespmem:s25+$0x6F50]  }
0x1d0: {  	v0 =	vld [tilespmem:s25+$0x6E40];
	v5 =	vadd.f32 v52, v5  }
0x1d1: {  	[tilespmem:$0x1FF50] =	vst v33;
	v7 =	vadd.f32 v2, v3;
	v2 =	vld [tilespmem:$0x1FF10]  }
0x1d2: {  	v46 =	vadd.f32 v9, v5;
	v5 =	vld [tilespmem:$0x1FF50]  }
0x1d3: {  	v6 =	vadd.f32 v6, v7;
	v7 =	vld [tilespmem:$0x1FF30]  }
0x1d4: {  	v33 =	vld [tilespmem:s25+$0x70C0]  }
0x1d5: {  	v1 =	vld [tilespmem:s25+$0x6DC0]  }
0x1d6: {  	v3 =	vld [tilespmem:s25+$0x6D40];
	v4 =	vadd.f32 v2, v4  }
0x1d7: {  	v51 =	vadd.f32 v5, v8;
	v5 =	vld [tilespmem:s25+$0x6D60]  }
0x1d8: {  	v2 =	vld [tilespmem:s25+$0x6DD0];
	v7 =	vadd.f32 v7, v4  }
0x1d9: {  	s26 =	simm.s32 $0x1400;
	v36 =	vimm.f32 $0.0e+00;
	v39 =	vimm.f32 $0.0e+00;
	v38 =	vimm.f32 $0.0e+00;
	v4 =	vld [tilespmem:s25+$0x6D50]  }
.LBB2_10:
0x1da: {  	p0 =	sne.s32 s26, $0xB400;
	v8 =	vld [tilespmem:s25+$0x6D70];
	v6 =	vadd.f32 v48, v6;
	v7 =	vadd.f32 v50, v7  }
0x1db: {  	v9 =	vld [tilespmem:s25+$0x6DE0];
	v27 =	vadd.f32 v47, v46;
	v47 =	vadd.f32 v49, v51  }
0x1dc: {  	v48 =	vld [tilespmem:s25+$0x6DF0];
	v46 =	vadd.f32 v41, v6;
	v51 =	vadd.f32 v42, v7  }
0x1dd: {  	v6 =	vld [tilespmem:s25+$0x6E60];
	v52 =	vadd.f32 v43, v27;
	v53 =	vadd.f32 v44, v47  }
0x1de: {  	v3 =	vadd.f32 v3, v20;
	v4 =	vadd.f32 v4, v39;
	v7 =	vld [tilespmem:s25+$0x6E70]  }
0x1df: {  	v5 =	vadd.f32 v5, v36;
	v8 =	vadd.f32 v8, v38;
	v20 =	vld [tilespmem:s25+$0x6EE0]  }
0x1e0: {  	v1 =	vadd.f32 v1, v3;
	v2 =	vadd.f32 v2, v4;
	v3 =	vld [tilespmem:s25+$0x6EF0]  }
0x1e1: {  	v4 =	vadd.f32 v9, v5;
	v5 =	vadd.f32 v48, v8;
	v8 =	vld [tilespmem:s25+$0x6F60]  }
0x1e2: {  	v0 =	vadd.f32 v0, v1;
	v1 =	vadd.f32 v58, v2;
	v2 =	vld [tilespmem:s25+$0x6F70]  }
0x1e3: {  	v4 =	vadd.f32 v6, v4;
	v5 =	vadd.f32 v7, v5;
	v6 =	vld [tilespmem:s25+$0x6FE0]  }
0x1e4: {  	v0 =	vadd.f32 v56, v0;
	v1 =	vadd.f32 v57, v1;
	v7 =	vld [tilespmem:s25+$0x6FF0]  }
0x1e5: {  	v4 =	vadd.f32 v20, v4;
	v3 =	vadd.f32 v3, v5;
	v5 =	vld [tilespmem:s25+$0x7060]  }
0x1e6: {  	v0 =	vadd.f32 v54, v0;
	v1 =	vadd.f32 v55, v1;
	v9 =	vld [tilespmem:s25+$0x7070]  }
0x1e7: {  	v4 =	vadd.f32 v8, v4;
	v2 =	vadd.f32 v2, v3;
	v3 =	vld [tilespmem:s25+$0x70E0]  }
0x1e8: {  	v0 =	vadd.f32 v45, v0;
	v1 =	vadd.f32 v35, v1;
	v8 =	vld [tilespmem:s25+$0x70F0]  }
0x1e9: {  	v4 =	vadd.f32 v6, v4;
	v2 =	vadd.f32 v7, v2;
	v6 =	vld [tilespmem:s25+$0x7160]  }
0x1ea: {  	v0 =	vadd.f32 v37, v0;
	v1 =	vadd.f32 v40, v1;
	v7 =	vld [tilespmem:s25+$0x7170]  }
0x1eb: {  	v4 =	vadd.f32 v5, v4;
	v2 =	vadd.f32 v9, v2;
	v5 =	vld [tilespmem:s25+$0x71E0]  }
0x1ec: {  	v0 =	vadd.f32 v33, v0;
	v1 =	vadd.f32 v34, v1;
	v9 =	vld [tilespmem:s25+$0x71F0];
	s25 =	sshra.s32 s26, $0x2  }
0x1ed: {  	v3 =	vadd.f32 v3, v4;
	v41 =	vld [tilespmem:s25+$0x7180];
	v2 =	vadd.f32 v8, v2  }
0x1ee: {  	v0 =	vadd.f32 v29, v0;
	v1 =	vadd.f32 v30, v1;
	v42 =	vld [tilespmem:s25+$0x7190]  }
0x1ef: {  	v3 =	vadd.f32 v6, v3;
	v43 =	vld [tilespmem:s25+$0x71A0];
	v2 =	vadd.f32 v7, v2  }
0x1f0: {  	v20 =	vadd.f32 v21, v0;
	v39 =	vadd.f32 v23, v1;
	v44 =	vld [tilespmem:s25+$0x71B0]  }
0x1f1: {  	v36 =	vadd.f32 v5, v3;
	v21 =	vld [tilespmem:s25+$0x71C0];
	v38 =	vadd.f32 v9, v2  }
0x1f2: {  	v23 =	vld [tilespmem:s25+$0x71D0]  }
0x1f3: {  	v48 =	vld [tilespmem:s25+$0x7100]  }
0x1f4: {  	v50 =	vld [tilespmem:s25+$0x7110]  }
0x1f5: {  	v47 =	vld [tilespmem:s25+$0x7120]  }
0x1f6: {  	v49 =	vld [tilespmem:s25+$0x7130]  }
0x1f7: {  	v29 =	vld [tilespmem:s25+$0x7140]  }
0x1f8: {  	v30 =	vld [tilespmem:s25+$0x7150]  }
0x1f9: {  	v5 =	vld [tilespmem:s25+$0x7080]  }
0x1fa: {  	v7 =	vld [tilespmem:s25+$0x7090]  }
0x1fb: {  	v8 =	vld [tilespmem:s25+$0x70A0]  }
0x1fc: {  	v9 =	vld [tilespmem:s25+$0x70B0]  }
0x1fd: {  	v33 =	vld [tilespmem:s25+$0x70C0]  }
0x1fe: {  	v34 =	vld [tilespmem:s25+$0x70D0]  }
0x1ff: {  	v3 =	vld [tilespmem:s25+$0x7000]  }
0x200: {  	v4 =	vld [tilespmem:s25+$0x7010]  }
0x201: {  	v6 =	vld [tilespmem:s25+$0x7020]  }
0x202: {  	v27 =	vld [tilespmem:s25+$0x7030]  }
0x203: {  	v37 =	vld [tilespmem:s25+$0x7040]  }
0x204: {  	v40 =	vld [tilespmem:s25+$0x7050]  }
0x205: {  	v1 =	vld [tilespmem:s25+$0x6F80]  }
0x206: {  	v2 =	vld [tilespmem:s25+$0x6F90]  }
0x207: {  	v59 =	vld [tilespmem:s25+$0x6FA0]  }
0x208: {  	v60 =	vld [tilespmem:s25+$0x6FB0]  }
0x209: {  	v45 =	vld [tilespmem:s25+$0x6FC0]  }
0x20a: {  	v35 =	vld [tilespmem:s25+$0x6FD0]  }
0x20b: {  	v0 =	vld [tilespmem:s25+$0x6F00]  }
0x20c: {  	v58 =	vld [tilespmem:s25+$0x6F10]  }
0x20d: {  	v55 =	vld [tilespmem:s25+$0x6E80]  }
0x20e: {  	v56 =	vld [tilespmem:s25+$0x6E90]  }
0x20f: {  	v54 =	vld [tilespmem:s25+$0x6E00]  }
0x210: {  	v57 =	vld [tilespmem:s25+$0x6E10]  }
0x211: {  	v61 =	vld [tilespmem:s25+$0x6D80]  }
0x212: {  	v62 =	vld [tilespmem:s25+$0x6D90]  }
0x213: {  	v63 =	vld [tilespmem:s25+$0x6D00]  }
0x214: {  	v24 =	vld [tilespmem:s25+$0x6D10]  }
0x215: {  	v22 =	vld [tilespmem:s25+$0x6D20]  }
0x216: {  	v28 =	vld [tilespmem:s25+$0x6D30]  }
0x217: {  	v25 =	vld [tilespmem:s25+$0x6DA0]  }
0x218: {  	v26 =	vld [tilespmem:s25+$0x6DB0]  }
0x219: {  	v31 =	vld [tilespmem:s25+$0x6E20]  }
0x21a: {  	v46 =	vadd.f32 v63, v46;
	v24 =	vadd.f32 v24, v51;
	v51 =	vld [tilespmem:s25+$0x6E30]  }
0x21b: {  	v22 =	vadd.f32 v22, v52;
	v28 =	vadd.f32 v28, v53;
	v52 =	vld [tilespmem:s25+$0x6EA0]  }
0x21c: {  	v46 =	vadd.f32 v61, v46;
	v24 =	vadd.f32 v62, v24;
	v53 =	vld [tilespmem:s25+$0x6EB0]  }
0x21d: {  	v22 =	vadd.f32 v25, v22;
	v25 =	vadd.f32 v26, v28;
	v26 =	vld [tilespmem:s25+$0x6F20]  }
0x21e: {  	v28 =	vadd.f32 v54, v46;
	v24 =	vadd.f32 v57, v24;
	v46 =	vld [tilespmem:s25+$0x6F30]  }
0x21f: {  	v22 =	vadd.f32 v31, v22;
	v25 =	vadd.f32 v51, v25;
	v54 =	vld [tilespmem:s25+$0x6F40]  }
0x220: {  	v28 =	vadd.f32 v55, v28;
	v24 =	vadd.f32 v56, v24;
	v55 =	vld [tilespmem:s25+$0x6F50]  }
0x221: {  	v22 =	vadd.f32 v52, v22;
	v25 =	vadd.f32 v53, v25;
	v56 =	vld [tilespmem:s25+$0x6EC0]  }
0x222: {  	v28 =	vadd.f32 v0, v28;
	v24 =	vadd.f32 v58, v24;
	v57 =	vld [tilespmem:s25+$0x6ED0]  }
0x223: {  	v22 =	vadd.f32 v26, v22;
	v0 =	vld [tilespmem:s25+$0x6E40];
	v25 =	vadd.f32 v46, v25  }
0x224: {  	v26 =	vadd.f32 v1, v28;
	v24 =	vadd.f32 v2, v24;
	v58 =	vld [tilespmem:s25+$0x6E50]  }
.Ltmp3:
0x225: {  	v22 =	vadd.f32 v59, v22;
	v1 =	vld [tilespmem:s25+$0x6DC0];
	v25 =	vadd.f32 v60, v25;
	(pc) =	sbr.rel @p0 .LBB2_10-.Ltmp3, $4  }
0x226: {  	v26 =	vadd.f32 v3, v26;
	v24 =	vadd.f32 v4, v24;
	v2 =	vld [tilespmem:s25+$0x6DD0]  }
0x227: {  	v22 =	vadd.f32 v6, v22;
	v3 =	vld [tilespmem:s25+$0x6D40];
	v25 =	vadd.f32 v27, v25  }
0x228: {  	v6 =	vadd.f32 v5, v26;
	v7 =	vadd.f32 v7, v24;
	v4 =	vld [tilespmem:s25+$0x6D50]  }
0x229: {  	s26 =	sadd.s32 $0x1400, s26;
	v46 =	vadd.f32 v8, v22;
	v5 =	vld [tilespmem:s25+$0x6D60];
	v51 =	vadd.f32 v9, v25  }
0x22a: {  	_ =	sdelay $0x1  }
0x22b: {  	v8 =	vld [tilespmem:s25+$0x6D70];
	v3 =	vadd.f32 v3, v20  }
0x22c: {  	v24 =	vld [tilespmem:s25+$0x6DE0]  }
0x22d: {  	v25 =	vld [tilespmem:s25+$0x6DF0];
	v1 =	vadd.f32 v1, v3  }
0x22e: {  	v26 =	vld [tilespmem:s25+$0x6E60]  }
0x22f: {  	v6 =	vadd.f32 v48, v6;
	v31 =	vld [tilespmem:s25+$0x6E70];
	v0 =	vadd.f32 v0, v1  }
0x230: {  	v7 =	vadd.f32 v50, v7;
	v27 =	vld [tilespmem:s25+$0x6EE0];
	v4 =	vadd.f32 v4, v39  }
0x231: {  	v48 =	vld [tilespmem:s25+$0x7070];
	v9 =	vadd.f32 v47, v46;
	v0 =	vadd.f32 v56, v0  }
0x232: {  	v53 =	vld [tilespmem:$0x1FFC0];
	v6 =	vadd.f32 v41, v6;
	v2 =	vadd.f32 v2, v4  }
0x233: {  	v8 =	vadd.f32 v8, v38;
	v0 =	vadd.f32 v54, v0;
	v54 =	vld [tilespmem:$0x1FFD0]  }
0x234: {  	v59 =	vld [tilespmem:$0x1FFF0];
	v7 =	vadd.f32 v42, v7;
	v42 =	vadd.f32 v58, v2  }
0x235: {  	v5 =	vadd.f32 v5, v36;
	v38 =	vld [tilespmem:s25+$0x6EF0];
	v41 =	vadd.f32 v25, v8  }
0x236: {  	v46 =	vld [tilespmem:s25+$0x6FF0];
	v9 =	vadd.f32 v43, v9;
	v1 =	vadd.f32 v57, v42  }
0x237: {  	v43 =	vld [tilespmem:s25+$0x6F70];
	v39 =	vadd.f32 v24, v5;
	v5 =	vadd.f32 v31, v41  }
0x238: {  	v8 =	vld [tilespmem:s25+$0x6F60];
	v1 =	vadd.f32 v55, v1;
	v55 =	vmul.f32 v11, v53;
	v11 =	vmul.f32 v18, v54  }
0x239: {  	v22 =	vadd.f32 v49, v51;
	v4 =	vadd.f32 v26, v39;
	v56 =	vld [tilespmem:$0x1FFE0]  }
0x23a: {  	v3 =	vadd.f32 v38, v5;
	v5 =	vadd.f32 v11, v55;
	v11 =	vld [tilespmem:$0x1FD80]  }
0x23b: {  	v22 =	vadd.f32 v44, v22;
	v44 =	vld [tilespmem:s25+$0x6FE0];
	v4 =	vadd.f32 v27, v4  }
0x23c: {  	v57 =	vld [tilespmem:$0x1FD70];
	v2 =	vadd.f32 v43, v3  }
0x23d: {  	v4 =	vadd.f32 v8, v4;
	v8 =	vld [tilespmem:s25+$0x70F0]  }
0x23e: {  	v2 =	vadd.f32 v46, v2  }
0x23f: {  	v47 =	vld [tilespmem:s25+$0x7060];
	v11 =	vmul.f32 v11, v56  }
0x240: {  	v51 =	vld [tilespmem:s25+$0x7170];
	v12 =	vmul.f32 v12, v53;
	v19 =	vmul.f32 v19, v54;
	v2 =	vadd.f32 v48, v2  }
0x241: {  	v49 =	vld [tilespmem:s25+$0x70E0];
	v7 =	vmul.f32 v7, v59;
	v4 =	vadd.f32 v44, v4;
	v5 =	vadd.f32 v11, v5  }
0x242: {  	v18 =	vmul.f32 v57, v56;
	v12 =	vadd.f32 v19, v12;
	v2 =	vadd.f32 v8, v2;
	v8 =	vld [tilespmem:s25+$0x71F0]  }
0x243: {  	v5 =	vadd.f32 v7, v5;
	v7 =	vld [tilespmem:$0x1FF70]  }
0x244: {  	v6 =	vmul.f32 v6, v59;
	v4 =	vadd.f32 v47, v4;
	v58 =	vadd.f32 v18, v12  }
0x245: {  	v2 =	vadd.f32 v51, v2  }
0x246: {  	v3 =	vadd.f32 v49, v4;
	v4 =	vadd.f32 v6, v58  }
0x247: {  	v6 =	vmul.f32 v10, v53;
	v2 =	vadd.f32 v8, v2;
	v8 =	vmul.f32 v17, v54  }
0x248: {  	v10 =	vmul.f32 v16, v54;
	v7 =	vmul.f32 v7, v53  }
0x249: {  	v6 =	vadd.f32 v8, v6;
	v8 =	vld [tilespmem:$0x1FD90]  }
0x24a: {  	v7 =	vadd.f32 v10, v7;
	v10 =	vld [tilespmem:$0x1FDA0];
	_ =	sdelay $0x3  }
0x24b: {  	v8 =	vmul.f32 v8, v56  }
0x24c: {  	v10 =	vmul.f32 v10, v56  }
0x24d: {  	v6 =	vadd.f32 v8, v6;
	v8 =	vld [tilespmem:$0x1FF80]  }
0x24e: {  	v11 =	vmul.f32 v22, v59;
	v7 =	vadd.f32 v10, v7;
	v10 =	vld [tilespmem:$0x1FF90];
	_ =	sdelay $0x1  }
0x24f: {  	v7 =	vadd.f32 v11, v7;
	v11 =	vld [tilespmem:$0x1FEB0]  }
0x250: {  	v9 =	vmul.f32 v9, v59  }
0x251: {  	v12 =	vmul.f32 v15, v54;
	v8 =	vmul.f32 v8, v53  }
0x252: {  	v14 =	vmul.f32 v14, v54;
	v10 =	vmul.f32 v10, v53  }
0x253: {  	v6 =	vadd.f32 v9, v6;
	v9 =	vmul.f32 v32, v56;
	v8 =	vadd.f32 v12, v8  }
0x254: {  	v12 =	vmul.f32 v13, v54;
	v13 =	vld [tilespmem:$0x1FF60];
	v10 =	vadd.f32 v14, v10;
	v11 =	vmul.f32 v11, v56  }
0x255: {  	v8 =	vadd.f32 v9, v8;
	v9 =	vld [tilespmem:$0x1FFA0]  }
0x256: {  	v10 =	vadd.f32 v11, v10;
	v11 =	vld [tilespmem:$0x1FFB0]  }
0x257: {  	v0 =	vadd.f32 v45, v0  }
0x258: {  	v1 =	vadd.f32 v35, v1  }
0x259: {  	v0 =	vadd.f32 v37, v0  }
0x25a: {  	v50 =	vld [tilespmem:s25+$0x7160];
	v1 =	vadd.f32 v40, v1;
	v9 =	vmul.f32 v9, v53  }
0x25b: {  	v52 =	vld [tilespmem:s25+$0x71E0];
	v0 =	vadd.f32 v33, v0;
	v13 =	vmul.f32 v13, v54;
	v11 =	vmul.f32 v11, v53  }
0x25c: {  	v1 =	vadd.f32 v34, v1;
	v60 =	vadd.f32 v12, v9;
	v9 =	vld [tilespmem:$0x1FED0]  }
0x25d: {  	v0 =	vadd.f32 v29, v0;
	v61 =	vadd.f32 v13, v11;
	v11 =	vld [tilespmem:$0x1FEF0]  }
0x25e: {  	v1 =	vadd.f32 v30, v1  }
0x25f: {  	s31 =	sshll.u32 s23, $0x8;
	v3 =	vadd.f32 v50, v3;
	v0 =	vadd.f32 v21, v0  }
0x260: {  	s25 =	sand.u32 $0x3FFFFF00, s31;
	v1 =	vadd.f32 v23, v1  }
0x261: {  	v3 =	vadd.f32 v52, v3;
	v0 =	vmul.f32 v0, v59;
	[tilespmem:s25+$0x10200] =	vst v4;
	v9 =	vmul.f32 v9, v56  }
0x262: {  	v1 =	vmul.f32 v1, v59;
	[tilespmem:s25+$0x10210] =	vst v5;
	v11 =	vmul.f32 v11, v56  }
0x263: {  	v3 =	vmul.f32 v3, v59;
	[tilespmem:s25+$0x10220] =	vst v6;
	v0 =	vadd.f32 v0, v8;
	v4 =	vadd.f32 v9, v60  }
0x264: {  	v2 =	vmul.f32 v2, v59;
	[tilespmem:s25+$0x10230] =	vst v7;
	v1 =	vadd.f32 v1, v10;
	v5 =	vadd.f32 v11, v61  }
0x265: {  	p0 =	seq.s32 s23, $0x1F;
	[tilespmem:s25+$0x10240] =	vst v0;
	v62 =	vadd.f32 v3, v4  }
0x266: {  	s26 =	sshll.u32 @!p0 s23, $0x9;
	[tilespmem:s25+$0x10250] =	vst v1;
	v63 =	vadd.f32 v2, v5  }
0x267: {  	s26 =	sand.u32 @!p0 $0x3FFFFE00, s26;
	[tilespmem:s25+$0x10260] =	vst v62  }
0x268: {  	s28 =	simm.s32 @!p0 $0x60;
	s29 =	simm.s32 @!p0 $0x4000;
	[tilespmem:s25+$0x10270] =	vst v63;
	s25 =	sadd.s32 @!p0 $0x200, s26  }
0x269: {  	[tilespmem:s29], [sflag:$0x1] =	stream.indirect.gather @!p0 [hbm4b:s1+s28], $0x80, s25, s28, $0xb8;
	[tilespmem:$0x12200] =	vst v63  }
0x26a: {  	s25 =	sadd.s32 @!p0 $0x280, s26;
	s26 =	simm.s32 @!p0 $0x7000  }
0x26b: {  	[tilespmem:s26], [sflag:$0x1] =	stream.indirect.gather @!p0 [hbm4b:s1+s28], $0x80, s25, s28, $0xb8;
	[tilespmem:$0x12200] =	vst v63  }
0x26c: {  	v57 =	vimm.f32 $0.0e+00;
	v50 =	vimm.f32 $0.0e+00;
	v51 =	vimm.f32 $0.0e+00;
	_ =	swait.ge [sflag:s18], $0x6000  }
0x26d: {  	p1 =	por $0x1, $0x1;
	v52 =	vimm.f32 $0.0e+00;
	v8 =	vimm.f32 $0.0e+00;
	v12 =	vimm.f32 $0.0e+00;
	s25 =	simm.s32 $0x0;
	[sflag:s18] =	ssyncset.done $0x0  }
0x26e: {  	v10 =	vimm.f32 $0.0e+00;
	v9 =	vimm.f32 $0.0e+00;
	v11 =	vimm.f32 $0.0e+00;
	p0 =	por $0x1, $0x1;
	s26 =	simm.s32 $0x0;
	[sflag:s18] =	ssyncadd.s32 $0xFFFFA000  }
.LBB2_12:
0x26f: {  	s26 =	sshra.s32 s26, $0x2  }
0x270: {  	v0 =	vld [tilespmem:s26+$0xA000]  }
0x271: {  	v1 =	vld [tilespmem:s26+$0xA010]  }
0x272: {  	v2 =	vld [tilespmem:s26+$0xA020]  }
0x273: {  	v3 =	vld [tilespmem:s26+$0xA030]  }
0x274: {  	v4 =	vld [tilespmem:s26+$0xA040]  }
0x275: {  	v5 =	vld [tilespmem:s26+$0xA050]  }
0x276: {  	v6 =	vld [tilespmem:s26+$0xA060]  }
0x277: {  	v7 =	vld [tilespmem:s26+$0xA070]  }
0x278: {  	v13 =	vld [tilespmem:s26+$0xA080]  }
0x279: {  	v14 =	vld [tilespmem:s26+$0xA090]  }
0x27a: {  	v15 =	vld [tilespmem:s26+$0xA0A0]  }
0x27b: {  	v16 =	vld [tilespmem:s26+$0xA0B0]  }
0x27c: {  	v17 =	vld [tilespmem:s26+$0xA0C0]  }
0x27d: {  	v18 =	vld [tilespmem:s26+$0xA0D0]  }
0x27e: {  	v19 =	vld [tilespmem:s26+$0xA0E0]  }
0x27f: {  	v20 =	vld [tilespmem:s26+$0xA0F0]  }
0x280: {  	v21 =	vld [tilespmem:s26+$0xA100]  }
0x281: {  	v22 =	vld [tilespmem:s26+$0xA110]  }
0x282: {  	v23 =	vld [tilespmem:s26+$0xA120]  }
0x283: {  	v24 =	vld [tilespmem:s26+$0xA130]  }
0x284: {  	v25 =	vld [tilespmem:s26+$0xA140]  }
0x285: {  	v26 =	vld [tilespmem:s26+$0xA150]  }
0x286: {  	v27 =	vld [tilespmem:s26+$0xA160]  }
0x287: {  	v28 =	vld [tilespmem:s26+$0xA170]  }
0x288: {  	v29 =	vld [tilespmem:s26+$0xA180]  }
0x289: {  	v30 =	vld [tilespmem:s26+$0xA190]  }
0x28a: {  	v31 =	vld [tilespmem:s26+$0xA1A0]  }
0x28b: {  	v32 =	vld [tilespmem:s26+$0xA1B0]  }
0x28c: {  	v33 =	vld [tilespmem:s26+$0xA1C0]  }
0x28d: {  	v34 =	vld [tilespmem:s26+$0xA1D0]  }
0x28e: {  	v35 =	vld [tilespmem:s26+$0xA1E0]  }
0x28f: {  	v36 =	vld [tilespmem:s26+$0xA1F0]  }
0x290: {  	v37 =	vld [tilespmem:s26+$0xA200]  }
0x291: {  	v38 =	vld [tilespmem:s26+$0xA210]  }
0x292: {  	v39 =	vld [tilespmem:s26+$0xA220]  }
0x293: {  	v40 =	vld [tilespmem:s26+$0xA230]  }
0x294: {  	v41 =	vld [tilespmem:s26+$0xA240]  }
0x295: {  	v42 =	vld [tilespmem:s26+$0xA250]  }
0x296: {  	v43 =	vld [tilespmem:s26+$0xA260]  }
0x297: {  	v44 =	vld [tilespmem:s26+$0xA270]  }
0x298: {  	v45 =	vld [tilespmem:s26+$0xA280]  }
0x299: {  	v46 =	vld [tilespmem:s26+$0xA290]  }
0x29a: {  	v47 =	vld [tilespmem:s26+$0xA2A0]  }
0x29b: {  	v48 =	vld [tilespmem:s26+$0xA2B0]  }
0x29c: {  	v49 =	vld [tilespmem:s26+$0xA2C0]  }
0x29d: {  	v59 =	vld [tilespmem:s26+$0xA350];
	v0 =	vadd.f32 v0, v12;
	v1 =	vadd.f32 v1, v11  }
0x29e: {  	v60 =	vld [tilespmem:s26+$0xA360];
	v2 =	vadd.f32 v2, v10;
	v3 =	vadd.f32 v3, v9  }
0x29f: {  	v61 =	vld [tilespmem:s26+$0xA370];
	v4 =	vadd.f32 v4, v52;
	v5 =	vadd.f32 v5, v8  }
0x2a0: {  	v62 =	vld [tilespmem:s26+$0xA380];
	v6 =	vadd.f32 v6, v51;
	v7 =	vadd.f32 v7, v50  }
0x2a1: {  	v63 =	vld [tilespmem:s26+$0xA390];
	v0 =	vadd.f32 v13, v0;
	v1 =	vadd.f32 v14, v1  }
0x2a2: {  	v53 =	vld [tilespmem:s26+$0xA3E0];
	v2 =	vadd.f32 v15, v2;
	v3 =	vadd.f32 v16, v3  }
0x2a3: {  	v54 =	vld [tilespmem:s26+$0xA3F0];
	v4 =	vadd.f32 v17, v4;
	v5 =	vadd.f32 v18, v5  }
0x2a4: {  	v55 =	vld [tilespmem:s26+$0xA400];
	v6 =	vadd.f32 v19, v6;
	v7 =	vadd.f32 v20, v7  }
0x2a5: {  	v56 =	vld [tilespmem:s26+$0xA410];
	v0 =	vadd.f32 v21, v0;
	v1 =	vadd.f32 v22, v1  }
0x2a6: {  	v58 =	vld [tilespmem:s26+$0xA420];
	v2 =	vadd.f32 v23, v2;
	v3 =	vadd.f32 v24, v3  }
0x2a7: {  	v11 =	vld [tilespmem:s26+$0xA2D0];
	v4 =	vadd.f32 v25, v4;
	v5 =	vadd.f32 v26, v5  }
0x2a8: {  	v9 =	vld [tilespmem:s26+$0xA2E0];
	v6 =	vadd.f32 v27, v6;
	v7 =	vadd.f32 v28, v7  }
0x2a9: {  	v8 =	vld [tilespmem:s26+$0xA2F0];
	v0 =	vadd.f32 v29, v0;
	v1 =	vadd.f32 v30, v1  }
0x2aa: {  	v10 =	vld [tilespmem:s26+$0xA300];
	v2 =	vadd.f32 v31, v2;
	v3 =	vadd.f32 v32, v3  }
0x2ab: {  	v12 =	vld [tilespmem:s26+$0xA310];
	v4 =	vadd.f32 v33, v4;
	v5 =	vadd.f32 v34, v5  }
0x2ac: {  	v50 =	vld [tilespmem:s26+$0xA3B0];
	v6 =	vadd.f32 v35, v6;
	v7 =	vadd.f32 v36, v7  }
0x2ad: {  	v51 =	vld [tilespmem:s26+$0xA3C0];
	v0 =	vadd.f32 v37, v0;
	v1 =	vadd.f32 v38, v1  }
0x2ae: {  	v52 =	vld [tilespmem:s26+$0xA3D0];
	v2 =	vadd.f32 v39, v2;
	v3 =	vadd.f32 v40, v3  }
0x2af: {  	v13 =	vld [tilespmem:s26+$0xA320];
	v4 =	vadd.f32 v41, v4;
	v5 =	vadd.f32 v42, v5  }
0x2b0: {  	v14 =	vld [tilespmem:s26+$0xA330];
	v6 =	vadd.f32 v43, v6;
	v7 =	vadd.f32 v44, v7  }
0x2b1: {  	v15 =	vld [tilespmem:s26+$0xA340];
	v0 =	vadd.f32 v45, v0;
	v1 =	vadd.f32 v46, v1  }
0x2b2: {  	v32 =	vld [tilespmem:s26+$0xA3A0];
	v2 =	vadd.f32 v47, v2;
	v3 =	vadd.f32 v48, v3  }
0x2b3: {  	v4 =	vadd.f32 v49, v4;
	v5 =	vadd.f32 v11, v5;
	v11 =	vld [tilespmem:s26+$0xA430]  }
0x2b4: {  	v6 =	vadd.f32 v9, v6;
	v7 =	vadd.f32 v8, v7;
	v8 =	vld [tilespmem:s26+$0xA440]  }
0x2b5: {  	v9 =	vld [tilespmem:s26+$0xA450];
	v0 =	vadd.f32 v10, v0;
	v1 =	vadd.f32 v12, v1  }
0x2b6: {  	v2 =	vadd.f32 v13, v2;
	v3 =	vadd.f32 v14, v3;
	v10 =	vld [tilespmem:s26+$0xA460]  }
0x2b7: {  	v4 =	vadd.f32 v15, v4;
	v5 =	vadd.f32 v59, v5;
	v12 =	vld [tilespmem:s26+$0xA470]  }
0x2b8: {  	v6 =	vadd.f32 v60, v6;
	v7 =	vadd.f32 v61, v7;
	v13 =	vld [tilespmem:s26+$0xA480]  }
0x2b9: {  	v14 =	vld [tilespmem:s26+$0xA490];
	v0 =	vadd.f32 v62, v0;
	v1 =	vadd.f32 v63, v1  }
0x2ba: {  	v15 =	vld [tilespmem:s26+$0xA4A0];
	v2 =	vadd.f32 v32, v2;
	v3 =	vadd.f32 v50, v3  }
0x2bb: {  	v59 =	vld [tilespmem:s26+$0xA4B0];
	v4 =	vadd.f32 v51, v4;
	v5 =	vadd.f32 v52, v5  }
0x2bc: {  	v60 =	vld [tilespmem:s26+$0xA4C0];
	v6 =	vadd.f32 v53, v6;
	v7 =	vadd.f32 v54, v7  }
0x2bd: {  	v61 =	vld [tilespmem:s26+$0xA4D0];
	v0 =	vadd.f32 v55, v0;
	v1 =	vadd.f32 v56, v1  }
0x2be: {  	v62 =	vld [tilespmem:s26+$0xA4E0];
	v2 =	vadd.f32 v58, v2;
	v3 =	vadd.f32 v11, v3  }
0x2bf: {  	p2 =	por p1, p1;
	v63 =	vld [tilespmem:s26+$0xA4F0];
	v4 =	vadd.f32 v8, v4;
	v5 =	vadd.f32 v9, v5  }
.Ltmp4:
0x2c0: {  	v6 =	vadd.f32 v10, v6;
	v7 =	vadd.f32 v12, v7;
	(pc) =	sbr.rel @p2 .LBB2_12-.Ltmp4, $4  }
0x2c1: {  	v12 =	vadd.f32 v13, v0;
	v11 =	vadd.f32 v14, v1  }
0x2c2: {  	v10 =	vadd.f32 v15, v2;
	v9 =	vadd.f32 v59, v3  }
0x2c3: {  	v52 =	vadd.f32 v60, v4;
	v8 =	vadd.f32 v61, v5  }
0x2c4: {  	p1 =	por $0x0, $0x0;
	s26 =	simm.s32 $0x1400;
	v51 =	vadd.f32 v62, v6;
	v50 =	vadd.f32 v63, v7  }
0x2c5: {  	[tilespmem:$0x1FD20] =	vst v9  }
0x2c6: {  	[tilespmem:$0x1FD30] =	vst v52  }
0x2c7: {  	[tilespmem:$0x1FD40] =	vst v8;
	v13 =	vimm.f32 $0.0e+00  }
0x2c8: {  	v14 =	vimm.f32 $0.0e+00;
	v15 =	vimm.f32 $0.0e+00;
	v16 =	vimm.f32 $0.0e+00;
	[tilespmem:$0x1FD50] =	vst v51  }
0x2c9: {  	v17 =	vimm.f32 $0.0e+00;
	v18 =	vimm.f32 $0.0e+00;
	v19 =	vimm.f32 $0.0e+00;
	[tilespmem:$0x1FD60] =	vst v50  }
.LBB2_14:
0x2ca: {  	s25 =	sshra.s32 s25, $0x2  }
0x2cb: {  	v0 =	vld [tilespmem:s25+$0xAA00]  }
0x2cc: {  	v1 =	vld [tilespmem:s25+$0xAA10]  }
0x2cd: {  	v2 =	vld [tilespmem:s25+$0xAA20]  }
0x2ce: {  	v3 =	vld [tilespmem:s25+$0xAA30]  }
0x2cf: {  	v4 =	vld [tilespmem:s25+$0xAA40]  }
0x2d0: {  	v5 =	vld [tilespmem:s25+$0xAA50]  }
0x2d1: {  	v6 =	vld [tilespmem:s25+$0xAA60]  }
0x2d2: {  	v7 =	vld [tilespmem:s25+$0xAA70]  }
0x2d3: {  	v20 =	vld [tilespmem:s25+$0xAA80]  }
0x2d4: {  	v21 =	vld [tilespmem:s25+$0xAA90]  }
0x2d5: {  	v22 =	vld [tilespmem:s25+$0xAAA0]  }
0x2d6: {  	v23 =	vld [tilespmem:s25+$0xAAB0]  }
0x2d7: {  	v24 =	vld [tilespmem:s25+$0xAAC0]  }
0x2d8: {  	v25 =	vld [tilespmem:s25+$0xAAD0]  }
0x2d9: {  	v26 =	vld [tilespmem:s25+$0xAAE0]  }
0x2da: {  	v27 =	vld [tilespmem:s25+$0xAAF0]  }
0x2db: {  	v28 =	vld [tilespmem:s25+$0xAB00]  }
0x2dc: {  	v29 =	vld [tilespmem:s25+$0xAB10]  }
0x2dd: {  	v30 =	vld [tilespmem:s25+$0xAB20]  }
0x2de: {  	v31 =	vld [tilespmem:s25+$0xAB30]  }
0x2df: {  	v32 =	vld [tilespmem:s25+$0xAB40]  }
0x2e0: {  	v33 =	vld [tilespmem:s25+$0xAB50]  }
0x2e1: {  	v34 =	vld [tilespmem:s25+$0xAB60]  }
0x2e2: {  	v35 =	vld [tilespmem:s25+$0xAB70]  }
0x2e3: {  	v36 =	vld [tilespmem:s25+$0xAB80]  }
0x2e4: {  	v37 =	vld [tilespmem:s25+$0xAB90]  }
0x2e5: {  	v38 =	vld [tilespmem:s25+$0xABA0]  }
0x2e6: {  	v39 =	vld [tilespmem:s25+$0xABB0]  }
0x2e7: {  	v40 =	vld [tilespmem:s25+$0xABC0]  }
0x2e8: {  	v41 =	vld [tilespmem:s25+$0xABD0]  }
0x2e9: {  	v42 =	vld [tilespmem:s25+$0xABE0]  }
0x2ea: {  	v43 =	vld [tilespmem:s25+$0xABF0]  }
0x2eb: {  	v44 =	vld [tilespmem:s25+$0xAC00]  }
0x2ec: {  	v45 =	vld [tilespmem:s25+$0xAC10]  }
0x2ed: {  	v46 =	vld [tilespmem:s25+$0xAC20]  }
0x2ee: {  	v47 =	vld [tilespmem:s25+$0xAC30]  }
0x2ef: {  	v48 =	vld [tilespmem:s25+$0xAC40]  }
0x2f0: {  	v49 =	vld [tilespmem:s25+$0xAC50]  }
0x2f1: {  	v50 =	vld [tilespmem:s25+$0xAC60]  }
0x2f2: {  	v51 =	vld [tilespmem:s25+$0xAC70]  }
0x2f3: {  	v52 =	vld [tilespmem:s25+$0xAC80]  }
0x2f4: {  	v53 =	vld [tilespmem:s25+$0xAC90]  }
0x2f5: {  	v54 =	vld [tilespmem:s25+$0xACA0]  }
0x2f6: {  	v55 =	vld [tilespmem:s25+$0xACB0]  }
0x2f7: {  	v56 =	vld [tilespmem:s25+$0xACC0]  }
0x2f8: {  	v63 =	vld [tilespmem:s25+$0xAD80];
	v0 =	vadd.f32 v0, v19;
	v1 =	vadd.f32 v1, v18  }
0x2f9: {  	v58 =	vld [tilespmem:s25+$0xAE00];
	v2 =	vadd.f32 v2, v17;
	v3 =	vadd.f32 v3, v16  }
0x2fa: {  	v59 =	vld [tilespmem:s25+$0xAE10];
	v4 =	vadd.f32 v4, v15;
	v5 =	vadd.f32 v5, v14  }
0x2fb: {  	v60 =	vld [tilespmem:s25+$0xAE20];
	v6 =	vadd.f32 v6, v13;
	v7 =	vadd.f32 v7, v57  }
0x2fc: {  	v61 =	vld [tilespmem:s25+$0xAED0];
	v0 =	vadd.f32 v20, v0;
	v1 =	vadd.f32 v21, v1  }
0x2fd: {  	v62 =	vld [tilespmem:s25+$0xAEE0];
	v2 =	vadd.f32 v22, v2;
	v3 =	vadd.f32 v23, v3  }
0x2fe: {  	v18 =	vld [tilespmem:s25+$0xACD0];
	v4 =	vadd.f32 v24, v4;
	v5 =	vadd.f32 v25, v5  }
0x2ff: {  	v16 =	vld [tilespmem:s25+$0xACE0];
	v6 =	vadd.f32 v26, v6;
	v7 =	vadd.f32 v27, v7  }
0x300: {  	v14 =	vld [tilespmem:s25+$0xACF0];
	v0 =	vadd.f32 v28, v0;
	v1 =	vadd.f32 v29, v1  }
0x301: {  	v13 =	vld [tilespmem:s25+$0xAD00];
	v2 =	vadd.f32 v30, v2;
	v3 =	vadd.f32 v31, v3  }
0x302: {  	v15 =	vld [tilespmem:s25+$0xAD10];
	v4 =	vadd.f32 v32, v4;
	v5 =	vadd.f32 v33, v5  }
0x303: {  	v17 =	vld [tilespmem:s25+$0xAD20];
	v6 =	vadd.f32 v34, v6;
	v7 =	vadd.f32 v35, v7  }
0x304: {  	v19 =	vld [tilespmem:s25+$0xAD30];
	v0 =	vadd.f32 v36, v0;
	v1 =	vadd.f32 v37, v1  }
0x305: {  	v57 =	vld [tilespmem:s25+$0xADF0];
	v2 =	vadd.f32 v38, v2;
	v3 =	vadd.f32 v39, v3  }
0x306: {  	v20 =	vld [tilespmem:s25+$0xAD40];
	v4 =	vadd.f32 v40, v4;
	v5 =	vadd.f32 v41, v5  }
0x307: {  	v21 =	vld [tilespmem:s25+$0xAD50];
	v6 =	vadd.f32 v42, v6;
	v7 =	vadd.f32 v43, v7  }
0x308: {  	v22 =	vld [tilespmem:s25+$0xAD60];
	v0 =	vadd.f32 v44, v0;
	v1 =	vadd.f32 v45, v1  }
0x309: {  	v23 =	vld [tilespmem:s25+$0xAD70];
	v2 =	vadd.f32 v46, v2;
	v3 =	vadd.f32 v47, v3  }
0x30a: {  	v37 =	vld [tilespmem:s25+$0xAD90];
	v4 =	vadd.f32 v48, v4;
	v5 =	vadd.f32 v49, v5  }
0x30b: {  	v39 =	vld [tilespmem:s25+$0xADA0];
	v6 =	vadd.f32 v50, v6;
	v7 =	vadd.f32 v51, v7  }
0x30c: {  	v41 =	vld [tilespmem:s25+$0xADB0];
	v0 =	vadd.f32 v52, v0;
	v1 =	vadd.f32 v53, v1  }
0x30d: {  	v43 =	vld [tilespmem:s25+$0xADC0];
	v2 =	vadd.f32 v54, v2;
	v3 =	vadd.f32 v55, v3  }
0x30e: {  	v45 =	vld [tilespmem:s25+$0xADD0];
	v4 =	vadd.f32 v56, v4;
	v5 =	vadd.f32 v18, v5  }
0x30f: {  	v47 =	vld [tilespmem:s25+$0xADE0];
	v6 =	vadd.f32 v16, v6;
	v7 =	vadd.f32 v14, v7  }
0x310: {  	v18 =	vld [tilespmem:s25+$0xAE30];
	v0 =	vadd.f32 v13, v0;
	v1 =	vadd.f32 v15, v1  }
0x311: {  	v14 =	vld [tilespmem:s25+$0xAE40];
	v2 =	vadd.f32 v17, v2;
	v3 =	vadd.f32 v19, v3  }
0x312: {  	v16 =	vld [tilespmem:s25+$0xAE70];
	v4 =	vadd.f32 v20, v4;
	v5 =	vadd.f32 v21, v5  }
0x313: {  	v13 =	vld [tilespmem:s25+$0xAE50];
	v6 =	vadd.f32 v22, v6;
	v7 =	vadd.f32 v23, v7  }
0x314: {  	v15 =	vld [tilespmem:s25+$0xAE60];
	v0 =	vadd.f32 v63, v0;
	v1 =	vadd.f32 v37, v1  }
0x315: {  	v17 =	vld [tilespmem:s25+$0xAE80];
	v2 =	vadd.f32 v39, v2;
	v3 =	vadd.f32 v41, v3  }
0x316: {  	v20 =	vld [tilespmem:s25+$0xAE90];
	v4 =	vadd.f32 v43, v4;
	v5 =	vadd.f32 v45, v5  }
0x317: {  	v21 =	vld [tilespmem:s25+$0xAEA0];
	v6 =	vadd.f32 v47, v6;
	v7 =	vadd.f32 v57, v7  }
0x318: {  	v22 =	vld [tilespmem:s25+$0xAEB0];
	v0 =	vadd.f32 v58, v0;
	v1 =	vadd.f32 v59, v1  }
0x319: {  	v23 =	vld [tilespmem:s25+$0xAEC0];
	v2 =	vadd.f32 v60, v2;
	v3 =	vadd.f32 v18, v3  }
0x31a: {  	p1 =	por p0, p0;
	v63 =	vld [tilespmem:s25+$0xAEF0];
	v4 =	vadd.f32 v14, v4;
	v7 =	vadd.f32 v16, v7  }
.Ltmp5:
0x31b: {  	v5 =	vadd.f32 v13, v5;
	v6 =	vadd.f32 v15, v6;
	(pc) =	sbr.rel @p1 .LBB2_14-.Ltmp5, $4  }
0x31c: {  	v19 =	vadd.f32 v17, v0;
	v18 =	vadd.f32 v20, v1  }
0x31d: {  	v17 =	vadd.f32 v21, v2;
	v16 =	vadd.f32 v22, v3  }
0x31e: {  	v15 =	vadd.f32 v23, v4;
	v14 =	vadd.f32 v61, v5  }
0x31f: {  	s26 =	simm.s32 $0x0;
	p0 =	por $0x0, $0x0;
	s25 =	simm.s32 $0x1400;
	v20 =	vimm.f32 $0.0e+00;
	v13 =	vadd.f32 v62, v6;
	v57 =	vadd.f32 v63, v7  }
0x320: {  	s25 =	sshra.s32 s26, $0x2  }
0x321: {  	v22 =	vld [tilespmem:s25+$0xB880]  }
0x322: {  	v24 =	vld [tilespmem:s25+$0xB890]  }
0x323: {  	v40 =	vld [tilespmem:s25+$0xB8A0]  }
0x324: {  	v45 =	vld [tilespmem:s25+$0xB8B0]  }
0x325: {  	v25 =	vld [tilespmem:s25+$0xB8C0]  }
0x326: {  	v26 =	vld [tilespmem:s25+$0xB8D0]  }
0x327: {  	v28 =	vld [tilespmem:s25+$0xB800]  }
0x328: {  	v52 =	vld [tilespmem:s25+$0xB810]  }
0x329: {  	v27 =	vld [tilespmem:s25+$0xB820]  }
0x32a: {  	v38 =	vld [tilespmem:s25+$0xB830]  }
0x32b: {  	v31 =	vld [tilespmem:s25+$0xB840]  }
0x32c: {  	v32 =	vld [tilespmem:s25+$0xB850]  }
0x32d: {  	v2 =	vld [tilespmem:s25+$0xB780]  }
0x32e: {  	v3 =	vld [tilespmem:s25+$0xB790]  }
0x32f: {  	v6 =	vld [tilespmem:s25+$0xB7A0]  }
0x330: {  	v7 =	vld [tilespmem:s25+$0xB7B0]  }
0x331: {  	v35 =	vld [tilespmem:s25+$0xB7C0]  }
0x332: {  	v36 =	vld [tilespmem:s25+$0xB7D0]  }
0x333: {  	v0 =	vld [tilespmem:s25+$0xB700]  }
0x334: {  	v1 =	vld [tilespmem:s25+$0xB710]  }
0x335: {  	v4 =	vld [tilespmem:s25+$0xB720]  }
0x336: {  	v5 =	vld [tilespmem:s25+$0xB730]  }
0x337: {  	v37 =	vld [tilespmem:s25+$0xB740]  }
0x338: {  	v39 =	vld [tilespmem:s25+$0xB750]  }
0x339: {  	v21 =	vld [tilespmem:s25+$0xB680]  }
0x33a: {  	v23 =	vld [tilespmem:s25+$0xB690]  }
0x33b: {  	v29 =	vld [tilespmem:s25+$0xB6A0]  }
0x33c: {  	v30 =	vld [tilespmem:s25+$0xB6B0]  }
0x33d: {  	v46 =	vld [tilespmem:s25+$0xB6C0]  }
0x33e: {  	v33 =	vld [tilespmem:s25+$0xB600]  }
0x33f: {  	v34 =	vld [tilespmem:s25+$0xB610]  }
0x340: {  	v41 =	vld [tilespmem:s25+$0xB580]  }
0x341: {  	v42 =	vld [tilespmem:s25+$0xB590]  }
0x342: {  	v43 =	vld [tilespmem:s25+$0xB500]  }
0x343: {  	v44 =	vld [tilespmem:s25+$0xB510]  }
0x344: {  	v47 =	vld [tilespmem:s25+$0xB480]  }
0x345: {  	v48 =	vld [tilespmem:s25+$0xB490]  }
0x346: {  	v49 =	vld [tilespmem:s25+$0xB400]  }
0x347: {  	v50 =	vld [tilespmem:s25+$0xB410]  }
0x348: {  	v51 =	vld [tilespmem:s25+$0xB420]  }
0x349: {  	v53 =	vld [tilespmem:s25+$0xB430]  }
0x34a: {  	v54 =	vld [tilespmem:s25+$0xB4A0]  }
0x34b: {  	v55 =	vld [tilespmem:s25+$0xB4B0]  }
0x34c: {  	v56 =	vld [tilespmem:s25+$0xB520]  }
0x34d: {  	v63 =	vld [tilespmem:s25+$0xB530]  }
0x34e: {  	v59 =	vld [tilespmem:s25+$0xB5A0];
	v49 =	vadd.f32 v49, v20;
	v50 =	vadd.f32 v50, v20  }
0x34f: {  	v60 =	vld [tilespmem:s25+$0xB5B0];
	v51 =	vadd.f32 v51, v20;
	v53 =	vadd.f32 v53, v20  }
0x350: {  	[tilespmem:$0x1FD10] =	vst v57;
	v57 =	vld [tilespmem:s25+$0xB640];
	v47 =	vadd.f32 v47, v49;
	v48 =	vadd.f32 v48, v50  }
0x351: {  	v61 =	vadd.f32 v54, v51;
	v53 =	vadd.f32 v55, v53;
	v54 =	vld [tilespmem:s25+$0xB620]  }
0x352: {  	v43 =	vadd.f32 v43, v47;
	v44 =	vadd.f32 v44, v48;
	v47 =	vld [tilespmem:s25+$0xB630]  }
0x353: {  	v58 =	vld [tilespmem:s25+$0xB650];
	v62 =	vadd.f32 v56, v61;
	v63 =	vadd.f32 v63, v53  }
0x354: {  	v51 =	vld [tilespmem:s25+$0xB6D0];
	v41 =	vadd.f32 v41, v43;
	v42 =	vadd.f32 v42, v44  }
0x355: {  	v61 =	vld [tilespmem:s25+$0xB540];
	v48 =	vadd.f32 v59, v62;
	v53 =	vadd.f32 v60, v63  }
0x356: {  	v59 =	vld [tilespmem:s25+$0xB5C0];
	v33 =	vadd.f32 v33, v41;
	v34 =	vadd.f32 v34, v42  }
0x357: {  	v60 =	vld [tilespmem:s25+$0xB5D0];
	v55 =	vadd.f32 v54, v48;
	v56 =	vadd.f32 v47, v53  }
0x358: {  	v62 =	vld [tilespmem:s25+$0xB550];
	v21 =	vadd.f32 v21, v33;
	v23 =	vadd.f32 v23, v34  }
0x359: {  	v63 =	vld [tilespmem:s25+$0xB4C0];
	v29 =	vadd.f32 v29, v55;
	v30 =	vadd.f32 v30, v56  }
0x35a: {  	v54 =	vimm.f32 $0.0e+00;
	v21 =	vadd.f32 v0, v21;
	v23 =	vadd.f32 v1, v23;
	v0 =	vld [tilespmem:s25+$0xB4D0]  }
0x35b: {  	v53 =	vimm.f32 $0.0e+00;
	v29 =	vadd.f32 v4, v29;
	v1 =	vld [tilespmem:s25+$0xB440];
	v30 =	vadd.f32 v5, v30  }
0x35c: {  	v55 =	vimm.f32 $0.0e+00;
	v4 =	vadd.f32 v2, v21;
	v5 =	vadd.f32 v3, v23;
	v2 =	vld [tilespmem:s25+$0xB450]  }
0x35d: {  	s26 =	sadd.s32 $0x1400, s26;
	v56 =	vimm.f32 $0.0e+00;
	v6 =	vadd.f32 v6, v29;
	v3 =	vld [tilespmem:s25+$0xB460];
	v7 =	vadd.f32 v7, v30  }
.LBB2_16:
0x35e: {  	p0 =	sne.s32 s26, $0x5000;
	v33 =	vld [tilespmem:s25+$0xB470];
	v4 =	vadd.f32 v28, v4;
	v5 =	vadd.f32 v52, v5  }
0x35f: {  	v28 =	vld [tilespmem:s25+$0xB4E0];
	v6 =	vadd.f32 v27, v6;
	v7 =	vadd.f32 v38, v7  }
0x360: {  	v27 =	vld [tilespmem:s25+$0xB4F0];
	v21 =	vadd.f32 v22, v4;
	v23 =	vadd.f32 v24, v5  }
0x361: {  	v4 =	vld [tilespmem:s25+$0xB560];
	v29 =	vadd.f32 v40, v6;
	v30 =	vadd.f32 v45, v7  }
0x362: {  	v1 =	vadd.f32 v1, v53;
	v2 =	vadd.f32 v2, v56;
	v5 =	vld [tilespmem:s25+$0xB570]  }
0x363: {  	v3 =	vadd.f32 v3, v54;
	v6 =	vadd.f32 v33, v55;
	v7 =	vld [tilespmem:s25+$0xB5E0]  }
0x364: {  	v1 =	vadd.f32 v63, v1;
	v0 =	vadd.f32 v0, v2;
	v2 =	vld [tilespmem:s25+$0xB5F0]  }
0x365: {  	v3 =	vadd.f32 v28, v3;
	v6 =	vadd.f32 v27, v6;
	v22 =	vld [tilespmem:s25+$0xB660]  }
0x366: {  	v1 =	vadd.f32 v61, v1;
	v0 =	vadd.f32 v62, v0;
	v24 =	vld [tilespmem:s25+$0xB670]  }
0x367: {  	v3 =	vadd.f32 v4, v3;
	v4 =	vadd.f32 v5, v6;
	v5 =	vld [tilespmem:s25+$0xB6E0]  }
0x368: {  	v1 =	vadd.f32 v59, v1;
	v0 =	vadd.f32 v60, v0;
	v6 =	vld [tilespmem:s25+$0xB6F0]  }
0x369: {  	v3 =	vadd.f32 v7, v3;
	v2 =	vadd.f32 v2, v4;
	v4 =	vld [tilespmem:s25+$0xB760]  }
0x36a: {  	v1 =	vadd.f32 v57, v1;
	v0 =	vadd.f32 v58, v0;
	v7 =	vld [tilespmem:s25+$0xB770]  }
0x36b: {  	v3 =	vadd.f32 v22, v3;
	v2 =	vadd.f32 v24, v2;
	v24 =	vld [tilespmem:s25+$0xB7E0]  }
0x36c: {  	v1 =	vadd.f32 v46, v1;
	v0 =	vadd.f32 v51, v0;
	v27 =	vld [tilespmem:s25+$0xB7F0]  }
0x36d: {  	v3 =	vadd.f32 v5, v3;
	v2 =	vadd.f32 v6, v2;
	v5 =	vld [tilespmem:s25+$0xB860]  }
0x36e: {  	v1 =	vadd.f32 v37, v1;
	v0 =	vadd.f32 v39, v0;
	v6 =	vld [tilespmem:s25+$0xB870]  }
0x36f: {  	v3 =	vadd.f32 v4, v3;
	v2 =	vadd.f32 v7, v2;
	v4 =	vld [tilespmem:s25+$0xB8E0]  }
0x370: {  	v1 =	vadd.f32 v35, v1;
	v0 =	vadd.f32 v36, v0;
	v7 =	vld [tilespmem:s25+$0xB8F0];
	s25 =	sshra.s32 s26, $0x2  }
0x371: {  	v3 =	vadd.f32 v24, v3;
	v22 =	vld [tilespmem:s25+$0xB880];
	v2 =	vadd.f32 v27, v2  }
0x372: {  	v1 =	vadd.f32 v31, v1;
	v0 =	vadd.f32 v32, v0;
	v24 =	vld [tilespmem:s25+$0xB890]  }
0x373: {  	v3 =	vadd.f32 v5, v3;
	v40 =	vld [tilespmem:s25+$0xB8A0];
	v2 =	vadd.f32 v6, v2  }
0x374: {  	v53 =	vadd.f32 v25, v1;
	v56 =	vadd.f32 v26, v0;
	v45 =	vld [tilespmem:s25+$0xB8B0]  }
0x375: {  	v54 =	vadd.f32 v4, v3;
	v25 =	vld [tilespmem:s25+$0xB8C0];
	v55 =	vadd.f32 v7, v2  }
0x376: {  	v26 =	vld [tilespmem:s25+$0xB8D0]  }
0x377: {  	v28 =	vld [tilespmem:s25+$0xB800]  }
0x378: {  	v52 =	vld [tilespmem:s25+$0xB810]  }
0x379: {  	v27 =	vld [tilespmem:s25+$0xB820]  }
0x37a: {  	v38 =	vld [tilespmem:s25+$0xB830]  }
0x37b: {  	v31 =	vld [tilespmem:s25+$0xB840]  }
0x37c: {  	v32 =	vld [tilespmem:s25+$0xB850]  }
0x37d: {  	v3 =	vld [tilespmem:s25+$0xB780]  }
0x37e: {  	v5 =	vld [tilespmem:s25+$0xB790]  }
0x37f: {  	v6 =	vld [tilespmem:s25+$0xB7A0]  }
0x380: {  	v7 =	vld [tilespmem:s25+$0xB7B0]  }
0x381: {  	v35 =	vld [tilespmem:s25+$0xB7C0]  }
0x382: {  	v36 =	vld [tilespmem:s25+$0xB7D0]  }
0x383: {  	v1 =	vld [tilespmem:s25+$0xB700]  }
0x384: {  	v2 =	vld [tilespmem:s25+$0xB710]  }
0x385: {  	v4 =	vld [tilespmem:s25+$0xB720]  }
0x386: {  	v33 =	vld [tilespmem:s25+$0xB730]  }
0x387: {  	v37 =	vld [tilespmem:s25+$0xB740]  }
0x388: {  	v39 =	vld [tilespmem:s25+$0xB750]  }
0x389: {  	v0 =	vld [tilespmem:s25+$0xB680]  }
0x38a: {  	v34 =	vld [tilespmem:s25+$0xB690]  }
0x38b: {  	v41 =	vld [tilespmem:s25+$0xB6A0]  }
0x38c: {  	v42 =	vld [tilespmem:s25+$0xB6B0]  }
0x38d: {  	v46 =	vld [tilespmem:s25+$0xB6C0]  }
0x38e: {  	v51 =	vld [tilespmem:s25+$0xB6D0]  }
0x38f: {  	v43 =	vld [tilespmem:s25+$0xB600]  }
0x390: {  	v44 =	vld [tilespmem:s25+$0xB610]  }
0x391: {  	v47 =	vld [tilespmem:s25+$0xB580]  }
0x392: {  	v48 =	vld [tilespmem:s25+$0xB590]  }
0x393: {  	v49 =	vld [tilespmem:s25+$0xB500]  }
0x394: {  	v50 =	vld [tilespmem:s25+$0xB510]  }
0x395: {  	v57 =	vld [tilespmem:s25+$0xB480]  }
0x396: {  	v58 =	vld [tilespmem:s25+$0xB490]  }
0x397: {  	v59 =	vld [tilespmem:s25+$0xB400]  }
0x398: {  	v60 =	vld [tilespmem:s25+$0xB410]  }
0x399: {  	v61 =	vld [tilespmem:s25+$0xB420]  }
0x39a: {  	v62 =	vld [tilespmem:s25+$0xB430]  }
0x39b: {  	v63 =	vld [tilespmem:s25+$0xB4A0]  }
0x39c: {  	v8 =	vld [tilespmem:s25+$0xB4B0]  }
0x39d: {  	v9 =	vld [tilespmem:s25+$0xB520]  }
0x39e: {  	v21 =	vadd.f32 v59, v21;
	v23 =	vadd.f32 v60, v23;
	v59 =	vld [tilespmem:s25+$0xB530]  }
0x39f: {  	v29 =	vadd.f32 v61, v29;
	v30 =	vadd.f32 v62, v30;
	v60 =	vld [tilespmem:s25+$0xB5A0]  }
0x3a0: {  	v21 =	vadd.f32 v57, v21;
	v23 =	vadd.f32 v58, v23;
	v61 =	vld [tilespmem:s25+$0xB5B0]  }
0x3a1: {  	v29 =	vadd.f32 v63, v29;
	v8 =	vadd.f32 v8, v30;
	v30 =	vld [tilespmem:s25+$0xB620]  }
0x3a2: {  	v21 =	vadd.f32 v49, v21;
	v23 =	vadd.f32 v50, v23;
	v49 =	vld [tilespmem:s25+$0xB630]  }
0x3a3: {  	v9 =	vadd.f32 v9, v29;
	v8 =	vadd.f32 v59, v8;
	v57 =	vld [tilespmem:s25+$0xB640]  }
0x3a4: {  	v21 =	vadd.f32 v47, v21;
	v23 =	vadd.f32 v48, v23;
	v58 =	vld [tilespmem:s25+$0xB650]  }
0x3a5: {  	v9 =	vadd.f32 v60, v9;
	v8 =	vadd.f32 v61, v8;
	v59 =	vld [tilespmem:s25+$0xB5C0]  }
0x3a6: {  	v21 =	vadd.f32 v43, v21;
	v23 =	vadd.f32 v44, v23;
	v60 =	vld [tilespmem:s25+$0xB5D0]  }
0x3a7: {  	v9 =	vadd.f32 v30, v9;
	v61 =	vld [tilespmem:s25+$0xB540];
	v8 =	vadd.f32 v49, v8  }
0x3a8: {  	v21 =	vadd.f32 v0, v21;
	v23 =	vadd.f32 v34, v23;
	v62 =	vld [tilespmem:s25+$0xB550]  }
.Ltmp6:
0x3a9: {  	v9 =	vadd.f32 v41, v9;
	v63 =	vld [tilespmem:s25+$0xB4C0];
	v8 =	vadd.f32 v42, v8;
	(pc) =	sbr.rel @p0 .LBB2_16-.Ltmp6, $4  }
0x3aa: {  	v21 =	vadd.f32 v1, v21;
	v23 =	vadd.f32 v2, v23;
	v0 =	vld [tilespmem:s25+$0xB4D0]  }
0x3ab: {  	v9 =	vadd.f32 v4, v9;
	v1 =	vld [tilespmem:s25+$0xB440];
	v8 =	vadd.f32 v33, v8  }
0x3ac: {  	v4 =	vadd.f32 v3, v21;
	v5 =	vadd.f32 v5, v23;
	v2 =	vld [tilespmem:s25+$0xB450]  }
0x3ad: {  	s26 =	sadd.s32 $0x1400, s26;
	v6 =	vadd.f32 v6, v9;
	v3 =	vld [tilespmem:s25+$0xB460];
	v7 =	vadd.f32 v7, v8  }
0x3ae: {  	v9 =	vld [tilespmem:s25+$0xB4E0];
	_ =	sdelay $0x4  }
0x3af: {  	[tilespmem:$0x1FB60] =	vst v9;
	v9 =	vld [tilespmem:s25+$0xB4F0];
	_ =	sdelay $0x4  }
0x3b0: {  	[tilespmem:$0x1FB70] =	vst v9;
	v9 =	vld [tilespmem:s25+$0xB560];
	_ =	sdelay $0x4  }
0x3b1: {  	v4 =	vadd.f32 v28, v4;
	[tilespmem:$0x1FB80] =	vst v9;
	v9 =	vld [tilespmem:s25+$0xB570];
	_ =	sdelay $0x1  }
0x3b2: {  	v5 =	vadd.f32 v52, v5;
	v4 =	vadd.f32 v22, v4;
	_ =	sdelay $0x1  }
0x3b3: {  	v6 =	vadd.f32 v27, v6;
	[tilespmem:$0x1FB20] =	vst v4;
	v4 =	vadd.f32 v24, v5  }
0x3b4: {  	[tilespmem:$0x1FB90] =	vst v9;
	v9 =	vld [tilespmem:s25+$0xB5E0]  }
0x3b5: {  	v7 =	vadd.f32 v38, v7;
	[tilespmem:$0x1FB30] =	vst v4;
	v4 =	vadd.f32 v40, v6  }
0x3b6: {  	v8 =	vld [tilespmem:s25+$0xB470]  }
0x3b7: {  	[tilespmem:$0x1FB40] =	vst v4;
	v4 =	vadd.f32 v45, v7;
	v7 =	vld [tilespmem:$0x1FB60];
	_ =	sdelay $0x1  }
0x3b8: {  	[tilespmem:$0x1FBA0] =	vst v9;
	v9 =	vld [tilespmem:s25+$0xB5F0]  }
0x3b9: {  	v3 =	vadd.f32 v3, v54  }
0x3ba: {  	v5 =	vadd.f32 v8, v55;
	v8 =	vld [tilespmem:$0x1FB80]  }
0x3bb: {  	v3 =	vadd.f32 v7, v3;
	v7 =	vld [tilespmem:$0x1FB70]  }
0x3bc: {  	v22 =	vld [tilespmem:$0x1FBA0]  }
0x3bd: {  	[tilespmem:$0x1FBB0] =	vst v9;
	v9 =	vld [tilespmem:s25+$0xB660];
	_ =	sdelay $0x1  }
0x3be: {  	v3 =	vadd.f32 v8, v3;
	v8 =	vld [tilespmem:$0x1FB90];
	_ =	sdelay $0x1  }
0x3bf: {  	v3 =	vadd.f32 v22, v3;
	v22 =	vld [tilespmem:$0x1FBB0]  }
0x3c0: {  	v5 =	vadd.f32 v7, v5;
	[tilespmem:$0x1FBC0] =	vst v9;
	v9 =	vld [tilespmem:s25+$0xB670];
	_ =	sdelay $0x1  }
0x3c1: {  	v5 =	vadd.f32 v8, v5;
	_ =	sdelay $0x1  }
0x3c2: {  	v5 =	vadd.f32 v22, v5;
	v22 =	vld [tilespmem:$0x1FBC0]  }
0x3c3: {  	[tilespmem:$0x1FBD0] =	vst v9;
	v9 =	vld [tilespmem:s25+$0xB6E0];
	_ =	sdelay $0x3  }
0x3c4: {  	v3 =	vadd.f32 v22, v3;
	v22 =	vld [tilespmem:$0x1FBD0]  }
0x3c5: {  	[tilespmem:$0x1FBE0] =	vst v9;
	v9 =	vld [tilespmem:s25+$0xB6F0];
	_ =	sdelay $0x3  }
0x3c6: {  	v5 =	vadd.f32 v22, v5;
	v22 =	vld [tilespmem:$0x1FBE0]  }
0x3c7: {  	[tilespmem:$0x1FBF0] =	vst v9;
	v9 =	vld [tilespmem:s25+$0xB760];
	_ =	sdelay $0x3  }
0x3c8: {  	v3 =	vadd.f32 v22, v3;
	v22 =	vld [tilespmem:$0x1FBF0]  }
0x3c9: {  	[tilespmem:$0x1FC00] =	vst v9;
	v9 =	vld [tilespmem:s25+$0xB770];
	_ =	sdelay $0x3  }
0x3ca: {  	v5 =	vadd.f32 v22, v5;
	v22 =	vld [tilespmem:$0x1FC00]  }
0x3cb: {  	[tilespmem:$0x1FC10] =	vst v9;
	v9 =	vld [tilespmem:s25+$0xB7E0];
	_ =	sdelay $0x3  }
0x3cc: {  	v3 =	vadd.f32 v22, v3;
	v22 =	vld [tilespmem:$0x1FC10]  }
0x3cd: {  	[tilespmem:$0x1FC20] =	vst v9;
	v9 =	vld [tilespmem:s25+$0xB7F0];
	_ =	sdelay $0x3  }
0x3ce: {  	v5 =	vadd.f32 v22, v5;
	v22 =	vld [tilespmem:$0x1FC20]  }
0x3cf: {  	[tilespmem:$0x1FC30] =	vst v9;
	v9 =	vld [tilespmem:s25+$0xB860];
	_ =	sdelay $0x3  }
0x3d0: {  	v3 =	vadd.f32 v22, v3;
	v22 =	vld [tilespmem:$0x1FC30]  }
0x3d1: {  	[tilespmem:$0x1FC40] =	vst v9;
	v9 =	vld [tilespmem:s25+$0xB870];
	_ =	sdelay $0x3  }
0x3d2: {  	v5 =	vadd.f32 v22, v5;
	v22 =	vld [tilespmem:$0x1FC40]  }
0x3d3: {  	[tilespmem:$0x1FC50] =	vst v9;
	v9 =	vld [tilespmem:s25+$0xB8E0];
	_ =	sdelay $0x3  }
0x3d4: {  	v3 =	vadd.f32 v22, v3;
	v22 =	vld [tilespmem:$0x1FC50]  }
0x3d5: {  	[tilespmem:$0x1FC70] =	vst v9;
	v9 =	vld [tilespmem:s25+$0xB8F0];
	s25 =	simm.s32 $0x0  }
0x3d6: {  	v41 =	vld [tilespmem:s25+$0xD180]  }
0x3d7: {  	v42 =	vld [tilespmem:s25+$0xD190]  }
0x3d8: {  	v43 =	vld [tilespmem:s25+$0xD1A0]  }
0x3d9: {  	v44 =	vld [tilespmem:s25+$0xD1B0]  }
0x3da: {  	v21 =	vld [tilespmem:s25+$0xD1C0]  }
0x3db: {  	v23 =	vld [tilespmem:s25+$0xD1D0]  }
0x3dc: {  	v48 =	vld [tilespmem:s25+$0xD100]  }
0x3dd: {  	v50 =	vld [tilespmem:s25+$0xD110]  }
0x3de: {  	v47 =	vld [tilespmem:s25+$0xD120]  }
0x3df: {  	v49 =	vld [tilespmem:s25+$0xD130]  }
0x3e0: {  	v29 =	vld [tilespmem:s25+$0xD140]  }
0x3e1: {  	v30 =	vld [tilespmem:s25+$0xD150]  }
0x3e2: {  	v1 =	vadd.f32 v1, v53;
	v33 =	vld [tilespmem:s25+$0xD080]  }
0x3e3: {  	v34 =	vld [tilespmem:s25+$0xD0D0]  }
0x3e4: {  	v2 =	vadd.f32 v2, v56;
	v1 =	vadd.f32 v63, v1;
	v52 =	vld [tilespmem:s25+$0xD020]  }
0x3e5: {  	v27 =	vld [tilespmem:s25+$0xD030]  }
0x3e6: {  	v0 =	vadd.f32 v0, v2;
	v1 =	vadd.f32 v61, v1;
	v38 =	vld [tilespmem:s25+$0xD040]  }
0x3e7: {  	v40 =	vld [tilespmem:s25+$0xD050]  }
0x3e8: {  	v0 =	vadd.f32 v62, v0;
	v1 =	vadd.f32 v59, v1;
	[tilespmem:$0x1FB50] =	vst v4;
	v4 =	vld [tilespmem:s25+$0xCF80]  }
0x3e9: {  	v6 =	vld [tilespmem:s25+$0xCF90]  }
0x3ea: {  	v0 =	vadd.f32 v60, v0;
	v1 =	vadd.f32 v57, v1;
	v2 =	vld [tilespmem:s25+$0xCFA0]  }
0x3eb: {  	v7 =	vld [tilespmem:s25+$0xCFB0]  }
0x3ec: {  	v0 =	vadd.f32 v58, v0;
	v1 =	vadd.f32 v46, v1;
	v45 =	vld [tilespmem:s25+$0xCFC0]  }
0x3ed: {  	v8 =	vld [tilespmem:s25+$0xCF00]  }
0x3ee: {  	v0 =	vadd.f32 v51, v0;
	v1 =	vadd.f32 v37, v1;
	v53 =	vld [tilespmem:s25+$0xCE80]  }
0x3ef: {  	v55 =	vld [tilespmem:s25+$0xCE90]  }
0x3f0: {  	v0 =	vadd.f32 v39, v0;
	v1 =	vadd.f32 v35, v1;
	v54 =	vld [tilespmem:s25+$0xCE00]  }
0x3f1: {  	v46 =	vld [tilespmem:s25+$0xCE10]  }
0x3f2: {  	v0 =	vadd.f32 v36, v0;
	v1 =	vadd.f32 v31, v1;
	v51 =	vld [tilespmem:s25+$0xCD80]  }
0x3f3: {  	v37 =	vld [tilespmem:s25+$0xCD90]  }
0x3f4: {  	v0 =	vadd.f32 v32, v0;
	v32 =	vadd.f32 v25, v1;
	v1 =	vld [tilespmem:$0x1FC70]  }
0x3f5: {  	v24 =	vld [tilespmem:s25+$0xCD00]  }
0x3f6: {  	v60 =	vld [tilespmem:s25+$0xCD10]  }
0x3f7: {  	v61 =	vld [tilespmem:s25+$0xCD20]  }
0x3f8: {  	v62 =	vld [tilespmem:s25+$0xCD30]  }
0x3f9: {  	v63 =	vld [tilespmem:s25+$0xCDA0];
	v1 =	vadd.f32 v1, v3  }
0x3fa: {  	v0 =	vadd.f32 v26, v0;
	[tilespmem:$0x1FC90] =	vst v9;
	v9 =	vld [tilespmem:s25+$0xD000]  }
0x3fb: {  	[tilespmem:$0x1FC80] =	vst v1;
	v1 =	vld [tilespmem:$0x1FC90]  }
0x3fc: {  	[tilespmem:$0x1FC60] =	vst v0;
	v0 =	vld [tilespmem:s25+$0xCDB0]  }
0x3fd: {  	v39 =	vld [tilespmem:s25+$0xCE30]  }
0x3fe: {  	v5 =	vadd.f32 v22, v5;
	v26 =	vld [tilespmem:s25+$0xCEA0]  }
0x3ff: {  	v35 =	vld [tilespmem:s25+$0xCFD0]  }
0x400: {  	[tilespmem:$0x1FCB0] =	vst v9;
	v9 =	vld [tilespmem:s25+$0xD010];
	v1 =	vadd.f32 v1, v5  }
0x401: {  	[tilespmem:$0x1FCD0] =	vst v33;
	v33 =	vld [tilespmem:s25+$0xD090]  }
0x402: {  	v3 =	vadd.f32 v24, v20;
	v5 =	vadd.f32 v60, v20;
	[tilespmem:$0x1FCA0] =	vst v1;
	v1 =	vld [tilespmem:s25+$0xCE20]  }
0x403: {  	v24 =	vadd.f32 v61, v20;
	v25 =	vadd.f32 v62, v20;
	v62 =	vld [tilespmem:s25+$0xCF20]  }
0x404: {  	v3 =	vadd.f32 v51, v3;
	v60 =	vld [tilespmem:s25+$0xCEB0];
	v5 =	vadd.f32 v37, v5  }
0x405: {  	v61 =	vadd.f32 v63, v24;
	v0 =	vadd.f32 v0, v25;
	[tilespmem:$0x1FCC0] =	vst v9;
	v9 =	vld [tilespmem:s25+$0xCF10]  }
0x406: {  	v63 =	vld [tilespmem:s25+$0xCF30];
	v3 =	vadd.f32 v54, v3;
	v5 =	vadd.f32 v46, v5  }
0x407: {  	v0 =	vadd.f32 v39, v0;
	[tilespmem:$0x1FCE0] =	vst v33;
	v33 =	vld [tilespmem:s25+$0xD0A0];
	v1 =	vadd.f32 v1, v61  }
0x408: {  	v56 =	vld [tilespmem:s25+$0xCEC0];
	v3 =	vadd.f32 v53, v3;
	v5 =	vadd.f32 v55, v5  }
0x409: {  	v57 =	vld [tilespmem:s25+$0xCED0];
	v0 =	vadd.f32 v60, v0;
	v1 =	vadd.f32 v26, v1  }
0x40a: {  	v58 =	vld [tilespmem:s25+$0xCE50];
	v3 =	vadd.f32 v8, v3;
	v5 =	vadd.f32 v9, v5  }
0x40b: {  	v54 =	vld [tilespmem:s25+$0xCF40];
	v8 =	vadd.f32 v63, v0;
	v1 =	vadd.f32 v62, v1  }
0x40c: {  	[tilespmem:$0x1FCF0] =	vst v33;
	v33 =	vld [tilespmem:s25+$0xD0B0];
	v3 =	vadd.f32 v4, v3;
	v4 =	vadd.f32 v6, v5  }
0x40d: {  	v6 =	vadd.f32 v7, v8;
	v5 =	vadd.f32 v2, v1;
	v2 =	vld [tilespmem:$0x1FCB0]  }
0x40e: {  	v9 =	vld [tilespmem:$0x1FCF0]  }
0x40f: {  	v8 =	vadd.f32 v27, v6;
	v6 =	vld [tilespmem:$0x1FCD0]  }
0x410: {  	v55 =	vld [tilespmem:s25+$0xCF50]  }
0x411: {  	v0 =	vld [tilespmem:s25+$0xCE40];
	v5 =	vadd.f32 v52, v5  }
0x412: {  	[tilespmem:$0x1FD00] =	vst v33;
	v7 =	vadd.f32 v2, v3;
	v2 =	vld [tilespmem:$0x1FCC0]  }
0x413: {  	v46 =	vadd.f32 v9, v5;
	v5 =	vld [tilespmem:$0x1FD00]  }
0x414: {  	v6 =	vadd.f32 v6, v7;
	v7 =	vld [tilespmem:$0x1FCE0]  }
0x415: {  	v33 =	vld [tilespmem:s25+$0xD0C0]  }
0x416: {  	v1 =	vld [tilespmem:s25+$0xCDC0]  }
0x417: {  	v3 =	vld [tilespmem:s25+$0xCD40];
	v4 =	vadd.f32 v2, v4  }
0x418: {  	v51 =	vadd.f32 v5, v8;
	v5 =	vld [tilespmem:s25+$0xCD60]  }
0x419: {  	v2 =	vld [tilespmem:s25+$0xCDD0];
	v7 =	vadd.f32 v7, v4  }
0x41a: {  	s26 =	simm.s32 $0x1400;
	v36 =	vimm.f32 $0.0e+00;
	v39 =	vimm.f32 $0.0e+00;
	v37 =	vimm.f32 $0.0e+00;
	v4 =	vld [tilespmem:s25+$0xCD50]  }
.LBB2_18:
0x41b: {  	p0 =	sne.s32 s26, $0xB400;
	v8 =	vld [tilespmem:s25+$0xCD70];
	v6 =	vadd.f32 v48, v6;
	v7 =	vadd.f32 v50, v7  }
0x41c: {  	v9 =	vld [tilespmem:s25+$0xCDE0];
	v27 =	vadd.f32 v47, v46;
	v47 =	vadd.f32 v49, v51  }
0x41d: {  	v48 =	vld [tilespmem:s25+$0xCDF0];
	v46 =	vadd.f32 v41, v6;
	v51 =	vadd.f32 v42, v7  }
0x41e: {  	v6 =	vld [tilespmem:s25+$0xCE60];
	v52 =	vadd.f32 v43, v27;
	v53 =	vadd.f32 v44, v47  }
0x41f: {  	v3 =	vadd.f32 v3, v20;
	v4 =	vadd.f32 v4, v39;
	v7 =	vld [tilespmem:s25+$0xCE70]  }
0x420: {  	v5 =	vadd.f32 v5, v36;
	v8 =	vadd.f32 v8, v37;
	v20 =	vld [tilespmem:s25+$0xCEE0]  }
0x421: {  	v1 =	vadd.f32 v1, v3;
	v2 =	vadd.f32 v2, v4;
	v3 =	vld [tilespmem:s25+$0xCEF0]  }
0x422: {  	v4 =	vadd.f32 v9, v5;
	v5 =	vadd.f32 v48, v8;
	v8 =	vld [tilespmem:s25+$0xCF60]  }
0x423: {  	v0 =	vadd.f32 v0, v1;
	v1 =	vadd.f32 v58, v2;
	v2 =	vld [tilespmem:s25+$0xCF70]  }
0x424: {  	v4 =	vadd.f32 v6, v4;
	v5 =	vadd.f32 v7, v5;
	v6 =	vld [tilespmem:s25+$0xCFE0]  }
0x425: {  	v0 =	vadd.f32 v56, v0;
	v1 =	vadd.f32 v57, v1;
	v7 =	vld [tilespmem:s25+$0xCFF0]  }
0x426: {  	v4 =	vadd.f32 v20, v4;
	v3 =	vadd.f32 v3, v5;
	v5 =	vld [tilespmem:s25+$0xD060]  }
0x427: {  	v0 =	vadd.f32 v54, v0;
	v1 =	vadd.f32 v55, v1;
	v9 =	vld [tilespmem:s25+$0xD070]  }
0x428: {  	v4 =	vadd.f32 v8, v4;
	v2 =	vadd.f32 v2, v3;
	v3 =	vld [tilespmem:s25+$0xD0E0]  }
0x429: {  	v0 =	vadd.f32 v45, v0;
	v1 =	vadd.f32 v35, v1;
	v8 =	vld [tilespmem:s25+$0xD0F0]  }
0x42a: {  	v4 =	vadd.f32 v6, v4;
	v2 =	vadd.f32 v7, v2;
	v6 =	vld [tilespmem:s25+$0xD160]  }
0x42b: {  	v0 =	vadd.f32 v38, v0;
	v1 =	vadd.f32 v40, v1;
	v7 =	vld [tilespmem:s25+$0xD170]  }
0x42c: {  	v4 =	vadd.f32 v5, v4;
	v2 =	vadd.f32 v9, v2;
	v5 =	vld [tilespmem:s25+$0xD1E0]  }
0x42d: {  	v0 =	vadd.f32 v33, v0;
	v1 =	vadd.f32 v34, v1;
	v9 =	vld [tilespmem:s25+$0xD1F0];
	s25 =	sshra.s32 s26, $0x2  }
0x42e: {  	v3 =	vadd.f32 v3, v4;
	v41 =	vld [tilespmem:s25+$0xD180];
	v2 =	vadd.f32 v8, v2  }
0x42f: {  	v0 =	vadd.f32 v29, v0;
	v1 =	vadd.f32 v30, v1;
	v42 =	vld [tilespmem:s25+$0xD190]  }
0x430: {  	v3 =	vadd.f32 v6, v3;
	v43 =	vld [tilespmem:s25+$0xD1A0];
	v2 =	vadd.f32 v7, v2  }
0x431: {  	v20 =	vadd.f32 v21, v0;
	v39 =	vadd.f32 v23, v1;
	v44 =	vld [tilespmem:s25+$0xD1B0]  }
0x432: {  	v36 =	vadd.f32 v5, v3;
	v21 =	vld [tilespmem:s25+$0xD1C0];
	v37 =	vadd.f32 v9, v2  }
0x433: {  	v23 =	vld [tilespmem:s25+$0xD1D0]  }
0x434: {  	v48 =	vld [tilespmem:s25+$0xD100]  }
0x435: {  	v50 =	vld [tilespmem:s25+$0xD110]  }
0x436: {  	v47 =	vld [tilespmem:s25+$0xD120]  }
0x437: {  	v49 =	vld [tilespmem:s25+$0xD130]  }
0x438: {  	v29 =	vld [tilespmem:s25+$0xD140]  }
0x439: {  	v30 =	vld [tilespmem:s25+$0xD150]  }
0x43a: {  	v5 =	vld [tilespmem:s25+$0xD080]  }
0x43b: {  	v7 =	vld [tilespmem:s25+$0xD090]  }
0x43c: {  	v8 =	vld [tilespmem:s25+$0xD0A0]  }
0x43d: {  	v9 =	vld [tilespmem:s25+$0xD0B0]  }
0x43e: {  	v33 =	vld [tilespmem:s25+$0xD0C0]  }
0x43f: {  	v34 =	vld [tilespmem:s25+$0xD0D0]  }
0x440: {  	v3 =	vld [tilespmem:s25+$0xD000]  }
0x441: {  	v4 =	vld [tilespmem:s25+$0xD010]  }
0x442: {  	v6 =	vld [tilespmem:s25+$0xD020]  }
0x443: {  	v27 =	vld [tilespmem:s25+$0xD030]  }
0x444: {  	v38 =	vld [tilespmem:s25+$0xD040]  }
0x445: {  	v40 =	vld [tilespmem:s25+$0xD050]  }
0x446: {  	v1 =	vld [tilespmem:s25+$0xCF80]  }
0x447: {  	v2 =	vld [tilespmem:s25+$0xCF90]  }
0x448: {  	v59 =	vld [tilespmem:s25+$0xCFA0]  }
0x449: {  	v60 =	vld [tilespmem:s25+$0xCFB0]  }
0x44a: {  	v45 =	vld [tilespmem:s25+$0xCFC0]  }
0x44b: {  	v35 =	vld [tilespmem:s25+$0xCFD0]  }
0x44c: {  	v0 =	vld [tilespmem:s25+$0xCF00]  }
0x44d: {  	v58 =	vld [tilespmem:s25+$0xCF10]  }
0x44e: {  	v55 =	vld [tilespmem:s25+$0xCE80]  }
0x44f: {  	v56 =	vld [tilespmem:s25+$0xCE90]  }
0x450: {  	v54 =	vld [tilespmem:s25+$0xCE00]  }
0x451: {  	v57 =	vld [tilespmem:s25+$0xCE10]  }
0x452: {  	v61 =	vld [tilespmem:s25+$0xCD80]  }
0x453: {  	v62 =	vld [tilespmem:s25+$0xCD90]  }
0x454: {  	v63 =	vld [tilespmem:s25+$0xCD00]  }
0x455: {  	v24 =	vld [tilespmem:s25+$0xCD10]  }
0x456: {  	v22 =	vld [tilespmem:s25+$0xCD20]  }
0x457: {  	v28 =	vld [tilespmem:s25+$0xCD30]  }
0x458: {  	v25 =	vld [tilespmem:s25+$0xCDA0]  }
0x459: {  	v26 =	vld [tilespmem:s25+$0xCDB0]  }
0x45a: {  	v31 =	vld [tilespmem:s25+$0xCE20]  }
0x45b: {  	v46 =	vadd.f32 v63, v46;
	v24 =	vadd.f32 v24, v51;
	v51 =	vld [tilespmem:s25+$0xCE30]  }
0x45c: {  	v22 =	vadd.f32 v22, v52;
	v28 =	vadd.f32 v28, v53;
	v52 =	vld [tilespmem:s25+$0xCEA0]  }
0x45d: {  	v46 =	vadd.f32 v61, v46;
	v24 =	vadd.f32 v62, v24;
	v53 =	vld [tilespmem:s25+$0xCEB0]  }
0x45e: {  	v22 =	vadd.f32 v25, v22;
	v25 =	vadd.f32 v26, v28;
	v26 =	vld [tilespmem:s25+$0xCF20]  }
0x45f: {  	v28 =	vadd.f32 v54, v46;
	v24 =	vadd.f32 v57, v24;
	v46 =	vld [tilespmem:s25+$0xCF30]  }
0x460: {  	v22 =	vadd.f32 v31, v22;
	v25 =	vadd.f32 v51, v25;
	v54 =	vld [tilespmem:s25+$0xCF40]  }
0x461: {  	v28 =	vadd.f32 v55, v28;
	v24 =	vadd.f32 v56, v24;
	v55 =	vld [tilespmem:s25+$0xCF50]  }
0x462: {  	v22 =	vadd.f32 v52, v22;
	v25 =	vadd.f32 v53, v25;
	v56 =	vld [tilespmem:s25+$0xCEC0]  }
0x463: {  	v28 =	vadd.f32 v0, v28;
	v24 =	vadd.f32 v58, v24;
	v57 =	vld [tilespmem:s25+$0xCED0]  }
0x464: {  	v22 =	vadd.f32 v26, v22;
	v0 =	vld [tilespmem:s25+$0xCE40];
	v25 =	vadd.f32 v46, v25  }
0x465: {  	v26 =	vadd.f32 v1, v28;
	v24 =	vadd.f32 v2, v24;
	v58 =	vld [tilespmem:s25+$0xCE50]  }
.Ltmp7:
0x466: {  	v22 =	vadd.f32 v59, v22;
	v1 =	vld [tilespmem:s25+$0xCDC0];
	v25 =	vadd.f32 v60, v25;
	(pc) =	sbr.rel @p0 .LBB2_18-.Ltmp7, $4  }
0x467: {  	v26 =	vadd.f32 v3, v26;
	v24 =	vadd.f32 v4, v24;
	v2 =	vld [tilespmem:s25+$0xCDD0]  }
0x468: {  	v22 =	vadd.f32 v6, v22;
	v3 =	vld [tilespmem:s25+$0xCD40];
	v25 =	vadd.f32 v27, v25  }
0x469: {  	v6 =	vadd.f32 v5, v26;
	v7 =	vadd.f32 v7, v24;
	v4 =	vld [tilespmem:s25+$0xCD50]  }
0x46a: {  	s26 =	sadd.s32 $0x1400, s26;
	v46 =	vadd.f32 v8, v22;
	v5 =	vld [tilespmem:s25+$0xCD60];
	v51 =	vadd.f32 v9, v25  }
0x46b: {  	v8 =	vld [tilespmem:s25+$0xCD70]  }
0x46c: {  	v24 =	vld [tilespmem:s25+$0xCDE0]  }
0x46d: {  	v25 =	vld [tilespmem:s25+$0xCDF0]  }
0x46e: {  	v6 =	vadd.f32 v48, v6;
	v7 =	vadd.f32 v50, v7;
	v26 =	vld [tilespmem:s25+$0xCE60]  }
0x46f: {  	v48 =	vld [tilespmem:s25+$0xCE70];
	v9 =	vadd.f32 v47, v46;
	v3 =	vadd.f32 v3, v20  }
0x470: {  	v27 =	vld [tilespmem:s25+$0xCEE0];
	v22 =	vadd.f32 v49, v51;
	v4 =	vadd.f32 v4, v39  }
0x471: {  	v52 =	vld [tilespmem:s25+$0xCF60];
	v6 =	vadd.f32 v41, v6;
	v1 =	vadd.f32 v1, v3  }
0x472: {  	v59 =	vld [tilespmem:s25+$0xCFE0];
	v7 =	vadd.f32 v42, v7;
	v2 =	vadd.f32 v2, v4  }
0x473: {  	v60 =	vld [tilespmem:s25+$0xCFF0];
	v9 =	vadd.f32 v43, v9;
	v0 =	vadd.f32 v0, v1  }
0x474: {  	v61 =	vld [tilespmem:s25+$0xD060];
	v5 =	vadd.f32 v5, v36;
	v53 =	vadd.f32 v58, v2  }
0x475: {  	v62 =	vld [tilespmem:s25+$0xD070];
	v8 =	vadd.f32 v8, v37;
	v0 =	vadd.f32 v56, v0  }
0x476: {  	v49 =	vld [tilespmem:s25+$0xCEF0];
	v50 =	vadd.f32 v24, v5;
	v1 =	vadd.f32 v57, v53  }
0x477: {  	v63 =	vld [tilespmem:s25+$0xD0E0];
	v51 =	vadd.f32 v25, v8;
	v0 =	vadd.f32 v54, v0  }
0x478: {  	v58 =	vld [tilespmem:s25+$0xCF70];
	v4 =	vadd.f32 v26, v50;
	v1 =	vadd.f32 v55, v1  }
0x479: {  	v46 =	vld [tilespmem:$0x1FB40];
	v5 =	vadd.f32 v48, v51;
	v0 =	vadd.f32 v45, v0  }
0x47a: {  	v41 =	vld [tilespmem:$0x1FFF0];
	v4 =	vadd.f32 v27, v4;
	v1 =	vadd.f32 v35, v1  }
0x47b: {  	v37 =	vld [tilespmem:$0x1FFE0];
	v3 =	vadd.f32 v49, v5;
	v0 =	vadd.f32 v38, v0  }
0x47c: {  	v26 =	vld [tilespmem:s25+$0xD0F0];
	v4 =	vadd.f32 v52, v4;
	v1 =	vadd.f32 v40, v1  }
0x47d: {  	v2 =	vadd.f32 v58, v3;
	v0 =	vadd.f32 v33, v0;
	v33 =	vld [tilespmem:$0x1FFC0]  }
0x47e: {  	v4 =	vadd.f32 v59, v4;
	v1 =	vadd.f32 v34, v1;
	v34 =	vld [tilespmem:$0x1FFD0]  }
0x47f: {  	v22 =	vadd.f32 v44, v22;
	v27 =	vld [tilespmem:s25+$0xD160];
	v2 =	vadd.f32 v60, v2  }
0x480: {  	v39 =	vld [tilespmem:$0x1FB30];
	v6 =	vmul.f32 v6, v41;
	v7 =	vmul.f32 v7, v41;
	v4 =	vadd.f32 v61, v4  }
0x481: {  	v28 =	vld [tilespmem:s25+$0xD170];
	v9 =	vmul.f32 v9, v41;
	v48 =	vmul.f32 v22, v41;
	v2 =	vadd.f32 v62, v2  }
0x482: {  	v47 =	vld [tilespmem:$0x1FB50];
	v8 =	vmul.f32 v46, v37;
	v3 =	vadd.f32 v63, v4;
	v0 =	vadd.f32 v29, v0  }
0x483: {  	v38 =	vld [tilespmem:$0x1FB20];
	v2 =	vadd.f32 v26, v2;
	v35 =	vmul.f32 v11, v33;
	v36 =	vmul.f32 v18, v34  }
0x484: {  	v44 =	vld [tilespmem:$0x1FD20];
	v52 =	vmul.f32 v32, v37;
	v1 =	vadd.f32 v30, v1;
	v3 =	vadd.f32 v27, v3  }
0x485: {  	v31 =	vld [tilespmem:s25+$0xD1F0];
	v0 =	vadd.f32 v21, v0;
	v11 =	vmul.f32 v39, v37;
	v5 =	vadd.f32 v36, v35  }
0x486: {  	v56 =	vld [tilespmem:$0x1FD60];
	v12 =	vmul.f32 v12, v33;
	v2 =	vadd.f32 v28, v2;
	v19 =	vmul.f32 v19, v34  }
0x487: {  	v57 =	vld [tilespmem:$0x1FD10];
	v1 =	vadd.f32 v23, v1;
	v42 =	vmul.f32 v10, v33;
	v5 =	vadd.f32 v11, v5  }
0x488: {  	v51 =	vld [tilespmem:$0x1FD40];
	v10 =	vmul.f32 v47, v37;
	v18 =	vmul.f32 v38, v37;
	v12 =	vadd.f32 v19, v12  }
0x489: {  	v49 =	vld [tilespmem:$0x1FD30];
	v45 =	vmul.f32 v16, v34;
	v5 =	vadd.f32 v7, v5;
	v7 =	vmul.f32 v44, v33  }
0x48a: {  	v53 =	vld [tilespmem:$0x1FC60];
	v43 =	vmul.f32 v17, v34;
	v50 =	vmul.f32 v15, v34;
	v40 =	vadd.f32 v18, v12  }
0x48b: {  	v54 =	vld [tilespmem:$0x1FD50];
	v14 =	vmul.f32 v14, v34;
	v55 =	vmul.f32 v13, v34;
	v7 =	vadd.f32 v45, v7  }
0x48c: {  	v30 =	vld [tilespmem:s25+$0xD1E0];
	v13 =	vmul.f32 v57, v34;
	v4 =	vadd.f32 v6, v40;
	v6 =	vadd.f32 v43, v42  }
0x48d: {  	v59 =	vld [tilespmem:$0x1FC80];
	v0 =	vmul.f32 v0, v41;
	v7 =	vadd.f32 v10, v7;
	v10 =	vmul.f32 v51, v33  }
0x48e: {  	v61 =	vld [tilespmem:$0x1FCA0];
	v2 =	vadd.f32 v31, v2;
	v6 =	vadd.f32 v8, v6;
	v8 =	vmul.f32 v49, v33  }
0x48f: {  	v1 =	vmul.f32 v1, v41;
	v11 =	vmul.f32 v53, v37;
	v10 =	vadd.f32 v14, v10  }
0x490: {  	s24 =	sshll.u32 s24, $0x7;
	v6 =	vadd.f32 v9, v6;
	v8 =	vadd.f32 v50, v8;
	v9 =	vmul.f32 v54, v33  }
0x491: {  	s24 =	sand.u32 $0x3FFFFF80, s24;
	v3 =	vadd.f32 v30, v3;
	v10 =	vadd.f32 v11, v10;
	v11 =	vmul.f32 v56, v33  }
0x492: {  	[tilespmem:s24+$0x10200] =	vst v4;
	v8 =	vadd.f32 v52, v8;
	v58 =	vadd.f32 v55, v9;
	v9 =	vmul.f32 v59, v37  }
0x493: {  	s23 =	sadd.s32 $0x1, s23;
	[tilespmem:s24+$0x10210] =	vst v5;
	v7 =	vadd.f32 v48, v7;
	v60 =	vadd.f32 v13, v11;
	v11 =	vmul.f32 v61, v37  }
0x494: {  	p0 =	sne.s32 s23, $0x20;
	v3 =	vmul.f32 v3, v41;
	[tilespmem:s24+$0x10220] =	vst v6;
	v0 =	vadd.f32 v0, v8;
	v4 =	vadd.f32 v9, v58  }
.Ltmp8:
0x495: {  	v2 =	vmul.f32 v2, v41;
	[tilespmem:s24+$0x10230] =	vst v7;
	v1 =	vadd.f32 v1, v10;
	v5 =	vadd.f32 v11, v60;
	(pc) =	sbr.rel @p0 .LBB2_3-.Ltmp8, $4  }
0x496: {  	[tilespmem:s24+$0x10240] =	vst v0;
	v62 =	vadd.f32 v3, v4  }
0x497: {  	[tilespmem:s24+$0x10250] =	vst v1;
	v63 =	vadd.f32 v2, v5  }
0x498: {  	[tilespmem:s24+$0x10260] =	vst v62  }
0x499: {  	[tilespmem:s24+$0x10270] =	vst v63  }
0x49a: {  	s21 =	sadd.s32 $0x1, s21  }
0x49b: {  	s22 =	sshll.u32 s22, $0x4;
	p0 =	sne.s32 s21, $0x8  }
.Ltmp9:
0x49c: {  	s22 =	sadd.s32 s2, s22;
	(pc) =	sbr.rel @p0 .LBB2_2-.Ltmp9, $4  }
0x49d: {  	[hbm4b:s22+s3] =	stream.linear.scatter [tilespmem:s19], [sflag:$0x3], $0x2000, $0x38;
	[tilespmem:$0x12200] =	vst v63  }
0x49e: {  	_ =	swait.ge [sflag:s10], $0x2000  }
0x49f: {  	[sflag:s10] =	ssyncset.done $0x0  }
0x4a0: {  	[sflag:s10] =	ssyncadd.s32 $0xFFFFE000  }
0x4a1: {  	s20 =	sadd.s32 $0x1, s20  }
0x4a2: {  	p0 =	sne.s32 s20, s8  }
.Ltmp10:
0x4a3: {  	_ = 	snop;
	(pc) =	sbr.rel @p0 .LBB2_1-.Ltmp10, $1  }
0x4a4: {  	_ =	sdelay $0x3  }
0x4a5: {  	_ =	sfence.sel $0x180000  }
0x4a6: {  	[bflag:$0x0] =	sbarrier.arrive $0xFFFF  }
0x4a7: {  	p0 =	sne.s32 s4, $0x0;
	_ =	strace $0x90000047  }
0x4a8: {  	s0 =	sadd.s32 @!p0 $0x100000, s0;
	[bflag:$0x2] =	sbarrier.arrive $0xFFFF  }
0x4a9: {  	[sflag:s0] =	ssyncadd.tile.s32 @!p0 $0x1;
	_ =	shalt  }
.Lfunc_end2:
_tile_overlayer_lowered:
.L_overlay_start_2:
0x4aa: {  	(tag) =	ssettag $0x2  }
0x4ab: {  	s0 =	rddreg [dreg:$0x0];
	s2 =	stileid.u32  }
0x4ac: {  	s1 =	rddreg [dreg:$0x1];
	p0 =	sne.s32 s2, $0x0  }
0x4ad: {  	s3 =	rddreg [dreg:$0x2];
	[bflag:$0x3] =	sbarrier.arrive $0xFFFF;
	s2 =	simm.s32 @!p0 $0x1C03  }
0x4ae: {  	[timem:s3], [sflag:s2] =	dma.local @!p0 [hbm:s0], s1  }
0x4af: {  	s0 =	simm.s32 @!p0 $0x3  }
0x4b0: {  	_ =	swait.ge @!p0 [sflag:s0], s1  }
0x4b1: {  	s1 =	ssub.s32 @!p0 $0x0, s1;
	[sflag:s0] =	ssyncset.done @!p0 $0x0  }
0x4b2: {  	[sflag:s0] =	ssyncadd.s32 @!p0 s1  }
0x4b3: {  	[bflag:$0x3] =	sbarrier.arrive $0xFFFF  }
0x4b4: {  	_ =	shalt  }

</sc_bundles>
